<compile_context>
chip_gen: v7x
topology: tpu7x:2x2x1
jax: 0.10.2.dev20260603
libtpu: 0.0.44.dev20260713+nightly
codegen_flags: <defaults>
</compile_context>

<pallas_src>
import functools

import jax
import jax.numpy as jnp
from jax import lax
from jax.experimental import pallas as pl
from jax.experimental.pallas import tpu as pltpu
from jax.experimental.pallas import tpu_sc as plsc

N = 10000
NP = 10240
E = 320000
D = 128
K = 5000
NC = 2
NS = 16
NW = NC * NS
RPT = 80
PAD_PER_TILE = RPT * 128 - E // NW
RSUB = NP // NS

_f32 = jnp.float32


def _mesh():
    return plsc.VectorSubcoreMesh(
        core_axis_name="c", subcore_axis_name="s", num_cores=NC, num_subcores=NS
    )


def _decode(packed_v, row, half, dec):
    for j in range(4):
        v = packed_v[row, pl.ds(half * 64 + j * 16, 16)]
        dec[pl.ds(j * 32, 16)] = v & jnp.int32(0xFFFF)
        dec[pl.ds(j * 32 + 16, 16)] = lax.shift_right_logical(v, 16)


def _segsum_body(d, table_hbm, src_hbm, dst_hbm, out_hbm, srcp, dstp, rows0,
                 rows1, zrows, sdec0, sdec1, ddec, sem0, sem1, acc):
    c = lax.axis_index("c")
    s = lax.axis_index("s")
    base = (c * NS + s) * (RPT // 2)
    pltpu.sync_copy(src_hbm.at[pl.ds(base, RPT // 2)], srcp)
    pltpu.sync_copy(dst_hbm.at[pl.ds(base, RPT // 2)], dstp)

    _decode(srcp, 0, 0, sdec0)
    pltpu.async_copy(table_hbm.at[sdec0], rows0, sem0)
    _decode(srcp, 0, 1, sdec1)
    pltpu.async_copy(table_hbm.at[sdec1], rows1, sem1)

    def zfill(i, _):
        if d == 1:
            zrows[pl.ds(i * 16, 16)] = jnp.zeros((16,), _f32)
        else:
            for j in range(d // 16):
                zrows[i, pl.ds(j * 16, 16)] = jnp.zeros((16,), _f32)
        return 0

    lax.fori_loop(0, 16, zfill, 0)

    def zacc(i, _):
        pltpu.sync_copy(zrows, acc.at[pl.ds(s * RSUB + i * 16, 16)])
        return 0

    lax.fori_loop(0, RSUB // 16, zacc, 0)
    plsc.subcore_barrier()

    def step(g, _):
        pltpu.make_async_copy(table_hbm.at[sdec0], rows0, sem0).wait()
        _decode(dstp, g, 0, ddec)
        pltpu.sync_copy(rows0, acc.at[ddec], add=True)

        @pl.when(g + 1 < RPT // 2)
        def _():
            _decode(srcp, g + 1, 0, sdec0)
            pltpu.async_copy(table_hbm.at[sdec0], rows0, sem0)

        pltpu.make_async_copy(table_hbm.at[sdec1], rows1, sem1).wait()
        _decode(dstp, g, 1, ddec)
        pltpu.sync_copy(rows1, acc.at[ddec], add=True)

        @pl.when(g + 1 < RPT // 2)
        def _():
            _decode(srcp, g + 1, 1, sdec1)
            pltpu.async_copy(table_hbm.at[sdec1], rows1, sem1)

        return 0

    lax.fori_loop(0, RPT // 2, step, 0)
    plsc.subcore_barrier()
    pltpu.sync_copy(acc.at[pl.ds(s * RSUB, RSUB)],
                    out_hbm.at[c, pl.ds(s * RSUB, RSUB)])


def _ones_count_body(dst_hbm, out_hbm, dstp, ones_v, zv, ddec, acc):
    c = lax.axis_index("c")
    s = lax.axis_index("s")
    base = (c * NS + s) * (RPT // 2)
    pltpu.sync_copy(dst_hbm.at[pl.ds(base, RPT // 2)], dstp)

    for j in range(8):
        ones_v[pl.ds(j * 16, 16)] = jnp.ones((16,), _f32)
        zv[pl.ds(j * 16, 16)] = jnp.zeros((16,), _f32)

    def zfill(i, _):
        zv[pl.ds(i * 16, 16)] = jnp.zeros((16,), _f32)
        return 0

    lax.fori_loop(8, RSUB // 16, zfill, 0)
    pltpu.sync_copy(zv, acc.at[pl.ds(s * RSUB, RSUB)])
    plsc.subcore_barrier()

    def step(g, _):
        _decode(dstp, g, 0, ddec)
        pltpu.sync_copy(ones_v, acc.at[ddec], add=True)
        _decode(dstp, g, 1, ddec)
        pltpu.sync_copy(ones_v, acc.at[ddec], add=True)
        return 0

    lax.fori_loop(0, RPT // 2, step, 0)
    plsc.subcore_barrier()
    pltpu.sync_copy(acc.at[pl.ds(s * RSUB, RSUB)],
                    out_hbm.at[c, pl.ds(s * RSUB, RSUB)])


def _make_ones_count():
    return pl.kernel(
        _ones_count_body,
        out_type=jax.ShapeDtypeStruct((NC, NP), _f32),
        mesh=_mesh(),
        scratch_types=[
            pltpu.VMEM((RPT // 2, 128), jnp.int32),
            pltpu.VMEM((128,), _f32),
            pltpu.VMEM((RSUB,), _f32),
            pltpu.VMEM((128,), jnp.int32),
            pltpu.VMEM_SHARED((NP,), _f32),
        ],
    )


def _make_segsum(d):
    if d == 1:
        rshape, zshape, ashape, oshape = ((128,), (16,), (NP,), (NC, NP))
    else:
        rshape, zshape, ashape, oshape = (
            (128, d), (16, d), (NP, d), (NC, NP, d))
    return pl.kernel(
        functools.partial(_segsum_body, d),
        out_type=jax.ShapeDtypeStruct(oshape, _f32),
        mesh=_mesh(),
        scratch_types=[
            pltpu.VMEM((RPT // 2, 128), jnp.int32),
            pltpu.VMEM((RPT // 2, 128), jnp.int32),
            pltpu.VMEM(rshape, _f32),
            pltpu.VMEM(rshape, _f32),
            pltpu.VMEM(zshape, _f32),
            pltpu.VMEM((128,), jnp.int32),
            pltpu.VMEM((128,), jnp.int32),
            pltpu.VMEM((128,), jnp.int32),
            pltpu.SemaphoreType.DMA,
            pltpu.SemaphoreType.DMA,
            pltpu.VMEM_SHARED(ashape, _f32),
        ],
    )


def _tc1(cnt_ref, x_ref, w0_ref, t0_ref, dinv_ref):
    cnt = cnt_ref[0] + cnt_ref[1]
    dinv = lax.rsqrt(cnt + 1.0)
    xw0 = jnp.dot(x_ref[...], w0_ref[...], preferred_element_type=_f32)
    t0_ref[...] = xw0 * dinv
    dinv_ref[...] = dinv


def _tc2(s_ref, t0_ref, dinv_ref, b0_ref, pw_ref, w1_ref,
         h0_ref, sel_ref, xw1_ref):
    S = s_ref[0] + s_ref[1]
    dinv = dinv_ref[...]
    validN = lax.broadcasted_iota(jnp.int32, (NP, 1), 0) < N
    h0 = jnp.maximum((S + t0_ref[...]) * dinv + b0_ref[...], 0.0)
    h0 = jnp.where(validN, h0, 0.0)
    h0_ref[...] = h0

    pw = pw_ref[...]
    pwn = pw * lax.rsqrt(jnp.sum(pw * pw))
    h3 = h0.reshape(NP // 128, 128, D)
    z = jnp.sum(h3 * pwn.reshape(1, 1, D), axis=2)
    score = jnp.tanh(z)

    u = lax.bitcast_convert_type(score, jnp.int32)
    key = u ^ (lax.shift_right_arithmetic(u, 31) & jnp.int32(0x7FFFFFFF))
    fi = (lax.broadcasted_iota(jnp.int32, (NP // 128, 128), 0) * 128
          + lax.broadcasted_iota(jnp.int32, (NP // 128, 128), 1))
    valid = fi < N
    key = jnp.where(valid, key, jnp.int32(-(2 ** 31)))

    def bis(_, lohi):
        lo, hi = lohi
        mid = (lax.shift_right_arithmetic(lo, 1)
               + lax.shift_right_arithmetic(hi, 1) + (lo & hi & 1))
        cnt = jnp.sum((key >= mid).astype(jnp.int32))
        ge = cnt >= K
        return jnp.where(ge, mid, lo), jnp.where(ge, hi, mid)

    lo, _hi = lax.fori_loop(
        0, 32, bis, (jnp.int32(-(2 ** 31)), jnp.int32(2 ** 31 - 1)))
    t = lo
    c_gt = jnp.sum((key > t).astype(jnp.int32))
    need = (K - c_gt).astype(_f32)

    tie = ((key == t) & valid).astype(_f32)
    iu = lax.broadcasted_iota(jnp.int32, (128, 128), 0)
    ju = lax.broadcasted_iota(jnp.int32, (128, 128), 1)
    su = (iu < ju).astype(_f32)
    rank_in = jnp.dot(tie, su, preferred_element_type=_f32)
    rowsum = jnp.sum(tie, axis=1, keepdims=True)
    ir = lax.broadcasted_iota(jnp.int32, (NP // 128, NP // 128), 0)
    jr = lax.broadcasted_iota(jnp.int32, (NP // 128, NP // 128), 1)
    sl = (jr < ir).astype(_f32)
    rowoff = jnp.dot(sl, rowsum, preferred_element_type=_f32)
    rank = rank_in + rowoff

    selb = (key > t) | ((key == t) & valid & (rank < need))
    self32 = selb.astype(_f32)
    sel_ref[...] = self32
    g = score * self32
    xp = (h3 * g[:, :, None]).reshape(NP, D)
    xw1_ref[...] = jnp.dot(xp, w1_ref[...], preferred_element_type=_f32)


def _tc3(pcnt_ref, sel_ref, xw1_ref, t1_ref, pdinv_ref):
    pc = (pcnt_ref[0] + pcnt_ref[1]) * sel_ref[...]
    pdinv = lax.rsqrt(pc + 1.0)
    pdinv_ref[...] = pdinv
    t1_ref[...] = xw1_ref[...] * pdinv


def _tc4(s_ref, t1_ref, pdinv_ref, sel_ref, b1_ref, wd0_ref, t2_ref):
    S = s_ref[0] + s_ref[1]
    pdinv = pdinv_ref[...]
    sel = sel_ref[...]
    h1 = jnp.maximum(
        (S * sel + t1_ref[...]) * pdinv + b1_ref[...], 0.0) * sel
    wd0c = wd0_ref[0] + wd0_ref[1]
    xwd0 = jnp.dot(h1, wd0c, preferred_element_type=_f32)
    t2_ref[...] = xwd0 * pdinv


def _tc5(s_ref, t2_ref, pdinv_ref, sel_ref, bd0_ref, wd1_ref, h0_ref,
         dinv_ref, t3_ref):
    S = s_ref[0] + s_ref[1]
    pdinv = pdinv_ref[...]
    sel = sel_ref[...]
    d0 = jnp.maximum(
        (S * sel + t2_ref[...]) * pdinv + bd0_ref[...], 0.0) * sel
    xwd1 = (jnp.dot(d0, wd1_ref[0], preferred_element_type=_f32)
            + jnp.dot(h0_ref[...], wd1_ref[1], preferred_element_type=_f32))
    t3_ref[...] = xwd1 * dinv_ref[...]


def _tc6(s_ref, t3_ref, dinv_ref, bd1_ref, out_ref):
    S = s_ref[0] + s_ref[1]
    dinv = dinv_ref[...]
    out_ref[...] = (S + t3_ref[...]) * dinv + bd1_ref[...]


def _tc(body, out_shapes, *args):
    return pl.pallas_call(
        body,
        out_shape=[jax.ShapeDtypeStruct(s, _f32) for s in out_shapes],
        compiler_params=pltpu.CompilerParams(vmem_limit_bytes=100 * 2**20),
    )(*args)


def kernel(x, edge_index, batch, W0, b0, W1, b1, pool_w, Wd0, bd0, Wd1, bd1):
    src = edge_index[0].astype(jnp.int32)
    dst = edge_index[1].astype(jnp.int32)
    padi = jnp.arange(NW * PAD_PER_TILE, dtype=jnp.int32)
    padr = N + (padi % (NP - N))

    def pack_idx(a):
        a = jnp.concatenate(
            [a.reshape(NW, E // NW), padr.reshape(NW, PAD_PER_TILE)],
            axis=1)
        p = a[:, 0::2] | (a[:, 1::2] << 16)
        return p.reshape(NW * RPT // 2, 128)

    srcE = pack_idx(src)
    dstE = pack_idx(dst)

    xP = jnp.zeros((NP, D), _f32).at[:N].set(x.astype(_f32))
    ones_sel = jnp.zeros((NP,), _f32).at[:N].set(1.0)

    count_ones = _make_ones_count()
    count = _make_segsum(1)
    segsum = _make_segsum(D)

    cnt = count_ones(dstE).reshape(NC, NP, 1)
    t0, dinv = _tc(_tc1, [(NP, D), (NP, 1)], cnt, xP, W0)
    S0 = segsum(t0, srcE, dstE)
    h0, sel80, xw1 = _tc(
        _tc2, [(NP, D), (NP // 128, 128), (NP, D)],
        S0, t0, dinv, b0.reshape(1, D), pool_w.reshape(1, D), W1)
    selN = sel80.reshape(NP)
    pcnt = count(selN, srcE, dstE).reshape(NC, NP, 1)
    t1, pdinv = _tc(_tc3, [(NP, D), (NP, 1)], pcnt, selN.reshape(NP, 1), xw1)
    S1 = segsum(t1, srcE, dstE)
    (t2,) = _tc(
        _tc4, [(NP, D)],
        S1, t1, pdinv, selN.reshape(NP, 1), b1.reshape(1, D),
        Wd0.reshape(2, D, D))
    S2 = segsum(t2, srcE, dstE)
    (t3,) = _tc(
        _tc5, [(NP, D)],
        S2, t2, pdinv, selN.reshape(NP, 1), bd0.reshape(1, D),
        Wd1.reshape(2, D, D), h0, dinv)
    S3 = segsum(t3, srcE, dstE)
    (out,) = _tc(_tc6, [(NP, D)], S3, t3, dinv, bd1.reshape(1, D))
    return out[:N]

# --- scband reference (transcript-rebuilt; emitter-appended) ---
"""Pipeline reference for scband-graph-convolutional-auto-encoder-50371376447823 (READ-ONLY COPY).

The authoritative reference and input builder live on the scoring server;
editing this copy changes nothing except your own understanding.
"""

import jax, jax.numpy as jnp
import numpy as np
import math

N_NODES = 10000
N_EDGES = 320000
D_IN = 128
HID = 128
D_OUT = 128
RATIO = 0.5


def gcn_conv(x, src, dst, ew, W, b, num_nodes):
    # GCNConv with self-loops and symmetric normalization.
    xw = x @ W
    deg = jax.ops.segment_sum(ew, dst, num_segments=num_nodes) + 1.0  # +1 for self-loop
    dinv = jax.lax.rsqrt(deg)
    norm = dinv[src] * dinv[dst] * ew
    agg = jax.ops.segment_sum(xw[src] * norm[:, None], dst, num_segments=num_nodes)
    agg = agg + xw * (dinv * dinv)[:, None]  # self-loop contribution
    return agg + b


def topk_pool(x, src, dst, ew, pw, ratio, num_nodes):
    # TopKPooling (single graph: batch is all zeros -> global top-k).
    score = jnp.tanh((x @ pw) / jnp.linalg.norm(pw))
    k = int(math.ceil(ratio * num_nodes))
    _, perm = jax.lax.top_k(score, k)
    x_p = x[perm] * score[perm][:, None]
    node_map = jnp.zeros((num_nodes,), dtype=jnp.int32).at[perm].set(jnp.arange(k, dtype=jnp.int32))
    sel = jnp.zeros((num_nodes,), dtype=bool).at[perm].set(True)
    mask = (sel[src] & sel[dst]).astype(x.dtype)
    # keep static edge count; dropped edges get weight 0 so they contribute nothing
    return x_p, node_map[src], node_map[dst], ew * mask, perm, k


def setup_inputs(seed: int = 0):
    key = jax.random.key(seed)
    ks = jax.random.split(key, 8)
    x = jax.random.normal(ks[0], (N_NODES, D_IN), dtype=jnp.float32)
    edge_index = jax.random.randint(ks[1], (2, N_EDGES), 0, N_NODES)
    batch = jnp.zeros((N_NODES,), dtype=jnp.int32)
    W0 = jax.random.normal(ks[2], (D_IN, HID), dtype=jnp.float32) / np.sqrt(D_IN)
    b0 = jnp.zeros((HID,), dtype=jnp.float32)
    W1 = jax.random.normal(ks[3], (HID, HID), dtype=jnp.float32) / np.sqrt(HID)
    b1 = jnp.zeros((HID,), dtype=jnp.float32)
    pool_w = jax.random.normal(ks[4], (HID,), dtype=jnp.float32) / np.sqrt(HID)
    Wd0 = jax.random.normal(ks[5], (2 * HID, HID), dtype=jnp.float32) / np.sqrt(2 * HID)
    bd0 = jnp.zeros((HID,), dtype=jnp.float32)
    Wd1 = jax.random.normal(ks[6], (2 * HID, D_OUT), dtype=jnp.float32) / np.sqrt(2 * HID)
    bd1 = jnp.zeros((D_OUT,), dtype=jnp.float32)
    return {"x": x, "edge_index": edge_index, "batch": batch, "W0": W0, "b0": b0, "W1": W1, "b1": b1, "pool_w": pool_w, "Wd0": Wd0, "bd0": bd0, "Wd1": Wd1, "bd1": bd1}


def reference(x, edge_index, batch, W0, b0, W1, b1, pool_w, Wd0, bd0, Wd1, bd1):
    N = x.shape[0]
    src = edge_index[0]
    dst = edge_index[1]
    ew = jnp.ones((src.shape[0],), dtype=x.dtype)
    # encoder layer 0 (in -> hid) + ReLU, then TopKPooling(ratio=0.5)
    h0 = jax.nn.relu(gcn_conv(x, src, dst, ew, W0, b0, N))
    xp, ps, pd, pew, perm, k = topk_pool(h0, src, dst, ew, pool_w, RATIO, N)
    # encoder layer 1 (hid -> hid) + ReLU on pooled graph
    h1 = jax.nn.relu(gcn_conv(xp, ps, pd, pew, W1, b1, k))
    # decoder layer 0: idx=1, no perm -> cat(x, x_enc[1]) = cat(h1, h1)
    d0 = jax.nn.relu(gcn_conv(jnp.concatenate([h1, h1], axis=1), ps, pd, pew, Wd0, bd0, k))
    # decoder layer 1: idx=0, unpool via perm then cat with x_enc[0]=h0
    x_un = jnp.zeros((N, d0.shape[1]), dtype=x.dtype).at[perm].set(d0)
    out = gcn_conv(jnp.concatenate([x_un, h0], axis=1), src, dst, ew, Wd1, bd1, N)
    return out

if __name__ == "__main__":
    import jax
    _d = setup_inputs()
    print(jax.jit(kernel)(*tuple(_d.values())))

</pallas_src>

<mosaic_0001>
#map = affine_map<(d0, d1) -> (0)>
#map1 = affine_map<(d0, d1) -> (0, 0)>
module attributes {stable_mosaic.version = 14 : i64} {
  func.func @_segsum_body(%arg0: i32, %arg1: i32, %arg2: memref<10240xf32, #tpu.memory_space<hbm>>, %arg3: memref<1280x128xi32, #tpu.memory_space<hbm>>, %arg4: memref<1280x128xi32, #tpu.memory_space<hbm>>, %arg5: memref<2x10240xf32, #tpu.memory_space<hbm>>, %arg6: memref<40x128xi32, #tpu.memory_space<vmem>>, %arg7: memref<40x128xi32, #tpu.memory_space<vmem>>, %arg8: memref<128xf32, #tpu.memory_space<vmem>>, %arg9: memref<128xf32, #tpu.memory_space<vmem>>, %arg10: memref<16xf32, #tpu.memory_space<vmem>>, %arg11: memref<128xi32, #tpu.memory_space<vmem>>, %arg12: memref<128xi32, #tpu.memory_space<vmem>>, %arg13: memref<128xi32, #tpu.memory_space<vmem>>, %arg14: memref<!tpu.dma_semaphore, #tpu.memory_space<semaphore_mem>>, %arg15: memref<!tpu.dma_semaphore, #tpu.memory_space<semaphore_mem>>, %arg16: memref<10240xf32, #tpu.memory_space<vmem_shared>>) attributes {dimension_semantics = [#tpu.dimension_semantics<core_parallel>, #tpu.dimension_semantics<subcore_parallel>], iteration_bounds = array<i64: 2, 16>, scalar_prefetch = 0 : i64, scratch_operands = 11 : i64, tpu.core_type = #tpu.core_type<sc_vector_subcore>, window_params = [{transform_indices = #map}, {transform_indices = #map1}, {transform_indices = #map1}, {transform_indices = #map1}]} {
    %mul3A = arith.constant 16 : i32
    %mul3A_0 = arith.muli %arg0, %mul3A : i32
    %add3A = arith.addi %mul3A_0, %arg1 : i32
    %mul3A_1 = arith.constant 40 : i32
    %mul3A_2 = arith.muli %add3A, %mul3A_1 : i32
    "tpu.region"() ({
      %run_scoped3A = tpu.sem_alloc : memref<!tpu.dma_semaphore, #tpu.memory_space<semaphore_mem>>
      %dma_start3A_179 = arith.constant 0 : i32
      %dma_start3A_180 = tpu.memref_slice %arg3[%mul3A_2, %dma_start3A_179] : memref<1280x128xi32, #tpu.memory_space<hbm>> -> memref<40x128xi32, #tpu.memory_space<hbm>>
      %dma_start3A_181 = arith.constant 0 : i32
      %dma_start3A_182 = tpu.memref_slice %arg3[%mul3A_2, %dma_start3A_181] : memref<1280x128xi32, #tpu.memory_space<hbm>> -> memref<40x128xi32, #tpu.memory_space<hbm>>
      tpu.enqueue_dma source(%dma_start3A_182 : memref<40x128xi32, #tpu.memory_space<hbm>>) target(%arg6 : memref<40x128xi32, #tpu.memory_space<vmem>>) target_semaphore(%run_scoped3A : memref<!tpu.dma_semaphore, #tpu.memory_space<semaphore_mem>>)
      %dma_wait3A = arith.constant 0 : i32
      %dma_wait3A_183 = tpu.memref_slice %arg3[%mul3A_2, %dma_wait3A] : memref<1280x128xi32, #tpu.memory_space<hbm>> -> memref<40x128xi32, #tpu.memory_space<hbm>>
      %dma_wait3A_184 = arith.constant 0 : i32
      %dma_wait3A_185 = tpu.memref_slice %arg3[%mul3A_2, %dma_wait3A_184] : memref<1280x128xi32, #tpu.memory_space<hbm>> -> memref<40x128xi32, #tpu.memory_space<hbm>>
      tpu.wait_dma2 semaphore(%run_scoped3A : memref<!tpu.dma_semaphore, #tpu.memory_space<semaphore_mem>>) src(%dma_wait3A_185 : memref<40x128xi32, #tpu.memory_space<hbm>>) dst(%arg6 : memref<40x128xi32, #tpu.memory_space<vmem>>)
      tpu.yield
    }) : () -> ()
    "tpu.region"() ({
      %run_scoped3A = tpu.sem_alloc : memref<!tpu.dma_semaphore, #tpu.memory_space<semaphore_mem>>
      %dma_start3A_179 = arith.constant 0 : i32
      %dma_start3A_180 = tpu.memref_slice %arg4[%mul3A_2, %dma_start3A_179] : memref<1280x128xi32, #tpu.memory_space<hbm>> -> memref<40x128xi32, #tpu.memory_space<hbm>>
      %dma_start3A_181 = arith.constant 0 : i32
      %dma_start3A_182 = tpu.memref_slice %arg4[%mul3A_2, %dma_start3A_181] : memref<1280x128xi32, #tpu.memory_space<hbm>> -> memref<40x128xi32, #tpu.memory_space<hbm>>
      tpu.enqueue_dma source(%dma_start3A_182 : memref<40x128xi32, #tpu.memory_space<hbm>>) target(%arg7 : memref<40x128xi32, #tpu.memory_space<vmem>>) target_semaphore(%run_scoped3A : memref<!tpu.dma_semaphore, #tpu.memory_space<semaphore_mem>>)
      %dma_wait3A = arith.constant 0 : i32
      %dma_wait3A_183 = tpu.memref_slice %arg4[%mul3A_2, %dma_wait3A] : memref<1280x128xi32, #tpu.memory_space<hbm>> -> memref<40x128xi32, #tpu.memory_space<hbm>>
      %dma_wait3A_184 = arith.constant 0 : i32
      %dma_wait3A_185 = tpu.memref_slice %arg4[%mul3A_2, %dma_wait3A_184] : memref<1280x128xi32, #tpu.memory_space<hbm>> -> memref<40x128xi32, #tpu.memory_space<hbm>>
      tpu.wait_dma2 semaphore(%run_scoped3A : memref<!tpu.dma_semaphore, #tpu.memory_space<semaphore_mem>>) src(%dma_wait3A_185 : memref<40x128xi32, #tpu.memory_space<hbm>>) dst(%arg7 : memref<40x128xi32, #tpu.memory_space<vmem>>)
      tpu.yield
    }) : () -> ()
    %get3A = arith.constant 0 : i32
    %get3A_3 = arith.index_cast %get3A : i32 to index
    %get3A_4 = arith.constant 0 : index
    %get3A_5 = tpu.vector_load %arg6[%get3A_3, %get3A_4] {strides = array<i32>} : memref<40x128xi32, #tpu.memory_space<vmem>>, vector<1x16xi32>,
    %get3A_6 = vector.shape_cast %get3A_5 : vector<1x16xi32> to vector<16xi32>
    %and3A = arith.constant 65535 : i32
    %and3A_7 = vector.broadcast %and3A : i32 to vector<16xi32>
    %and3A_8 = arith.andi %get3A_6, %and3A_7 : vector<16xi32>
    %swap3A = arith.constant 0 : index
    %swap3A_9 = tpu.vector_load %arg11[%swap3A] {strides = array<i32>} : memref<128xi32, #tpu.memory_space<vmem>>, vector<16xi32>,
    %swap3A_10 = vector.shape_cast %swap3A_9 : vector<16xi32> to vector<16xi32>
    %swap3A_11 = vector.shape_cast %and3A_8 : vector<16xi32> to vector<16xi32>
    tpu.vector_store %arg11[%swap3A], %swap3A_11 {strides = array<i32>} : memref<128xi32, #tpu.memory_space<vmem>>, vector<16xi32>,
    %shift_right_logical3A = arith.constant 16 : i32
    %shift_right_logical3A_12 = vector.broadcast %shift_right_logical3A : i32 to vector<16xi32>
    %shift_right_logical3A_13 = arith.shrui %get3A_6, %shift_right_logical3A_12 : vector<16xi32>
    %swap3A_14 = arith.constant 16 : index
    %swap3A_15 = tpu.vector_load %arg11[%swap3A_14] {strides = array<i32>} : memref<128xi32, #tpu.memory_space<vmem>>, vector<16xi32>,
    %swap3A_16 = vector.shape_cast %swap3A_15 : vector<16xi32> to vector<16xi32>
    %swap3A_17 = vector.shape_cast %shift_right_logical3A_13 : vector<16xi32> to vector<16xi32>
    tpu.vector_store %arg11[%swap3A_14], %swap3A_17 {strides = array<i32>} : memref<128xi32, #tpu.memory_space<vmem>>, vector<16xi32>,
    %get3A_18 = arith.constant 0 : i32
    %get3A_19 = arith.index_cast %get3A_18 : i32 to index
    %get3A_20 = arith.constant 16 : index
    %get3A_21 = tpu.vector_load %arg6[%get3A_19, %get3A_20] {strides = array<i32>} : memref<40x128xi32, #tpu.memory_space<vmem>>, vector<1x16xi32>,
    %get3A_22 = vector.shape_cast %get3A_21 : vector<1x16xi32> to vector<16xi32>
    %and3A_23 = arith.constant 65535 : i32
    %and3A_24 = vector.broadcast %and3A_23 : i32 to vector<16xi32>
    %and3A_25 = arith.andi %get3A_22, %and3A_24 : vector<16xi32>
    %swap3A_26 = arith.constant 32 : index
    %swap3A_27 = tpu.vector_load %arg11[%swap3A_26] {strides = array<i32>} : memref<128xi32, #tpu.memory_space<vmem>>, vector<16xi32>,
    %swap3A_28 = vector.shape_cast %swap3A_27 : vector<16xi32> to vector<16xi32>
    %swap3A_29 = vector.shape_cast %and3A_25 : vector<16xi32> to vector<16xi32>
    tpu.vector_store %arg11[%swap3A_26], %swap3A_29 {strides = array<i32>} : memref<128xi32, #tpu.memory_space<vmem>>, vector<16xi32>,
    %shift_right_logical3A_30 = arith.constant 16 : i32
    %shift_right_logical3A_31 = vector.broadcast %shift_right_logical3A_30 : i32 to vector<16xi32>
    %shift_right_logical3A_32 = arith.shrui %get3A_22, %shift_right_logical3A_31 : vector<16xi32>
    %swap3A_33 = arith.constant 48 : index
    %swap3A_34 = tpu.vector_load %arg11[%swap3A_33] {strides = array<i32>} : memref<128xi32, #tpu.memory_space<vmem>>, vector<16xi32>,
    %swap3A_35 = vector.shape_cast %swap3A_34 : vector<16xi32> to vector<16xi32>
    %swap3A_36 = vector.shape_cast %shift_right_logical3A_32 : vector<16xi32> to vector<16xi32>
    tpu.vector_store %arg11[%swap3A_33], %swap3A_36 {strides = array<i32>} : memref<128xi32, #tpu.memory_space<vmem>>, vector<16xi32>,
    %get3A_37 = arith.constant 0 : i32
    %get3A_38 = arith.index_cast %get3A_37 : i32 to index
    %get3A_39 = arith.constant 32 : index
    %get3A_40 = tpu.vector_load %arg6[%get3A_38, %get3A_39] {strides = array<i32>} : memref<40x128xi32, #tpu.memory_space<vmem>>, vector<1x16xi32>,
    %get3A_41 = vector.shape_cast %get3A_40 : vector<1x16xi32> to vector<16xi32>
    %and3A_42 = arith.constant 65535 : i32
    %and3A_43 = vector.broadcast %and3A_42 : i32 to vector<16xi32>
    %and3A_44 = arith.andi %get3A_41, %and3A_43 : vector<16xi32>
    %swap3A_45 = arith.constant 64 : index
    %swap3A_46 = tpu.vector_load %arg11[%swap3A_45] {strides = array<i32>} : memref<128xi32, #tpu.memory_space<vmem>>, vector<16xi32>,
    %swap3A_47 = vector.shape_cast %swap3A_46 : vector<16xi32> to vector<16xi32>
    %swap3A_48 = vector.shape_cast %and3A_44 : vector<16xi32> to vector<16xi32>
    tpu.vector_store %arg11[%swap3A_45], %swap3A_48 {strides = array<i32>} : memref<128xi32, #tpu.memory_space<vmem>>, vector<16xi32>,
    %shift_right_logical3A_49 = arith.constant 16 : i32
    %shift_right_logical3A_50 = vector.broadcast %shift_right_logical3A_49 : i32 to vector<16xi32>
    %shift_right_logical3A_51 = arith.shrui %get3A_41, %shift_right_logical3A_50 : vector<16xi32>
    %swap3A_52 = arith.constant 80 : index
    %swap3A_53 = tpu.vector_load %arg11[%swap3A_52] {strides = array<i32>} : memref<128xi32, #tpu.memory_space<vmem>>, vector<16xi32>,
    %swap3A_54 = vector.shape_cast %swap3A_53 : vector<16xi32> to vector<16xi32>
    %swap3A_55 = vector.shape_cast %shift_right_logical3A_51 : vector<16xi32> to vector<16xi32>
    tpu.vector_store %arg11[%swap3A_52], %swap3A_55 {strides = array<i32>} : memref<128xi32, #tpu.memory_space<vmem>>, vector<16xi32>,
    %get3A_56 = arith.constant 0 : i32
    %get3A_57 = arith.index_cast %get3A_56 : i32 to index
    %get3A_58 = arith.constant 48 : index
    %get3A_59 = tpu.vector_load %arg6[%get3A_57, %get3A_58] {strides = array<i32>} : memref<40x128xi32, #tpu.memory_space<vmem>>, vector<1x16xi32>,
    %get3A_60 = vector.shape_cast %get3A_59 : vector<1x16xi32> to vector<16xi32>
    %and3A_61 = arith.constant 65535 : i32
    %and3A_62 = vector.broadcast %and3A_61 : i32 to vector<16xi32>
    %and3A_63 = arith.andi %get3A_60, %and3A_62 : vector<16xi32>
    %swap3A_64 = arith.constant 96 : index
    %swap3A_65 = tpu.vector_load %arg11[%swap3A_64] {strides = array<i32>} : memref<128xi32, #tpu.memory_space<vmem>>, vector<16xi32>,
    %swap3A_66 = vector.shape_cast %swap3A_65 : vector<16xi32> to vector<16xi32>
    %swap3A_67 = vector.shape_cast %and3A_63 : vector<16xi32> to vector<16xi32>
    tpu.vector_store %arg11[%swap3A_64], %swap3A_67 {strides = array<i32>} : memref<128xi32, #tpu.memory_space<vmem>>, vector<16xi32>,
    %shift_right_logical3A_68 = arith.constant 16 : i32
    %shift_right_logical3A_69 = vector.broadcast %shift_right_logical3A_68 : i32 to vector<16xi32>
    %shift_right_logical3A_70 = arith.shrui %get3A_60, %shift_right_logical3A_69 : vector<16xi32>
    %swap3A_71 = arith.constant 112 : index
    %swap3A_72 = tpu.vector_load %arg11[%swap3A_71] {strides = array<i32>} : memref<128xi32, #tpu.memory_space<vmem>>, vector<16xi32>,
    %swap3A_73 = vector.shape_cast %swap3A_72 : vector<16xi32> to vector<16xi32>
    %swap3A_74 = vector.shape_cast %shift_right_logical3A_70 : vector<16xi32> to vector<16xi32>
    tpu.vector_store %arg11[%swap3A_71], %swap3A_74 {strides = array<i32>} : memref<128xi32, #tpu.memory_space<vmem>>, vector<16xi32>,
    %dma_start3A = arith.constant 0 : i32
    %dma_start3A_75 = tpu.memref_slice %arg2[%dma_start3A] : memref<10240xf32, #tpu.memory_space<hbm>> -> memref<10240xf32, #tpu.memory_space<hbm>>
    tpu.enqueue_indirect_dma source(%dma_start3A_75 : memref<10240xf32, #tpu.memory_space<hbm>>) target(%arg8 : memref<128xf32, #tpu.memory_space<vmem>>) offsets(%arg11 : memref<128xi32, #tpu.memory_space<vmem>>) semaphore(%arg14 : memref<!tpu.dma_semaphore, #tpu.memory_space<semaphore_mem>>)
    %get3A_76 = arith.constant 0 : i32
    %get3A_77 = arith.index_cast %get3A_76 : i32 to index
    %get3A_78 = arith.constant 64 : index
    %get3A_79 = tpu.vector_load %arg6[%get3A_77, %get3A_78] {strides = array<i32>} : memref<40x128xi32, #tpu.memory_space<vmem>>, vector<1x16xi32>,
    %get3A_80 = vector.shape_cast %get3A_79 : vector<1x16xi32> to vector<16xi32>
    %and3A_81 = arith.constant 65535 : i32
    %and3A_82 = vector.broadcast %and3A_81 : i32 to vector<16xi32>
    %and3A_83 = arith.andi %get3A_80, %and3A_82 : vector<16xi32>
    %swap3A_84 = arith.constant 0 : index
    %swap3A_85 = tpu.vector_load %arg12[%swap3A_84] {strides = array<i32>} : memref<128xi32, #tpu.memory_space<vmem>>, vector<16xi32>,
    %swap3A_86 = vector.shape_cast %swap3A_85 : vector<16xi32> to vector<16xi32>
    %swap3A_87 = vector.shape_cast %and3A_83 : vector<16xi32> to vector<16xi32>
    tpu.vector_store %arg12[%swap3A_84], %swap3A_87 {strides = array<i32>} : memref<128xi32, #tpu.memory_space<vmem>>, vector<16xi32>,
    %shift_right_logical3A_88 = arith.constant 16 : i32
    %shift_right_logical3A_89 = vector.broadcast %shift_right_logical3A_88 : i32 to vector<16xi32>
    %shift_right_logical3A_90 = arith.shrui %get3A_80, %shift_right_logical3A_89 : vector<16xi32>
    %swap3A_91 = arith.constant 16 : index
    %swap3A_92 = tpu.vector_load %arg12[%swap3A_91] {strides = array<i32>} : memref<128xi32, #tpu.memory_space<vmem>>, vector<16xi32>,
    %swap3A_93 = vector.shape_cast %swap3A_92 : vector<16xi32> to vector<16xi32>
    %swap3A_94 = vector.shape_cast %shift_right_logical3A_90 : vector<16xi32> to vector<16xi32>
    tpu.vector_store %arg12[%swap3A_91], %swap3A_94 {strides = array<i32>} : memref<128xi32, #tpu.memory_space<vmem>>, vector<16xi32>,
    %get3A_95 = arith.constant 0 : i32
    %get3A_96 = arith.index_cast %get3A_95 : i32 to index
    %get3A_97 = arith.constant 80 : index
    %get3A_98 = tpu.vector_load %arg6[%get3A_96, %get3A_97] {strides = array<i32>} : memref<40x128xi32, #tpu.memory_space<vmem>>, vector<1x16xi32>,
    %get3A_99 = vector.shape_cast %get3A_98 : vector<1x16xi32> to vector<16xi32>
    %and3A_100 = arith.constant 65535 : i32
    %and3A_101 = vector.broadcast %and3A_100 : i32 to vector<16xi32>
    %and3A_102 = arith.andi %get3A_99, %and3A_101 : vector<16xi32>
    %swap3A_103 = arith.constant 32 : index
    %swap3A_104 = tpu.vector_load %arg12[%swap3A_103] {strides = array<i32>} : memref<128xi32, #tpu.memory_space<vmem>>, vector<16xi32>,
    %swap3A_105 = vector.shape_cast %swap3A_104 : vector<16xi32> to vector<16xi32>
    %swap3A_106 = vector.shape_cast %and3A_102 : vector<16xi32> to vector<16xi32>
    tpu.vector_store %arg12[%swap3A_103], %swap3A_106 {strides = array<i32>} : memref<128xi32, #tpu.memory_space<vmem>>, vector<16xi32>,
    %shift_right_logical3A_107 = arith.constant 16 : i32
    %shift_right_logical3A_108 = vector.broadcast %shift_right_logical3A_107 : i32 to vector<16xi32>
    %shift_right_logical3A_109 = arith.shrui %get3A_99, %shift_right_logical3A_108 : vector<16xi32>
    %swap3A_110 = arith.constant 48 : index
    %swap3A_111 = tpu.vector_load %arg12[%swap3A_110] {strides = array<i32>} : memref<128xi32, #tpu.memory_space<vmem>>, vector<16xi32>,
    %swap3A_112 = vector.shape_cast %swap3A_111 : vector<16xi32> to vector<16xi32>
    %swap3A_113 = vector.shape_cast %shift_right_logical3A_109 : vector<16xi32> to vector<16xi32>
    tpu.vector_store %arg12[%swap3A_110], %swap3A_113 {strides = array<i32>} : memref<128xi32, #tpu.memory_space<vmem>>, vector<16xi32>,
    %get3A_114 = arith.constant 0 : i32
    %get3A_115 = arith.index_cast %get3A_114 : i32 to index
    %get3A_116 = arith.constant 96 : index
    %get3A_117 = tpu.vector_load %arg6[%get3A_115, %get3A_116] {strides = array<i32>} : memref<40x128xi32, #tpu.memory_space<vmem>>, vector<1x16xi32>,
    %get3A_118 = vector.shape_cast %get3A_117 : vector<1x16xi32> to vector<16xi32>
    %and3A_119 = arith.constant 65535 : i32
    %and3A_120 = vector.broadcast %and3A_119 : i32 to vector<16xi32>
    %and3A_121 = arith.andi %get3A_118, %and3A_120 : vector<16xi32>
    %swap3A_122 = arith.constant 64 : index
    %swap3A_123 = tpu.vector_load %arg12[%swap3A_122] {strides = array<i32>} : memref<128xi32, #tpu.memory_space<vmem>>, vector<16xi32>,
    %swap3A_124 = vector.shape_cast %swap3A_123 : vector<16xi32> to vector<16xi32>
    %swap3A_125 = vector.shape_cast %and3A_121 : vector<16xi32> to vector<16xi32>
    tpu.vector_store %arg12[%swap3A_122], %swap3A_125 {strides = array<i32>} : memref<128xi32, #tpu.memory_space<vmem>>, vector<16xi32>,
    %shift_right_logical3A_126 = arith.constant 16 : i32
    %shift_right_logical3A_127 = vector.broadcast %shift_right_logical3A_126 : i32 to vector<16xi32>
    %shift_right_logical3A_128 = arith.shrui %get3A_118, %shift_right_logical3A_127 : vector<16xi32>
    %swap3A_129 = arith.constant 80 : index
    %swap3A_130 = tpu.vector_load %arg12[%swap3A_129] {strides = array<i32>} : memref<128xi32, #tpu.memory_space<vmem>>, vector<16xi32>,
    %swap3A_131 = vector.shape_cast %swap3A_130 : vector<16xi32> to vector<16xi32>
    %swap3A_132 = vector.shape_cast %shift_right_logical3A_128 : vector<16xi32> to vector<16xi32>
    tpu.vector_store %arg12[%swap3A_129], %swap3A_132 {strides = array<i32>} : memref<128xi32, #tpu.memory_space<vmem>>, vector<16xi32>,
    %get3A_133 = arith.constant 0 : i32
    %get3A_134 = arith.index_cast %get3A_133 : i32 to index
    %get3A_135 = arith.constant 112 : index
    %get3A_136 = tpu.vector_load %arg6[%get3A_134, %get3A_135] {strides = array<i32>} : memref<40x128xi32, #tpu.memory_space<vmem>>, vector<1x16xi32>,
    %get3A_137 = vector.shape_cast %get3A_136 : vector<1x16xi32> to vector<16xi32>
    %and3A_138 = arith.constant 65535 : i32
    %and3A_139 = vector.broadcast %and3A_138 : i32 to vector<16xi32>
    %and3A_140 = arith.andi %get3A_137, %and3A_139 : vector<16xi32>
    %swap3A_141 = arith.constant 96 : index
    %swap3A_142 = tpu.vector_load %arg12[%swap3A_141] {strides = array<i32>} : memref<128xi32, #tpu.memory_space<vmem>>, vector<16xi32>,
    %swap3A_143 = vector.shape_cast %swap3A_142 : vector<16xi32> to vector<16xi32>
    %swap3A_144 = vector.shape_cast %and3A_140 : vector<16xi32> to vector<16xi32>
    tpu.vector_store %arg12[%swap3A_141], %swap3A_144 {strides = array<i32>} : memref<128xi32, #tpu.memory_space<vmem>>, vector<16xi32>,
    %shift_right_logical3A_145 = arith.constant 16 : i32
    %shift_right_logical3A_146 = vector.broadcast %shift_right_logical3A_145 : i32 to vector<16xi32>
    %shift_right_logical3A_147 = arith.shrui %get3A_137, %shift_right_logical3A_146 : vector<16xi32>
    %swap3A_148 = arith.constant 112 : index
    %swap3A_149 = tpu.vector_load %arg12[%swap3A_148] {strides = array<i32>} : memref<128xi32, #tpu.memory_space<vmem>>, vector<16xi32>,
    %swap3A_150 = vector.shape_cast %swap3A_149 : vector<16xi32> to vector<16xi32>
    %swap3A_151 = vector.shape_cast %shift_right_logical3A_147 : vector<16xi32> to vector<16xi32>
    tpu.vector_store %arg12[%swap3A_148], %swap3A_151 {strides = array<i32>} : memref<128xi32, #tpu.memory_space<vmem>>, vector<16xi32>,
    %dma_start3A_152 = arith.constant 0 : i32
    %dma_start3A_153 = tpu.memref_slice %arg2[%dma_start3A_152] : memref<10240xf32, #tpu.memory_space<hbm>> -> memref<10240xf32, #tpu.memory_space<hbm>>
    tpu.enqueue_indirect_dma source(%dma_start3A_153 : memref<10240xf32, #tpu.memory_space<hbm>>) target(%arg9 : memref<128xf32, #tpu.memory_space<vmem>>) offsets(%arg12 : memref<128xi32, #tpu.memory_space<vmem>>) semaphore(%arg15 : memref<!tpu.dma_semaphore, #tpu.memory_space<semaphore_mem>>)
    %scan3A = arith.constant 0 : i32
    %scan3A_154 = arith.constant 0 : i32
    %scan3A_155 = arith.constant 16 : i32
    %scan3A_156 = arith.addi %scan3A_154, %scan3A_155 : i32
    %scan3A_157 = arith.constant 1 : i32
    %scan3A_158 = scf.for %scan3A_179 = %scan3A_154 to %scan3A_156 step %scan3A_157 iter_args(%scan3A_180 = %scan3A) -> (i32)  : i32 {
      %broadcast_in_dim3A = arith.constant 0.000000e+00 : f32
      %broadcast_in_dim3A_181 = vector.broadcast %broadcast_in_dim3A : f32 to vector<16xf32>
      %mul3A_182 = arith.constant 16 : i32
      %mul3A_183 = arith.muli %scan3A_179, %mul3A_182 : i32
      %swap3A_184 = arith.index_cast %mul3A_183 : i32 to index
      %swap3A_185 = tpu.vector_load %arg10[%swap3A_184] {strides = array<i32>} : memref<16xf32, #tpu.memory_space<vmem>>, vector<16xf32>,
      %swap3A_186 = vector.shape_cast %swap3A_185 : vector<16xf32> to vector<16xf32>
      %swap3A_187 = vector.shape_cast %broadcast_in_dim3A_181 : vector<16xf32> to vector<16xf32>
      tpu.vector_store %arg10[%swap3A_184], %swap3A_187 {strides = array<i32>} : memref<16xf32, #tpu.memory_space<vmem>>, vector<16xf32>,
      %scan3A_188 = arith.constant 0 : i32
      scf.yield %scan3A_188 : i32
    }
    %scan3A_159 = arith.constant 16 : i32
    %scan3A_160 = arith.constant 0 : i32
    %scan3A_161 = arith.constant 0 : i32
    %scan3A_162 = arith.constant 40 : i32
    %scan3A_163 = arith.addi %scan3A_161, %scan3A_162 : i32
    %scan3A_164 = arith.constant 1 : i32
    %scan3A_165 = scf.for %scan3A_179 = %scan3A_161 to %scan3A_163 step %scan3A_164 iter_args(%scan3A_180 = %scan3A_160) -> (i32)  : i32 {
      %mul3A_181 = arith.constant 640 : i32
      %mul3A_182 = arith.muli %arg1, %mul3A_181 : i32
      %mul3A_183 = arith.constant 16 : i32
      %mul3A_184 = arith.muli %scan3A_179, %mul3A_183 : i32
      %add3A_185 = arith.addi %mul3A_182, %mul3A_184 : i32
      "tpu.region"() ({
        %run_scoped3A = tpu.sem_alloc : memref<!tpu.dma_semaphore, #tpu.memory_space<semaphore_mem>>
        %dma_start3A_187 = tpu.memref_slice %arg16[%add3A_185] : memref<10240xf32, #tpu.memory_space<vmem_shared>> -> memref<16xf32, #tpu.memory_space<vmem_shared>>
        %dma_start3A_188 = tpu.memref_slice %arg16[%add3A_185] : memref<10240xf32, #tpu.memory_space<vmem_shared>> -> memref<16xf32, #tpu.memory_space<vmem_shared>>
        tpu.enqueue_dma source(%arg10 : memref<16xf32, #tpu.memory_space<vmem>>) target(%dma_start3A_188 : memref<16xf32, #tpu.memory_space<vmem_shared>>) target_semaphore(%run_scoped3A : memref<!tpu.dma_semaphore, #tpu.memory_space<semaphore_mem>>)
        %dma_wait3A = tpu.memref_slice %arg16[%add3A_185] : memref<10240xf32, #tpu.memory_space<vmem_shared>> -> memref<16xf32, #tpu.memory_space<vmem_shared>>
        %dma_wait3A_189 = tpu.memref_slice %arg16[%add3A_185] : memref<10240xf32, #tpu.memory_space<vmem_shared>> -> memref<16xf32, #tpu.memory_space<vmem_shared>>
        tpu.wait_dma2 semaphore(%run_scoped3A : memref<!tpu.dma_semaphore, #tpu.memory_space<semaphore_mem>>) src(%arg10 : memref<16xf32, #tpu.memory_space<vmem>>) dst(%dma_wait3A_189 : memref<16xf32, #tpu.memory_space<vmem_shared>>)
        tpu.yield
      }) : () -> ()
      %scan3A_186 = arith.constant 0 : i32
      scf.yield %scan3A_186 : i32
    }
    %scan3A_166 = arith.constant 40 : i32
    %barrier3A = arith.constant 0 : index
    tpu.barrier barrier_id(%barrier3A)
    %scan3A_167 = arith.constant 0 : i32
    %scan3A_168 = arith.constant 0 : i32
    %scan3A_169 = arith.constant 40 : i32
    %scan3A_170 = arith.addi %scan3A_168, %scan3A_169 : i32
    %scan3A_171 = arith.constant 1 : i32
    %scan3A_172 = scf.for %scan3A_179 = %scan3A_168 to %scan3A_170 step %scan3A_171 iter_args(%scan3A_180 = %scan3A_167) -> (i32)  : i32 {
      %dma_wait3A = arith.constant 0 : i32
      %dma_wait3A_181 = tpu.memref_slice %arg2[%dma_wait3A] : memref<10240xf32, #tpu.memory_space<hbm>> -> memref<10240xf32, #tpu.memory_space<hbm>>
      tpu.wait_indirect_dma semaphore(%arg14 : memref<!tpu.dma_semaphore, #tpu.memory_space<semaphore_mem>>) src(%dma_wait3A_181 : memref<10240xf32, #tpu.memory_space<hbm>>) dst(%arg8 : memref<128xf32, #tpu.memory_space<vmem>>)
      %get3A_182 = arith.index_cast %scan3A_179 : i32 to index
      %get3A_183 = arith.constant 0 : index
      %get3A_184 = tpu.vector_load %arg7[%get3A_182, %get3A_183] {strides = array<i32>} : memref<40x128xi32, #tpu.memory_space<vmem>>, vector<1x16xi32>,
      %get3A_185 = vector.shape_cast %get3A_184 : vector<1x16xi32> to vector<16xi32>
      %and3A_186 = arith.constant 65535 : i32
      %and3A_187 = vector.broadcast %and3A_186 : i32 to vector<16xi32>
      %and3A_188 = arith.andi %get3A_185, %and3A_187 : vector<16xi32>
      %swap3A_189 = arith.constant 0 : index
      %swap3A_190 = tpu.vector_load %arg13[%swap3A_189] {strides = array<i32>} : memref<128xi32, #tpu.memory_space<vmem>>, vector<16xi32>,
      %swap3A_191 = vector.shape_cast %swap3A_190 : vector<16xi32> to vector<16xi32>
      %swap3A_192 = vector.shape_cast %and3A_188 : vector<16xi32> to vector<16xi32>
      tpu.vector_store %arg13[%swap3A_189], %swap3A_192 {strides = array<i32>} : memref<128xi32, #tpu.memory_space<vmem>>, vector<16xi32>,
      %shift_right_logical3A_193 = arith.constant 16 : i32
      %shift_right_logical3A_194 = vector.broadcast %shift_right_logical3A_193 : i32 to vector<16xi32>
      %shift_right_logical3A_195 = arith.shrui %get3A_185, %shift_right_logical3A_194 : vector<16xi32>
      %swap3A_196 = arith.constant 16 : index
      %swap3A_197 = tpu.vector_load %arg13[%swap3A_196] {strides = array<i32>} : memref<128xi32, #tpu.memory_space<vmem>>, vector<16xi32>,
      %swap3A_198 = vector.shape_cast %swap3A_197 : vector<16xi32> to vector<16xi32>
      %swap3A_199 = vector.shape_cast %shift_right_logical3A_195 : vector<16xi32> to vector<16xi32>
      tpu.vector_store %arg13[%swap3A_196], %swap3A_199 {strides = array<i32>} : memref<128xi32, #tpu.memory_space<vmem>>, vector<16xi32>,
      %get3A_200 = arith.index_cast %scan3A_179 : i32 to index
      %get3A_201 = arith.constant 16 : index
      %get3A_202 = tpu.vector_load %arg7[%get3A_200, %get3A_201] {strides = array<i32>} : memref<40x128xi32, #tpu.memory_space<vmem>>, vector<1x16xi32>,
      %get3A_203 = vector.shape_cast %get3A_202 : vector<1x16xi32> to vector<16xi32>
      %and3A_204 = arith.constant 65535 : i32
      %and3A_205 = vector.broadcast %and3A_204 : i32 to vector<16xi32>
      %and3A_206 = arith.andi %get3A_203, %and3A_205 : vector<16xi32>
      %swap3A_207 = arith.constant 32 : index
      %swap3A_208 = tpu.vector_load %arg13[%swap3A_207] {strides = array<i32>} : memref<128xi32, #tpu.memory_space<vmem>>, vector<16xi32>,
      %swap3A_209 = vector.shape_cast %swap3A_208 : vector<16xi32> to vector<16xi32>
      %swap3A_210 = vector.shape_cast %and3A_206 : vector<16xi32> to vector<16xi32>
      tpu.vector_store %arg13[%swap3A_207], %swap3A_210 {strides = array<i32>} : memref<128xi32, #tpu.memory_space<vmem>>, vector<16xi32>,
      %shift_right_logical3A_211 = arith.constant 16 : i32
      %shift_right_logical3A_212 = vector.broadcast %shift_right_logical3A_211 : i32 to vector<16xi32>
      %shift_right_logical3A_213 = arith.shrui %get3A_203, %shift_right_logical3A_212 : vector<16xi32>
      %swap3A_214 = arith.constant 48 : index
      %swap3A_215 = tpu.vector_load %arg13[%swap3A_214] {strides = array<i32>} : memref<128xi32, #tpu.memory_space<vmem>>, vector<16xi32>,
      %swap3A_216 = vector.shape_cast %swap3A_215 : vector<16xi32> to vector<16xi32>
      %swap3A_217 = vector.shape_cast %shift_right_logical3A_213 : vector<16xi32> to vector<16xi32>
      tpu.vector_store %arg13[%swap3A_214], %swap3A_217 {strides = array<i32>} : memref<128xi32, #tpu.memory_space<vmem>>, vector<16xi32>,
      %get3A_218 = arith.index_cast %scan3A_179 : i32 to index
      %get3A_219 = arith.constant 32 : index
      %get3A_220 = tpu.vector_load %arg7[%get3A_218, %get3A_219] {strides = array<i32>} : memref<40x128xi32, #tpu.memory_space<vmem>>, vector<1x16xi32>,
      %get3A_221 = vector.shape_cast %get3A_220 : vector<1x16xi32> to vector<16xi32>
      %and3A_222 = arith.constant 65535 : i32
      %and3A_223 = vector.broadcast %and3A_222 : i32 to vector<16xi32>
      %and3A_224 = arith.andi %get3A_221, %and3A_223 : vector<16xi32>
      %swap3A_225 = arith.constant 64 : index
      %swap3A_226 = tpu.vector_load %arg13[%swap3A_225] {strides = array<i32>} : memref<128xi32, #tpu.memory_space<vmem>>, vector<16xi32>,
      %swap3A_227 = vector.shape_cast %swap3A_226 : vector<16xi32> to vector<16xi32>
      %swap3A_228 = vector.shape_cast %and3A_224 : vector<16xi32> to vector<16xi32>
      tpu.vector_store %arg13[%swap3A_225], %swap3A_228 {strides = array<i32>} : memref<128xi32, #tpu.memory_space<vmem>>, vector<16xi32>,
      %shift_right_logical3A_229 = arith.constant 16 : i32
      %shift_right_logical3A_230 = vector.broadcast %shift_right_logical3A_229 : i32 to vector<16xi32>
      %shift_right_logical3A_231 = arith.shrui %get3A_221, %shift_right_logical3A_230 : vector<16xi32>
      %swap3A_232 = arith.constant 80 : index
      %swap3A_233 = tpu.vector_load %arg13[%swap3A_232] {strides = array<i32>} : memref<128xi32, #tpu.memory_space<vmem>>, vector<16xi32>,
      %swap3A_234 = vector.shape_cast %swap3A_233 : vector<16xi32> to vector<16xi32>
      %swap3A_235 = vector.shape_cast %shift_right_logical3A_231 : vector<16xi32> to vector<16xi32>
      tpu.vector_store %arg13[%swap3A_232], %swap3A_235 {strides = array<i32>} : memref<128xi32, #tpu.memory_space<vmem>>, vector<16xi32>,
      %get3A_236 = arith.index_cast %scan3A_179 : i32 to index
      %get3A_237 = arith.constant 48 : index
      %get3A_238 = tpu.vector_load %arg7[%get3A_236, %get3A_237] {strides = array<i32>} : memref<40x128xi32, #tpu.memory_space<vmem>>, vector<1x16xi32>,
      %get3A_239 = vector.shape_cast %get3A_238 : vector<1x16xi32> to vector<16xi32>
      %and3A_240 = arith.constant 65535 : i32
      %and3A_241 = vector.broadcast %and3A_240 : i32 to vector<16xi32>
      %and3A_242 = arith.andi %get3A_239, %and3A_241 : vector<16xi32>
      %swap3A_243 = arith.constant 96 : index
      %swap3A_244 = tpu.vector_load %arg13[%swap3A_243] {strides = array<i32>} : memref<128xi32, #tpu.memory_space<vmem>>, vector<16xi32>,
      %swap3A_245 = vector.shape_cast %swap3A_244 : vector<16xi32> to vector<16xi32>
      %swap3A_246 = vector.shape_cast %and3A_242 : vector<16xi32> to vector<16xi32>
      tpu.vector_store %arg13[%swap3A_243], %swap3A_246 {strides = array<i32>} : memref<128xi32, #tpu.memory_space<vmem>>, vector<16xi32>,
      %shift_right_logical3A_247 = arith.constant 16 : i32
      %shift_right_logical3A_248 = vector.broadcast %shift_right_logical3A_247 : i32 to vector<16xi32>
      %shift_right_logical3A_249 = arith.shrui %get3A_239, %shift_right_logical3A_248 : vector<16xi32>
      %swap3A_250 = arith.constant 112 : index
      %swap3A_251 = tpu.vector_load %arg13[%swap3A_250] {strides = array<i32>} : memref<128xi32, #tpu.memory_space<vmem>>, vector<16xi32>,
      %swap3A_252 = vector.shape_cast %swap3A_251 : vector<16xi32> to vector<16xi32>
      %swap3A_253 = vector.shape_cast %shift_right_logical3A_249 : vector<16xi32> to vector<16xi32>
      tpu.vector_store %arg13[%swap3A_250], %swap3A_253 {strides = array<i32>} : memref<128xi32, #tpu.memory_space<vmem>>, vector<16xi32>,
      "tpu.region"() ({
        %run_scoped3A = tpu.sem_alloc : memref<!tpu.dma_semaphore, #tpu.memory_space<semaphore_mem>>
        %dma_start3A_340 = arith.constant 0 : i32
        %dma_start3A_341 = tpu.memref_slice %arg16[%dma_start3A_340] : memref<10240xf32, #tpu.memory_space<vmem_shared>> -> memref<10240xf32, #tpu.memory_space<vmem_shared>>
        tpu.enqueue_indirect_dma source(%arg8 : memref<128xf32, #tpu.memory_space<vmem>>) target(%dma_start3A_341 : memref<10240xf32, #tpu.memory_space<vmem_shared>>) offsets(%arg13 : memref<128xi32, #tpu.memory_space<vmem>>) semaphore(%run_scoped3A : memref<!tpu.dma_semaphore, #tpu.memory_space<semaphore_mem>>) {add = true}
        %dma_wait3A_342 = arith.constant 0 : i32
        %dma_wait3A_343 = tpu.memref_slice %arg16[%dma_wait3A_342] : memref<10240xf32, #tpu.memory_space<vmem_shared>> -> memref<10240xf32, #tpu.memory_space<vmem_shared>>
        tpu.wait_indirect_dma semaphore(%run_scoped3A : memref<!tpu.dma_semaphore, #tpu.memory_space<semaphore_mem>>) src(%arg8 : memref<128xf32, #tpu.memory_space<vmem>>) dst(%dma_wait3A_343 : memref<10240xf32, #tpu.memory_space<vmem_shared>>)
        tpu.yield
      }) : () -> ()
      %add3A_254 = arith.constant 1 : i32
      %add3A_255 = arith.addi %scan3A_179, %add3A_254 : i32
      %lt3A = arith.constant 40 : i32
      %lt3A_256 = arith.cmpi slt, %add3A_255, %lt3A : i32
      %convert_element_type3A = arith.extui %lt3A_256 : i1 to i32
      %cond3A = arith.constant 0 : i32
      %cond3A_257 = arith.cmpi ne, %convert_element_type3A, %cond3A : i32
      scf.if %cond3A_257 {
        %add3A_340 = arith.constant 1 : i32
        %add3A_341 = arith.addi %scan3A_179, %add3A_340 : i32
        %get3A_342 = arith.index_cast %add3A_341 : i32 to index
        %get3A_343 = arith.constant 0 : index
        %get3A_344 = tpu.vector_load %arg6[%get3A_342, %get3A_343] {strides = array<i32>} : memref<40x128xi32, #tpu.memory_space<vmem>>, vector<1x16xi32>,
        %get3A_345 = vector.shape_cast %get3A_344 : vector<1x16xi32> to vector<16xi32>
        %and3A_346 = arith.constant 65535 : i32
        %and3A_347 = vector.broadcast %and3A_346 : i32 to vector<16xi32>
        %and3A_348 = arith.andi %get3A_345, %and3A_347 : vector<16xi32>
        %swap3A_349 = arith.constant 0 : index
        %swap3A_350 = tpu.vector_load %arg11[%swap3A_349] {strides = array<i32>} : memref<128xi32, #tpu.memory_space<vmem>>, vector<16xi32>,
        %swap3A_351 = vector.shape_cast %swap3A_350 : vector<16xi32> to vector<16xi32>
        %swap3A_352 = vector.shape_cast %and3A_348 : vector<16xi32> to vector<16xi32>
        tpu.vector_store %arg11[%swap3A_349], %swap3A_352 {strides = array<i32>} : memref<128xi32, #tpu.memory_space<vmem>>, vector<16xi32>,
        %shift_right_logical3A_353 = arith.constant 16 : i32
        %shift_right_logical3A_354 = vector.broadcast %shift_right_logical3A_353 : i32 to vector<16xi32>
        %shift_right_logical3A_355 = arith.shrui %get3A_345, %shift_right_logical3A_354 : vector<16xi32>
        %swap3A_356 = arith.constant 16 : index
        %swap3A_357 = tpu.vector_load %arg11[%swap3A_356] {strides = array<i32>} : memref<128xi32, #tpu.memory_space<vmem>>, vector<16xi32>,
        %swap3A_358 = vector.shape_cast %swap3A_357 : vector<16xi32> to vector<16xi32>
        %swap3A_359 = vector.shape_cast %shift_right_logical3A_355 : vector<16xi32> to vector<16xi32>
        tpu.vector_store %arg11[%swap3A_356], %swap3A_359 {strides = array<i32>} : memref<128xi32, #tpu.memory_space<vmem>>, vector<16xi32>,
        %get3A_360 = arith.index_cast %add3A_341 : i32 to index
        %get3A_361 = arith.constant 16 : index
        %get3A_362 = tpu.vector_load %arg6[%get3A_360, %get3A_361] {strides = array<i32>} : memref<40x128xi32, #tpu.memory_space<vmem>>, vector<1x16xi32>,
        %get3A_363 = vector.shape_cast %get3A_362 : vector<1x16xi32> to vector<16xi32>
        %and3A_364 = arith.constant 65535 : i32
        %and3A_365 = vector.broadcast %and3A_364 : i32 to vector<16xi32>
        %and3A_366 = arith.andi %get3A_363, %and3A_365 : vector<16xi32>
        %swap3A_367 = arith.constant 32 : index
        %swap3A_368 = tpu.vector_load %arg11[%swap3A_367] {strides = array<i32>} : memref<128xi32, #tpu.memory_space<vmem>>, vector<16xi32>,
        %swap3A_369 = vector.shape_cast %swap3A_368 : vector<16xi32> to vector<16xi32>
        %swap3A_370 = vector.shape_cast %and3A_366 : vector<16xi32> to vector<16xi32>
        tpu.vector_store %arg11[%swap3A_367], %swap3A_370 {strides = array<i32>} : memref<128xi32, #tpu.memory_space<vmem>>, vector<16xi32>,
        %shift_right_logical3A_371 = arith.constant 16 : i32
        %shift_right_logical3A_372 = vector.broadcast %shift_right_logical3A_371 : i32 to vector<16xi32>
        %shift_right_logical3A_373 = arith.shrui %get3A_363, %shift_right_logical3A_372 : vector<16xi32>
        %swap3A_374 = arith.constant 48 : index
        %swap3A_375 = tpu.vector_load %arg11[%swap3A_374] {strides = array<i32>} : memref<128xi32, #tpu.memory_space<vmem>>, vector<16xi32>,
        %swap3A_376 = vector.shape_cast %swap3A_375 : vector<16xi32> to vector<16xi32>
        %swap3A_377 = vector.shape_cast %shift_right_logical3A_373 : vector<16xi32> to vector<16xi32>
        tpu.vector_store %arg11[%swap3A_374], %swap3A_377 {strides = array<i32>} : memref<128xi32, #tpu.memory_space<vmem>>, vector<16xi32>,
        %get3A_378 = arith.index_cast %add3A_341 : i32 to index
        %get3A_379 = arith.constant 32 : index
        %get3A_380 = tpu.vector_load %arg6[%get3A_378, %get3A_379] {strides = array<i32>} : memref<40x128xi32, #tpu.memory_space<vmem>>, vector<1x16xi32>,
        %get3A_381 = vector.shape_cast %get3A_380 : vector<1x16xi32> to vector<16xi32>
        %and3A_382 = arith.constant 65535 : i32
        %and3A_383 = vector.broadcast %and3A_382 : i32 to vector<16xi32>
        %and3A_384 = arith.andi %get3A_381, %and3A_383 : vector<16xi32>
        %swap3A_385 = arith.constant 64 : index
        %swap3A_386 = tpu.vector_load %arg11[%swap3A_385] {strides = array<i32>} : memref<128xi32, #tpu.memory_space<vmem>>, vector<16xi32>,
        %swap3A_387 = vector.shape_cast %swap3A_386 : vector<16xi32> to vector<16xi32>
        %swap3A_388 = vector.shape_cast %and3A_384 : vector<16xi32> to vector<16xi32>
        tpu.vector_store %arg11[%swap3A_385], %swap3A_388 {strides = array<i32>} : memref<128xi32, #tpu.memory_space<vmem>>, vector<16xi32>,
        %shift_right_logical3A_389 = arith.constant 16 : i32
        %shift_right_logical3A_390 = vector.broadcast %shift_right_logical3A_389 : i32 to vector<16xi32>
        %shift_right_logical3A_391 = arith.shrui %get3A_381, %shift_right_logical3A_390 : vector<16xi32>
        %swap3A_392 = arith.constant 80 : index
        %swap3A_393 = tpu.vector_load %arg11[%swap3A_392] {strides = array<i32>} : memref<128xi32, #tpu.memory_space<vmem>>, vector<16xi32>,
        %swap3A_394 = vector.shape_cast %swap3A_393 : vector<16xi32> to vector<16xi32>
        %swap3A_395 = vector.shape_cast %shift_right_logical3A_391 : vector<16xi32> to vector<16xi32>
        tpu.vector_store %arg11[%swap3A_392], %swap3A_395 {strides = array<i32>} : memref<128xi32, #tpu.memory_space<vmem>>, vector<16xi32>,
        %get3A_396 = arith.index_cast %add3A_341 : i32 to index
        %get3A_397 = arith.constant 48 : index
        %get3A_398 = tpu.vector_load %arg6[%get3A_396, %get3A_397] {strides = array<i32>} : memref<40x128xi32, #tpu.memory_space<vmem>>, vector<1x16xi32>,
        %get3A_399 = vector.shape_cast %get3A_398 : vector<1x16xi32> to vector<16xi32>
        %and3A_400 = arith.constant 65535 : i32
        %and3A_401 = vector.broadcast %and3A_400 : i32 to vector<16xi32>
        %and3A_402 = arith.andi %get3A_399, %and3A_401 : vector<16xi32>
        %swap3A_403 = arith.constant 96 : index
        %swap3A_404 = tpu.vector_load %arg11[%swap3A_403] {strides = array<i32>} : memref<128xi32, #tpu.memory_space<vmem>>, vector<16xi32>,
        %swap3A_405 = vector.shape_cast %swap3A_404 : vector<16xi32> to vector<16xi32>
        %swap3A_406 = vector.shape_cast %and3A_402 : vector<16xi32> to vector<16xi32>
        tpu.vector_store %arg11[%swap3A_403], %swap3A_406 {strides = array<i32>} : memref<128xi32, #tpu.memory_space<vmem>>, vector<16xi32>,
        %shift_right_logical3A_407 = arith.constant 16 : i32
        %shift_right_logical3A_408 = vector.broadcast %shift_right_logical3A_407 : i32 to vector<16xi32>
        %shift_right_logical3A_409 = arith.shrui %get3A_399, %shift_right_logical3A_408 : vector<16xi32>
        %swap3A_410 = arith.constant 112 : index
        %swap3A_411 = tpu.vector_load %arg11[%swap3A_410] {strides = array<i32>} : memref<128xi32, #tpu.memory_space<vmem>>, vector<16xi32>,
        %swap3A_412 = vector.shape_cast %swap3A_411 : vector<16xi32> to vector<16xi32>
        %swap3A_413 = vector.shape_cast %shift_right_logical3A_409 : vector<16xi32> to vector<16xi32>
        tpu.vector_store %arg11[%swap3A_410], %swap3A_413 {strides = array<i32>} : memref<128xi32, #tpu.memory_space<vmem>>, vector<16xi32>,
        %dma_start3A_414 = arith.constant 0 : i32
        %dma_start3A_415 = tpu.memref_slice %arg2[%dma_start3A_414] : memref<10240xf32, #tpu.memory_space<hbm>> -> memref<10240xf32, #tpu.memory_space<hbm>>
        tpu.enqueue_indirect_dma source(%dma_start3A_415 : memref<10240xf32, #tpu.memory_space<hbm>>) target(%arg8 : memref<128xf32, #tpu.memory_space<vmem>>) offsets(%arg11 : memref<128xi32, #tpu.memory_space<vmem>>) semaphore(%arg14 : memref<!tpu.dma_semaphore, #tpu.memory_space<semaphore_mem>>)
      } else {
      }
      %dma_wait3A_258 = arith.constant 0 : i32
      %dma_wait3A_259 = tpu.memref_slice %arg2[%dma_wait3A_258] : memref<10240xf32, #tpu.memory_space<hbm>> -> memref<10240xf32, #tpu.memory_space<hbm>>
      tpu.wait_indirect_dma semaphore(%arg15 : memref<!tpu.dma_semaphore, #tpu.memory_space<semaphore_mem>>) src(%dma_wait3A_259 : memref<10240xf32, #tpu.memory_space<hbm>>) dst(%arg9 : memref<128xf32, #tpu.memory_space<vmem>>)
      %get3A_260 = arith.index_cast %scan3A_179 : i32 to index
      %get3A_261 = arith.constant 64 : index
      %get3A_262 = tpu.vector_load %arg7[%get3A_260, %get3A_261] {strides = array<i32>} : memref<40x128xi32, #tpu.memory_space<vmem>>, vector<1x16xi32>,
      %get3A_263 = vector.shape_cast %get3A_262 : vector<1x16xi32> to vector<16xi32>
      %and3A_264 = arith.constant 65535 : i32
      %and3A_265 = vector.broadcast %and3A_264 : i32 to vector<16xi32>
      %and3A_266 = arith.andi %get3A_263, %and3A_265 : vector<16xi32>
      %swap3A_267 = arith.constant 0 : index
      %swap3A_268 = tpu.vector_load %arg13[%swap3A_267] {strides = array<i32>} : memref<128xi32, #tpu.memory_space<vmem>>, vector<16xi32>,
      %swap3A_269 = vector.shape_cast %swap3A_268 : vector<16xi32> to vector<16xi32>
      %swap3A_270 = vector.shape_cast %and3A_266 : vector<16xi32> to vector<16xi32>
      tpu.vector_store %arg13[%swap3A_267], %swap3A_270 {strides = array<i32>} : memref<128xi32, #tpu.memory_space<vmem>>, vector<16xi32>,
      %shift_right_logical3A_271 = arith.constant 16 : i32
      %shift_right_logical3A_272 = vector.broadcast %shift_right_logical3A_271 : i32 to vector<16xi32>
      %shift_right_logical3A_273 = arith.shrui %get3A_263, %shift_right_logical3A_272 : vector<16xi32>
      %swap3A_274 = arith.constant 16 : index
      %swap3A_275 = tpu.vector_load %arg13[%swap3A_274] {strides = array<i32>} : memref<128xi32, #tpu.memory_space<vmem>>, vector<16xi32>,
      %swap3A_276 = vector.shape_cast %swap3A_275 : vector<16xi32> to vector<16xi32>
      %swap3A_277 = vector.shape_cast %shift_right_logical3A_273 : vector<16xi32> to vector<16xi32>
      tpu.vector_store %arg13[%swap3A_274], %swap3A_277 {strides = array<i32>} : memref<128xi32, #tpu.memory_space<vmem>>, vector<16xi32>,
      %get3A_278 = arith.index_cast %scan3A_179 : i32 to index
      %get3A_279 = arith.constant 80 : index
      %get3A_280 = tpu.vector_load %arg7[%get3A_278, %get3A_279] {strides = array<i32>} : memref<40x128xi32, #tpu.memory_space<vmem>>, vector<1x16xi32>,
      %get3A_281 = vector.shape_cast %get3A_280 : vector<1x16xi32> to vector<16xi32>
      %and3A_282 = arith.constant 65535 : i32
      %and3A_283 = vector.broadcast %and3A_282 : i32 to vector<16xi32>
      %and3A_284 = arith.andi %get3A_281, %and3A_283 : vector<16xi32>
      %swap3A_285 = arith.constant 32 : index
      %swap3A_286 = tpu.vector_load %arg13[%swap3A_285] {strides = array<i32>} : memref<128xi32, #tpu.memory_space<vmem>>, vector<16xi32>,
      %swap3A_287 = vector.shape_cast %swap3A_286 : vector<16xi32> to vector<16xi32>
      %swap3A_288 = vector.shape_cast %and3A_284 : vector<16xi32> to vector<16xi32>
      tpu.vector_store %arg13[%swap3A_285], %swap3A_288 {strides = array<i32>} : memref<128xi32, #tpu.memory_space<vmem>>, vector<16xi32>,
      %shift_right_logical3A_289 = arith.constant 16 : i32
      %shift_right_logical3A_290 = vector.broadcast %shift_right_logical3A_289 : i32 to vector<16xi32>
      %shift_right_logical3A_291 = arith.shrui %get3A_281, %shift_right_logical3A_290 : vector<16xi32>
      %swap3A_292 = arith.constant 48 : index
      %swap3A_293 = tpu.vector_load %arg13[%swap3A_292] {strides = array<i32>} : memref<128xi32, #tpu.memory_space<vmem>>, vector<16xi32>,
      %swap3A_294 = vector.shape_cast %swap3A_293 : vector<16xi32> to vector<16xi32>
      %swap3A_295 = vector.shape_cast %shift_right_logical3A_291 : vector<16xi32> to vector<16xi32>
      tpu.vector_store %arg13[%swap3A_292], %swap3A_295 {strides = array<i32>} : memref<128xi32, #tpu.memory_space<vmem>>, vector<16xi32>,
      %get3A_296 = arith.index_cast %scan3A_179 : i32 to index
      %get3A_297 = arith.constant 96 : index
      %get3A_298 = tpu.vector_load %arg7[%get3A_296, %get3A_297] {strides = array<i32>} : memref<40x128xi32, #tpu.memory_space<vmem>>, vector<1x16xi32>,
      %get3A_299 = vector.shape_cast %get3A_298 : vector<1x16xi32> to vector<16xi32>
      %and3A_300 = arith.constant 65535 : i32
      %and3A_301 = vector.broadcast %and3A_300 : i32 to vector<16xi32>
      %and3A_302 = arith.andi %get3A_299, %and3A_301 : vector<16xi32>
      %swap3A_303 = arith.constant 64 : index
      %swap3A_304 = tpu.vector_load %arg13[%swap3A_303] {strides = array<i32>} : memref<128xi32, #tpu.memory_space<vmem>>, vector<16xi32>,
      %swap3A_305 = vector.shape_cast %swap3A_304 : vector<16xi32> to vector<16xi32>
      %swap3A_306 = vector.shape_cast %and3A_302 : vector<16xi32> to vector<16xi32>
      tpu.vector_store %arg13[%swap3A_303], %swap3A_306 {strides = array<i32>} : memref<128xi32, #tpu.memory_space<vmem>>, vector<16xi32>,
      %shift_right_logical3A_307 = arith.constant 16 : i32
      %shift_right_logical3A_308 = vector.broadcast %shift_right_logical3A_307 : i32 to vector<16xi32>
      %shift_right_logical3A_309 = arith.shrui %get3A_299, %shift_right_logical3A_308 : vector<16xi32>
      %swap3A_310 = arith.constant 80 : index
      %swap3A_311 = tpu.vector_load %arg13[%swap3A_310] {strides = array<i32>} : memref<128xi32, #tpu.memory_space<vmem>>, vector<16xi32>,
      %swap3A_312 = vector.shape_cast %swap3A_311 : vector<16xi32> to vector<16xi32>
      %swap3A_313 = vector.shape_cast %shift_right_logical3A_309 : vector<16xi32> to vector<16xi32>
      tpu.vector_store %arg13[%swap3A_310], %swap3A_313 {strides = array<i32>} : memref<128xi32, #tpu.memory_space<vmem>>, vector<16xi32>,
      %get3A_314 = arith.index_cast %scan3A_179 : i32 to index
      %get3A_315 = arith.constant 112 : index
      %get3A_316 = tpu.vector_load %arg7[%get3A_314, %get3A_315] {strides = array<i32>} : memref<40x128xi32, #tpu.memory_space<vmem>>, vector<1x16xi32>,
      %get3A_317 = vector.shape_cast %get3A_316 : vector<1x16xi32> to vector<16xi32>
      %and3A_318 = arith.constant 65535 : i32
      %and3A_319 = vector.broadcast %and3A_318 : i32 to vector<16xi32>
      %and3A_320 = arith.andi %get3A_317, %and3A_319 : vector<16xi32>
      %swap3A_321 = arith.constant 96 : index
      %swap3A_322 = tpu.vector_load %arg13[%swap3A_321] {strides = array<i32>} : memref<128xi32, #tpu.memory_space<vmem>>, vector<16xi32>,
      %swap3A_323 = vector.shape_cast %swap3A_322 : vector<16xi32> to vector<16xi32>
      %swap3A_324 = vector.shape_cast %and3A_320 : vector<16xi32> to vector<16xi32>
      tpu.vector_store %arg13[%swap3A_321], %swap3A_324 {strides = array<i32>} : memref<128xi32, #tpu.memory_space<vmem>>, vector<16xi32>,
      %shift_right_logical3A_325 = arith.constant 16 : i32
      %shift_right_logical3A_326 = vector.broadcast %shift_right_logical3A_325 : i32 to vector<16xi32>
      %shift_right_logical3A_327 = arith.shrui %get3A_317, %shift_right_logical3A_326 : vector<16xi32>
      %swap3A_328 = arith.constant 112 : index
      %swap3A_329 = tpu.vector_load %arg13[%swap3A_328] {strides = array<i32>} : memref<128xi32, #tpu.memory_space<vmem>>, vector<16xi32>,
      %swap3A_330 = vector.shape_cast %swap3A_329 : vector<16xi32> to vector<16xi32>
      %swap3A_331 = vector.shape_cast %shift_right_logical3A_327 : vector<16xi32> to vector<16xi32>
      tpu.vector_store %arg13[%swap3A_328], %swap3A_331 {strides = array<i32>} : memref<128xi32, #tpu.memory_space<vmem>>, vector<16xi32>,
      "tpu.region"() ({
        %run_scoped3A = tpu.sem_alloc : memref<!tpu.dma_semaphore, #tpu.memory_space<semaphore_mem>>
        %dma_start3A_340 = arith.constant 0 : i32
        %dma_start3A_341 = tpu.memref_slice %arg16[%dma_start3A_340] : memref<10240xf32, #tpu.memory_space<vmem_shared>> -> memref<10240xf32, #tpu.memory_space<vmem_shared>>
        tpu.enqueue_indirect_dma source(%arg9 : memref<128xf32, #tpu.memory_space<vmem>>) target(%dma_start3A_341 : memref<10240xf32, #tpu.memory_space<vmem_shared>>) offsets(%arg13 : memref<128xi32, #tpu.memory_space<vmem>>) semaphore(%run_scoped3A : memref<!tpu.dma_semaphore, #tpu.memory_space<semaphore_mem>>) {add = true}
        %dma_wait3A_342 = arith.constant 0 : i32
        %dma_wait3A_343 = tpu.memref_slice %arg16[%dma_wait3A_342] : memref<10240xf32, #tpu.memory_space<vmem_shared>> -> memref<10240xf32, #tpu.memory_space<vmem_shared>>
        tpu.wait_indirect_dma semaphore(%run_scoped3A : memref<!tpu.dma_semaphore, #tpu.memory_space<semaphore_mem>>) src(%arg9 : memref<128xf32, #tpu.memory_space<vmem>>) dst(%dma_wait3A_343 : memref<10240xf32, #tpu.memory_space<vmem_shared>>)
        tpu.yield
      }) : () -> ()
      %add3A_332 = arith.constant 1 : i32
      %add3A_333 = arith.addi %scan3A_179, %add3A_332 : i32
      %lt3A_334 = arith.constant 40 : i32
      %lt3A_335 = arith.cmpi slt, %add3A_333, %lt3A_334 : i32
      %convert_element_type3A_336 = arith.extui %lt3A_335 : i1 to i32
      %cond3A_337 = arith.constant 0 : i32
      %cond3A_338 = arith.cmpi ne, %convert_element_type3A_336, %cond3A_337 : i32
      scf.if %cond3A_338 {
        %add3A_340 = arith.constant 1 : i32
        %add3A_341 = arith.addi %scan3A_179, %add3A_340 : i32
        %get3A_342 = arith.index_cast %add3A_341 : i32 to index
        %get3A_343 = arith.constant 64 : index
        %get3A_344 = tpu.vector_load %arg6[%get3A_342, %get3A_343] {strides = array<i32>} : memref<40x128xi32, #tpu.memory_space<vmem>>, vector<1x16xi32>,
        %get3A_345 = vector.shape_cast %get3A_344 : vector<1x16xi32> to vector<16xi32>
        %and3A_346 = arith.constant 65535 : i32
        %and3A_347 = vector.broadcast %and3A_346 : i32 to vector<16xi32>
        %and3A_348 = arith.andi %get3A_345, %and3A_347 : vector<16xi32>
        %swap3A_349 = arith.constant 0 : index
        %swap3A_350 = tpu.vector_load %arg12[%swap3A_349] {strides = array<i32>} : memref<128xi32, #tpu.memory_space<vmem>>, vector<16xi32>,
        %swap3A_351 = vector.shape_cast %swap3A_350 : vector<16xi32> to vector<16xi32>
        %swap3A_352 = vector.shape_cast %and3A_348 : vector<16xi32> to vector<16xi32>
        tpu.vector_store %arg12[%swap3A_349], %swap3A_352 {strides = array<i32>} : memref<128xi32, #tpu.memory_space<vmem>>, vector<16xi32>,
        %shift_right_logical3A_353 = arith.constant 16 : i32
        %shift_right_logical3A_354 = vector.broadcast %shift_right_logical3A_353 : i32 to vector<16xi32>
        %shift_right_logical3A_355 = arith.shrui %get3A_345, %shift_right_logical3A_354 : vector<16xi32>
        %swap3A_356 = arith.constant 16 : index
        %swap3A_357 = tpu.vector_load %arg12[%swap3A_356] {strides = array<i32>} : memref<128xi32, #tpu.memory_space<vmem>>, vector<16xi32>,
        %swap3A_358 = vector.shape_cast %swap3A_357 : vector<16xi32> to vector<16xi32>
        %swap3A_359 = vector.shape_cast %shift_right_logical3A_355 : vector<16xi32> to vector<16xi32>
        tpu.vector_store %arg12[%swap3A_356], %swap3A_359 {strides = array<i32>} : memref<128xi32, #tpu.memory_space<vmem>>, vector<16xi32>,
        %get3A_360 = arith.index_cast %add3A_341 : i32 to index
        %get3A_361 = arith.constant 80 : index
        %get3A_362 = tpu.vector_load %arg6[%get3A_360, %get3A_361] {strides = array<i32>} : memref<40x128xi32, #tpu.memory_space<vmem>>, vector<1x16xi32>,
        %get3A_363 = vector.shape_cast %get3A_362 : vector<1x16xi32> to vector<16xi32>
        %and3A_364 = arith.constant 65535 : i32
        %and3A_365 = vector.broadcast %and3A_364 : i32 to vector<16xi32>
        %and3A_366 = arith.andi %get3A_363, %and3A_365 : vector<16xi32>
        %swap3A_367 = arith.constant 32 : index
        %swap3A_368 = tpu.vector_load %arg12[%swap3A_367] {strides = array<i32>} : memref<128xi32, #tpu.memory_space<vmem>>, vector<16xi32>,
        %swap3A_369 = vector.shape_cast %swap3A_368 : vector<16xi32> to vector<16xi32>
        %swap3A_370 = vector.shape_cast %and3A_366 : vector<16xi32> to vector<16xi32>
        tpu.vector_store %arg12[%swap3A_367], %swap3A_370 {strides = array<i32>} : memref<128xi32, #tpu.memory_space<vmem>>, vector<16xi32>,
        %shift_right_logical3A_371 = arith.constant 16 : i32
        %shift_right_logical3A_372 = vector.broadcast %shift_right_logical3A_371 : i32 to vector<16xi32>
        %shift_right_logical3A_373 = arith.shrui %get3A_363, %shift_right_logical3A_372 : vector<16xi32>
        %swap3A_374 = arith.constant 48 : index
        %swap3A_375 = tpu.vector_load %arg12[%swap3A_374] {strides = array<i32>} : memref<128xi32, #tpu.memory_space<vmem>>, vector<16xi32>,
        %swap3A_376 = vector.shape_cast %swap3A_375 : vector<16xi32> to vector<16xi32>
        %swap3A_377 = vector.shape_cast %shift_right_logical3A_373 : vector<16xi32> to vector<16xi32>
        tpu.vector_store %arg12[%swap3A_374], %swap3A_377 {strides = array<i32>} : memref<128xi32, #tpu.memory_space<vmem>>, vector<16xi32>,
        %get3A_378 = arith.index_cast %add3A_341 : i32 to index
        %get3A_379 = arith.constant 96 : index
        %get3A_380 = tpu.vector_load %arg6[%get3A_378, %get3A_379] {strides = array<i32>} : memref<40x128xi32, #tpu.memory_space<vmem>>, vector<1x16xi32>,
        %get3A_381 = vector.shape_cast %get3A_380 : vector<1x16xi32> to vector<16xi32>
        %and3A_382 = arith.constant 65535 : i32
        %and3A_383 = vector.broadcast %and3A_382 : i32 to vector<16xi32>
        %and3A_384 = arith.andi %get3A_381, %and3A_383 : vector<16xi32>
        %swap3A_385 = arith.constant 64 : index
        %swap3A_386 = tpu.vector_load %arg12[%swap3A_385] {strides = array<i32>} : memref<128xi32, #tpu.memory_space<vmem>>, vector<16xi32>,
        %swap3A_387 = vector.shape_cast %swap3A_386 : vector<16xi32> to vector<16xi32>
        %swap3A_388 = vector.shape_cast %and3A_384 : vector<16xi32> to vector<16xi32>
        tpu.vector_store %arg12[%swap3A_385], %swap3A_388 {strides = array<i32>} : memref<128xi32, #tpu.memory_space<vmem>>, vector<16xi32>,
        %shift_right_logical3A_389 = arith.constant 16 : i32
        %shift_right_logical3A_390 = vector.broadcast %shift_right_logical3A_389 : i32 to vector<16xi32>
        %shift_right_logical3A_391 = arith.shrui %get3A_381, %shift_right_logical3A_390 : vector<16xi32>
        %swap3A_392 = arith.constant 80 : index
        %swap3A_393 = tpu.vector_load %arg12[%swap3A_392] {strides = array<i32>} : memref<128xi32, #tpu.memory_space<vmem>>, vector<16xi32>,
        %swap3A_394 = vector.shape_cast %swap3A_393 : vector<16xi32> to vector<16xi32>
        %swap3A_395 = vector.shape_cast %shift_right_logical3A_391 : vector<16xi32> to vector<16xi32>
        tpu.vector_store %arg12[%swap3A_392], %swap3A_395 {strides = array<i32>} : memref<128xi32, #tpu.memory_space<vmem>>, vector<16xi32>,
        %get3A_396 = arith.index_cast %add3A_341 : i32 to index
        %get3A_397 = arith.constant 112 : index
        %get3A_398 = tpu.vector_load %arg6[%get3A_396, %get3A_397] {strides = array<i32>} : memref<40x128xi32, #tpu.memory_space<vmem>>, vector<1x16xi32>,
        %get3A_399 = vector.shape_cast %get3A_398 : vector<1x16xi32> to vector<16xi32>
        %and3A_400 = arith.constant 65535 : i32
        %and3A_401 = vector.broadcast %and3A_400 : i32 to vector<16xi32>
        %and3A_402 = arith.andi %get3A_399, %and3A_401 : vector<16xi32>
        %swap3A_403 = arith.constant 96 : index
        %swap3A_404 = tpu.vector_load %arg12[%swap3A_403] {strides = array<i32>} : memref<128xi32, #tpu.memory_space<vmem>>, vector<16xi32>,
        %swap3A_405 = vector.shape_cast %swap3A_404 : vector<16xi32> to vector<16xi32>
        %swap3A_406 = vector.shape_cast %and3A_402 : vector<16xi32> to vector<16xi32>
        tpu.vector_store %arg12[%swap3A_403], %swap3A_406 {strides = array<i32>} : memref<128xi32, #tpu.memory_space<vmem>>, vector<16xi32>,
        %shift_right_logical3A_407 = arith.constant 16 : i32
        %shift_right_logical3A_408 = vector.broadcast %shift_right_logical3A_407 : i32 to vector<16xi32>
        %shift_right_logical3A_409 = arith.shrui %get3A_399, %shift_right_logical3A_408 : vector<16xi32>
        %swap3A_410 = arith.constant 112 : index
        %swap3A_411 = tpu.vector_load %arg12[%swap3A_410] {strides = array<i32>} : memref<128xi32, #tpu.memory_space<vmem>>, vector<16xi32>,
        %swap3A_412 = vector.shape_cast %swap3A_411 : vector<16xi32> to vector<16xi32>
        %swap3A_413 = vector.shape_cast %shift_right_logical3A_409 : vector<16xi32> to vector<16xi32>
        tpu.vector_store %arg12[%swap3A_410], %swap3A_413 {strides = array<i32>} : memref<128xi32, #tpu.memory_space<vmem>>, vector<16xi32>,
        %dma_start3A_414 = arith.constant 0 : i32
        %dma_start3A_415 = tpu.memref_slice %arg2[%dma_start3A_414] : memref<10240xf32, #tpu.memory_space<hbm>> -> memref<10240xf32, #tpu.memory_space<hbm>>
        tpu.enqueue_indirect_dma source(%dma_start3A_415 : memref<10240xf32, #tpu.memory_space<hbm>>) target(%arg9 : memref<128xf32, #tpu.memory_space<vmem>>) offsets(%arg12 : memref<128xi32, #tpu.memory_space<vmem>>) semaphore(%arg15 : memref<!tpu.dma_semaphore, #tpu.memory_space<semaphore_mem>>)
      } else {
      }
      %scan3A_339 = arith.constant 0 : i32
      scf.yield %scan3A_339 : i32
    }
    %scan3A_173 = arith.constant 40 : i32
    %barrier3A_174 = arith.constant 0 : index
    tpu.barrier barrier_id(%barrier3A_174)
    %mul3A_175 = arith.constant 640 : i32
    %mul3A_176 = arith.muli %arg1, %mul3A_175 : i32
    %mul3A_177 = arith.constant 640 : i32
    %mul3A_178 = arith.muli %arg1, %mul3A_177 : i32
    "tpu.region"() ({
      %run_scoped3A = tpu.sem_alloc : memref<!tpu.dma_semaphore, #tpu.memory_space<semaphore_mem>>
      %dma_start3A_179 = tpu.memref_slice %arg5[%arg0, %mul3A_178] : memref<2x10240xf32, #tpu.memory_space<hbm>> -> memref<1x640xf32, #tpu.memory_space<hbm>>
      %dma_start3A_180 = tpu.memref_squeeze %dma_start3A_179 : memref<1x640xf32, #tpu.memory_space<hbm>> -> memref<640xf32, #tpu.memory_space<hbm>>
      %dma_start3A_181 = tpu.memref_slice %arg16[%mul3A_176] : memref<10240xf32, #tpu.memory_space<vmem_shared>> -> memref<640xf32, #tpu.memory_space<vmem_shared>>
      tpu.enqueue_dma source(%dma_start3A_181 : memref<640xf32, #tpu.memory_space<vmem_shared>>) target(%dma_start3A_180 : memref<640xf32, #tpu.memory_space<hbm>>) target_semaphore(%run_scoped3A : memref<!tpu.dma_semaphore, #tpu.memory_space<semaphore_mem>>)
      %dma_wait3A = tpu.memref_slice %arg5[%arg0, %mul3A_178] : memref<2x10240xf32, #tpu.memory_space<hbm>> -> memref<1x640xf32, #tpu.memory_space<hbm>>
      %dma_wait3A_182 = tpu.memref_squeeze %dma_wait3A : memref<1x640xf32, #tpu.memory_space<hbm>> -> memref<640xf32, #tpu.memory_space<hbm>>
      %dma_wait3A_183 = tpu.memref_slice %arg16[%mul3A_176] : memref<10240xf32, #tpu.memory_space<vmem_shared>> -> memref<640xf32, #tpu.memory_space<vmem_shared>>
      tpu.wait_dma2 semaphore(%run_scoped3A : memref<!tpu.dma_semaphore, #tpu.memory_space<semaphore_mem>>) src(%dma_wait3A_183 : memref<640xf32, #tpu.memory_space<vmem_shared>>) dst(%dma_wait3A_182 : memref<640xf32, #tpu.memory_space<hbm>>)
      tpu.yield
    }) : () -> ()
    return
  }
}

#map = affine_map<(d0, d1) -> (0, 0)>
module attributes {stable_mosaic.version = 14 : i64} {
  func.func @_ones_count_body(%arg0: i32, %arg1: i32, %arg2: memref<1280x128xi32, #tpu.memory_space<hbm>>, %arg3: memref<2x10240xf32, #tpu.memory_space<hbm>>, %arg4: memref<40x128xi32, #tpu.memory_space<vmem>>, %arg5: memref<128xf32, #tpu.memory_space<vmem>>, %arg6: memref<640xf32, #tpu.memory_space<vmem>>, %arg7: memref<128xi32, #tpu.memory_space<vmem>>, %arg8: memref<10240xf32, #tpu.memory_space<vmem_shared>>) attributes {dimension_semantics = [#tpu.dimension_semantics<core_parallel>, #tpu.dimension_semantics<subcore_parallel>], iteration_bounds = array<i64: 2, 16>, scalar_prefetch = 0 : i64, scratch_operands = 5 : i64, tpu.core_type = #tpu.core_type<sc_vector_subcore>, window_params = [{transform_indices = #map}, {transform_indices = #map}]} {
    %mul3A = arith.constant 16 : i32
    %mul3A_0 = arith.muli %arg0, %mul3A : i32
    %add3A = arith.addi %mul3A_0, %arg1 : i32
    %mul3A_1 = arith.constant 40 : i32
    %mul3A_2 = arith.muli %add3A, %mul3A_1 : i32
    "tpu.region"() ({
      %run_scoped3A = tpu.sem_alloc : memref<!tpu.dma_semaphore, #tpu.memory_space<semaphore_mem>>
      %dma_start3A = arith.constant 0 : i32
      %dma_start3A_117 = tpu.memref_slice %arg2[%mul3A_2, %dma_start3A] : memref<1280x128xi32, #tpu.memory_space<hbm>> -> memref<40x128xi32, #tpu.memory_space<hbm>>
      %dma_start3A_118 = arith.constant 0 : i32
      %dma_start3A_119 = tpu.memref_slice %arg2[%mul3A_2, %dma_start3A_118] : memref<1280x128xi32, #tpu.memory_space<hbm>> -> memref<40x128xi32, #tpu.memory_space<hbm>>
      tpu.enqueue_dma source(%dma_start3A_119 : memref<40x128xi32, #tpu.memory_space<hbm>>) target(%arg4 : memref<40x128xi32, #tpu.memory_space<vmem>>) target_semaphore(%run_scoped3A : memref<!tpu.dma_semaphore, #tpu.memory_space<semaphore_mem>>)
      %dma_wait3A = arith.constant 0 : i32
      %dma_wait3A_120 = tpu.memref_slice %arg2[%mul3A_2, %dma_wait3A] : memref<1280x128xi32, #tpu.memory_space<hbm>> -> memref<40x128xi32, #tpu.memory_space<hbm>>
      %dma_wait3A_121 = arith.constant 0 : i32
      %dma_wait3A_122 = tpu.memref_slice %arg2[%mul3A_2, %dma_wait3A_121] : memref<1280x128xi32, #tpu.memory_space<hbm>> -> memref<40x128xi32, #tpu.memory_space<hbm>>
      tpu.wait_dma2 semaphore(%run_scoped3A : memref<!tpu.dma_semaphore, #tpu.memory_space<semaphore_mem>>) src(%dma_wait3A_122 : memref<40x128xi32, #tpu.memory_space<hbm>>) dst(%arg4 : memref<40x128xi32, #tpu.memory_space<vmem>>)
      tpu.yield
    }) : () -> ()
    %broadcast_in_dim3A = arith.constant 1.000000e+00 : f32
    %broadcast_in_dim3A_3 = vector.broadcast %broadcast_in_dim3A : f32 to vector<16xf32>
    %swap3A = arith.constant 0 : index
    %swap3A_4 = tpu.vector_load %arg5[%swap3A] {strides = array<i32>} : memref<128xf32, #tpu.memory_space<vmem>>, vector<16xf32>,
    %swap3A_5 = vector.shape_cast %swap3A_4 : vector<16xf32> to vector<16xf32>
    %swap3A_6 = vector.shape_cast %broadcast_in_dim3A_3 : vector<16xf32> to vector<16xf32>
    tpu.vector_store %arg5[%swap3A], %swap3A_6 {strides = array<i32>} : memref<128xf32, #tpu.memory_space<vmem>>, vector<16xf32>,
    %broadcast_in_dim3A_7 = arith.constant 0.000000e+00 : f32
    %broadcast_in_dim3A_8 = vector.broadcast %broadcast_in_dim3A_7 : f32 to vector<16xf32>
    %swap3A_9 = arith.constant 0 : index
    %swap3A_10 = tpu.vector_load %arg6[%swap3A_9] {strides = array<i32>} : memref<640xf32, #tpu.memory_space<vmem>>, vector<16xf32>,
    %swap3A_11 = vector.shape_cast %swap3A_10 : vector<16xf32> to vector<16xf32>
    %swap3A_12 = vector.shape_cast %broadcast_in_dim3A_8 : vector<16xf32> to vector<16xf32>
    tpu.vector_store %arg6[%swap3A_9], %swap3A_12 {strides = array<i32>} : memref<640xf32, #tpu.memory_space<vmem>>, vector<16xf32>,
    %broadcast_in_dim3A_13 = arith.constant 1.000000e+00 : f32
    %broadcast_in_dim3A_14 = vector.broadcast %broadcast_in_dim3A_13 : f32 to vector<16xf32>
    %swap3A_15 = arith.constant 16 : index
    %swap3A_16 = tpu.vector_load %arg5[%swap3A_15] {strides = array<i32>} : memref<128xf32, #tpu.memory_space<vmem>>, vector<16xf32>,
    %swap3A_17 = vector.shape_cast %swap3A_16 : vector<16xf32> to vector<16xf32>
    %swap3A_18 = vector.shape_cast %broadcast_in_dim3A_14 : vector<16xf32> to vector<16xf32>
    tpu.vector_store %arg5[%swap3A_15], %swap3A_18 {strides = array<i32>} : memref<128xf32, #tpu.memory_space<vmem>>, vector<16xf32>,
    %broadcast_in_dim3A_19 = arith.constant 0.000000e+00 : f32
    %broadcast_in_dim3A_20 = vector.broadcast %broadcast_in_dim3A_19 : f32 to vector<16xf32>
    %swap3A_21 = arith.constant 16 : index
    %swap3A_22 = tpu.vector_load %arg6[%swap3A_21] {strides = array<i32>} : memref<640xf32, #tpu.memory_space<vmem>>, vector<16xf32>,
    %swap3A_23 = vector.shape_cast %swap3A_22 : vector<16xf32> to vector<16xf32>
    %swap3A_24 = vector.shape_cast %broadcast_in_dim3A_20 : vector<16xf32> to vector<16xf32>
    tpu.vector_store %arg6[%swap3A_21], %swap3A_24 {strides = array<i32>} : memref<640xf32, #tpu.memory_space<vmem>>, vector<16xf32>,
    %broadcast_in_dim3A_25 = arith.constant 1.000000e+00 : f32
    %broadcast_in_dim3A_26 = vector.broadcast %broadcast_in_dim3A_25 : f32 to vector<16xf32>
    %swap3A_27 = arith.constant 32 : index
    %swap3A_28 = tpu.vector_load %arg5[%swap3A_27] {strides = array<i32>} : memref<128xf32, #tpu.memory_space<vmem>>, vector<16xf32>,
    %swap3A_29 = vector.shape_cast %swap3A_28 : vector<16xf32> to vector<16xf32>
    %swap3A_30 = vector.shape_cast %broadcast_in_dim3A_26 : vector<16xf32> to vector<16xf32>
    tpu.vector_store %arg5[%swap3A_27], %swap3A_30 {strides = array<i32>} : memref<128xf32, #tpu.memory_space<vmem>>, vector<16xf32>,
    %broadcast_in_dim3A_31 = arith.constant 0.000000e+00 : f32
    %broadcast_in_dim3A_32 = vector.broadcast %broadcast_in_dim3A_31 : f32 to vector<16xf32>
    %swap3A_33 = arith.constant 32 : index
    %swap3A_34 = tpu.vector_load %arg6[%swap3A_33] {strides = array<i32>} : memref<640xf32, #tpu.memory_space<vmem>>, vector<16xf32>,
    %swap3A_35 = vector.shape_cast %swap3A_34 : vector<16xf32> to vector<16xf32>
    %swap3A_36 = vector.shape_cast %broadcast_in_dim3A_32 : vector<16xf32> to vector<16xf32>
    tpu.vector_store %arg6[%swap3A_33], %swap3A_36 {strides = array<i32>} : memref<640xf32, #tpu.memory_space<vmem>>, vector<16xf32>,
    %broadcast_in_dim3A_37 = arith.constant 1.000000e+00 : f32
    %broadcast_in_dim3A_38 = vector.broadcast %broadcast_in_dim3A_37 : f32 to vector<16xf32>
    %swap3A_39 = arith.constant 48 : index
    %swap3A_40 = tpu.vector_load %arg5[%swap3A_39] {strides = array<i32>} : memref<128xf32, #tpu.memory_space<vmem>>, vector<16xf32>,
    %swap3A_41 = vector.shape_cast %swap3A_40 : vector<16xf32> to vector<16xf32>
    %swap3A_42 = vector.shape_cast %broadcast_in_dim3A_38 : vector<16xf32> to vector<16xf32>
    tpu.vector_store %arg5[%swap3A_39], %swap3A_42 {strides = array<i32>} : memref<128xf32, #tpu.memory_space<vmem>>, vector<16xf32>,
    %broadcast_in_dim3A_43 = arith.constant 0.000000e+00 : f32
    %broadcast_in_dim3A_44 = vector.broadcast %broadcast_in_dim3A_43 : f32 to vector<16xf32>
    %swap3A_45 = arith.constant 48 : index
    %swap3A_46 = tpu.vector_load %arg6[%swap3A_45] {strides = array<i32>} : memref<640xf32, #tpu.memory_space<vmem>>, vector<16xf32>,
    %swap3A_47 = vector.shape_cast %swap3A_46 : vector<16xf32> to vector<16xf32>
    %swap3A_48 = vector.shape_cast %broadcast_in_dim3A_44 : vector<16xf32> to vector<16xf32>
    tpu.vector_store %arg6[%swap3A_45], %swap3A_48 {strides = array<i32>} : memref<640xf32, #tpu.memory_space<vmem>>, vector<16xf32>,
    %broadcast_in_dim3A_49 = arith.constant 1.000000e+00 : f32
    %broadcast_in_dim3A_50 = vector.broadcast %broadcast_in_dim3A_49 : f32 to vector<16xf32>
    %swap3A_51 = arith.constant 64 : index
    %swap3A_52 = tpu.vector_load %arg5[%swap3A_51] {strides = array<i32>} : memref<128xf32, #tpu.memory_space<vmem>>, vector<16xf32>,
    %swap3A_53 = vector.shape_cast %swap3A_52 : vector<16xf32> to vector<16xf32>
    %swap3A_54 = vector.shape_cast %broadcast_in_dim3A_50 : vector<16xf32> to vector<16xf32>
    tpu.vector_store %arg5[%swap3A_51], %swap3A_54 {strides = array<i32>} : memref<128xf32, #tpu.memory_space<vmem>>, vector<16xf32>,
    %broadcast_in_dim3A_55 = arith.constant 0.000000e+00 : f32
    %broadcast_in_dim3A_56 = vector.broadcast %broadcast_in_dim3A_55 : f32 to vector<16xf32>
    %swap3A_57 = arith.constant 64 : index
    %swap3A_58 = tpu.vector_load %arg6[%swap3A_57] {strides = array<i32>} : memref<640xf32, #tpu.memory_space<vmem>>, vector<16xf32>,
    %swap3A_59 = vector.shape_cast %swap3A_58 : vector<16xf32> to vector<16xf32>
    %swap3A_60 = vector.shape_cast %broadcast_in_dim3A_56 : vector<16xf32> to vector<16xf32>
    tpu.vector_store %arg6[%swap3A_57], %swap3A_60 {strides = array<i32>} : memref<640xf32, #tpu.memory_space<vmem>>, vector<16xf32>,
    %broadcast_in_dim3A_61 = arith.constant 1.000000e+00 : f32
    %broadcast_in_dim3A_62 = vector.broadcast %broadcast_in_dim3A_61 : f32 to vector<16xf32>
    %swap3A_63 = arith.constant 80 : index
    %swap3A_64 = tpu.vector_load %arg5[%swap3A_63] {strides = array<i32>} : memref<128xf32, #tpu.memory_space<vmem>>, vector<16xf32>,
    %swap3A_65 = vector.shape_cast %swap3A_64 : vector<16xf32> to vector<16xf32>
    %swap3A_66 = vector.shape_cast %broadcast_in_dim3A_62 : vector<16xf32> to vector<16xf32>
    tpu.vector_store %arg5[%swap3A_63], %swap3A_66 {strides = array<i32>} : memref<128xf32, #tpu.memory_space<vmem>>, vector<16xf32>,
    %broadcast_in_dim3A_67 = arith.constant 0.000000e+00 : f32
    %broadcast_in_dim3A_68 = vector.broadcast %broadcast_in_dim3A_67 : f32 to vector<16xf32>
    %swap3A_69 = arith.constant 80 : index
    %swap3A_70 = tpu.vector_load %arg6[%swap3A_69] {strides = array<i32>} : memref<640xf32, #tpu.memory_space<vmem>>, vector<16xf32>,
    %swap3A_71 = vector.shape_cast %swap3A_70 : vector<16xf32> to vector<16xf32>
    %swap3A_72 = vector.shape_cast %broadcast_in_dim3A_68 : vector<16xf32> to vector<16xf32>
    tpu.vector_store %arg6[%swap3A_69], %swap3A_72 {strides = array<i32>} : memref<640xf32, #tpu.memory_space<vmem>>, vector<16xf32>,
    %broadcast_in_dim3A_73 = arith.constant 1.000000e+00 : f32
    %broadcast_in_dim3A_74 = vector.broadcast %broadcast_in_dim3A_73 : f32 to vector<16xf32>
    %swap3A_75 = arith.constant 96 : index
    %swap3A_76 = tpu.vector_load %arg5[%swap3A_75] {strides = array<i32>} : memref<128xf32, #tpu.memory_space<vmem>>, vector<16xf32>,
    %swap3A_77 = vector.shape_cast %swap3A_76 : vector<16xf32> to vector<16xf32>
    %swap3A_78 = vector.shape_cast %broadcast_in_dim3A_74 : vector<16xf32> to vector<16xf32>
    tpu.vector_store %arg5[%swap3A_75], %swap3A_78 {strides = array<i32>} : memref<128xf32, #tpu.memory_space<vmem>>, vector<16xf32>,
    %broadcast_in_dim3A_79 = arith.constant 0.000000e+00 : f32
    %broadcast_in_dim3A_80 = vector.broadcast %broadcast_in_dim3A_79 : f32 to vector<16xf32>
    %swap3A_81 = arith.constant 96 : index
    %swap3A_82 = tpu.vector_load %arg6[%swap3A_81] {strides = array<i32>} : memref<640xf32, #tpu.memory_space<vmem>>, vector<16xf32>,
    %swap3A_83 = vector.shape_cast %swap3A_82 : vector<16xf32> to vector<16xf32>
    %swap3A_84 = vector.shape_cast %broadcast_in_dim3A_80 : vector<16xf32> to vector<16xf32>
    tpu.vector_store %arg6[%swap3A_81], %swap3A_84 {strides = array<i32>} : memref<640xf32, #tpu.memory_space<vmem>>, vector<16xf32>,
    %broadcast_in_dim3A_85 = arith.constant 1.000000e+00 : f32
    %broadcast_in_dim3A_86 = vector.broadcast %broadcast_in_dim3A_85 : f32 to vector<16xf32>
    %swap3A_87 = arith.constant 112 : index
    %swap3A_88 = tpu.vector_load %arg5[%swap3A_87] {strides = array<i32>} : memref<128xf32, #tpu.memory_space<vmem>>, vector<16xf32>,
    %swap3A_89 = vector.shape_cast %swap3A_88 : vector<16xf32> to vector<16xf32>
    %swap3A_90 = vector.shape_cast %broadcast_in_dim3A_86 : vector<16xf32> to vector<16xf32>
    tpu.vector_store %arg5[%swap3A_87], %swap3A_90 {strides = array<i32>} : memref<128xf32, #tpu.memory_space<vmem>>, vector<16xf32>,
    %broadcast_in_dim3A_91 = arith.constant 0.000000e+00 : f32
    %broadcast_in_dim3A_92 = vector.broadcast %broadcast_in_dim3A_91 : f32 to vector<16xf32>
    %swap3A_93 = arith.constant 112 : index
    %swap3A_94 = tpu.vector_load %arg6[%swap3A_93] {strides = array<i32>} : memref<640xf32, #tpu.memory_space<vmem>>, vector<16xf32>,
    %swap3A_95 = vector.shape_cast %swap3A_94 : vector<16xf32> to vector<16xf32>
    %swap3A_96 = vector.shape_cast %broadcast_in_dim3A_92 : vector<16xf32> to vector<16xf32>
    tpu.vector_store %arg6[%swap3A_93], %swap3A_96 {strides = array<i32>} : memref<640xf32, #tpu.memory_space<vmem>>, vector<16xf32>,
    %scan3A = arith.constant 0 : i32
    %scan3A_97 = arith.constant 8 : i32
    %scan3A_98 = arith.constant 32 : i32
    %scan3A_99 = arith.addi %scan3A_97, %scan3A_98 : i32
    %scan3A_100 = arith.constant 1 : i32
    %scan3A_101 = scf.for %scan3A_117 = %scan3A_97 to %scan3A_99 step %scan3A_100 iter_args(%scan3A_118 = %scan3A) -> (i32)  : i32 {
      %broadcast_in_dim3A_119 = arith.constant 0.000000e+00 : f32
      %broadcast_in_dim3A_120 = vector.broadcast %broadcast_in_dim3A_119 : f32 to vector<16xf32>
      %mul3A_121 = arith.constant 16 : i32
      %mul3A_122 = arith.muli %scan3A_117, %mul3A_121 : i32
      %swap3A_123 = arith.index_cast %mul3A_122 : i32 to index
      %swap3A_124 = tpu.vector_load %arg6[%swap3A_123] {strides = array<i32>} : memref<640xf32, #tpu.memory_space<vmem>>, vector<16xf32>,
      %swap3A_125 = vector.shape_cast %swap3A_124 : vector<16xf32> to vector<16xf32>
      %swap3A_126 = vector.shape_cast %broadcast_in_dim3A_120 : vector<16xf32> to vector<16xf32>
      tpu.vector_store %arg6[%swap3A_123], %swap3A_126 {strides = array<i32>} : memref<640xf32, #tpu.memory_space<vmem>>, vector<16xf32>,
      %scan3A_127 = arith.constant 0 : i32
      scf.yield %scan3A_127 : i32
    }
    %scan3A_102 = arith.constant 32 : i32
    %mul3A_103 = arith.constant 640 : i32
    %mul3A_104 = arith.muli %arg1, %mul3A_103 : i32
    "tpu.region"() ({
      %run_scoped3A = tpu.sem_alloc : memref<!tpu.dma_semaphore, #tpu.memory_space<semaphore_mem>>
      %dma_start3A = tpu.memref_slice %arg8[%mul3A_104] : memref<10240xf32, #tpu.memory_space<vmem_shared>> -> memref<640xf32, #tpu.memory_space<vmem_shared>>
      %dma_start3A_117 = tpu.memref_slice %arg8[%mul3A_104] : memref<10240xf32, #tpu.memory_space<vmem_shared>> -> memref<640xf32, #tpu.memory_space<vmem_shared>>
      tpu.enqueue_dma source(%arg6 : memref<640xf32, #tpu.memory_space<vmem>>) target(%dma_start3A_117 : memref<640xf32, #tpu.memory_space<vmem_shared>>) target_semaphore(%run_scoped3A : memref<!tpu.dma_semaphore, #tpu.memory_space<semaphore_mem>>)
      %dma_wait3A = tpu.memref_slice %arg8[%mul3A_104] : memref<10240xf32, #tpu.memory_space<vmem_shared>> -> memref<640xf32, #tpu.memory_space<vmem_shared>>
      %dma_wait3A_118 = tpu.memref_slice %arg8[%mul3A_104] : memref<10240xf32, #tpu.memory_space<vmem_shared>> -> memref<640xf32, #tpu.memory_space<vmem_shared>>
      tpu.wait_dma2 semaphore(%run_scoped3A : memref<!tpu.dma_semaphore, #tpu.memory_space<semaphore_mem>>) src(%arg6 : memref<640xf32, #tpu.memory_space<vmem>>) dst(%dma_wait3A_118 : memref<640xf32, #tpu.memory_space<vmem_shared>>)
      tpu.yield
    }) : () -> ()
    %barrier3A = arith.constant 0 : index
    tpu.barrier barrier_id(%barrier3A)
    %scan3A_105 = arith.constant 0 : i32
    %scan3A_106 = arith.constant 0 : i32
    %scan3A_107 = arith.constant 40 : i32
    %scan3A_108 = arith.addi %scan3A_106, %scan3A_107 : i32
    %scan3A_109 = arith.constant 1 : i32
    %scan3A_110 = scf.for %scan3A_117 = %scan3A_106 to %scan3A_108 step %scan3A_109 iter_args(%scan3A_118 = %scan3A_105) -> (i32)  : i32 {
      %get3A = arith.index_cast %scan3A_117 : i32 to index
      %get3A_119 = arith.constant 0 : index
      %get3A_120 = tpu.vector_load %arg4[%get3A, %get3A_119] {strides = array<i32>} : memref<40x128xi32, #tpu.memory_space<vmem>>, vector<1x16xi32>,
      %get3A_121 = vector.shape_cast %get3A_120 : vector<1x16xi32> to vector<16xi32>
      %and3A = arith.constant 65535 : i32
      %and3A_122 = vector.broadcast %and3A : i32 to vector<16xi32>
      %and3A_123 = arith.andi %get3A_121, %and3A_122 : vector<16xi32>
      %swap3A_124 = arith.constant 0 : index
      %swap3A_125 = tpu.vector_load %arg7[%swap3A_124] {strides = array<i32>} : memref<128xi32, #tpu.memory_space<vmem>>, vector<16xi32>,
      %swap3A_126 = vector.shape_cast %swap3A_125 : vector<16xi32> to vector<16xi32>
      %swap3A_127 = vector.shape_cast %and3A_123 : vector<16xi32> to vector<16xi32>
      tpu.vector_store %arg7[%swap3A_124], %swap3A_127 {strides = array<i32>} : memref<128xi32, #tpu.memory_space<vmem>>, vector<16xi32>,
      %shift_right_logical3A = arith.constant 16 : i32
      %shift_right_logical3A_128 = vector.broadcast %shift_right_logical3A : i32 to vector<16xi32>
      %shift_right_logical3A_129 = arith.shrui %get3A_121, %shift_right_logical3A_128 : vector<16xi32>
      %swap3A_130 = arith.constant 16 : index
      %swap3A_131 = tpu.vector_load %arg7[%swap3A_130] {strides = array<i32>} : memref<128xi32, #tpu.memory_space<vmem>>, vector<16xi32>,
      %swap3A_132 = vector.shape_cast %swap3A_131 : vector<16xi32> to vector<16xi32>
      %swap3A_133 = vector.shape_cast %shift_right_logical3A_129 : vector<16xi32> to vector<16xi32>
      tpu.vector_store %arg7[%swap3A_130], %swap3A_133 {strides = array<i32>} : memref<128xi32, #tpu.memory_space<vmem>>, vector<16xi32>,
      %get3A_134 = arith.index_cast %scan3A_117 : i32 to index
      %get3A_135 = arith.constant 16 : index
      %get3A_136 = tpu.vector_load %arg4[%get3A_134, %get3A_135] {strides = array<i32>} : memref<40x128xi32, #tpu.memory_space<vmem>>, vector<1x16xi32>,
      %get3A_137 = vector.shape_cast %get3A_136 : vector<1x16xi32> to vector<16xi32>
      %and3A_138 = arith.constant 65535 : i32
      %and3A_139 = vector.broadcast %and3A_138 : i32 to vector<16xi32>
      %and3A_140 = arith.andi %get3A_137, %and3A_139 : vector<16xi32>
      %swap3A_141 = arith.constant 32 : index
      %swap3A_142 = tpu.vector_load %arg7[%swap3A_141] {strides = array<i32>} : memref<128xi32, #tpu.memory_space<vmem>>, vector<16xi32>,
      %swap3A_143 = vector.shape_cast %swap3A_142 : vector<16xi32> to vector<16xi32>
      %swap3A_144 = vector.shape_cast %and3A_140 : vector<16xi32> to vector<16xi32>
      tpu.vector_store %arg7[%swap3A_141], %swap3A_144 {strides = array<i32>} : memref<128xi32, #tpu.memory_space<vmem>>, vector<16xi32>,
      %shift_right_logical3A_145 = arith.constant 16 : i32
      %shift_right_logical3A_146 = vector.broadcast %shift_right_logical3A_145 : i32 to vector<16xi32>
      %shift_right_logical3A_147 = arith.shrui %get3A_137, %shift_right_logical3A_146 : vector<16xi32>
      %swap3A_148 = arith.constant 48 : index
      %swap3A_149 = tpu.vector_load %arg7[%swap3A_148] {strides = array<i32>} : memref<128xi32, #tpu.memory_space<vmem>>, vector<16xi32>,
      %swap3A_150 = vector.shape_cast %swap3A_149 : vector<16xi32> to vector<16xi32>
      %swap3A_151 = vector.shape_cast %shift_right_logical3A_147 : vector<16xi32> to vector<16xi32>
      tpu.vector_store %arg7[%swap3A_148], %swap3A_151 {strides = array<i32>} : memref<128xi32, #tpu.memory_space<vmem>>, vector<16xi32>,
      %get3A_152 = arith.index_cast %scan3A_117 : i32 to index
      %get3A_153 = arith.constant 32 : index
      %get3A_154 = tpu.vector_load %arg4[%get3A_152, %get3A_153] {strides = array<i32>} : memref<40x128xi32, #tpu.memory_space<vmem>>, vector<1x16xi32>,
      %get3A_155 = vector.shape_cast %get3A_154 : vector<1x16xi32> to vector<16xi32>
      %and3A_156 = arith.constant 65535 : i32
      %and3A_157 = vector.broadcast %and3A_156 : i32 to vector<16xi32>
      %and3A_158 = arith.andi %get3A_155, %and3A_157 : vector<16xi32>
      %swap3A_159 = arith.constant 64 : index
      %swap3A_160 = tpu.vector_load %arg7[%swap3A_159] {strides = array<i32>} : memref<128xi32, #tpu.memory_space<vmem>>, vector<16xi32>,
      %swap3A_161 = vector.shape_cast %swap3A_160 : vector<16xi32> to vector<16xi32>
      %swap3A_162 = vector.shape_cast %and3A_158 : vector<16xi32> to vector<16xi32>
      tpu.vector_store %arg7[%swap3A_159], %swap3A_162 {strides = array<i32>} : memref<128xi32, #tpu.memory_space<vmem>>, vector<16xi32>,
      %shift_right_logical3A_163 = arith.constant 16 : i32
      %shift_right_logical3A_164 = vector.broadcast %shift_right_logical3A_163 : i32 to vector<16xi32>
      %shift_right_logical3A_165 = arith.shrui %get3A_155, %shift_right_logical3A_164 : vector<16xi32>
      %swap3A_166 = arith.constant 80 : index
      %swap3A_167 = tpu.vector_load %arg7[%swap3A_166] {strides = array<i32>} : memref<128xi32, #tpu.memory_space<vmem>>, vector<16xi32>,
      %swap3A_168 = vector.shape_cast %swap3A_167 : vector<16xi32> to vector<16xi32>
      %swap3A_169 = vector.shape_cast %shift_right_logical3A_165 : vector<16xi32> to vector<16xi32>
      tpu.vector_store %arg7[%swap3A_166], %swap3A_169 {strides = array<i32>} : memref<128xi32, #tpu.memory_space<vmem>>, vector<16xi32>,
      %get3A_170 = arith.index_cast %scan3A_117 : i32 to index
      %get3A_171 = arith.constant 48 : index
      %get3A_172 = tpu.vector_load %arg4[%get3A_170, %get3A_171] {strides = array<i32>} : memref<40x128xi32, #tpu.memory_space<vmem>>, vector<1x16xi32>,
      %get3A_173 = vector.shape_cast %get3A_172 : vector<1x16xi32> to vector<16xi32>
      %and3A_174 = arith.constant 65535 : i32
      %and3A_175 = vector.broadcast %and3A_174 : i32 to vector<16xi32>
      %and3A_176 = arith.andi %get3A_173, %and3A_175 : vector<16xi32>
      %swap3A_177 = arith.constant 96 : index
      %swap3A_178 = tpu.vector_load %arg7[%swap3A_177] {strides = array<i32>} : memref<128xi32, #tpu.memory_space<vmem>>, vector<16xi32>,
      %swap3A_179 = vector.shape_cast %swap3A_178 : vector<16xi32> to vector<16xi32>
      %swap3A_180 = vector.shape_cast %and3A_176 : vector<16xi32> to vector<16xi32>
      tpu.vector_store %arg7[%swap3A_177], %swap3A_180 {strides = array<i32>} : memref<128xi32, #tpu.memory_space<vmem>>, vector<16xi32>,
      %shift_right_logical3A_181 = arith.constant 16 : i32
      %shift_right_logical3A_182 = vector.broadcast %shift_right_logical3A_181 : i32 to vector<16xi32>
      %shift_right_logical3A_183 = arith.shrui %get3A_173, %shift_right_logical3A_182 : vector<16xi32>
      %swap3A_184 = arith.constant 112 : index
      %swap3A_185 = tpu.vector_load %arg7[%swap3A_184] {strides = array<i32>} : memref<128xi32, #tpu.memory_space<vmem>>, vector<16xi32>,
      %swap3A_186 = vector.shape_cast %swap3A_185 : vector<16xi32> to vector<16xi32>
      %swap3A_187 = vector.shape_cast %shift_right_logical3A_183 : vector<16xi32> to vector<16xi32>
      tpu.vector_store %arg7[%swap3A_184], %swap3A_187 {strides = array<i32>} : memref<128xi32, #tpu.memory_space<vmem>>, vector<16xi32>,
      "tpu.region"() ({
        %run_scoped3A = tpu.sem_alloc : memref<!tpu.dma_semaphore, #tpu.memory_space<semaphore_mem>>
        %dma_start3A = arith.constant 0 : i32
        %dma_start3A_261 = tpu.memref_slice %arg8[%dma_start3A] : memref<10240xf32, #tpu.memory_space<vmem_shared>> -> memref<10240xf32, #tpu.memory_space<vmem_shared>>
        tpu.enqueue_indirect_dma source(%arg5 : memref<128xf32, #tpu.memory_space<vmem>>) target(%dma_start3A_261 : memref<10240xf32, #tpu.memory_space<vmem_shared>>) offsets(%arg7 : memref<128xi32, #tpu.memory_space<vmem>>) semaphore(%run_scoped3A : memref<!tpu.dma_semaphore, #tpu.memory_space<semaphore_mem>>) {add = true}
        %dma_wait3A = arith.constant 0 : i32
        %dma_wait3A_262 = tpu.memref_slice %arg8[%dma_wait3A] : memref<10240xf32, #tpu.memory_space<vmem_shared>> -> memref<10240xf32, #tpu.memory_space<vmem_shared>>
        tpu.wait_indirect_dma semaphore(%run_scoped3A : memref<!tpu.dma_semaphore, #tpu.memory_space<semaphore_mem>>) src(%arg5 : memref<128xf32, #tpu.memory_space<vmem>>) dst(%dma_wait3A_262 : memref<10240xf32, #tpu.memory_space<vmem_shared>>)
        tpu.yield
      }) : () -> ()
      %get3A_188 = arith.index_cast %scan3A_117 : i32 to index
      %get3A_189 = arith.constant 64 : index
      %get3A_190 = tpu.vector_load %arg4[%get3A_188, %get3A_189] {strides = array<i32>} : memref<40x128xi32, #tpu.memory_space<vmem>>, vector<1x16xi32>,
      %get3A_191 = vector.shape_cast %get3A_190 : vector<1x16xi32> to vector<16xi32>
      %and3A_192 = arith.constant 65535 : i32
      %and3A_193 = vector.broadcast %and3A_192 : i32 to vector<16xi32>
      %and3A_194 = arith.andi %get3A_191, %and3A_193 : vector<16xi32>
      %swap3A_195 = arith.constant 0 : index
      %swap3A_196 = tpu.vector_load %arg7[%swap3A_195] {strides = array<i32>} : memref<128xi32, #tpu.memory_space<vmem>>, vector<16xi32>,
      %swap3A_197 = vector.shape_cast %swap3A_196 : vector<16xi32> to vector<16xi32>
      %swap3A_198 = vector.shape_cast %and3A_194 : vector<16xi32> to vector<16xi32>
      tpu.vector_store %arg7[%swap3A_195], %swap3A_198 {strides = array<i32>} : memref<128xi32, #tpu.memory_space<vmem>>, vector<16xi32>,
      %shift_right_logical3A_199 = arith.constant 16 : i32
      %shift_right_logical3A_200 = vector.broadcast %shift_right_logical3A_199 : i32 to vector<16xi32>
      %shift_right_logical3A_201 = arith.shrui %get3A_191, %shift_right_logical3A_200 : vector<16xi32>
      %swap3A_202 = arith.constant 16 : index
      %swap3A_203 = tpu.vector_load %arg7[%swap3A_202] {strides = array<i32>} : memref<128xi32, #tpu.memory_space<vmem>>, vector<16xi32>,
      %swap3A_204 = vector.shape_cast %swap3A_203 : vector<16xi32> to vector<16xi32>
      %swap3A_205 = vector.shape_cast %shift_right_logical3A_201 : vector<16xi32> to vector<16xi32>
      tpu.vector_store %arg7[%swap3A_202], %swap3A_205 {strides = array<i32>} : memref<128xi32, #tpu.memory_space<vmem>>, vector<16xi32>,
      %get3A_206 = arith.index_cast %scan3A_117 : i32 to index
      %get3A_207 = arith.constant 80 : index
      %get3A_208 = tpu.vector_load %arg4[%get3A_206, %get3A_207] {strides = array<i32>} : memref<40x128xi32, #tpu.memory_space<vmem>>, vector<1x16xi32>,
      %get3A_209 = vector.shape_cast %get3A_208 : vector<1x16xi32> to vector<16xi32>
      %and3A_210 = arith.constant 65535 : i32
      %and3A_211 = vector.broadcast %and3A_210 : i32 to vector<16xi32>
      %and3A_212 = arith.andi %get3A_209, %and3A_211 : vector<16xi32>
      %swap3A_213 = arith.constant 32 : index
      %swap3A_214 = tpu.vector_load %arg7[%swap3A_213] {strides = array<i32>} : memref<128xi32, #tpu.memory_space<vmem>>, vector<16xi32>,
      %swap3A_215 = vector.shape_cast %swap3A_214 : vector<16xi32> to vector<16xi32>
      %swap3A_216 = vector.shape_cast %and3A_212 : vector<16xi32> to vector<16xi32>
      tpu.vector_store %arg7[%swap3A_213], %swap3A_216 {strides = array<i32>} : memref<128xi32, #tpu.memory_space<vmem>>, vector<16xi32>,
      %shift_right_logical3A_217 = arith.constant 16 : i32
      %shift_right_logical3A_218 = vector.broadcast %shift_right_logical3A_217 : i32 to vector<16xi32>
      %shift_right_logical3A_219 = arith.shrui %get3A_209, %shift_right_logical3A_218 : vector<16xi32>
      %swap3A_220 = arith.constant 48 : index
      %swap3A_221 = tpu.vector_load %arg7[%swap3A_220] {strides = array<i32>} : memref<128xi32, #tpu.memory_space<vmem>>, vector<16xi32>,
      %swap3A_222 = vector.shape_cast %swap3A_221 : vector<16xi32> to vector<16xi32>
      %swap3A_223 = vector.shape_cast %shift_right_logical3A_219 : vector<16xi32> to vector<16xi32>
      tpu.vector_store %arg7[%swap3A_220], %swap3A_223 {strides = array<i32>} : memref<128xi32, #tpu.memory_space<vmem>>, vector<16xi32>,
      %get3A_224 = arith.index_cast %scan3A_117 : i32 to index
      %get3A_225 = arith.constant 96 : index
      %get3A_226 = tpu.vector_load %arg4[%get3A_224, %get3A_225] {strides = array<i32>} : memref<40x128xi32, #tpu.memory_space<vmem>>, vector<1x16xi32>,
      %get3A_227 = vector.shape_cast %get3A_226 : vector<1x16xi32> to vector<16xi32>
      %and3A_228 = arith.constant 65535 : i32
      %and3A_229 = vector.broadcast %and3A_228 : i32 to vector<16xi32>
      %and3A_230 = arith.andi %get3A_227, %and3A_229 : vector<16xi32>
      %swap3A_231 = arith.constant 64 : index
      %swap3A_232 = tpu.vector_load %arg7[%swap3A_231] {strides = array<i32>} : memref<128xi32, #tpu.memory_space<vmem>>, vector<16xi32>,
      %swap3A_233 = vector.shape_cast %swap3A_232 : vector<16xi32> to vector<16xi32>
      %swap3A_234 = vector.shape_cast %and3A_230 : vector<16xi32> to vector<16xi32>
      tpu.vector_store %arg7[%swap3A_231], %swap3A_234 {strides = array<i32>} : memref<128xi32, #tpu.memory_space<vmem>>, vector<16xi32>,
      %shift_right_logical3A_235 = arith.constant 16 : i32
      %shift_right_logical3A_236 = vector.broadcast %shift_right_logical3A_235 : i32 to vector<16xi32>
      %shift_right_logical3A_237 = arith.shrui %get3A_227, %shift_right_logical3A_236 : vector<16xi32>
      %swap3A_238 = arith.constant 80 : index
      %swap3A_239 = tpu.vector_load %arg7[%swap3A_238] {strides = array<i32>} : memref<128xi32, #tpu.memory_space<vmem>>, vector<16xi32>,
      %swap3A_240 = vector.shape_cast %swap3A_239 : vector<16xi32> to vector<16xi32>
      %swap3A_241 = vector.shape_cast %shift_right_logical3A_237 : vector<16xi32> to vector<16xi32>
      tpu.vector_store %arg7[%swap3A_238], %swap3A_241 {strides = array<i32>} : memref<128xi32, #tpu.memory_space<vmem>>, vector<16xi32>,
      %get3A_242 = arith.index_cast %scan3A_117 : i32 to index
      %get3A_243 = arith.constant 112 : index
      %get3A_244 = tpu.vector_load %arg4[%get3A_242, %get3A_243] {strides = array<i32>} : memref<40x128xi32, #tpu.memory_space<vmem>>, vector<1x16xi32>,
      %get3A_245 = vector.shape_cast %get3A_244 : vector<1x16xi32> to vector<16xi32>
      %and3A_246 = arith.constant 65535 : i32
      %and3A_247 = vector.broadcast %and3A_246 : i32 to vector<16xi32>
      %and3A_248 = arith.andi %get3A_245, %and3A_247 : vector<16xi32>
      %swap3A_249 = arith.constant 96 : index
      %swap3A_250 = tpu.vector_load %arg7[%swap3A_249] {strides = array<i32>} : memref<128xi32, #tpu.memory_space<vmem>>, vector<16xi32>,
      %swap3A_251 = vector.shape_cast %swap3A_250 : vector<16xi32> to vector<16xi32>
      %swap3A_252 = vector.shape_cast %and3A_248 : vector<16xi32> to vector<16xi32>
      tpu.vector_store %arg7[%swap3A_249], %swap3A_252 {strides = array<i32>} : memref<128xi32, #tpu.memory_space<vmem>>, vector<16xi32>,
      %shift_right_logical3A_253 = arith.constant 16 : i32
      %shift_right_logical3A_254 = vector.broadcast %shift_right_logical3A_253 : i32 to vector<16xi32>
      %shift_right_logical3A_255 = arith.shrui %get3A_245, %shift_right_logical3A_254 : vector<16xi32>
      %swap3A_256 = arith.constant 112 : index
      %swap3A_257 = tpu.vector_load %arg7[%swap3A_256] {strides = array<i32>} : memref<128xi32, #tpu.memory_space<vmem>>, vector<16xi32>,
      %swap3A_258 = vector.shape_cast %swap3A_257 : vector<16xi32> to vector<16xi32>
      %swap3A_259 = vector.shape_cast %shift_right_logical3A_255 : vector<16xi32> to vector<16xi32>
      tpu.vector_store %arg7[%swap3A_256], %swap3A_259 {strides = array<i32>} : memref<128xi32, #tpu.memory_space<vmem>>, vector<16xi32>,
      "tpu.region"() ({
        %run_scoped3A = tpu.sem_alloc : memref<!tpu.dma_semaphore, #tpu.memory_space<semaphore_mem>>
        %dma_start3A = arith.constant 0 : i32
        %dma_start3A_261 = tpu.memref_slice %arg8[%dma_start3A] : memref<10240xf32, #tpu.memory_space<vmem_shared>> -> memref<10240xf32, #tpu.memory_space<vmem_shared>>
        tpu.enqueue_indirect_dma source(%arg5 : memref<128xf32, #tpu.memory_space<vmem>>) target(%dma_start3A_261 : memref<10240xf32, #tpu.memory_space<vmem_shared>>) offsets(%arg7 : memref<128xi32, #tpu.memory_space<vmem>>) semaphore(%run_scoped3A : memref<!tpu.dma_semaphore, #tpu.memory_space<semaphore_mem>>) {add = true}
        %dma_wait3A = arith.constant 0 : i32
        %dma_wait3A_262 = tpu.memref_slice %arg8[%dma_wait3A] : memref<10240xf32, #tpu.memory_space<vmem_shared>> -> memref<10240xf32, #tpu.memory_space<vmem_shared>>
        tpu.wait_indirect_dma semaphore(%run_scoped3A : memref<!tpu.dma_semaphore, #tpu.memory_space<semaphore_mem>>) src(%arg5 : memref<128xf32, #tpu.memory_space<vmem>>) dst(%dma_wait3A_262 : memref<10240xf32, #tpu.memory_space<vmem_shared>>)
        tpu.yield
      }) : () -> ()
      %scan3A_260 = arith.constant 0 : i32
      scf.yield %scan3A_260 : i32
    }
    %scan3A_111 = arith.constant 40 : i32
    %barrier3A_112 = arith.constant 0 : index
    tpu.barrier barrier_id(%barrier3A_112)
    %mul3A_113 = arith.constant 640 : i32
    %mul3A_114 = arith.muli %arg1, %mul3A_113 : i32
    %mul3A_115 = arith.constant 640 : i32
    %mul3A_116 = arith.muli %arg1, %mul3A_115 : i32
    "tpu.region"() ({
      %run_scoped3A = tpu.sem_alloc : memref<!tpu.dma_semaphore, #tpu.memory_space<semaphore_mem>>
      %dma_start3A = tpu.memref_slice %arg3[%arg0, %mul3A_116] : memref<2x10240xf32, #tpu.memory_space<hbm>> -> memref<1x640xf32, #tpu.memory_space<hbm>>
      %dma_start3A_117 = tpu.memref_squeeze %dma_start3A : memref<1x640xf32, #tpu.memory_space<hbm>> -> memref<640xf32, #tpu.memory_space<hbm>>
      %dma_start3A_118 = tpu.memref_slice %arg8[%mul3A_114] : memref<10240xf32, #tpu.memory_space<vmem_shared>> -> memref<640xf32, #tpu.memory_space<vmem_shared>>
      tpu.enqueue_dma source(%dma_start3A_118 : memref<640xf32, #tpu.memory_space<vmem_shared>>) target(%dma_start3A_117 : memref<640xf32, #tpu.memory_space<hbm>>) target_semaphore(%run_scoped3A : memref<!tpu.dma_semaphore, #tpu.memory_space<semaphore_mem>>)
      %dma_wait3A = tpu.memref_slice %arg3[%arg0, %mul3A_116] : memref<2x10240xf32, #tpu.memory_space<hbm>> -> memref<1x640xf32, #tpu.memory_space<hbm>>
      %dma_wait3A_119 = tpu.memref_squeeze %dma_wait3A : memref<1x640xf32, #tpu.memory_space<hbm>> -> memref<640xf32, #tpu.memory_space<hbm>>
      %dma_wait3A_120 = tpu.memref_slice %arg8[%mul3A_114] : memref<10240xf32, #tpu.memory_space<vmem_shared>> -> memref<640xf32, #tpu.memory_space<vmem_shared>>
      tpu.wait_dma2 semaphore(%run_scoped3A : memref<!tpu.dma_semaphore, #tpu.memory_space<semaphore_mem>>) src(%dma_wait3A_120 : memref<640xf32, #tpu.memory_space<vmem_shared>>) dst(%dma_wait3A_119 : memref<640xf32, #tpu.memory_space<hbm>>)
      tpu.yield
    }) : () -> ()
    return
  }
}

#map = affine_map<(d0, d1) -> (0, 0)>
#map1 = affine_map<(d0, d1) -> (0, 0, 0)>
module attributes {stable_mosaic.version = 14 : i64} {
  func.func @_segsum_body(%arg0: i32, %arg1: i32, %arg2: memref<10240x128xf32, #tpu.memory_space<hbm>>, %arg3: memref<1280x128xi32, #tpu.memory_space<hbm>>, %arg4: memref<1280x128xi32, #tpu.memory_space<hbm>>, %arg5: memref<2x10240x128xf32, #tpu.memory_space<hbm>>, %arg6: memref<40x128xi32, #tpu.memory_space<vmem>>, %arg7: memref<40x128xi32, #tpu.memory_space<vmem>>, %arg8: memref<128x128xf32, #tpu.memory_space<vmem>>, %arg9: memref<128x128xf32, #tpu.memory_space<vmem>>, %arg10: memref<16x128xf32, #tpu.memory_space<vmem>>, %arg11: memref<128xi32, #tpu.memory_space<vmem>>, %arg12: memref<128xi32, #tpu.memory_space<vmem>>, %arg13: memref<128xi32, #tpu.memory_space<vmem>>, %arg14: memref<!tpu.dma_semaphore, #tpu.memory_space<semaphore_mem>>, %arg15: memref<!tpu.dma_semaphore, #tpu.memory_space<semaphore_mem>>, %arg16: memref<10240x128xf32, #tpu.memory_space<vmem_shared>>) attributes {dimension_semantics = [#tpu.dimension_semantics<core_parallel>, #tpu.dimension_semantics<subcore_parallel>], iteration_bounds = array<i64: 2, 16>, scalar_prefetch = 0 : i64, scratch_operands = 11 : i64, tpu.core_type = #tpu.core_type<sc_vector_subcore>, window_params = [{transform_indices = #map}, {transform_indices = #map}, {transform_indices = #map}, {transform_indices = #map1}]} {
    %mul3A = arith.constant 16 : i32
    %mul3A_0 = arith.muli %arg0, %mul3A : i32
    %add3A = arith.addi %mul3A_0, %arg1 : i32
    %mul3A_1 = arith.constant 40 : i32
    %mul3A_2 = arith.muli %add3A, %mul3A_1 : i32
    "tpu.region"() ({
      %run_scoped3A = tpu.sem_alloc : memref<!tpu.dma_semaphore, #tpu.memory_space<semaphore_mem>>
      %dma_start3A_181 = arith.constant 0 : i32
      %dma_start3A_182 = tpu.memref_slice %arg3[%mul3A_2, %dma_start3A_181] : memref<1280x128xi32, #tpu.memory_space<hbm>> -> memref<40x128xi32, #tpu.memory_space<hbm>>
      %dma_start3A_183 = arith.constant 0 : i32
      %dma_start3A_184 = tpu.memref_slice %arg3[%mul3A_2, %dma_start3A_183] : memref<1280x128xi32, #tpu.memory_space<hbm>> -> memref<40x128xi32, #tpu.memory_space<hbm>>
      tpu.enqueue_dma source(%dma_start3A_184 : memref<40x128xi32, #tpu.memory_space<hbm>>) target(%arg6 : memref<40x128xi32, #tpu.memory_space<vmem>>) target_semaphore(%run_scoped3A : memref<!tpu.dma_semaphore, #tpu.memory_space<semaphore_mem>>)
      %dma_wait3A = arith.constant 0 : i32
      %dma_wait3A_185 = tpu.memref_slice %arg3[%mul3A_2, %dma_wait3A] : memref<1280x128xi32, #tpu.memory_space<hbm>> -> memref<40x128xi32, #tpu.memory_space<hbm>>
      %dma_wait3A_186 = arith.constant 0 : i32
      %dma_wait3A_187 = tpu.memref_slice %arg3[%mul3A_2, %dma_wait3A_186] : memref<1280x128xi32, #tpu.memory_space<hbm>> -> memref<40x128xi32, #tpu.memory_space<hbm>>
      tpu.wait_dma2 semaphore(%run_scoped3A : memref<!tpu.dma_semaphore, #tpu.memory_space<semaphore_mem>>) src(%dma_wait3A_187 : memref<40x128xi32, #tpu.memory_space<hbm>>) dst(%arg6 : memref<40x128xi32, #tpu.memory_space<vmem>>)
      tpu.yield
    }) : () -> ()
    "tpu.region"() ({
      %run_scoped3A = tpu.sem_alloc : memref<!tpu.dma_semaphore, #tpu.memory_space<semaphore_mem>>
      %dma_start3A_181 = arith.constant 0 : i32
      %dma_start3A_182 = tpu.memref_slice %arg4[%mul3A_2, %dma_start3A_181] : memref<1280x128xi32, #tpu.memory_space<hbm>> -> memref<40x128xi32, #tpu.memory_space<hbm>>
      %dma_start3A_183 = arith.constant 0 : i32
      %dma_start3A_184 = tpu.memref_slice %arg4[%mul3A_2, %dma_start3A_183] : memref<1280x128xi32, #tpu.memory_space<hbm>> -> memref<40x128xi32, #tpu.memory_space<hbm>>
      tpu.enqueue_dma source(%dma_start3A_184 : memref<40x128xi32, #tpu.memory_space<hbm>>) target(%arg7 : memref<40x128xi32, #tpu.memory_space<vmem>>) target_semaphore(%run_scoped3A : memref<!tpu.dma_semaphore, #tpu.memory_space<semaphore_mem>>)
      %dma_wait3A = arith.constant 0 : i32
      %dma_wait3A_185 = tpu.memref_slice %arg4[%mul3A_2, %dma_wait3A] : memref<1280x128xi32, #tpu.memory_space<hbm>> -> memref<40x128xi32, #tpu.memory_space<hbm>>
      %dma_wait3A_186 = arith.constant 0 : i32
      %dma_wait3A_187 = tpu.memref_slice %arg4[%mul3A_2, %dma_wait3A_186] : memref<1280x128xi32, #tpu.memory_space<hbm>> -> memref<40x128xi32, #tpu.memory_space<hbm>>
      tpu.wait_dma2 semaphore(%run_scoped3A : memref<!tpu.dma_semaphore, #tpu.memory_space<semaphore_mem>>) src(%dma_wait3A_187 : memref<40x128xi32, #tpu.memory_space<hbm>>) dst(%arg7 : memref<40x128xi32, #tpu.memory_space<vmem>>)
      tpu.yield
    }) : () -> ()
    %get3A = arith.constant 0 : i32
    %get3A_3 = arith.index_cast %get3A : i32 to index
    %get3A_4 = arith.constant 0 : index
    %get3A_5 = tpu.vector_load %arg6[%get3A_3, %get3A_4] {strides = array<i32>} : memref<40x128xi32, #tpu.memory_space<vmem>>, vector<1x16xi32>,
    %get3A_6 = vector.shape_cast %get3A_5 : vector<1x16xi32> to vector<16xi32>
    %and3A = arith.constant 65535 : i32
    %and3A_7 = vector.broadcast %and3A : i32 to vector<16xi32>
    %and3A_8 = arith.andi %get3A_6, %and3A_7 : vector<16xi32>
    %swap3A = arith.constant 0 : index
    %swap3A_9 = tpu.vector_load %arg11[%swap3A] {strides = array<i32>} : memref<128xi32, #tpu.memory_space<vmem>>, vector<16xi32>,
    %swap3A_10 = vector.shape_cast %swap3A_9 : vector<16xi32> to vector<16xi32>
    %swap3A_11 = vector.shape_cast %and3A_8 : vector<16xi32> to vector<16xi32>
    tpu.vector_store %arg11[%swap3A], %swap3A_11 {strides = array<i32>} : memref<128xi32, #tpu.memory_space<vmem>>, vector<16xi32>,
    %shift_right_logical3A = arith.constant 16 : i32
    %shift_right_logical3A_12 = vector.broadcast %shift_right_logical3A : i32 to vector<16xi32>
    %shift_right_logical3A_13 = arith.shrui %get3A_6, %shift_right_logical3A_12 : vector<16xi32>
    %swap3A_14 = arith.constant 16 : index
    %swap3A_15 = tpu.vector_load %arg11[%swap3A_14] {strides = array<i32>} : memref<128xi32, #tpu.memory_space<vmem>>, vector<16xi32>,
    %swap3A_16 = vector.shape_cast %swap3A_15 : vector<16xi32> to vector<16xi32>
    %swap3A_17 = vector.shape_cast %shift_right_logical3A_13 : vector<16xi32> to vector<16xi32>
    tpu.vector_store %arg11[%swap3A_14], %swap3A_17 {strides = array<i32>} : memref<128xi32, #tpu.memory_space<vmem>>, vector<16xi32>,
    %get3A_18 = arith.constant 0 : i32
    %get3A_19 = arith.index_cast %get3A_18 : i32 to index
    %get3A_20 = arith.constant 16 : index
    %get3A_21 = tpu.vector_load %arg6[%get3A_19, %get3A_20] {strides = array<i32>} : memref<40x128xi32, #tpu.memory_space<vmem>>, vector<1x16xi32>,
    %get3A_22 = vector.shape_cast %get3A_21 : vector<1x16xi32> to vector<16xi32>
    %and3A_23 = arith.constant 65535 : i32
    %and3A_24 = vector.broadcast %and3A_23 : i32 to vector<16xi32>
    %and3A_25 = arith.andi %get3A_22, %and3A_24 : vector<16xi32>
    %swap3A_26 = arith.constant 32 : index
    %swap3A_27 = tpu.vector_load %arg11[%swap3A_26] {strides = array<i32>} : memref<128xi32, #tpu.memory_space<vmem>>, vector<16xi32>,
    %swap3A_28 = vector.shape_cast %swap3A_27 : vector<16xi32> to vector<16xi32>
    %swap3A_29 = vector.shape_cast %and3A_25 : vector<16xi32> to vector<16xi32>
    tpu.vector_store %arg11[%swap3A_26], %swap3A_29 {strides = array<i32>} : memref<128xi32, #tpu.memory_space<vmem>>, vector<16xi32>,
    %shift_right_logical3A_30 = arith.constant 16 : i32
    %shift_right_logical3A_31 = vector.broadcast %shift_right_logical3A_30 : i32 to vector<16xi32>
    %shift_right_logical3A_32 = arith.shrui %get3A_22, %shift_right_logical3A_31 : vector<16xi32>
    %swap3A_33 = arith.constant 48 : index
    %swap3A_34 = tpu.vector_load %arg11[%swap3A_33] {strides = array<i32>} : memref<128xi32, #tpu.memory_space<vmem>>, vector<16xi32>,
    %swap3A_35 = vector.shape_cast %swap3A_34 : vector<16xi32> to vector<16xi32>
    %swap3A_36 = vector.shape_cast %shift_right_logical3A_32 : vector<16xi32> to vector<16xi32>
    tpu.vector_store %arg11[%swap3A_33], %swap3A_36 {strides = array<i32>} : memref<128xi32, #tpu.memory_space<vmem>>, vector<16xi32>,
    %get3A_37 = arith.constant 0 : i32
    %get3A_38 = arith.index_cast %get3A_37 : i32 to index
    %get3A_39 = arith.constant 32 : index
    %get3A_40 = tpu.vector_load %arg6[%get3A_38, %get3A_39] {strides = array<i32>} : memref<40x128xi32, #tpu.memory_space<vmem>>, vector<1x16xi32>,
    %get3A_41 = vector.shape_cast %get3A_40 : vector<1x16xi32> to vector<16xi32>
    %and3A_42 = arith.constant 65535 : i32
    %and3A_43 = vector.broadcast %and3A_42 : i32 to vector<16xi32>
    %and3A_44 = arith.andi %get3A_41, %and3A_43 : vector<16xi32>
    %swap3A_45 = arith.constant 64 : index
    %swap3A_46 = tpu.vector_load %arg11[%swap3A_45] {strides = array<i32>} : memref<128xi32, #tpu.memory_space<vmem>>, vector<16xi32>,
    %swap3A_47 = vector.shape_cast %swap3A_46 : vector<16xi32> to vector<16xi32>
    %swap3A_48 = vector.shape_cast %and3A_44 : vector<16xi32> to vector<16xi32>
    tpu.vector_store %arg11[%swap3A_45], %swap3A_48 {strides = array<i32>} : memref<128xi32, #tpu.memory_space<vmem>>, vector<16xi32>,
    %shift_right_logical3A_49 = arith.constant 16 : i32
    %shift_right_logical3A_50 = vector.broadcast %shift_right_logical3A_49 : i32 to vector<16xi32>
    %shift_right_logical3A_51 = arith.shrui %get3A_41, %shift_right_logical3A_50 : vector<16xi32>
    %swap3A_52 = arith.constant 80 : index
    %swap3A_53 = tpu.vector_load %arg11[%swap3A_52] {strides = array<i32>} : memref<128xi32, #tpu.memory_space<vmem>>, vector<16xi32>,
    %swap3A_54 = vector.shape_cast %swap3A_53 : vector<16xi32> to vector<16xi32>
    %swap3A_55 = vector.shape_cast %shift_right_logical3A_51 : vector<16xi32> to vector<16xi32>
    tpu.vector_store %arg11[%swap3A_52], %swap3A_55 {strides = array<i32>} : memref<128xi32, #tpu.memory_space<vmem>>, vector<16xi32>,
    %get3A_56 = arith.constant 0 : i32
    %get3A_57 = arith.index_cast %get3A_56 : i32 to index
    %get3A_58 = arith.constant 48 : index
    %get3A_59 = tpu.vector_load %arg6[%get3A_57, %get3A_58] {strides = array<i32>} : memref<40x128xi32, #tpu.memory_space<vmem>>, vector<1x16xi32>,
    %get3A_60 = vector.shape_cast %get3A_59 : vector<1x16xi32> to vector<16xi32>
    %and3A_61 = arith.constant 65535 : i32
    %and3A_62 = vector.broadcast %and3A_61 : i32 to vector<16xi32>
    %and3A_63 = arith.andi %get3A_60, %and3A_62 : vector<16xi32>
    %swap3A_64 = arith.constant 96 : index
    %swap3A_65 = tpu.vector_load %arg11[%swap3A_64] {strides = array<i32>} : memref<128xi32, #tpu.memory_space<vmem>>, vector<16xi32>,
    %swap3A_66 = vector.shape_cast %swap3A_65 : vector<16xi32> to vector<16xi32>
    %swap3A_67 = vector.shape_cast %and3A_63 : vector<16xi32> to vector<16xi32>
    tpu.vector_store %arg11[%swap3A_64], %swap3A_67 {strides = array<i32>} : memref<128xi32, #tpu.memory_space<vmem>>, vector<16xi32>,
    %shift_right_logical3A_68 = arith.constant 16 : i32
    %shift_right_logical3A_69 = vector.broadcast %shift_right_logical3A_68 : i32 to vector<16xi32>
    %shift_right_logical3A_70 = arith.shrui %get3A_60, %shift_right_logical3A_69 : vector<16xi32>
    %swap3A_71 = arith.constant 112 : index
    %swap3A_72 = tpu.vector_load %arg11[%swap3A_71] {strides = array<i32>} : memref<128xi32, #tpu.memory_space<vmem>>, vector<16xi32>,
    %swap3A_73 = vector.shape_cast %swap3A_72 : vector<16xi32> to vector<16xi32>
    %swap3A_74 = vector.shape_cast %shift_right_logical3A_70 : vector<16xi32> to vector<16xi32>
    tpu.vector_store %arg11[%swap3A_71], %swap3A_74 {strides = array<i32>} : memref<128xi32, #tpu.memory_space<vmem>>, vector<16xi32>,
    %dma_start3A = arith.constant 0 : i32
    %dma_start3A_75 = arith.constant 0 : i32
    %dma_start3A_76 = tpu.memref_slice %arg2[%dma_start3A, %dma_start3A_75] : memref<10240x128xf32, #tpu.memory_space<hbm>> -> memref<10240x128xf32, #tpu.memory_space<hbm>>
    tpu.enqueue_indirect_dma source(%dma_start3A_76 : memref<10240x128xf32, #tpu.memory_space<hbm>>) target(%arg8 : memref<128x128xf32, #tpu.memory_space<vmem>>) offsets(%arg11 : memref<128xi32, #tpu.memory_space<vmem>>) semaphore(%arg14 : memref<!tpu.dma_semaphore, #tpu.memory_space<semaphore_mem>>)
    %get3A_77 = arith.constant 0 : i32
    %get3A_78 = arith.index_cast %get3A_77 : i32 to index
    %get3A_79 = arith.constant 64 : index
    %get3A_80 = tpu.vector_load %arg6[%get3A_78, %get3A_79] {strides = array<i32>} : memref<40x128xi32, #tpu.memory_space<vmem>>, vector<1x16xi32>,
    %get3A_81 = vector.shape_cast %get3A_80 : vector<1x16xi32> to vector<16xi32>
    %and3A_82 = arith.constant 65535 : i32
    %and3A_83 = vector.broadcast %and3A_82 : i32 to vector<16xi32>
    %and3A_84 = arith.andi %get3A_81, %and3A_83 : vector<16xi32>
    %swap3A_85 = arith.constant 0 : index
    %swap3A_86 = tpu.vector_load %arg12[%swap3A_85] {strides = array<i32>} : memref<128xi32, #tpu.memory_space<vmem>>, vector<16xi32>,
    %swap3A_87 = vector.shape_cast %swap3A_86 : vector<16xi32> to vector<16xi32>
    %swap3A_88 = vector.shape_cast %and3A_84 : vector<16xi32> to vector<16xi32>
    tpu.vector_store %arg12[%swap3A_85], %swap3A_88 {strides = array<i32>} : memref<128xi32, #tpu.memory_space<vmem>>, vector<16xi32>,
    %shift_right_logical3A_89 = arith.constant 16 : i32
    %shift_right_logical3A_90 = vector.broadcast %shift_right_logical3A_89 : i32 to vector<16xi32>
    %shift_right_logical3A_91 = arith.shrui %get3A_81, %shift_right_logical3A_90 : vector<16xi32>
    %swap3A_92 = arith.constant 16 : index
    %swap3A_93 = tpu.vector_load %arg12[%swap3A_92] {strides = array<i32>} : memref<128xi32, #tpu.memory_space<vmem>>, vector<16xi32>,
    %swap3A_94 = vector.shape_cast %swap3A_93 : vector<16xi32> to vector<16xi32>
    %swap3A_95 = vector.shape_cast %shift_right_logical3A_91 : vector<16xi32> to vector<16xi32>
    tpu.vector_store %arg12[%swap3A_92], %swap3A_95 {strides = array<i32>} : memref<128xi32, #tpu.memory_space<vmem>>, vector<16xi32>,
    %get3A_96 = arith.constant 0 : i32
    %get3A_97 = arith.index_cast %get3A_96 : i32 to index
    %get3A_98 = arith.constant 80 : index
    %get3A_99 = tpu.vector_load %arg6[%get3A_97, %get3A_98] {strides = array<i32>} : memref<40x128xi32, #tpu.memory_space<vmem>>, vector<1x16xi32>,
    %get3A_100 = vector.shape_cast %get3A_99 : vector<1x16xi32> to vector<16xi32>
    %and3A_101 = arith.constant 65535 : i32
    %and3A_102 = vector.broadcast %and3A_101 : i32 to vector<16xi32>
    %and3A_103 = arith.andi %get3A_100, %and3A_102 : vector<16xi32>
    %swap3A_104 = arith.constant 32 : index
    %swap3A_105 = tpu.vector_load %arg12[%swap3A_104] {strides = array<i32>} : memref<128xi32, #tpu.memory_space<vmem>>, vector<16xi32>,
    %swap3A_106 = vector.shape_cast %swap3A_105 : vector<16xi32> to vector<16xi32>
    %swap3A_107 = vector.shape_cast %and3A_103 : vector<16xi32> to vector<16xi32>
    tpu.vector_store %arg12[%swap3A_104], %swap3A_107 {strides = array<i32>} : memref<128xi32, #tpu.memory_space<vmem>>, vector<16xi32>,
    %shift_right_logical3A_108 = arith.constant 16 : i32
    %shift_right_logical3A_109 = vector.broadcast %shift_right_logical3A_108 : i32 to vector<16xi32>
    %shift_right_logical3A_110 = arith.shrui %get3A_100, %shift_right_logical3A_109 : vector<16xi32>
    %swap3A_111 = arith.constant 48 : index
    %swap3A_112 = tpu.vector_load %arg12[%swap3A_111] {strides = array<i32>} : memref<128xi32, #tpu.memory_space<vmem>>, vector<16xi32>,
    %swap3A_113 = vector.shape_cast %swap3A_112 : vector<16xi32> to vector<16xi32>
    %swap3A_114 = vector.shape_cast %shift_right_logical3A_110 : vector<16xi32> to vector<16xi32>
    tpu.vector_store %arg12[%swap3A_111], %swap3A_114 {strides = array<i32>} : memref<128xi32, #tpu.memory_space<vmem>>, vector<16xi32>,
    %get3A_115 = arith.constant 0 : i32
    %get3A_116 = arith.index_cast %get3A_115 : i32 to index
    %get3A_117 = arith.constant 96 : index
    %get3A_118 = tpu.vector_load %arg6[%get3A_116, %get3A_117] {strides = array<i32>} : memref<40x128xi32, #tpu.memory_space<vmem>>, vector<1x16xi32>,
    %get3A_119 = vector.shape_cast %get3A_118 : vector<1x16xi32> to vector<16xi32>
    %and3A_120 = arith.constant 65535 : i32
    %and3A_121 = vector.broadcast %and3A_120 : i32 to vector<16xi32>
    %and3A_122 = arith.andi %get3A_119, %and3A_121 : vector<16xi32>
    %swap3A_123 = arith.constant 64 : index
    %swap3A_124 = tpu.vector_load %arg12[%swap3A_123] {strides = array<i32>} : memref<128xi32, #tpu.memory_space<vmem>>, vector<16xi32>,
    %swap3A_125 = vector.shape_cast %swap3A_124 : vector<16xi32> to vector<16xi32>
    %swap3A_126 = vector.shape_cast %and3A_122 : vector<16xi32> to vector<16xi32>
    tpu.vector_store %arg12[%swap3A_123], %swap3A_126 {strides = array<i32>} : memref<128xi32, #tpu.memory_space<vmem>>, vector<16xi32>,
    %shift_right_logical3A_127 = arith.constant 16 : i32
    %shift_right_logical3A_128 = vector.broadcast %shift_right_logical3A_127 : i32 to vector<16xi32>
    %shift_right_logical3A_129 = arith.shrui %get3A_119, %shift_right_logical3A_128 : vector<16xi32>
    %swap3A_130 = arith.constant 80 : index
    %swap3A_131 = tpu.vector_load %arg12[%swap3A_130] {strides = array<i32>} : memref<128xi32, #tpu.memory_space<vmem>>, vector<16xi32>,
    %swap3A_132 = vector.shape_cast %swap3A_131 : vector<16xi32> to vector<16xi32>
    %swap3A_133 = vector.shape_cast %shift_right_logical3A_129 : vector<16xi32> to vector<16xi32>
    tpu.vector_store %arg12[%swap3A_130], %swap3A_133 {strides = array<i32>} : memref<128xi32, #tpu.memory_space<vmem>>, vector<16xi32>,
    %get3A_134 = arith.constant 0 : i32
    %get3A_135 = arith.index_cast %get3A_134 : i32 to index
    %get3A_136 = arith.constant 112 : index
    %get3A_137 = tpu.vector_load %arg6[%get3A_135, %get3A_136] {strides = array<i32>} : memref<40x128xi32, #tpu.memory_space<vmem>>, vector<1x16xi32>,
    %get3A_138 = vector.shape_cast %get3A_137 : vector<1x16xi32> to vector<16xi32>
    %and3A_139 = arith.constant 65535 : i32
    %and3A_140 = vector.broadcast %and3A_139 : i32 to vector<16xi32>
    %and3A_141 = arith.andi %get3A_138, %and3A_140 : vector<16xi32>
    %swap3A_142 = arith.constant 96 : index
    %swap3A_143 = tpu.vector_load %arg12[%swap3A_142] {strides = array<i32>} : memref<128xi32, #tpu.memory_space<vmem>>, vector<16xi32>,
    %swap3A_144 = vector.shape_cast %swap3A_143 : vector<16xi32> to vector<16xi32>
    %swap3A_145 = vector.shape_cast %and3A_141 : vector<16xi32> to vector<16xi32>
    tpu.vector_store %arg12[%swap3A_142], %swap3A_145 {strides = array<i32>} : memref<128xi32, #tpu.memory_space<vmem>>, vector<16xi32>,
    %shift_right_logical3A_146 = arith.constant 16 : i32
    %shift_right_logical3A_147 = vector.broadcast %shift_right_logical3A_146 : i32 to vector<16xi32>
    %shift_right_logical3A_148 = arith.shrui %get3A_138, %shift_right_logical3A_147 : vector<16xi32>
    %swap3A_149 = arith.constant 112 : index
    %swap3A_150 = tpu.vector_load %arg12[%swap3A_149] {strides = array<i32>} : memref<128xi32, #tpu.memory_space<vmem>>, vector<16xi32>,
    %swap3A_151 = vector.shape_cast %swap3A_150 : vector<16xi32> to vector<16xi32>
    %swap3A_152 = vector.shape_cast %shift_right_logical3A_148 : vector<16xi32> to vector<16xi32>
    tpu.vector_store %arg12[%swap3A_149], %swap3A_152 {strides = array<i32>} : memref<128xi32, #tpu.memory_space<vmem>>, vector<16xi32>,
    %dma_start3A_153 = arith.constant 0 : i32
    %dma_start3A_154 = arith.constant 0 : i32
    %dma_start3A_155 = tpu.memref_slice %arg2[%dma_start3A_153, %dma_start3A_154] : memref<10240x128xf32, #tpu.memory_space<hbm>> -> memref<10240x128xf32, #tpu.memory_space<hbm>>
    tpu.enqueue_indirect_dma source(%dma_start3A_155 : memref<10240x128xf32, #tpu.memory_space<hbm>>) target(%arg9 : memref<128x128xf32, #tpu.memory_space<vmem>>) offsets(%arg12 : memref<128xi32, #tpu.memory_space<vmem>>) semaphore(%arg15 : memref<!tpu.dma_semaphore, #tpu.memory_space<semaphore_mem>>)
    %scan3A = arith.constant 0 : i32
    %scan3A_156 = arith.constant 0 : i32
    %scan3A_157 = arith.constant 16 : i32
    %scan3A_158 = arith.addi %scan3A_156, %scan3A_157 : i32
    %scan3A_159 = arith.constant 1 : i32
    %scan3A_160 = scf.for %scan3A_181 = %scan3A_156 to %scan3A_158 step %scan3A_159 iter_args(%scan3A_182 = %scan3A) -> (i32)  : i32 {
      %broadcast_in_dim3A = arith.constant 0.000000e+00 : f32
      %broadcast_in_dim3A_183 = vector.broadcast %broadcast_in_dim3A : f32 to vector<16xf32>
      %swap3A_184 = arith.index_cast %scan3A_181 : i32 to index
      %swap3A_185 = arith.constant 0 : index
      %swap3A_186 = tpu.vector_load %arg10[%swap3A_184, %swap3A_185] {strides = array<i32>} : memref<16x128xf32, #tpu.memory_space<vmem>>, vector<1x16xf32>,
      %swap3A_187 = vector.shape_cast %swap3A_186 : vector<1x16xf32> to vector<16xf32>
      %swap3A_188 = vector.shape_cast %broadcast_in_dim3A_183 : vector<16xf32> to vector<1x16xf32>
      tpu.vector_store %arg10[%swap3A_184, %swap3A_185], %swap3A_188 {strides = array<i32>} : memref<16x128xf32, #tpu.memory_space<vmem>>, vector<1x16xf32>,
      %broadcast_in_dim3A_189 = arith.constant 0.000000e+00 : f32
      %broadcast_in_dim3A_190 = vector.broadcast %broadcast_in_dim3A_189 : f32 to vector<16xf32>
      %swap3A_191 = arith.index_cast %scan3A_181 : i32 to index
      %swap3A_192 = arith.constant 16 : index
      %swap3A_193 = tpu.vector_load %arg10[%swap3A_191, %swap3A_192] {strides = array<i32>} : memref<16x128xf32, #tpu.memory_space<vmem>>, vector<1x16xf32>,
      %swap3A_194 = vector.shape_cast %swap3A_193 : vector<1x16xf32> to vector<16xf32>
      %swap3A_195 = vector.shape_cast %broadcast_in_dim3A_190 : vector<16xf32> to vector<1x16xf32>
      tpu.vector_store %arg10[%swap3A_191, %swap3A_192], %swap3A_195 {strides = array<i32>} : memref<16x128xf32, #tpu.memory_space<vmem>>, vector<1x16xf32>,
      %broadcast_in_dim3A_196 = arith.constant 0.000000e+00 : f32
      %broadcast_in_dim3A_197 = vector.broadcast %broadcast_in_dim3A_196 : f32 to vector<16xf32>
      %swap3A_198 = arith.index_cast %scan3A_181 : i32 to index
      %swap3A_199 = arith.constant 32 : index
      %swap3A_200 = tpu.vector_load %arg10[%swap3A_198, %swap3A_199] {strides = array<i32>} : memref<16x128xf32, #tpu.memory_space<vmem>>, vector<1x16xf32>,
      %swap3A_201 = vector.shape_cast %swap3A_200 : vector<1x16xf32> to vector<16xf32>
      %swap3A_202 = vector.shape_cast %broadcast_in_dim3A_197 : vector<16xf32> to vector<1x16xf32>
      tpu.vector_store %arg10[%swap3A_198, %swap3A_199], %swap3A_202 {strides = array<i32>} : memref<16x128xf32, #tpu.memory_space<vmem>>, vector<1x16xf32>,
      %broadcast_in_dim3A_203 = arith.constant 0.000000e+00 : f32
      %broadcast_in_dim3A_204 = vector.broadcast %broadcast_in_dim3A_203 : f32 to vector<16xf32>
      %swap3A_205 = arith.index_cast %scan3A_181 : i32 to index
      %swap3A_206 = arith.constant 48 : index
      %swap3A_207 = tpu.vector_load %arg10[%swap3A_205, %swap3A_206] {strides = array<i32>} : memref<16x128xf32, #tpu.memory_space<vmem>>, vector<1x16xf32>,
      %swap3A_208 = vector.shape_cast %swap3A_207 : vector<1x16xf32> to vector<16xf32>
      %swap3A_209 = vector.shape_cast %broadcast_in_dim3A_204 : vector<16xf32> to vector<1x16xf32>
      tpu.vector_store %arg10[%swap3A_205, %swap3A_206], %swap3A_209 {strides = array<i32>} : memref<16x128xf32, #tpu.memory_space<vmem>>, vector<1x16xf32>,
      %broadcast_in_dim3A_210 = arith.constant 0.000000e+00 : f32
      %broadcast_in_dim3A_211 = vector.broadcast %broadcast_in_dim3A_210 : f32 to vector<16xf32>
      %swap3A_212 = arith.index_cast %scan3A_181 : i32 to index
      %swap3A_213 = arith.constant 64 : index
      %swap3A_214 = tpu.vector_load %arg10[%swap3A_212, %swap3A_213] {strides = array<i32>} : memref<16x128xf32, #tpu.memory_space<vmem>>, vector<1x16xf32>,
      %swap3A_215 = vector.shape_cast %swap3A_214 : vector<1x16xf32> to vector<16xf32>
      %swap3A_216 = vector.shape_cast %broadcast_in_dim3A_211 : vector<16xf32> to vector<1x16xf32>
      tpu.vector_store %arg10[%swap3A_212, %swap3A_213], %swap3A_216 {strides = array<i32>} : memref<16x128xf32, #tpu.memory_space<vmem>>, vector<1x16xf32>,
      %broadcast_in_dim3A_217 = arith.constant 0.000000e+00 : f32
      %broadcast_in_dim3A_218 = vector.broadcast %broadcast_in_dim3A_217 : f32 to vector<16xf32>
      %swap3A_219 = arith.index_cast %scan3A_181 : i32 to index
      %swap3A_220 = arith.constant 80 : index
      %swap3A_221 = tpu.vector_load %arg10[%swap3A_219, %swap3A_220] {strides = array<i32>} : memref<16x128xf32, #tpu.memory_space<vmem>>, vector<1x16xf32>,
      %swap3A_222 = vector.shape_cast %swap3A_221 : vector<1x16xf32> to vector<16xf32>
      %swap3A_223 = vector.shape_cast %broadcast_in_dim3A_218 : vector<16xf32> to vector<1x16xf32>
      tpu.vector_store %arg10[%swap3A_219, %swap3A_220], %swap3A_223 {strides = array<i32>} : memref<16x128xf32, #tpu.memory_space<vmem>>, vector<1x16xf32>,
      %broadcast_in_dim3A_224 = arith.constant 0.000000e+00 : f32
      %broadcast_in_dim3A_225 = vector.broadcast %broadcast_in_dim3A_224 : f32 to vector<16xf32>
      %swap3A_226 = arith.index_cast %scan3A_181 : i32 to index
      %swap3A_227 = arith.constant 96 : index
      %swap3A_228 = tpu.vector_load %arg10[%swap3A_226, %swap3A_227] {strides = array<i32>} : memref<16x128xf32, #tpu.memory_space<vmem>>, vector<1x16xf32>,
      %swap3A_229 = vector.shape_cast %swap3A_228 : vector<1x16xf32> to vector<16xf32>
      %swap3A_230 = vector.shape_cast %broadcast_in_dim3A_225 : vector<16xf32> to vector<1x16xf32>
      tpu.vector_store %arg10[%swap3A_226, %swap3A_227], %swap3A_230 {strides = array<i32>} : memref<16x128xf32, #tpu.memory_space<vmem>>, vector<1x16xf32>,
      %broadcast_in_dim3A_231 = arith.constant 0.000000e+00 : f32
      %broadcast_in_dim3A_232 = vector.broadcast %broadcast_in_dim3A_231 : f32 to vector<16xf32>
      %swap3A_233 = arith.index_cast %scan3A_181 : i32 to index
      %swap3A_234 = arith.constant 112 : index
      %swap3A_235 = tpu.vector_load %arg10[%swap3A_233, %swap3A_234] {strides = array<i32>} : memref<16x128xf32, #tpu.memory_space<vmem>>, vector<1x16xf32>,
      %swap3A_236 = vector.shape_cast %swap3A_235 : vector<1x16xf32> to vector<16xf32>
      %swap3A_237 = vector.shape_cast %broadcast_in_dim3A_232 : vector<16xf32> to vector<1x16xf32>
      tpu.vector_store %arg10[%swap3A_233, %swap3A_234], %swap3A_237 {strides = array<i32>} : memref<16x128xf32, #tpu.memory_space<vmem>>, vector<1x16xf32>,
      %scan3A_238 = arith.constant 0 : i32
      scf.yield %scan3A_238 : i32
    }
    %scan3A_161 = arith.constant 16 : i32
    %scan3A_162 = arith.constant 0 : i32
    %scan3A_163 = arith.constant 0 : i32
    %scan3A_164 = arith.constant 40 : i32
    %scan3A_165 = arith.addi %scan3A_163, %scan3A_164 : i32
    %scan3A_166 = arith.constant 1 : i32
    %scan3A_167 = scf.for %scan3A_181 = %scan3A_163 to %scan3A_165 step %scan3A_166 iter_args(%scan3A_182 = %scan3A_162) -> (i32)  : i32 {
      %mul3A_183 = arith.constant 640 : i32
      %mul3A_184 = arith.muli %arg1, %mul3A_183 : i32
      %mul3A_185 = arith.constant 16 : i32
      %mul3A_186 = arith.muli %scan3A_181, %mul3A_185 : i32
      %add3A_187 = arith.addi %mul3A_184, %mul3A_186 : i32
      "tpu.region"() ({
        %run_scoped3A = tpu.sem_alloc : memref<!tpu.dma_semaphore, #tpu.memory_space<semaphore_mem>>
        %dma_start3A_189 = arith.constant 0 : i32
        %dma_start3A_190 = tpu.memref_slice %arg16[%add3A_187, %dma_start3A_189] : memref<10240x128xf32, #tpu.memory_space<vmem_shared>> -> memref<16x128xf32, #tpu.memory_space<vmem_shared>>
        %dma_start3A_191 = arith.constant 0 : i32
        %dma_start3A_192 = tpu.memref_slice %arg16[%add3A_187, %dma_start3A_191] : memref<10240x128xf32, #tpu.memory_space<vmem_shared>> -> memref<16x128xf32, #tpu.memory_space<vmem_shared>>
        tpu.enqueue_dma source(%arg10 : memref<16x128xf32, #tpu.memory_space<vmem>>) target(%dma_start3A_192 : memref<16x128xf32, #tpu.memory_space<vmem_shared>>) target_semaphore(%run_scoped3A : memref<!tpu.dma_semaphore, #tpu.memory_space<semaphore_mem>>)
        %dma_wait3A = arith.constant 0 : i32
        %dma_wait3A_193 = tpu.memref_slice %arg16[%add3A_187, %dma_wait3A] : memref<10240x128xf32, #tpu.memory_space<vmem_shared>> -> memref<16x128xf32, #tpu.memory_space<vmem_shared>>
        %dma_wait3A_194 = arith.constant 0 : i32
        %dma_wait3A_195 = tpu.memref_slice %arg16[%add3A_187, %dma_wait3A_194] : memref<10240x128xf32, #tpu.memory_space<vmem_shared>> -> memref<16x128xf32, #tpu.memory_space<vmem_shared>>
        tpu.wait_dma2 semaphore(%run_scoped3A : memref<!tpu.dma_semaphore, #tpu.memory_space<semaphore_mem>>) src(%arg10 : memref<16x128xf32, #tpu.memory_space<vmem>>) dst(%dma_wait3A_195 : memref<16x128xf32, #tpu.memory_space<vmem_shared>>)
        tpu.yield
      }) : () -> ()
      %scan3A_188 = arith.constant 0 : i32
      scf.yield %scan3A_188 : i32
    }
    %scan3A_168 = arith.constant 40 : i32
    %barrier3A = arith.constant 0 : index
    tpu.barrier barrier_id(%barrier3A)
    %scan3A_169 = arith.constant 0 : i32
    %scan3A_170 = arith.constant 0 : i32
    %scan3A_171 = arith.constant 40 : i32
    %scan3A_172 = arith.addi %scan3A_170, %scan3A_171 : i32
    %scan3A_173 = arith.constant 1 : i32
    %scan3A_174 = scf.for %scan3A_181 = %scan3A_170 to %scan3A_172 step %scan3A_173 iter_args(%scan3A_182 = %scan3A_169) -> (i32)  : i32 {
      %dma_wait3A = arith.constant 0 : i32
      %dma_wait3A_183 = arith.constant 0 : i32
      %dma_wait3A_184 = tpu.memref_slice %arg2[%dma_wait3A, %dma_wait3A_183] : memref<10240x128xf32, #tpu.memory_space<hbm>> -> memref<10240x128xf32, #tpu.memory_space<hbm>>
      tpu.wait_indirect_dma semaphore(%arg14 : memref<!tpu.dma_semaphore, #tpu.memory_space<semaphore_mem>>) src(%dma_wait3A_184 : memref<10240x128xf32, #tpu.memory_space<hbm>>) dst(%arg8 : memref<128x128xf32, #tpu.memory_space<vmem>>)
      %get3A_185 = arith.index_cast %scan3A_181 : i32 to index
      %get3A_186 = arith.constant 0 : index
      %get3A_187 = tpu.vector_load %arg7[%get3A_185, %get3A_186] {strides = array<i32>} : memref<40x128xi32, #tpu.memory_space<vmem>>, vector<1x16xi32>,
      %get3A_188 = vector.shape_cast %get3A_187 : vector<1x16xi32> to vector<16xi32>
      %and3A_189 = arith.constant 65535 : i32
      %and3A_190 = vector.broadcast %and3A_189 : i32 to vector<16xi32>
      %and3A_191 = arith.andi %get3A_188, %and3A_190 : vector<16xi32>
      %swap3A_192 = arith.constant 0 : index
      %swap3A_193 = tpu.vector_load %arg13[%swap3A_192] {strides = array<i32>} : memref<128xi32, #tpu.memory_space<vmem>>, vector<16xi32>,
      %swap3A_194 = vector.shape_cast %swap3A_193 : vector<16xi32> to vector<16xi32>
      %swap3A_195 = vector.shape_cast %and3A_191 : vector<16xi32> to vector<16xi32>
      tpu.vector_store %arg13[%swap3A_192], %swap3A_195 {strides = array<i32>} : memref<128xi32, #tpu.memory_space<vmem>>, vector<16xi32>,
      %shift_right_logical3A_196 = arith.constant 16 : i32
      %shift_right_logical3A_197 = vector.broadcast %shift_right_logical3A_196 : i32 to vector<16xi32>
      %shift_right_logical3A_198 = arith.shrui %get3A_188, %shift_right_logical3A_197 : vector<16xi32>
      %swap3A_199 = arith.constant 16 : index
      %swap3A_200 = tpu.vector_load %arg13[%swap3A_199] {strides = array<i32>} : memref<128xi32, #tpu.memory_space<vmem>>, vector<16xi32>,
      %swap3A_201 = vector.shape_cast %swap3A_200 : vector<16xi32> to vector<16xi32>
      %swap3A_202 = vector.shape_cast %shift_right_logical3A_198 : vector<16xi32> to vector<16xi32>
      tpu.vector_store %arg13[%swap3A_199], %swap3A_202 {strides = array<i32>} : memref<128xi32, #tpu.memory_space<vmem>>, vector<16xi32>,
      %get3A_203 = arith.index_cast %scan3A_181 : i32 to index
      %get3A_204 = arith.constant 16 : index
      %get3A_205 = tpu.vector_load %arg7[%get3A_203, %get3A_204] {strides = array<i32>} : memref<40x128xi32, #tpu.memory_space<vmem>>, vector<1x16xi32>,
      %get3A_206 = vector.shape_cast %get3A_205 : vector<1x16xi32> to vector<16xi32>
      %and3A_207 = arith.constant 65535 : i32
      %and3A_208 = vector.broadcast %and3A_207 : i32 to vector<16xi32>
      %and3A_209 = arith.andi %get3A_206, %and3A_208 : vector<16xi32>
      %swap3A_210 = arith.constant 32 : index
      %swap3A_211 = tpu.vector_load %arg13[%swap3A_210] {strides = array<i32>} : memref<128xi32, #tpu.memory_space<vmem>>, vector<16xi32>,
      %swap3A_212 = vector.shape_cast %swap3A_211 : vector<16xi32> to vector<16xi32>
      %swap3A_213 = vector.shape_cast %and3A_209 : vector<16xi32> to vector<16xi32>
      tpu.vector_store %arg13[%swap3A_210], %swap3A_213 {strides = array<i32>} : memref<128xi32, #tpu.memory_space<vmem>>, vector<16xi32>,
      %shift_right_logical3A_214 = arith.constant 16 : i32
      %shift_right_logical3A_215 = vector.broadcast %shift_right_logical3A_214 : i32 to vector<16xi32>
      %shift_right_logical3A_216 = arith.shrui %get3A_206, %shift_right_logical3A_215 : vector<16xi32>
      %swap3A_217 = arith.constant 48 : index
      %swap3A_218 = tpu.vector_load %arg13[%swap3A_217] {strides = array<i32>} : memref<128xi32, #tpu.memory_space<vmem>>, vector<16xi32>,
      %swap3A_219 = vector.shape_cast %swap3A_218 : vector<16xi32> to vector<16xi32>
      %swap3A_220 = vector.shape_cast %shift_right_logical3A_216 : vector<16xi32> to vector<16xi32>
      tpu.vector_store %arg13[%swap3A_217], %swap3A_220 {strides = array<i32>} : memref<128xi32, #tpu.memory_space<vmem>>, vector<16xi32>,
      %get3A_221 = arith.index_cast %scan3A_181 : i32 to index
      %get3A_222 = arith.constant 32 : index
      %get3A_223 = tpu.vector_load %arg7[%get3A_221, %get3A_222] {strides = array<i32>} : memref<40x128xi32, #tpu.memory_space<vmem>>, vector<1x16xi32>,
      %get3A_224 = vector.shape_cast %get3A_223 : vector<1x16xi32> to vector<16xi32>
      %and3A_225 = arith.constant 65535 : i32
      %and3A_226 = vector.broadcast %and3A_225 : i32 to vector<16xi32>
      %and3A_227 = arith.andi %get3A_224, %and3A_226 : vector<16xi32>
      %swap3A_228 = arith.constant 64 : index
      %swap3A_229 = tpu.vector_load %arg13[%swap3A_228] {strides = array<i32>} : memref<128xi32, #tpu.memory_space<vmem>>, vector<16xi32>,
      %swap3A_230 = vector.shape_cast %swap3A_229 : vector<16xi32> to vector<16xi32>
      %swap3A_231 = vector.shape_cast %and3A_227 : vector<16xi32> to vector<16xi32>
      tpu.vector_store %arg13[%swap3A_228], %swap3A_231 {strides = array<i32>} : memref<128xi32, #tpu.memory_space<vmem>>, vector<16xi32>,
      %shift_right_logical3A_232 = arith.constant 16 : i32
      %shift_right_logical3A_233 = vector.broadcast %shift_right_logical3A_232 : i32 to vector<16xi32>
      %shift_right_logical3A_234 = arith.shrui %get3A_224, %shift_right_logical3A_233 : vector<16xi32>
      %swap3A_235 = arith.constant 80 : index
      %swap3A_236 = tpu.vector_load %arg13[%swap3A_235] {strides = array<i32>} : memref<128xi32, #tpu.memory_space<vmem>>, vector<16xi32>,
      %swap3A_237 = vector.shape_cast %swap3A_236 : vector<16xi32> to vector<16xi32>
      %swap3A_238 = vector.shape_cast %shift_right_logical3A_234 : vector<16xi32> to vector<16xi32>
      tpu.vector_store %arg13[%swap3A_235], %swap3A_238 {strides = array<i32>} : memref<128xi32, #tpu.memory_space<vmem>>, vector<16xi32>,
      %get3A_239 = arith.index_cast %scan3A_181 : i32 to index
      %get3A_240 = arith.constant 48 : index
      %get3A_241 = tpu.vector_load %arg7[%get3A_239, %get3A_240] {strides = array<i32>} : memref<40x128xi32, #tpu.memory_space<vmem>>, vector<1x16xi32>,
      %get3A_242 = vector.shape_cast %get3A_241 : vector<1x16xi32> to vector<16xi32>
      %and3A_243 = arith.constant 65535 : i32
      %and3A_244 = vector.broadcast %and3A_243 : i32 to vector<16xi32>
      %and3A_245 = arith.andi %get3A_242, %and3A_244 : vector<16xi32>
      %swap3A_246 = arith.constant 96 : index
      %swap3A_247 = tpu.vector_load %arg13[%swap3A_246] {strides = array<i32>} : memref<128xi32, #tpu.memory_space<vmem>>, vector<16xi32>,
      %swap3A_248 = vector.shape_cast %swap3A_247 : vector<16xi32> to vector<16xi32>
      %swap3A_249 = vector.shape_cast %and3A_245 : vector<16xi32> to vector<16xi32>
      tpu.vector_store %arg13[%swap3A_246], %swap3A_249 {strides = array<i32>} : memref<128xi32, #tpu.memory_space<vmem>>, vector<16xi32>,
      %shift_right_logical3A_250 = arith.constant 16 : i32
      %shift_right_logical3A_251 = vector.broadcast %shift_right_logical3A_250 : i32 to vector<16xi32>
      %shift_right_logical3A_252 = arith.shrui %get3A_242, %shift_right_logical3A_251 : vector<16xi32>
      %swap3A_253 = arith.constant 112 : index
      %swap3A_254 = tpu.vector_load %arg13[%swap3A_253] {strides = array<i32>} : memref<128xi32, #tpu.memory_space<vmem>>, vector<16xi32>,
      %swap3A_255 = vector.shape_cast %swap3A_254 : vector<16xi32> to vector<16xi32>
      %swap3A_256 = vector.shape_cast %shift_right_logical3A_252 : vector<16xi32> to vector<16xi32>
      tpu.vector_store %arg13[%swap3A_253], %swap3A_256 {strides = array<i32>} : memref<128xi32, #tpu.memory_space<vmem>>, vector<16xi32>,
      "tpu.region"() ({
        %run_scoped3A = tpu.sem_alloc : memref<!tpu.dma_semaphore, #tpu.memory_space<semaphore_mem>>
        %dma_start3A_344 = arith.constant 0 : i32
        %dma_start3A_345 = arith.constant 0 : i32
        %dma_start3A_346 = tpu.memref_slice %arg16[%dma_start3A_344, %dma_start3A_345] : memref<10240x128xf32, #tpu.memory_space<vmem_shared>> -> memref<10240x128xf32, #tpu.memory_space<vmem_shared>>
        tpu.enqueue_indirect_dma source(%arg8 : memref<128x128xf32, #tpu.memory_space<vmem>>) target(%dma_start3A_346 : memref<10240x128xf32, #tpu.memory_space<vmem_shared>>) offsets(%arg13 : memref<128xi32, #tpu.memory_space<vmem>>) semaphore(%run_scoped3A : memref<!tpu.dma_semaphore, #tpu.memory_space<semaphore_mem>>) {add = true}
        %dma_wait3A_347 = arith.constant 0 : i32
        %dma_wait3A_348 = arith.constant 0 : i32
        %dma_wait3A_349 = tpu.memref_slice %arg16[%dma_wait3A_347, %dma_wait3A_348] : memref<10240x128xf32, #tpu.memory_space<vmem_shared>> -> memref<10240x128xf32, #tpu.memory_space<vmem_shared>>
        tpu.wait_indirect_dma semaphore(%run_scoped3A : memref<!tpu.dma_semaphore, #tpu.memory_space<semaphore_mem>>) src(%arg8 : memref<128x128xf32, #tpu.memory_space<vmem>>) dst(%dma_wait3A_349 : memref<10240x128xf32, #tpu.memory_space<vmem_shared>>)
        tpu.yield
      }) : () -> ()
      %add3A_257 = arith.constant 1 : i32
      %add3A_258 = arith.addi %scan3A_181, %add3A_257 : i32
      %lt3A = arith.constant 40 : i32
      %lt3A_259 = arith.cmpi slt, %add3A_258, %lt3A : i32
      %convert_element_type3A = arith.extui %lt3A_259 : i1 to i32
      %cond3A = arith.constant 0 : i32
      %cond3A_260 = arith.cmpi ne, %convert_element_type3A, %cond3A : i32
      scf.if %cond3A_260 {
        %add3A_344 = arith.constant 1 : i32
        %add3A_345 = arith.addi %scan3A_181, %add3A_344 : i32
        %get3A_346 = arith.index_cast %add3A_345 : i32 to index
        %get3A_347 = arith.constant 0 : index
        %get3A_348 = tpu.vector_load %arg6[%get3A_346, %get3A_347] {strides = array<i32>} : memref<40x128xi32, #tpu.memory_space<vmem>>, vector<1x16xi32>,
        %get3A_349 = vector.shape_cast %get3A_348 : vector<1x16xi32> to vector<16xi32>
        %and3A_350 = arith.constant 65535 : i32
        %and3A_351 = vector.broadcast %and3A_350 : i32 to vector<16xi32>
        %and3A_352 = arith.andi %get3A_349, %and3A_351 : vector<16xi32>
        %swap3A_353 = arith.constant 0 : index
        %swap3A_354 = tpu.vector_load %arg11[%swap3A_353] {strides = array<i32>} : memref<128xi32, #tpu.memory_space<vmem>>, vector<16xi32>,
        %swap3A_355 = vector.shape_cast %swap3A_354 : vector<16xi32> to vector<16xi32>
        %swap3A_356 = vector.shape_cast %and3A_352 : vector<16xi32> to vector<16xi32>
        tpu.vector_store %arg11[%swap3A_353], %swap3A_356 {strides = array<i32>} : memref<128xi32, #tpu.memory_space<vmem>>, vector<16xi32>,
        %shift_right_logical3A_357 = arith.constant 16 : i32
        %shift_right_logical3A_358 = vector.broadcast %shift_right_logical3A_357 : i32 to vector<16xi32>
        %shift_right_logical3A_359 = arith.shrui %get3A_349, %shift_right_logical3A_358 : vector<16xi32>
        %swap3A_360 = arith.constant 16 : index
        %swap3A_361 = tpu.vector_load %arg11[%swap3A_360] {strides = array<i32>} : memref<128xi32, #tpu.memory_space<vmem>>, vector<16xi32>,
        %swap3A_362 = vector.shape_cast %swap3A_361 : vector<16xi32> to vector<16xi32>
        %swap3A_363 = vector.shape_cast %shift_right_logical3A_359 : vector<16xi32> to vector<16xi32>
        tpu.vector_store %arg11[%swap3A_360], %swap3A_363 {strides = array<i32>} : memref<128xi32, #tpu.memory_space<vmem>>, vector<16xi32>,
        %get3A_364 = arith.index_cast %add3A_345 : i32 to index
        %get3A_365 = arith.constant 16 : index
        %get3A_366 = tpu.vector_load %arg6[%get3A_364, %get3A_365] {strides = array<i32>} : memref<40x128xi32, #tpu.memory_space<vmem>>, vector<1x16xi32>,
        %get3A_367 = vector.shape_cast %get3A_366 : vector<1x16xi32> to vector<16xi32>
        %and3A_368 = arith.constant 65535 : i32
        %and3A_369 = vector.broadcast %and3A_368 : i32 to vector<16xi32>
        %and3A_370 = arith.andi %get3A_367, %and3A_369 : vector<16xi32>
        %swap3A_371 = arith.constant 32 : index
        %swap3A_372 = tpu.vector_load %arg11[%swap3A_371] {strides = array<i32>} : memref<128xi32, #tpu.memory_space<vmem>>, vector<16xi32>,
        %swap3A_373 = vector.shape_cast %swap3A_372 : vector<16xi32> to vector<16xi32>
        %swap3A_374 = vector.shape_cast %and3A_370 : vector<16xi32> to vector<16xi32>
        tpu.vector_store %arg11[%swap3A_371], %swap3A_374 {strides = array<i32>} : memref<128xi32, #tpu.memory_space<vmem>>, vector<16xi32>,
        %shift_right_logical3A_375 = arith.constant 16 : i32
        %shift_right_logical3A_376 = vector.broadcast %shift_right_logical3A_375 : i32 to vector<16xi32>
        %shift_right_logical3A_377 = arith.shrui %get3A_367, %shift_right_logical3A_376 : vector<16xi32>
        %swap3A_378 = arith.constant 48 : index
        %swap3A_379 = tpu.vector_load %arg11[%swap3A_378] {strides = array<i32>} : memref<128xi32, #tpu.memory_space<vmem>>, vector<16xi32>,
        %swap3A_380 = vector.shape_cast %swap3A_379 : vector<16xi32> to vector<16xi32>
        %swap3A_381 = vector.shape_cast %shift_right_logical3A_377 : vector<16xi32> to vector<16xi32>
        tpu.vector_store %arg11[%swap3A_378], %swap3A_381 {strides = array<i32>} : memref<128xi32, #tpu.memory_space<vmem>>, vector<16xi32>,
        %get3A_382 = arith.index_cast %add3A_345 : i32 to index
        %get3A_383 = arith.constant 32 : index
        %get3A_384 = tpu.vector_load %arg6[%get3A_382, %get3A_383] {strides = array<i32>} : memref<40x128xi32, #tpu.memory_space<vmem>>, vector<1x16xi32>,
        %get3A_385 = vector.shape_cast %get3A_384 : vector<1x16xi32> to vector<16xi32>
        %and3A_386 = arith.constant 65535 : i32
        %and3A_387 = vector.broadcast %and3A_386 : i32 to vector<16xi32>
        %and3A_388 = arith.andi %get3A_385, %and3A_387 : vector<16xi32>
        %swap3A_389 = arith.constant 64 : index
        %swap3A_390 = tpu.vector_load %arg11[%swap3A_389] {strides = array<i32>} : memref<128xi32, #tpu.memory_space<vmem>>, vector<16xi32>,
        %swap3A_391 = vector.shape_cast %swap3A_390 : vector<16xi32> to vector<16xi32>
        %swap3A_392 = vector.shape_cast %and3A_388 : vector<16xi32> to vector<16xi32>
        tpu.vector_store %arg11[%swap3A_389], %swap3A_392 {strides = array<i32>} : memref<128xi32, #tpu.memory_space<vmem>>, vector<16xi32>,
        %shift_right_logical3A_393 = arith.constant 16 : i32
        %shift_right_logical3A_394 = vector.broadcast %shift_right_logical3A_393 : i32 to vector<16xi32>
        %shift_right_logical3A_395 = arith.shrui %get3A_385, %shift_right_logical3A_394 : vector<16xi32>
        %swap3A_396 = arith.constant 80 : index
        %swap3A_397 = tpu.vector_load %arg11[%swap3A_396] {strides = array<i32>} : memref<128xi32, #tpu.memory_space<vmem>>, vector<16xi32>,
        %swap3A_398 = vector.shape_cast %swap3A_397 : vector<16xi32> to vector<16xi32>
        %swap3A_399 = vector.shape_cast %shift_right_logical3A_395 : vector<16xi32> to vector<16xi32>
        tpu.vector_store %arg11[%swap3A_396], %swap3A_399 {strides = array<i32>} : memref<128xi32, #tpu.memory_space<vmem>>, vector<16xi32>,
        %get3A_400 = arith.index_cast %add3A_345 : i32 to index
        %get3A_401 = arith.constant 48 : index
        %get3A_402 = tpu.vector_load %arg6[%get3A_400, %get3A_401] {strides = array<i32>} : memref<40x128xi32, #tpu.memory_space<vmem>>, vector<1x16xi32>,
        %get3A_403 = vector.shape_cast %get3A_402 : vector<1x16xi32> to vector<16xi32>
        %and3A_404 = arith.constant 65535 : i32
        %and3A_405 = vector.broadcast %and3A_404 : i32 to vector<16xi32>
        %and3A_406 = arith.andi %get3A_403, %and3A_405 : vector<16xi32>
        %swap3A_407 = arith.constant 96 : index
        %swap3A_408 = tpu.vector_load %arg11[%swap3A_407] {strides = array<i32>} : memref<128xi32, #tpu.memory_space<vmem>>, vector<16xi32>,
        %swap3A_409 = vector.shape_cast %swap3A_408 : vector<16xi32> to vector<16xi32>
        %swap3A_410 = vector.shape_cast %and3A_406 : vector<16xi32> to vector<16xi32>
        tpu.vector_store %arg11[%swap3A_407], %swap3A_410 {strides = array<i32>} : memref<128xi32, #tpu.memory_space<vmem>>, vector<16xi32>,
        %shift_right_logical3A_411 = arith.constant 16 : i32
        %shift_right_logical3A_412 = vector.broadcast %shift_right_logical3A_411 : i32 to vector<16xi32>
        %shift_right_logical3A_413 = arith.shrui %get3A_403, %shift_right_logical3A_412 : vector<16xi32>
        %swap3A_414 = arith.constant 112 : index
        %swap3A_415 = tpu.vector_load %arg11[%swap3A_414] {strides = array<i32>} : memref<128xi32, #tpu.memory_space<vmem>>, vector<16xi32>,
        %swap3A_416 = vector.shape_cast %swap3A_415 : vector<16xi32> to vector<16xi32>
        %swap3A_417 = vector.shape_cast %shift_right_logical3A_413 : vector<16xi32> to vector<16xi32>
        tpu.vector_store %arg11[%swap3A_414], %swap3A_417 {strides = array<i32>} : memref<128xi32, #tpu.memory_space<vmem>>, vector<16xi32>,
        %dma_start3A_418 = arith.constant 0 : i32
        %dma_start3A_419 = arith.constant 0 : i32
        %dma_start3A_420 = tpu.memref_slice %arg2[%dma_start3A_418, %dma_start3A_419] : memref<10240x128xf32, #tpu.memory_space<hbm>> -> memref<10240x128xf32, #tpu.memory_space<hbm>>
        tpu.enqueue_indirect_dma source(%dma_start3A_420 : memref<10240x128xf32, #tpu.memory_space<hbm>>) target(%arg8 : memref<128x128xf32, #tpu.memory_space<vmem>>) offsets(%arg11 : memref<128xi32, #tpu.memory_space<vmem>>) semaphore(%arg14 : memref<!tpu.dma_semaphore, #tpu.memory_space<semaphore_mem>>)
      } else {
      }
      %dma_wait3A_261 = arith.constant 0 : i32
      %dma_wait3A_262 = arith.constant 0 : i32
      %dma_wait3A_263 = tpu.memref_slice %arg2[%dma_wait3A_261, %dma_wait3A_262] : memref<10240x128xf32, #tpu.memory_space<hbm>> -> memref<10240x128xf32, #tpu.memory_space<hbm>>
      tpu.wait_indirect_dma semaphore(%arg15 : memref<!tpu.dma_semaphore, #tpu.memory_space<semaphore_mem>>) src(%dma_wait3A_263 : memref<10240x128xf32, #tpu.memory_space<hbm>>) dst(%arg9 : memref<128x128xf32, #tpu.memory_space<vmem>>)
      %get3A_264 = arith.index_cast %scan3A_181 : i32 to index
      %get3A_265 = arith.constant 64 : index
      %get3A_266 = tpu.vector_load %arg7[%get3A_264, %get3A_265] {strides = array<i32>} : memref<40x128xi32, #tpu.memory_space<vmem>>, vector<1x16xi32>,
      %get3A_267 = vector.shape_cast %get3A_266 : vector<1x16xi32> to vector<16xi32>
      %and3A_268 = arith.constant 65535 : i32
      %and3A_269 = vector.broadcast %and3A_268 : i32 to vector<16xi32>
      %and3A_270 = arith.andi %get3A_267, %and3A_269 : vector<16xi32>
      %swap3A_271 = arith.constant 0 : index
      %swap3A_272 = tpu.vector_load %arg13[%swap3A_271] {strides = array<i32>} : memref<128xi32, #tpu.memory_space<vmem>>, vector<16xi32>,
      %swap3A_273 = vector.shape_cast %swap3A_272 : vector<16xi32> to vector<16xi32>
      %swap3A_274 = vector.shape_cast %and3A_270 : vector<16xi32> to vector<16xi32>
      tpu.vector_store %arg13[%swap3A_271], %swap3A_274 {strides = array<i32>} : memref<128xi32, #tpu.memory_space<vmem>>, vector<16xi32>,
      %shift_right_logical3A_275 = arith.constant 16 : i32
      %shift_right_logical3A_276 = vector.broadcast %shift_right_logical3A_275 : i32 to vector<16xi32>
      %shift_right_logical3A_277 = arith.shrui %get3A_267, %shift_right_logical3A_276 : vector<16xi32>
      %swap3A_278 = arith.constant 16 : index
      %swap3A_279 = tpu.vector_load %arg13[%swap3A_278] {strides = array<i32>} : memref<128xi32, #tpu.memory_space<vmem>>, vector<16xi32>,
      %swap3A_280 = vector.shape_cast %swap3A_279 : vector<16xi32> to vector<16xi32>
      %swap3A_281 = vector.shape_cast %shift_right_logical3A_277 : vector<16xi32> to vector<16xi32>
      tpu.vector_store %arg13[%swap3A_278], %swap3A_281 {strides = array<i32>} : memref<128xi32, #tpu.memory_space<vmem>>, vector<16xi32>,
      %get3A_282 = arith.index_cast %scan3A_181 : i32 to index
      %get3A_283 = arith.constant 80 : index
      %get3A_284 = tpu.vector_load %arg7[%get3A_282, %get3A_283] {strides = array<i32>} : memref<40x128xi32, #tpu.memory_space<vmem>>, vector<1x16xi32>,
      %get3A_285 = vector.shape_cast %get3A_284 : vector<1x16xi32> to vector<16xi32>
      %and3A_286 = arith.constant 65535 : i32
      %and3A_287 = vector.broadcast %and3A_286 : i32 to vector<16xi32>
      %and3A_288 = arith.andi %get3A_285, %and3A_287 : vector<16xi32>
      %swap3A_289 = arith.constant 32 : index
      %swap3A_290 = tpu.vector_load %arg13[%swap3A_289] {strides = array<i32>} : memref<128xi32, #tpu.memory_space<vmem>>, vector<16xi32>,
      %swap3A_291 = vector.shape_cast %swap3A_290 : vector<16xi32> to vector<16xi32>
      %swap3A_292 = vector.shape_cast %and3A_288 : vector<16xi32> to vector<16xi32>
      tpu.vector_store %arg13[%swap3A_289], %swap3A_292 {strides = array<i32>} : memref<128xi32, #tpu.memory_space<vmem>>, vector<16xi32>,
      %shift_right_logical3A_293 = arith.constant 16 : i32
      %shift_right_logical3A_294 = vector.broadcast %shift_right_logical3A_293 : i32 to vector<16xi32>
      %shift_right_logical3A_295 = arith.shrui %get3A_285, %shift_right_logical3A_294 : vector<16xi32>
      %swap3A_296 = arith.constant 48 : index
      %swap3A_297 = tpu.vector_load %arg13[%swap3A_296] {strides = array<i32>} : memref<128xi32, #tpu.memory_space<vmem>>, vector<16xi32>,
      %swap3A_298 = vector.shape_cast %swap3A_297 : vector<16xi32> to vector<16xi32>
      %swap3A_299 = vector.shape_cast %shift_right_logical3A_295 : vector<16xi32> to vector<16xi32>
      tpu.vector_store %arg13[%swap3A_296], %swap3A_299 {strides = array<i32>} : memref<128xi32, #tpu.memory_space<vmem>>, vector<16xi32>,
      %get3A_300 = arith.index_cast %scan3A_181 : i32 to index
      %get3A_301 = arith.constant 96 : index
      %get3A_302 = tpu.vector_load %arg7[%get3A_300, %get3A_301] {strides = array<i32>} : memref<40x128xi32, #tpu.memory_space<vmem>>, vector<1x16xi32>,
      %get3A_303 = vector.shape_cast %get3A_302 : vector<1x16xi32> to vector<16xi32>
      %and3A_304 = arith.constant 65535 : i32
      %and3A_305 = vector.broadcast %and3A_304 : i32 to vector<16xi32>
      %and3A_306 = arith.andi %get3A_303, %and3A_305 : vector<16xi32>
      %swap3A_307 = arith.constant 64 : index
      %swap3A_308 = tpu.vector_load %arg13[%swap3A_307] {strides = array<i32>} : memref<128xi32, #tpu.memory_space<vmem>>, vector<16xi32>,
      %swap3A_309 = vector.shape_cast %swap3A_308 : vector<16xi32> to vector<16xi32>
      %swap3A_310 = vector.shape_cast %and3A_306 : vector<16xi32> to vector<16xi32>
      tpu.vector_store %arg13[%swap3A_307], %swap3A_310 {strides = array<i32>} : memref<128xi32, #tpu.memory_space<vmem>>, vector<16xi32>,
      %shift_right_logical3A_311 = arith.constant 16 : i32
      %shift_right_logical3A_312 = vector.broadcast %shift_right_logical3A_311 : i32 to vector<16xi32>
      %shift_right_logical3A_313 = arith.shrui %get3A_303, %shift_right_logical3A_312 : vector<16xi32>
      %swap3A_314 = arith.constant 80 : index
      %swap3A_315 = tpu.vector_load %arg13[%swap3A_314] {strides = array<i32>} : memref<128xi32, #tpu.memory_space<vmem>>, vector<16xi32>,
      %swap3A_316 = vector.shape_cast %swap3A_315 : vector<16xi32> to vector<16xi32>
      %swap3A_317 = vector.shape_cast %shift_right_logical3A_313 : vector<16xi32> to vector<16xi32>
      tpu.vector_store %arg13[%swap3A_314], %swap3A_317 {strides = array<i32>} : memref<128xi32, #tpu.memory_space<vmem>>, vector<16xi32>,
      %get3A_318 = arith.index_cast %scan3A_181 : i32 to index
      %get3A_319 = arith.constant 112 : index
      %get3A_320 = tpu.vector_load %arg7[%get3A_318, %get3A_319] {strides = array<i32>} : memref<40x128xi32, #tpu.memory_space<vmem>>, vector<1x16xi32>,
      %get3A_321 = vector.shape_cast %get3A_320 : vector<1x16xi32> to vector<16xi32>
      %and3A_322 = arith.constant 65535 : i32
      %and3A_323 = vector.broadcast %and3A_322 : i32 to vector<16xi32>
      %and3A_324 = arith.andi %get3A_321, %and3A_323 : vector<16xi32>
      %swap3A_325 = arith.constant 96 : index
      %swap3A_326 = tpu.vector_load %arg13[%swap3A_325] {strides = array<i32>} : memref<128xi32, #tpu.memory_space<vmem>>, vector<16xi32>,
      %swap3A_327 = vector.shape_cast %swap3A_326 : vector<16xi32> to vector<16xi32>
      %swap3A_328 = vector.shape_cast %and3A_324 : vector<16xi32> to vector<16xi32>
      tpu.vector_store %arg13[%swap3A_325], %swap3A_328 {strides = array<i32>} : memref<128xi32, #tpu.memory_space<vmem>>, vector<16xi32>,
      %shift_right_logical3A_329 = arith.constant 16 : i32
      %shift_right_logical3A_330 = vector.broadcast %shift_right_logical3A_329 : i32 to vector<16xi32>
      %shift_right_logical3A_331 = arith.shrui %get3A_321, %shift_right_logical3A_330 : vector<16xi32>
      %swap3A_332 = arith.constant 112 : index
      %swap3A_333 = tpu.vector_load %arg13[%swap3A_332] {strides = array<i32>} : memref<128xi32, #tpu.memory_space<vmem>>, vector<16xi32>,
      %swap3A_334 = vector.shape_cast %swap3A_333 : vector<16xi32> to vector<16xi32>
      %swap3A_335 = vector.shape_cast %shift_right_logical3A_331 : vector<16xi32> to vector<16xi32>
      tpu.vector_store %arg13[%swap3A_332], %swap3A_335 {strides = array<i32>} : memref<128xi32, #tpu.memory_space<vmem>>, vector<16xi32>,
      "tpu.region"() ({
        %run_scoped3A = tpu.sem_alloc : memref<!tpu.dma_semaphore, #tpu.memory_space<semaphore_mem>>
        %dma_start3A_344 = arith.constant 0 : i32
        %dma_start3A_345 = arith.constant 0 : i32
        %dma_start3A_346 = tpu.memref_slice %arg16[%dma_start3A_344, %dma_start3A_345] : memref<10240x128xf32, #tpu.memory_space<vmem_shared>> -> memref<10240x128xf32, #tpu.memory_space<vmem_shared>>
        tpu.enqueue_indirect_dma source(%arg9 : memref<128x128xf32, #tpu.memory_space<vmem>>) target(%dma_start3A_346 : memref<10240x128xf32, #tpu.memory_space<vmem_shared>>) offsets(%arg13 : memref<128xi32, #tpu.memory_space<vmem>>) semaphore(%run_scoped3A : memref<!tpu.dma_semaphore, #tpu.memory_space<semaphore_mem>>) {add = true}
        %dma_wait3A_347 = arith.constant 0 : i32
        %dma_wait3A_348 = arith.constant 0 : i32
        %dma_wait3A_349 = tpu.memref_slice %arg16[%dma_wait3A_347, %dma_wait3A_348] : memref<10240x128xf32, #tpu.memory_space<vmem_shared>> -> memref<10240x128xf32, #tpu.memory_space<vmem_shared>>
        tpu.wait_indirect_dma semaphore(%run_scoped3A : memref<!tpu.dma_semaphore, #tpu.memory_space<semaphore_mem>>) src(%arg9 : memref<128x128xf32, #tpu.memory_space<vmem>>) dst(%dma_wait3A_349 : memref<10240x128xf32, #tpu.memory_space<vmem_shared>>)
        tpu.yield
      }) : () -> ()
      %add3A_336 = arith.constant 1 : i32
      %add3A_337 = arith.addi %scan3A_181, %add3A_336 : i32
      %lt3A_338 = arith.constant 40 : i32
      %lt3A_339 = arith.cmpi slt, %add3A_337, %lt3A_338 : i32
      %convert_element_type3A_340 = arith.extui %lt3A_339 : i1 to i32
      %cond3A_341 = arith.constant 0 : i32
      %cond3A_342 = arith.cmpi ne, %convert_element_type3A_340, %cond3A_341 : i32
      scf.if %cond3A_342 {
        %add3A_344 = arith.constant 1 : i32
        %add3A_345 = arith.addi %scan3A_181, %add3A_344 : i32
        %get3A_346 = arith.index_cast %add3A_345 : i32 to index
        %get3A_347 = arith.constant 64 : index
        %get3A_348 = tpu.vector_load %arg6[%get3A_346, %get3A_347] {strides = array<i32>} : memref<40x128xi32, #tpu.memory_space<vmem>>, vector<1x16xi32>,
        %get3A_349 = vector.shape_cast %get3A_348 : vector<1x16xi32> to vector<16xi32>
        %and3A_350 = arith.constant 65535 : i32
        %and3A_351 = vector.broadcast %and3A_350 : i32 to vector<16xi32>
        %and3A_352 = arith.andi %get3A_349, %and3A_351 : vector<16xi32>
        %swap3A_353 = arith.constant 0 : index
        %swap3A_354 = tpu.vector_load %arg12[%swap3A_353] {strides = array<i32>} : memref<128xi32, #tpu.memory_space<vmem>>, vector<16xi32>,
        %swap3A_355 = vector.shape_cast %swap3A_354 : vector<16xi32> to vector<16xi32>
        %swap3A_356 = vector.shape_cast %and3A_352 : vector<16xi32> to vector<16xi32>
        tpu.vector_store %arg12[%swap3A_353], %swap3A_356 {strides = array<i32>} : memref<128xi32, #tpu.memory_space<vmem>>, vector<16xi32>,
        %shift_right_logical3A_357 = arith.constant 16 : i32
        %shift_right_logical3A_358 = vector.broadcast %shift_right_logical3A_357 : i32 to vector<16xi32>
        %shift_right_logical3A_359 = arith.shrui %get3A_349, %shift_right_logical3A_358 : vector<16xi32>
        %swap3A_360 = arith.constant 16 : index
        %swap3A_361 = tpu.vector_load %arg12[%swap3A_360] {strides = array<i32>} : memref<128xi32, #tpu.memory_space<vmem>>, vector<16xi32>,
        %swap3A_362 = vector.shape_cast %swap3A_361 : vector<16xi32> to vector<16xi32>
        %swap3A_363 = vector.shape_cast %shift_right_logical3A_359 : vector<16xi32> to vector<16xi32>
        tpu.vector_store %arg12[%swap3A_360], %swap3A_363 {strides = array<i32>} : memref<128xi32, #tpu.memory_space<vmem>>, vector<16xi32>,
        %get3A_364 = arith.index_cast %add3A_345 : i32 to index
        %get3A_365 = arith.constant 80 : index
        %get3A_366 = tpu.vector_load %arg6[%get3A_364, %get3A_365] {strides = array<i32>} : memref<40x128xi32, #tpu.memory_space<vmem>>, vector<1x16xi32>,
        %get3A_367 = vector.shape_cast %get3A_366 : vector<1x16xi32> to vector<16xi32>
        %and3A_368 = arith.constant 65535 : i32
        %and3A_369 = vector.broadcast %and3A_368 : i32 to vector<16xi32>
        %and3A_370 = arith.andi %get3A_367, %and3A_369 : vector<16xi32>
        %swap3A_371 = arith.constant 32 : index
        %swap3A_372 = tpu.vector_load %arg12[%swap3A_371] {strides = array<i32>} : memref<128xi32, #tpu.memory_space<vmem>>, vector<16xi32>,
        %swap3A_373 = vector.shape_cast %swap3A_372 : vector<16xi32> to vector<16xi32>
        %swap3A_374 = vector.shape_cast %and3A_370 : vector<16xi32> to vector<16xi32>
        tpu.vector_store %arg12[%swap3A_371], %swap3A_374 {strides = array<i32>} : memref<128xi32, #tpu.memory_space<vmem>>, vector<16xi32>,
        %shift_right_logical3A_375 = arith.constant 16 : i32
        %shift_right_logical3A_376 = vector.broadcast %shift_right_logical3A_375 : i32 to vector<16xi32>
        %shift_right_logical3A_377 = arith.shrui %get3A_367, %shift_right_logical3A_376 : vector<16xi32>
        %swap3A_378 = arith.constant 48 : index
        %swap3A_379 = tpu.vector_load %arg12[%swap3A_378] {strides = array<i32>} : memref<128xi32, #tpu.memory_space<vmem>>, vector<16xi32>,
        %swap3A_380 = vector.shape_cast %swap3A_379 : vector<16xi32> to vector<16xi32>
        %swap3A_381 = vector.shape_cast %shift_right_logical3A_377 : vector<16xi32> to vector<16xi32>
        tpu.vector_store %arg12[%swap3A_378], %swap3A_381 {strides = array<i32>} : memref<128xi32, #tpu.memory_space<vmem>>, vector<16xi32>,
        %get3A_382 = arith.index_cast %add3A_345 : i32 to index
        %get3A_383 = arith.constant 96 : index
        %get3A_384 = tpu.vector_load %arg6[%get3A_382, %get3A_383] {strides = array<i32>} : memref<40x128xi32, #tpu.memory_space<vmem>>, vector<1x16xi32>,
        %get3A_385 = vector.shape_cast %get3A_384 : vector<1x16xi32> to vector<16xi32>
        %and3A_386 = arith.constant 65535 : i32
        %and3A_387 = vector.broadcast %and3A_386 : i32 to vector<16xi32>
        %and3A_388 = arith.andi %get3A_385, %and3A_387 : vector<16xi32>
        %swap3A_389 = arith.constant 64 : index
        %swap3A_390 = tpu.vector_load %arg12[%swap3A_389] {strides = array<i32>} : memref<128xi32, #tpu.memory_space<vmem>>, vector<16xi32>,
        %swap3A_391 = vector.shape_cast %swap3A_390 : vector<16xi32> to vector<16xi32>
        %swap3A_392 = vector.shape_cast %and3A_388 : vector<16xi32> to vector<16xi32>
        tpu.vector_store %arg12[%swap3A_389], %swap3A_392 {strides = array<i32>} : memref<128xi32, #tpu.memory_space<vmem>>, vector<16xi32>,
        %shift_right_logical3A_393 = arith.constant 16 : i32
        %shift_right_logical3A_394 = vector.broadcast %shift_right_logical3A_393 : i32 to vector<16xi32>
        %shift_right_logical3A_395 = arith.shrui %get3A_385, %shift_right_logical3A_394 : vector<16xi32>
        %swap3A_396 = arith.constant 80 : index
        %swap3A_397 = tpu.vector_load %arg12[%swap3A_396] {strides = array<i32>} : memref<128xi32, #tpu.memory_space<vmem>>, vector<16xi32>,
        %swap3A_398 = vector.shape_cast %swap3A_397 : vector<16xi32> to vector<16xi32>
        %swap3A_399 = vector.shape_cast %shift_right_logical3A_395 : vector<16xi32> to vector<16xi32>
        tpu.vector_store %arg12[%swap3A_396], %swap3A_399 {strides = array<i32>} : memref<128xi32, #tpu.memory_space<vmem>>, vector<16xi32>,
        %get3A_400 = arith.index_cast %add3A_345 : i32 to index
        %get3A_401 = arith.constant 112 : index
        %get3A_402 = tpu.vector_load %arg6[%get3A_400, %get3A_401] {strides = array<i32>} : memref<40x128xi32, #tpu.memory_space<vmem>>, vector<1x16xi32>,
        %get3A_403 = vector.shape_cast %get3A_402 : vector<1x16xi32> to vector<16xi32>
        %and3A_404 = arith.constant 65535 : i32
        %and3A_405 = vector.broadcast %and3A_404 : i32 to vector<16xi32>
        %and3A_406 = arith.andi %get3A_403, %and3A_405 : vector<16xi32>
        %swap3A_407 = arith.constant 96 : index
        %swap3A_408 = tpu.vector_load %arg12[%swap3A_407] {strides = array<i32>} : memref<128xi32, #tpu.memory_space<vmem>>, vector<16xi32>,
        %swap3A_409 = vector.shape_cast %swap3A_408 : vector<16xi32> to vector<16xi32>
        %swap3A_410 = vector.shape_cast %and3A_406 : vector<16xi32> to vector<16xi32>
        tpu.vector_store %arg12[%swap3A_407], %swap3A_410 {strides = array<i32>} : memref<128xi32, #tpu.memory_space<vmem>>, vector<16xi32>,
        %shift_right_logical3A_411 = arith.constant 16 : i32
        %shift_right_logical3A_412 = vector.broadcast %shift_right_logical3A_411 : i32 to vector<16xi32>
        %shift_right_logical3A_413 = arith.shrui %get3A_403, %shift_right_logical3A_412 : vector<16xi32>
        %swap3A_414 = arith.constant 112 : index
        %swap3A_415 = tpu.vector_load %arg12[%swap3A_414] {strides = array<i32>} : memref<128xi32, #tpu.memory_space<vmem>>, vector<16xi32>,
        %swap3A_416 = vector.shape_cast %swap3A_415 : vector<16xi32> to vector<16xi32>
        %swap3A_417 = vector.shape_cast %shift_right_logical3A_413 : vector<16xi32> to vector<16xi32>
        tpu.vector_store %arg12[%swap3A_414], %swap3A_417 {strides = array<i32>} : memref<128xi32, #tpu.memory_space<vmem>>, vector<16xi32>,
        %dma_start3A_418 = arith.constant 0 : i32
        %dma_start3A_419 = arith.constant 0 : i32
        %dma_start3A_420 = tpu.memref_slice %arg2[%dma_start3A_418, %dma_start3A_419] : memref<10240x128xf32, #tpu.memory_space<hbm>> -> memref<10240x128xf32, #tpu.memory_space<hbm>>
        tpu.enqueue_indirect_dma source(%dma_start3A_420 : memref<10240x128xf32, #tpu.memory_space<hbm>>) target(%arg9 : memref<128x128xf32, #tpu.memory_space<vmem>>) offsets(%arg12 : memref<128xi32, #tpu.memory_space<vmem>>) semaphore(%arg15 : memref<!tpu.dma_semaphore, #tpu.memory_space<semaphore_mem>>)
      } else {
      }
      %scan3A_343 = arith.constant 0 : i32
      scf.yield %scan3A_343 : i32
    }
    %scan3A_175 = arith.constant 40 : i32
    %barrier3A_176 = arith.constant 0 : index
    tpu.barrier barrier_id(%barrier3A_176)
    %mul3A_177 = arith.constant 640 : i32
    %mul3A_178 = arith.muli %arg1, %mul3A_177 : i32
    %mul3A_179 = arith.constant 640 : i32
    %mul3A_180 = arith.muli %arg1, %mul3A_179 : i32
    "tpu.region"() ({
      %run_scoped3A = tpu.sem_alloc : memref<!tpu.dma_semaphore, #tpu.memory_space<semaphore_mem>>
      %dma_start3A_181 = arith.constant 0 : i32
      %dma_start3A_182 = tpu.memref_slice %arg5[%arg0, %mul3A_180, %dma_start3A_181] : memref<2x10240x128xf32, #tpu.memory_space<hbm>> -> memref<1x640x128xf32, #tpu.memory_space<hbm>>
      %dma_start3A_183 = tpu.memref_squeeze %dma_start3A_182 : memref<1x640x128xf32, #tpu.memory_space<hbm>> -> memref<640x128xf32, #tpu.memory_space<hbm>>
      %dma_start3A_184 = arith.constant 0 : i32
      %dma_start3A_185 = tpu.memref_slice %arg16[%mul3A_178, %dma_start3A_184] : memref<10240x128xf32, #tpu.memory_space<vmem_shared>> -> memref<640x128xf32, #tpu.memory_space<vmem_shared>>
      tpu.enqueue_dma source(%dma_start3A_185 : memref<640x128xf32, #tpu.memory_space<vmem_shared>>) target(%dma_start3A_183 : memref<640x128xf32, #tpu.memory_space<hbm>>) target_semaphore(%run_scoped3A : memref<!tpu.dma_semaphore, #tpu.memory_space<semaphore_mem>>)
      %dma_wait3A = arith.constant 0 : i32
      %dma_wait3A_186 = tpu.memref_slice %arg5[%arg0, %mul3A_180, %dma_wait3A] : memref<2x10240x128xf32, #tpu.memory_space<hbm>> -> memref<1x640x128xf32, #tpu.memory_space<hbm>>
      %dma_wait3A_187 = tpu.memref_squeeze %dma_wait3A_186 : memref<1x640x128xf32, #tpu.memory_space<hbm>> -> memref<640x128xf32, #tpu.memory_space<hbm>>
      %dma_wait3A_188 = arith.constant 0 : i32
      %dma_wait3A_189 = tpu.memref_slice %arg16[%mul3A_178, %dma_wait3A_188] : memref<10240x128xf32, #tpu.memory_space<vmem_shared>> -> memref<640x128xf32, #tpu.memory_space<vmem_shared>>
      tpu.wait_dma2 semaphore(%run_scoped3A : memref<!tpu.dma_semaphore, #tpu.memory_space<semaphore_mem>>) src(%dma_wait3A_189 : memref<640x128xf32, #tpu.memory_space<vmem_shared>>) dst(%dma_wait3A_187 : memref<640x128xf32, #tpu.memory_space<hbm>>)
      tpu.yield
    }) : () -> ()
    return
  }
}

#map = affine_map<(d0, d1) -> (0, 0)>
#map1 = affine_map<(d0, d1) -> (0, 0, 0)>
module attributes {stable_mosaic.version = 14 : i64} {
  func.func @_segsum_body(%arg0: i32, %arg1: i32, %arg2: memref<10240x128xf32, #tpu.memory_space<hbm>>, %arg3: memref<1280x128xi32, #tpu.memory_space<hbm>>, %arg4: memref<1280x128xi32, #tpu.memory_space<hbm>>, %arg5: memref<2x10240x128xf32, #tpu.memory_space<hbm>>, %arg6: memref<40x128xi32, #tpu.memory_space<vmem>>, %arg7: memref<40x128xi32, #tpu.memory_space<vmem>>, %arg8: memref<128x128xf32, #tpu.memory_space<vmem>>, %arg9: memref<128x128xf32, #tpu.memory_space<vmem>>, %arg10: memref<16x128xf32, #tpu.memory_space<vmem>>, %arg11: memref<128xi32, #tpu.memory_space<vmem>>, %arg12: memref<128xi32, #tpu.memory_space<vmem>>, %arg13: memref<128xi32, #tpu.memory_space<vmem>>, %arg14: memref<!tpu.dma_semaphore, #tpu.memory_space<semaphore_mem>>, %arg15: memref<!tpu.dma_semaphore, #tpu.memory_space<semaphore_mem>>, %arg16: memref<10240x128xf32, #tpu.memory_space<vmem_shared>>) attributes {dimension_semantics = [#tpu.dimension_semantics<core_parallel>, #tpu.dimension_semantics<subcore_parallel>], iteration_bounds = array<i64: 2, 16>, scalar_prefetch = 0 : i64, scratch_operands = 11 : i64, tpu.core_type = #tpu.core_type<sc_vector_subcore>, window_params = [{transform_indices = #map}, {transform_indices = #map}, {transform_indices = #map}, {transform_indices = #map1}]} {
    %mul3A = arith.constant 16 : i32
    %mul3A_0 = arith.muli %arg0, %mul3A : i32
    %add3A = arith.addi %mul3A_0, %arg1 : i32
    %mul3A_1 = arith.constant 40 : i32
    %mul3A_2 = arith.muli %add3A, %mul3A_1 : i32
    "tpu.region"() ({
      %run_scoped3A = tpu.sem_alloc : memref<!tpu.dma_semaphore, #tpu.memory_space<semaphore_mem>>
      %dma_start3A_181 = arith.constant 0 : i32
      %dma_start3A_182 = tpu.memref_slice %arg3[%mul3A_2, %dma_start3A_181] : memref<1280x128xi32, #tpu.memory_space<hbm>> -> memref<40x128xi32, #tpu.memory_space<hbm>>
      %dma_start3A_183 = arith.constant 0 : i32
      %dma_start3A_184 = tpu.memref_slice %arg3[%mul3A_2, %dma_start3A_183] : memref<1280x128xi32, #tpu.memory_space<hbm>> -> memref<40x128xi32, #tpu.memory_space<hbm>>
      tpu.enqueue_dma source(%dma_start3A_184 : memref<40x128xi32, #tpu.memory_space<hbm>>) target(%arg6 : memref<40x128xi32, #tpu.memory_space<vmem>>) target_semaphore(%run_scoped3A : memref<!tpu.dma_semaphore, #tpu.memory_space<semaphore_mem>>)
      %dma_wait3A = arith.constant 0 : i32
      %dma_wait3A_185 = tpu.memref_slice %arg3[%mul3A_2, %dma_wait3A] : memref<1280x128xi32, #tpu.memory_space<hbm>> -> memref<40x128xi32, #tpu.memory_space<hbm>>
      %dma_wait3A_186 = arith.constant 0 : i32
      %dma_wait3A_187 = tpu.memref_slice %arg3[%mul3A_2, %dma_wait3A_186] : memref<1280x128xi32, #tpu.memory_space<hbm>> -> memref<40x128xi32, #tpu.memory_space<hbm>>
      tpu.wait_dma2 semaphore(%run_scoped3A : memref<!tpu.dma_semaphore, #tpu.memory_space<semaphore_mem>>) src(%dma_wait3A_187 : memref<40x128xi32, #tpu.memory_space<hbm>>) dst(%arg6 : memref<40x128xi32, #tpu.memory_space<vmem>>)
      tpu.yield
    }) : () -> ()
    "tpu.region"() ({
      %run_scoped3A = tpu.sem_alloc : memref<!tpu.dma_semaphore, #tpu.memory_space<semaphore_mem>>
      %dma_start3A_181 = arith.constant 0 : i32
      %dma_start3A_182 = tpu.memref_slice %arg4[%mul3A_2, %dma_start3A_181] : memref<1280x128xi32, #tpu.memory_space<hbm>> -> memref<40x128xi32, #tpu.memory_space<hbm>>
      %dma_start3A_183 = arith.constant 0 : i32
      %dma_start3A_184 = tpu.memref_slice %arg4[%mul3A_2, %dma_start3A_183] : memref<1280x128xi32, #tpu.memory_space<hbm>> -> memref<40x128xi32, #tpu.memory_space<hbm>>
      tpu.enqueue_dma source(%dma_start3A_184 : memref<40x128xi32, #tpu.memory_space<hbm>>) target(%arg7 : memref<40x128xi32, #tpu.memory_space<vmem>>) target_semaphore(%run_scoped3A : memref<!tpu.dma_semaphore, #tpu.memory_space<semaphore_mem>>)
      %dma_wait3A = arith.constant 0 : i32
      %dma_wait3A_185 = tpu.memref_slice %arg4[%mul3A_2, %dma_wait3A] : memref<1280x128xi32, #tpu.memory_space<hbm>> -> memref<40x128xi32, #tpu.memory_space<hbm>>
      %dma_wait3A_186 = arith.constant 0 : i32
      %dma_wait3A_187 = tpu.memref_slice %arg4[%mul3A_2, %dma_wait3A_186] : memref<1280x128xi32, #tpu.memory_space<hbm>> -> memref<40x128xi32, #tpu.memory_space<hbm>>
      tpu.wait_dma2 semaphore(%run_scoped3A : memref<!tpu.dma_semaphore, #tpu.memory_space<semaphore_mem>>) src(%dma_wait3A_187 : memref<40x128xi32, #tpu.memory_space<hbm>>) dst(%arg7 : memref<40x128xi32, #tpu.memory_space<vmem>>)
      tpu.yield
    }) : () -> ()
    %get3A = arith.constant 0 : i32
    %get3A_3 = arith.index_cast %get3A : i32 to index
    %get3A_4 = arith.constant 0 : index
    %get3A_5 = tpu.vector_load %arg6[%get3A_3, %get3A_4] {strides = array<i32>} : memref<40x128xi32, #tpu.memory_space<vmem>>, vector<1x16xi32>,
    %get3A_6 = vector.shape_cast %get3A_5 : vector<1x16xi32> to vector<16xi32>
    %and3A = arith.constant 65535 : i32
    %and3A_7 = vector.broadcast %and3A : i32 to vector<16xi32>
    %and3A_8 = arith.andi %get3A_6, %and3A_7 : vector<16xi32>
    %swap3A = arith.constant 0 : index
    %swap3A_9 = tpu.vector_load %arg11[%swap3A] {strides = array<i32>} : memref<128xi32, #tpu.memory_space<vmem>>, vector<16xi32>,
    %swap3A_10 = vector.shape_cast %swap3A_9 : vector<16xi32> to vector<16xi32>
    %swap3A_11 = vector.shape_cast %and3A_8 : vector<16xi32> to vector<16xi32>
    tpu.vector_store %arg11[%swap3A], %swap3A_11 {strides = array<i32>} : memref<128xi32, #tpu.memory_space<vmem>>, vector<16xi32>,
    %shift_right_logical3A = arith.constant 16 : i32
    %shift_right_logical3A_12 = vector.broadcast %shift_right_logical3A : i32 to vector<16xi32>
    %shift_right_logical3A_13 = arith.shrui %get3A_6, %shift_right_logical3A_12 : vector<16xi32>
    %swap3A_14 = arith.constant 16 : index
    %swap3A_15 = tpu.vector_load %arg11[%swap3A_14] {strides = array<i32>} : memref<128xi32, #tpu.memory_space<vmem>>, vector<16xi32>,
    %swap3A_16 = vector.shape_cast %swap3A_15 : vector<16xi32> to vector<16xi32>
    %swap3A_17 = vector.shape_cast %shift_right_logical3A_13 : vector<16xi32> to vector<16xi32>
    tpu.vector_store %arg11[%swap3A_14], %swap3A_17 {strides = array<i32>} : memref<128xi32, #tpu.memory_space<vmem>>, vector<16xi32>,
    %get3A_18 = arith.constant 0 : i32
    %get3A_19 = arith.index_cast %get3A_18 : i32 to index
    %get3A_20 = arith.constant 16 : index
    %get3A_21 = tpu.vector_load %arg6[%get3A_19, %get3A_20] {strides = array<i32>} : memref<40x128xi32, #tpu.memory_space<vmem>>, vector<1x16xi32>,
    %get3A_22 = vector.shape_cast %get3A_21 : vector<1x16xi32> to vector<16xi32>
    %and3A_23 = arith.constant 65535 : i32
    %and3A_24 = vector.broadcast %and3A_23 : i32 to vector<16xi32>
    %and3A_25 = arith.andi %get3A_22, %and3A_24 : vector<16xi32>
    %swap3A_26 = arith.constant 32 : index
    %swap3A_27 = tpu.vector_load %arg11[%swap3A_26] {strides = array<i32>} : memref<128xi32, #tpu.memory_space<vmem>>, vector<16xi32>,
    %swap3A_28 = vector.shape_cast %swap3A_27 : vector<16xi32> to vector<16xi32>
    %swap3A_29 = vector.shape_cast %and3A_25 : vector<16xi32> to vector<16xi32>
    tpu.vector_store %arg11[%swap3A_26], %swap3A_29 {strides = array<i32>} : memref<128xi32, #tpu.memory_space<vmem>>, vector<16xi32>,
    %shift_right_logical3A_30 = arith.constant 16 : i32
    %shift_right_logical3A_31 = vector.broadcast %shift_right_logical3A_30 : i32 to vector<16xi32>
    %shift_right_logical3A_32 = arith.shrui %get3A_22, %shift_right_logical3A_31 : vector<16xi32>
    %swap3A_33 = arith.constant 48 : index
    %swap3A_34 = tpu.vector_load %arg11[%swap3A_33] {strides = array<i32>} : memref<128xi32, #tpu.memory_space<vmem>>, vector<16xi32>,
    %swap3A_35 = vector.shape_cast %swap3A_34 : vector<16xi32> to vector<16xi32>
    %swap3A_36 = vector.shape_cast %shift_right_logical3A_32 : vector<16xi32> to vector<16xi32>
    tpu.vector_store %arg11[%swap3A_33], %swap3A_36 {strides = array<i32>} : memref<128xi32, #tpu.memory_space<vmem>>, vector<16xi32>,
    %get3A_37 = arith.constant 0 : i32
    %get3A_38 = arith.index_cast %get3A_37 : i32 to index
    %get3A_39 = arith.constant 32 : index
    %get3A_40 = tpu.vector_load %arg6[%get3A_38, %get3A_39] {strides = array<i32>} : memref<40x128xi32, #tpu.memory_space<vmem>>, vector<1x16xi32>,
    %get3A_41 = vector.shape_cast %get3A_40 : vector<1x16xi32> to vector<16xi32>
    %and3A_42 = arith.constant 65535 : i32
    %and3A_43 = vector.broadcast %and3A_42 : i32 to vector<16xi32>
    %and3A_44 = arith.andi %get3A_41, %and3A_43 : vector<16xi32>
    %swap3A_45 = arith.constant 64 : index
    %swap3A_46 = tpu.vector_load %arg11[%swap3A_45] {strides = array<i32>} : memref<128xi32, #tpu.memory_space<vmem>>, vector<16xi32>,
    %swap3A_47 = vector.shape_cast %swap3A_46 : vector<16xi32> to vector<16xi32>
    %swap3A_48 = vector.shape_cast %and3A_44 : vector<16xi32> to vector<16xi32>
    tpu.vector_store %arg11[%swap3A_45], %swap3A_48 {strides = array<i32>} : memref<128xi32, #tpu.memory_space<vmem>>, vector<16xi32>,
    %shift_right_logical3A_49 = arith.constant 16 : i32
    %shift_right_logical3A_50 = vector.broadcast %shift_right_logical3A_49 : i32 to vector<16xi32>
    %shift_right_logical3A_51 = arith.shrui %get3A_41, %shift_right_logical3A_50 : vector<16xi32>
    %swap3A_52 = arith.constant 80 : index
    %swap3A_53 = tpu.vector_load %arg11[%swap3A_52] {strides = array<i32>} : memref<128xi32, #tpu.memory_space<vmem>>, vector<16xi32>,
    %swap3A_54 = vector.shape_cast %swap3A_53 : vector<16xi32> to vector<16xi32>
    %swap3A_55 = vector.shape_cast %shift_right_logical3A_51 : vector<16xi32> to vector<16xi32>
    tpu.vector_store %arg11[%swap3A_52], %swap3A_55 {strides = array<i32>} : memref<128xi32, #tpu.memory_space<vmem>>, vector<16xi32>,
    %get3A_56 = arith.constant 0 : i32
    %get3A_57 = arith.index_cast %get3A_56 : i32 to index
    %get3A_58 = arith.constant 48 : index
    %get3A_59 = tpu.vector_load %arg6[%get3A_57, %get3A_58] {strides = array<i32>} : memref<40x128xi32, #tpu.memory_space<vmem>>, vector<1x16xi32>,
    %get3A_60 = vector.shape_cast %get3A_59 : vector<1x16xi32> to vector<16xi32>
    %and3A_61 = arith.constant 65535 : i32
    %and3A_62 = vector.broadcast %and3A_61 : i32 to vector<16xi32>
    %and3A_63 = arith.andi %get3A_60, %and3A_62 : vector<16xi32>
    %swap3A_64 = arith.constant 96 : index
    %swap3A_65 = tpu.vector_load %arg11[%swap3A_64] {strides = array<i32>} : memref<128xi32, #tpu.memory_space<vmem>>, vector<16xi32>,
    %swap3A_66 = vector.shape_cast %swap3A_65 : vector<16xi32> to vector<16xi32>
    %swap3A_67 = vector.shape_cast %and3A_63 : vector<16xi32> to vector<16xi32>
    tpu.vector_store %arg11[%swap3A_64], %swap3A_67 {strides = array<i32>} : memref<128xi32, #tpu.memory_space<vmem>>, vector<16xi32>,
    %shift_right_logical3A_68 = arith.constant 16 : i32
    %shift_right_logical3A_69 = vector.broadcast %shift_right_logical3A_68 : i32 to vector<16xi32>
    %shift_right_logical3A_70 = arith.shrui %get3A_60, %shift_right_logical3A_69 : vector<16xi32>
    %swap3A_71 = arith.constant 112 : index
    %swap3A_72 = tpu.vector_load %arg11[%swap3A_71] {strides = array<i32>} : memref<128xi32, #tpu.memory_space<vmem>>, vector<16xi32>,
    %swap3A_73 = vector.shape_cast %swap3A_72 : vector<16xi32> to vector<16xi32>
    %swap3A_74 = vector.shape_cast %shift_right_logical3A_70 : vector<16xi32> to vector<16xi32>
    tpu.vector_store %arg11[%swap3A_71], %swap3A_74 {strides = array<i32>} : memref<128xi32, #tpu.memory_space<vmem>>, vector<16xi32>,
    %dma_start3A = arith.constant 0 : i32
    %dma_start3A_75 = arith.constant 0 : i32
    %dma_start3A_76 = tpu.memref_slice %arg2[%dma_start3A, %dma_start3A_75] : memref<10240x128xf32, #tpu.memory_space<hbm>> -> memref<10240x128xf32, #tpu.memory_space<hbm>>
    tpu.enqueue_indirect_dma source(%dma_start3A_76 : memref<10240x128xf32, #tpu.memory_space<hbm>>) target(%arg8 : memref<128x128xf32, #tpu.memory_space<vmem>>) offsets(%arg11 : memref<128xi32, #tpu.memory_space<vmem>>) semaphore(%arg14 : memref<!tpu.dma_semaphore, #tpu.memory_space<semaphore_mem>>)
    %get3A_77 = arith.constant 0 : i32
    %get3A_78 = arith.index_cast %get3A_77 : i32 to index
    %get3A_79 = arith.constant 64 : index
    %get3A_80 = tpu.vector_load %arg6[%get3A_78, %get3A_79] {strides = array<i32>} : memref<40x128xi32, #tpu.memory_space<vmem>>, vector<1x16xi32>,
    %get3A_81 = vector.shape_cast %get3A_80 : vector<1x16xi32> to vector<16xi32>
    %and3A_82 = arith.constant 65535 : i32
    %and3A_83 = vector.broadcast %and3A_82 : i32 to vector<16xi32>
    %and3A_84 = arith.andi %get3A_81, %and3A_83 : vector<16xi32>
    %swap3A_85 = arith.constant 0 : index
    %swap3A_86 = tpu.vector_load %arg12[%swap3A_85] {strides = array<i32>} : memref<128xi32, #tpu.memory_space<vmem>>, vector<16xi32>,
    %swap3A_87 = vector.shape_cast %swap3A_86 : vector<16xi32> to vector<16xi32>
    %swap3A_88 = vector.shape_cast %and3A_84 : vector<16xi32> to vector<16xi32>
    tpu.vector_store %arg12[%swap3A_85], %swap3A_88 {strides = array<i32>} : memref<128xi32, #tpu.memory_space<vmem>>, vector<16xi32>,
    %shift_right_logical3A_89 = arith.constant 16 : i32
    %shift_right_logical3A_90 = vector.broadcast %shift_right_logical3A_89 : i32 to vector<16xi32>
    %shift_right_logical3A_91 = arith.shrui %get3A_81, %shift_right_logical3A_90 : vector<16xi32>
    %swap3A_92 = arith.constant 16 : index
    %swap3A_93 = tpu.vector_load %arg12[%swap3A_92] {strides = array<i32>} : memref<128xi32, #tpu.memory_space<vmem>>, vector<16xi32>,
    %swap3A_94 = vector.shape_cast %swap3A_93 : vector<16xi32> to vector<16xi32>
    %swap3A_95 = vector.shape_cast %shift_right_logical3A_91 : vector<16xi32> to vector<16xi32>
    tpu.vector_store %arg12[%swap3A_92], %swap3A_95 {strides = array<i32>} : memref<128xi32, #tpu.memory_space<vmem>>, vector<16xi32>,
    %get3A_96 = arith.constant 0 : i32
    %get3A_97 = arith.index_cast %get3A_96 : i32 to index
    %get3A_98 = arith.constant 80 : index
    %get3A_99 = tpu.vector_load %arg6[%get3A_97, %get3A_98] {strides = array<i32>} : memref<40x128xi32, #tpu.memory_space<vmem>>, vector<1x16xi32>,
    %get3A_100 = vector.shape_cast %get3A_99 : vector<1x16xi32> to vector<16xi32>
    %and3A_101 = arith.constant 65535 : i32
    %and3A_102 = vector.broadcast %and3A_101 : i32 to vector<16xi32>
    %and3A_103 = arith.andi %get3A_100, %and3A_102 : vector<16xi32>
    %swap3A_104 = arith.constant 32 : index
    %swap3A_105 = tpu.vector_load %arg12[%swap3A_104] {strides = array<i32>} : memref<128xi32, #tpu.memory_space<vmem>>, vector<16xi32>,
    %swap3A_106 = vector.shape_cast %swap3A_105 : vector<16xi32> to vector<16xi32>
    %swap3A_107 = vector.shape_cast %and3A_103 : vector<16xi32> to vector<16xi32>
    tpu.vector_store %arg12[%swap3A_104], %swap3A_107 {strides = array<i32>} : memref<128xi32, #tpu.memory_space<vmem>>, vector<16xi32>,
    %shift_right_logical3A_108 = arith.constant 16 : i32
    %shift_right_logical3A_109 = vector.broadcast %shift_right_logical3A_108 : i32 to vector<16xi32>
    %shift_right_logical3A_110 = arith.shrui %get3A_100, %shift_right_logical3A_109 : vector<16xi32>
    %swap3A_111 = arith.constant 48 : index
    %swap3A_112 = tpu.vector_load %arg12[%swap3A_111] {strides = array<i32>} : memref<128xi32, #tpu.memory_space<vmem>>, vector<16xi32>,
    %swap3A_113 = vector.shape_cast %swap3A_112 : vector<16xi32> to vector<16xi32>
    %swap3A_114 = vector.shape_cast %shift_right_logical3A_110 : vector<16xi32> to vector<16xi32>
    tpu.vector_store %arg12[%swap3A_111], %swap3A_114 {strides = array<i32>} : memref<128xi32, #tpu.memory_space<vmem>>, vector<16xi32>,
    %get3A_115 = arith.constant 0 : i32
    %get3A_116 = arith.index_cast %get3A_115 : i32 to index
    %get3A_117 = arith.constant 96 : index
    %get3A_118 = tpu.vector_load %arg6[%get3A_116, %get3A_117] {strides = array<i32>} : memref<40x128xi32, #tpu.memory_space<vmem>>, vector<1x16xi32>,
    %get3A_119 = vector.shape_cast %get3A_118 : vector<1x16xi32> to vector<16xi32>
    %and3A_120 = arith.constant 65535 : i32
    %and3A_121 = vector.broadcast %and3A_120 : i32 to vector<16xi32>
    %and3A_122 = arith.andi %get3A_119, %and3A_121 : vector<16xi32>
    %swap3A_123 = arith.constant 64 : index
    %swap3A_124 = tpu.vector_load %arg12[%swap3A_123] {strides = array<i32>} : memref<128xi32, #tpu.memory_space<vmem>>, vector<16xi32>,
    %swap3A_125 = vector.shape_cast %swap3A_124 : vector<16xi32> to vector<16xi32>
    %swap3A_126 = vector.shape_cast %and3A_122 : vector<16xi32> to vector<16xi32>
    tpu.vector_store %arg12[%swap3A_123], %swap3A_126 {strides = array<i32>} : memref<128xi32, #tpu.memory_space<vmem>>, vector<16xi32>,
    %shift_right_logical3A_127 = arith.constant 16 : i32
    %shift_right_logical3A_128 = vector.broadcast %shift_right_logical3A_127 : i32 to vector<16xi32>
    %shift_right_logical3A_129 = arith.shrui %get3A_119, %shift_right_logical3A_128 : vector<16xi32>
    %swap3A_130 = arith.constant 80 : index
    %swap3A_131 = tpu.vector_load %arg12[%swap3A_130] {strides = array<i32>} : memref<128xi32, #tpu.memory_space<vmem>>, vector<16xi32>,
    %swap3A_132 = vector.shape_cast %swap3A_131 : vector<16xi32> to vector<16xi32>
    %swap3A_133 = vector.shape_cast %shift_right_logical3A_129 : vector<16xi32> to vector<16xi32>
    tpu.vector_store %arg12[%swap3A_130], %swap3A_133 {strides = array<i32>} : memref<128xi32, #tpu.memory_space<vmem>>, vector<16xi32>,
    %get3A_134 = arith.constant 0 : i32
    %get3A_135 = arith.index_cast %get3A_134 : i32 to index
    %get3A_136 = arith.constant 112 : index
    %get3A_137 = tpu.vector_load %arg6[%get3A_135, %get3A_136] {strides = array<i32>} : memref<40x128xi32, #tpu.memory_space<vmem>>, vector<1x16xi32>,
    %get3A_138 = vector.shape_cast %get3A_137 : vector<1x16xi32> to vector<16xi32>
    %and3A_139 = arith.constant 65535 : i32
    %and3A_140 = vector.broadcast %and3A_139 : i32 to vector<16xi32>
    %and3A_141 = arith.andi %get3A_138, %and3A_140 : vector<16xi32>
    %swap3A_142 = arith.constant 96 : index
    %swap3A_143 = tpu.vector_load %arg12[%swap3A_142] {strides = array<i32>} : memref<128xi32, #tpu.memory_space<vmem>>, vector<16xi32>,
    %swap3A_144 = vector.shape_cast %swap3A_143 : vector<16xi32> to vector<16xi32>
    %swap3A_145 = vector.shape_cast %and3A_141 : vector<16xi32> to vector<16xi32>
    tpu.vector_store %arg12[%swap3A_142], %swap3A_145 {strides = array<i32>} : memref<128xi32, #tpu.memory_space<vmem>>, vector<16xi32>,
    %shift_right_logical3A_146 = arith.constant 16 : i32
    %shift_right_logical3A_147 = vector.broadcast %shift_right_logical3A_146 : i32 to vector<16xi32>
    %shift_right_logical3A_148 = arith.shrui %get3A_138, %shift_right_logical3A_147 : vector<16xi32>
    %swap3A_149 = arith.constant 112 : index
    %swap3A_150 = tpu.vector_load %arg12[%swap3A_149] {strides = array<i32>} : memref<128xi32, #tpu.memory_space<vmem>>, vector<16xi32>,
    %swap3A_151 = vector.shape_cast %swap3A_150 : vector<16xi32> to vector<16xi32>
    %swap3A_152 = vector.shape_cast %shift_right_logical3A_148 : vector<16xi32> to vector<16xi32>
    tpu.vector_store %arg12[%swap3A_149], %swap3A_152 {strides = array<i32>} : memref<128xi32, #tpu.memory_space<vmem>>, vector<16xi32>,
    %dma_start3A_153 = arith.constant 0 : i32
    %dma_start3A_154 = arith.constant 0 : i32
    %dma_start3A_155 = tpu.memref_slice %arg2[%dma_start3A_153, %dma_start3A_154] : memref<10240x128xf32, #tpu.memory_space<hbm>> -> memref<10240x128xf32, #tpu.memory_space<hbm>>
    tpu.enqueue_indirect_dma source(%dma_start3A_155 : memref<10240x128xf32, #tpu.memory_space<hbm>>) target(%arg9 : memref<128x128xf32, #tpu.memory_space<vmem>>) offsets(%arg12 : memref<128xi32, #tpu.memory_space<vmem>>) semaphore(%arg15 : memref<!tpu.dma_semaphore, #tpu.memory_space<semaphore_mem>>)
    %scan3A = arith.constant 0 : i32
    %scan3A_156 = arith.constant 0 : i32
    %scan3A_157 = arith.constant 16 : i32
    %scan3A_158 = arith.addi %scan3A_156, %scan3A_157 : i32
    %scan3A_159 = arith.constant 1 : i32
    %scan3A_160 = scf.for %scan3A_181 = %scan3A_156 to %scan3A_158 step %scan3A_159 iter_args(%scan3A_182 = %scan3A) -> (i32)  : i32 {
      %broadcast_in_dim3A = arith.constant 0.000000e+00 : f32
      %broadcast_in_dim3A_183 = vector.broadcast %broadcast_in_dim3A : f32 to vector<16xf32>
      %swap3A_184 = arith.index_cast %scan3A_181 : i32 to index
      %swap3A_185 = arith.constant 0 : index
      %swap3A_186 = tpu.vector_load %arg10[%swap3A_184, %swap3A_185] {strides = array<i32>} : memref<16x128xf32, #tpu.memory_space<vmem>>, vector<1x16xf32>,
      %swap3A_187 = vector.shape_cast %swap3A_186 : vector<1x16xf32> to vector<16xf32>
      %swap3A_188 = vector.shape_cast %broadcast_in_dim3A_183 : vector<16xf32> to vector<1x16xf32>
      tpu.vector_store %arg10[%swap3A_184, %swap3A_185], %swap3A_188 {strides = array<i32>} : memref<16x128xf32, #tpu.memory_space<vmem>>, vector<1x16xf32>,
      %broadcast_in_dim3A_189 = arith.constant 0.000000e+00 : f32
      %broadcast_in_dim3A_190 = vector.broadcast %broadcast_in_dim3A_189 : f32 to vector<16xf32>
      %swap3A_191 = arith.index_cast %scan3A_181 : i32 to index
      %swap3A_192 = arith.constant 16 : index
      %swap3A_193 = tpu.vector_load %arg10[%swap3A_191, %swap3A_192] {strides = array<i32>} : memref<16x128xf32, #tpu.memory_space<vmem>>, vector<1x16xf32>,
      %swap3A_194 = vector.shape_cast %swap3A_193 : vector<1x16xf32> to vector<16xf32>
      %swap3A_195 = vector.shape_cast %broadcast_in_dim3A_190 : vector<16xf32> to vector<1x16xf32>
      tpu.vector_store %arg10[%swap3A_191, %swap3A_192], %swap3A_195 {strides = array<i32>} : memref<16x128xf32, #tpu.memory_space<vmem>>, vector<1x16xf32>,
      %broadcast_in_dim3A_196 = arith.constant 0.000000e+00 : f32
      %broadcast_in_dim3A_197 = vector.broadcast %broadcast_in_dim3A_196 : f32 to vector<16xf32>
      %swap3A_198 = arith.index_cast %scan3A_181 : i32 to index
      %swap3A_199 = arith.constant 32 : index
      %swap3A_200 = tpu.vector_load %arg10[%swap3A_198, %swap3A_199] {strides = array<i32>} : memref<16x128xf32, #tpu.memory_space<vmem>>, vector<1x16xf32>,
      %swap3A_201 = vector.shape_cast %swap3A_200 : vector<1x16xf32> to vector<16xf32>
      %swap3A_202 = vector.shape_cast %broadcast_in_dim3A_197 : vector<16xf32> to vector<1x16xf32>
      tpu.vector_store %arg10[%swap3A_198, %swap3A_199], %swap3A_202 {strides = array<i32>} : memref<16x128xf32, #tpu.memory_space<vmem>>, vector<1x16xf32>,
      %broadcast_in_dim3A_203 = arith.constant 0.000000e+00 : f32
      %broadcast_in_dim3A_204 = vector.broadcast %broadcast_in_dim3A_203 : f32 to vector<16xf32>
      %swap3A_205 = arith.index_cast %scan3A_181 : i32 to index
      %swap3A_206 = arith.constant 48 : index
      %swap3A_207 = tpu.vector_load %arg10[%swap3A_205, %swap3A_206] {strides = array<i32>} : memref<16x128xf32, #tpu.memory_space<vmem>>, vector<1x16xf32>,
      %swap3A_208 = vector.shape_cast %swap3A_207 : vector<1x16xf32> to vector<16xf32>
      %swap3A_209 = vector.shape_cast %broadcast_in_dim3A_204 : vector<16xf32> to vector<1x16xf32>
      tpu.vector_store %arg10[%swap3A_205, %swap3A_206], %swap3A_209 {strides = array<i32>} : memref<16x128xf32, #tpu.memory_space<vmem>>, vector<1x16xf32>,
      %broadcast_in_dim3A_210 = arith.constant 0.000000e+00 : f32
      %broadcast_in_dim3A_211 = vector.broadcast %broadcast_in_dim3A_210 : f32 to vector<16xf32>
      %swap3A_212 = arith.index_cast %scan3A_181 : i32 to index
      %swap3A_213 = arith.constant 64 : index
      %swap3A_214 = tpu.vector_load %arg10[%swap3A_212, %swap3A_213] {strides = array<i32>} : memref<16x128xf32, #tpu.memory_space<vmem>>, vector<1x16xf32>,
      %swap3A_215 = vector.shape_cast %swap3A_214 : vector<1x16xf32> to vector<16xf32>
      %swap3A_216 = vector.shape_cast %broadcast_in_dim3A_211 : vector<16xf32> to vector<1x16xf32>
      tpu.vector_store %arg10[%swap3A_212, %swap3A_213], %swap3A_216 {strides = array<i32>} : memref<16x128xf32, #tpu.memory_space<vmem>>, vector<1x16xf32>,
      %broadcast_in_dim3A_217 = arith.constant 0.000000e+00 : f32
      %broadcast_in_dim3A_218 = vector.broadcast %broadcast_in_dim3A_217 : f32 to vector<16xf32>
      %swap3A_219 = arith.index_cast %scan3A_181 : i32 to index
      %swap3A_220 = arith.constant 80 : index
      %swap3A_221 = tpu.vector_load %arg10[%swap3A_219, %swap3A_220] {strides = array<i32>} : memref<16x128xf32, #tpu.memory_space<vmem>>, vector<1x16xf32>,
      %swap3A_222 = vector.shape_cast %swap3A_221 : vector<1x16xf32> to vector<16xf32>
      %swap3A_223 = vector.shape_cast %broadcast_in_dim3A_218 : vector<16xf32> to vector<1x16xf32>
      tpu.vector_store %arg10[%swap3A_219, %swap3A_220], %swap3A_223 {strides = array<i32>} : memref<16x128xf32, #tpu.memory_space<vmem>>, vector<1x16xf32>,
      %broadcast_in_dim3A_224 = arith.constant 0.000000e+00 : f32
      %broadcast_in_dim3A_225 = vector.broadcast %broadcast_in_dim3A_224 : f32 to vector<16xf32>
      %swap3A_226 = arith.index_cast %scan3A_181 : i32 to index
      %swap3A_227 = arith.constant 96 : index
      %swap3A_228 = tpu.vector_load %arg10[%swap3A_226, %swap3A_227] {strides = array<i32>} : memref<16x128xf32, #tpu.memory_space<vmem>>, vector<1x16xf32>,
      %swap3A_229 = vector.shape_cast %swap3A_228 : vector<1x16xf32> to vector<16xf32>
      %swap3A_230 = vector.shape_cast %broadcast_in_dim3A_225 : vector<16xf32> to vector<1x16xf32>
      tpu.vector_store %arg10[%swap3A_226, %swap3A_227], %swap3A_230 {strides = array<i32>} : memref<16x128xf32, #tpu.memory_space<vmem>>, vector<1x16xf32>,
      %broadcast_in_dim3A_231 = arith.constant 0.000000e+00 : f32
      %broadcast_in_dim3A_232 = vector.broadcast %broadcast_in_dim3A_231 : f32 to vector<16xf32>
      %swap3A_233 = arith.index_cast %scan3A_181 : i32 to index
      %swap3A_234 = arith.constant 112 : index
      %swap3A_235 = tpu.vector_load %arg10[%swap3A_233, %swap3A_234] {strides = array<i32>} : memref<16x128xf32, #tpu.memory_space<vmem>>, vector<1x16xf32>,
      %swap3A_236 = vector.shape_cast %swap3A_235 : vector<1x16xf32> to vector<16xf32>
      %swap3A_237 = vector.shape_cast %broadcast_in_dim3A_232 : vector<16xf32> to vector<1x16xf32>
      tpu.vector_store %arg10[%swap3A_233, %swap3A_234], %swap3A_237 {strides = array<i32>} : memref<16x128xf32, #tpu.memory_space<vmem>>, vector<1x16xf32>,
      %scan3A_238 = arith.constant 0 : i32
      scf.yield %scan3A_238 : i32
    }
    %scan3A_161 = arith.constant 16 : i32
    %scan3A_162 = arith.constant 0 : i32
    %scan3A_163 = arith.constant 0 : i32
    %scan3A_164 = arith.constant 40 : i32
    %scan3A_165 = arith.addi %scan3A_163, %scan3A_164 : i32
    %scan3A_166 = arith.constant 1 : i32
    %scan3A_167 = scf.for %scan3A_181 = %scan3A_163 to %scan3A_165 step %scan3A_166 iter_args(%scan3A_182 = %scan3A_162) -> (i32)  : i32 {
      %mul3A_183 = arith.constant 640 : i32
      %mul3A_184 = arith.muli %arg1, %mul3A_183 : i32
      %mul3A_185 = arith.constant 16 : i32
      %mul3A_186 = arith.muli %scan3A_181, %mul3A_185 : i32
      %add3A_187 = arith.addi %mul3A_184, %mul3A_186 : i32
      "tpu.region"() ({
        %run_scoped3A = tpu.sem_alloc : memref<!tpu.dma_semaphore, #tpu.memory_space<semaphore_mem>>
        %dma_start3A_189 = arith.constant 0 : i32
        %dma_start3A_190 = tpu.memref_slice %arg16[%add3A_187, %dma_start3A_189] : memref<10240x128xf32, #tpu.memory_space<vmem_shared>> -> memref<16x128xf32, #tpu.memory_space<vmem_shared>>
        %dma_start3A_191 = arith.constant 0 : i32
        %dma_start3A_192 = tpu.memref_slice %arg16[%add3A_187, %dma_start3A_191] : memref<10240x128xf32, #tpu.memory_space<vmem_shared>> -> memref<16x128xf32, #tpu.memory_space<vmem_shared>>
        tpu.enqueue_dma source(%arg10 : memref<16x128xf32, #tpu.memory_space<vmem>>) target(%dma_start3A_192 : memref<16x128xf32, #tpu.memory_space<vmem_shared>>) target_semaphore(%run_scoped3A : memref<!tpu.dma_semaphore, #tpu.memory_space<semaphore_mem>>)
        %dma_wait3A = arith.constant 0 : i32
        %dma_wait3A_193 = tpu.memref_slice %arg16[%add3A_187, %dma_wait3A] : memref<10240x128xf32, #tpu.memory_space<vmem_shared>> -> memref<16x128xf32, #tpu.memory_space<vmem_shared>>
        %dma_wait3A_194 = arith.constant 0 : i32
        %dma_wait3A_195 = tpu.memref_slice %arg16[%add3A_187, %dma_wait3A_194] : memref<10240x128xf32, #tpu.memory_space<vmem_shared>> -> memref<16x128xf32, #tpu.memory_space<vmem_shared>>
        tpu.wait_dma2 semaphore(%run_scoped3A : memref<!tpu.dma_semaphore, #tpu.memory_space<semaphore_mem>>) src(%arg10 : memref<16x128xf32, #tpu.memory_space<vmem>>) dst(%dma_wait3A_195 : memref<16x128xf32, #tpu.memory_space<vmem_shared>>)
        tpu.yield
      }) : () -> ()
      %scan3A_188 = arith.constant 0 : i32
      scf.yield %scan3A_188 : i32
    }
    %scan3A_168 = arith.constant 40 : i32
    %barrier3A = arith.constant 0 : index
    tpu.barrier barrier_id(%barrier3A)
    %scan3A_169 = arith.constant 0 : i32
    %scan3A_170 = arith.constant 0 : i32
    %scan3A_171 = arith.constant 40 : i32
    %scan3A_172 = arith.addi %scan3A_170, %scan3A_171 : i32
    %scan3A_173 = arith.constant 1 : i32
    %scan3A_174 = scf.for %scan3A_181 = %scan3A_170 to %scan3A_172 step %scan3A_173 iter_args(%scan3A_182 = %scan3A_169) -> (i32)  : i32 {
      %dma_wait3A = arith.constant 0 : i32
      %dma_wait3A_183 = arith.constant 0 : i32
      %dma_wait3A_184 = tpu.memref_slice %arg2[%dma_wait3A, %dma_wait3A_183] : memref<10240x128xf32, #tpu.memory_space<hbm>> -> memref<10240x128xf32, #tpu.memory_space<hbm>>
      tpu.wait_indirect_dma semaphore(%arg14 : memref<!tpu.dma_semaphore, #tpu.memory_space<semaphore_mem>>) src(%dma_wait3A_184 : memref<10240x128xf32, #tpu.memory_space<hbm>>) dst(%arg8 : memref<128x128xf32, #tpu.memory_space<vmem>>)
      %get3A_185 = arith.index_cast %scan3A_181 : i32 to index
      %get3A_186 = arith.constant 0 : index
      %get3A_187 = tpu.vector_load %arg7[%get3A_185, %get3A_186] {strides = array<i32>} : memref<40x128xi32, #tpu.memory_space<vmem>>, vector<1x16xi32>,
      %get3A_188 = vector.shape_cast %get3A_187 : vector<1x16xi32> to vector<16xi32>
      %and3A_189 = arith.constant 65535 : i32
      %and3A_190 = vector.broadcast %and3A_189 : i32 to vector<16xi32>
      %and3A_191 = arith.andi %get3A_188, %and3A_190 : vector<16xi32>
      %swap3A_192 = arith.constant 0 : index
      %swap3A_193 = tpu.vector_load %arg13[%swap3A_192] {strides = array<i32>} : memref<128xi32, #tpu.memory_space<vmem>>, vector<16xi32>,
      %swap3A_194 = vector.shape_cast %swap3A_193 : vector<16xi32> to vector<16xi32>
      %swap3A_195 = vector.shape_cast %and3A_191 : vector<16xi32> to vector<16xi32>
      tpu.vector_store %arg13[%swap3A_192], %swap3A_195 {strides = array<i32>} : memref<128xi32, #tpu.memory_space<vmem>>, vector<16xi32>,
      %shift_right_logical3A_196 = arith.constant 16 : i32
      %shift_right_logical3A_197 = vector.broadcast %shift_right_logical3A_196 : i32 to vector<16xi32>
      %shift_right_logical3A_198 = arith.shrui %get3A_188, %shift_right_logical3A_197 : vector<16xi32>
      %swap3A_199 = arith.constant 16 : index
      %swap3A_200 = tpu.vector_load %arg13[%swap3A_199] {strides = array<i32>} : memref<128xi32, #tpu.memory_space<vmem>>, vector<16xi32>,
      %swap3A_201 = vector.shape_cast %swap3A_200 : vector<16xi32> to vector<16xi32>
      %swap3A_202 = vector.shape_cast %shift_right_logical3A_198 : vector<16xi32> to vector<16xi32>
      tpu.vector_store %arg13[%swap3A_199], %swap3A_202 {strides = array<i32>} : memref<128xi32, #tpu.memory_space<vmem>>, vector<16xi32>,
      %get3A_203 = arith.index_cast %scan3A_181 : i32 to index
      %get3A_204 = arith.constant 16 : index
      %get3A_205 = tpu.vector_load %arg7[%get3A_203, %get3A_204] {strides = array<i32>} : memref<40x128xi32, #tpu.memory_space<vmem>>, vector<1x16xi32>,
      %get3A_206 = vector.shape_cast %get3A_205 : vector<1x16xi32> to vector<16xi32>
      %and3A_207 = arith.constant 65535 : i32
      %and3A_208 = vector.broadcast %and3A_207 : i32 to vector<16xi32>
      %and3A_209 = arith.andi %get3A_206, %and3A_208 : vector<16xi32>
      %swap3A_210 = arith.constant 32 : index
      %swap3A_211 = tpu.vector_load %arg13[%swap3A_210] {strides = array<i32>} : memref<128xi32, #tpu.memory_space<vmem>>, vector<16xi32>,
      %swap3A_212 = vector.shape_cast %swap3A_211 : vector<16xi32> to vector<16xi32>
      %swap3A_213 = vector.shape_cast %and3A_209 : vector<16xi32> to vector<16xi32>
      tpu.vector_store %arg13[%swap3A_210], %swap3A_213 {strides = array<i32>} : memref<128xi32, #tpu.memory_space<vmem>>, vector<16xi32>,
      %shift_right_logical3A_214 = arith.constant 16 : i32
      %shift_right_logical3A_215 = vector.broadcast %shift_right_logical3A_214 : i32 to vector<16xi32>
      %shift_right_logical3A_216 = arith.shrui %get3A_206, %shift_right_logical3A_215 : vector<16xi32>
      %swap3A_217 = arith.constant 48 : index
      %swap3A_218 = tpu.vector_load %arg13[%swap3A_217] {strides = array<i32>} : memref<128xi32, #tpu.memory_space<vmem>>, vector<16xi32>,
      %swap3A_219 = vector.shape_cast %swap3A_218 : vector<16xi32> to vector<16xi32>
      %swap3A_220 = vector.shape_cast %shift_right_logical3A_216 : vector<16xi32> to vector<16xi32>
      tpu.vector_store %arg13[%swap3A_217], %swap3A_220 {strides = array<i32>} : memref<128xi32, #tpu.memory_space<vmem>>, vector<16xi32>,
      %get3A_221 = arith.index_cast %scan3A_181 : i32 to index
      %get3A_222 = arith.constant 32 : index
      %get3A_223 = tpu.vector_load %arg7[%get3A_221, %get3A_222] {strides = array<i32>} : memref<40x128xi32, #tpu.memory_space<vmem>>, vector<1x16xi32>,
      %get3A_224 = vector.shape_cast %get3A_223 : vector<1x16xi32> to vector<16xi32>
      %and3A_225 = arith.constant 65535 : i32
      %and3A_226 = vector.broadcast %and3A_225 : i32 to vector<16xi32>
      %and3A_227 = arith.andi %get3A_224, %and3A_226 : vector<16xi32>
      %swap3A_228 = arith.constant 64 : index
      %swap3A_229 = tpu.vector_load %arg13[%swap3A_228] {strides = array<i32>} : memref<128xi32, #tpu.memory_space<vmem>>, vector<16xi32>,
      %swap3A_230 = vector.shape_cast %swap3A_229 : vector<16xi32> to vector<16xi32>
      %swap3A_231 = vector.shape_cast %and3A_227 : vector<16xi32> to vector<16xi32>
      tpu.vector_store %arg13[%swap3A_228], %swap3A_231 {strides = array<i32>} : memref<128xi32, #tpu.memory_space<vmem>>, vector<16xi32>,
      %shift_right_logical3A_232 = arith.constant 16 : i32
      %shift_right_logical3A_233 = vector.broadcast %shift_right_logical3A_232 : i32 to vector<16xi32>
      %shift_right_logical3A_234 = arith.shrui %get3A_224, %shift_right_logical3A_233 : vector<16xi32>
      %swap3A_235 = arith.constant 80 : index
      %swap3A_236 = tpu.vector_load %arg13[%swap3A_235] {strides = array<i32>} : memref<128xi32, #tpu.memory_space<vmem>>, vector<16xi32>,
      %swap3A_237 = vector.shape_cast %swap3A_236 : vector<16xi32> to vector<16xi32>
      %swap3A_238 = vector.shape_cast %shift_right_logical3A_234 : vector<16xi32> to vector<16xi32>
      tpu.vector_store %arg13[%swap3A_235], %swap3A_238 {strides = array<i32>} : memref<128xi32, #tpu.memory_space<vmem>>, vector<16xi32>,
      %get3A_239 = arith.index_cast %scan3A_181 : i32 to index
      %get3A_240 = arith.constant 48 : index
      %get3A_241 = tpu.vector_load %arg7[%get3A_239, %get3A_240] {strides = array<i32>} : memref<40x128xi32, #tpu.memory_space<vmem>>, vector<1x16xi32>,
      %get3A_242 = vector.shape_cast %get3A_241 : vector<1x16xi32> to vector<16xi32>
      %and3A_243 = arith.constant 65535 : i32
      %and3A_244 = vector.broadcast %and3A_243 : i32 to vector<16xi32>
      %and3A_245 = arith.andi %get3A_242, %and3A_244 : vector<16xi32>
      %swap3A_246 = arith.constant 96 : index
      %swap3A_247 = tpu.vector_load %arg13[%swap3A_246] {strides = array<i32>} : memref<128xi32, #tpu.memory_space<vmem>>, vector<16xi32>,
      %swap3A_248 = vector.shape_cast %swap3A_247 : vector<16xi32> to vector<16xi32>
      %swap3A_249 = vector.shape_cast %and3A_245 : vector<16xi32> to vector<16xi32>
      tpu.vector_store %arg13[%swap3A_246], %swap3A_249 {strides = array<i32>} : memref<128xi32, #tpu.memory_space<vmem>>, vector<16xi32>,
      %shift_right_logical3A_250 = arith.constant 16 : i32
      %shift_right_logical3A_251 = vector.broadcast %shift_right_logical3A_250 : i32 to vector<16xi32>
      %shift_right_logical3A_252 = arith.shrui %get3A_242, %shift_right_logical3A_251 : vector<16xi32>
      %swap3A_253 = arith.constant 112 : index
      %swap3A_254 = tpu.vector_load %arg13[%swap3A_253] {strides = array<i32>} : memref<128xi32, #tpu.memory_space<vmem>>, vector<16xi32>,
      %swap3A_255 = vector.shape_cast %swap3A_254 : vector<16xi32> to vector<16xi32>
      %swap3A_256 = vector.shape_cast %shift_right_logical3A_252 : vector<16xi32> to vector<16xi32>
      tpu.vector_store %arg13[%swap3A_253], %swap3A_256 {strides = array<i32>} : memref<128xi32, #tpu.memory_space<vmem>>, vector<16xi32>,
      "tpu.region"() ({
        %run_scoped3A = tpu.sem_alloc : memref<!tpu.dma_semaphore, #tpu.memory_space<semaphore_mem>>
        %dma_start3A_344 = arith.constant 0 : i32
        %dma_start3A_345 = arith.constant 0 : i32
        %dma_start3A_346 = tpu.memref_slice %arg16[%dma_start3A_344, %dma_start3A_345] : memref<10240x128xf32, #tpu.memory_space<vmem_shared>> -> memref<10240x128xf32, #tpu.memory_space<vmem_shared>>
        tpu.enqueue_indirect_dma source(%arg8 : memref<128x128xf32, #tpu.memory_space<vmem>>) target(%dma_start3A_346 : memref<10240x128xf32, #tpu.memory_space<vmem_shared>>) offsets(%arg13 : memref<128xi32, #tpu.memory_space<vmem>>) semaphore(%run_scoped3A : memref<!tpu.dma_semaphore, #tpu.memory_space<semaphore_mem>>) {add = true}
        %dma_wait3A_347 = arith.constant 0 : i32
        %dma_wait3A_348 = arith.constant 0 : i32
        %dma_wait3A_349 = tpu.memref_slice %arg16[%dma_wait3A_347, %dma_wait3A_348] : memref<10240x128xf32, #tpu.memory_space<vmem_shared>> -> memref<10240x128xf32, #tpu.memory_space<vmem_shared>>
        tpu.wait_indirect_dma semaphore(%run_scoped3A : memref<!tpu.dma_semaphore, #tpu.memory_space<semaphore_mem>>) src(%arg8 : memref<128x128xf32, #tpu.memory_space<vmem>>) dst(%dma_wait3A_349 : memref<10240x128xf32, #tpu.memory_space<vmem_shared>>)
        tpu.yield
      }) : () -> ()
      %add3A_257 = arith.constant 1 : i32
      %add3A_258 = arith.addi %scan3A_181, %add3A_257 : i32
      %lt3A = arith.constant 40 : i32
      %lt3A_259 = arith.cmpi slt, %add3A_258, %lt3A : i32
      %convert_element_type3A = arith.extui %lt3A_259 : i1 to i32
      %cond3A = arith.constant 0 : i32
      %cond3A_260 = arith.cmpi ne, %convert_element_type3A, %cond3A : i32
      scf.if %cond3A_260 {
        %add3A_344 = arith.constant 1 : i32
        %add3A_345 = arith.addi %scan3A_181, %add3A_344 : i32
        %get3A_346 = arith.index_cast %add3A_345 : i32 to index
        %get3A_347 = arith.constant 0 : index
        %get3A_348 = tpu.vector_load %arg6[%get3A_346, %get3A_347] {strides = array<i32>} : memref<40x128xi32, #tpu.memory_space<vmem>>, vector<1x16xi32>,
        %get3A_349 = vector.shape_cast %get3A_348 : vector<1x16xi32> to vector<16xi32>
        %and3A_350 = arith.constant 65535 : i32
        %and3A_351 = vector.broadcast %and3A_350 : i32 to vector<16xi32>
        %and3A_352 = arith.andi %get3A_349, %and3A_351 : vector<16xi32>
        %swap3A_353 = arith.constant 0 : index
        %swap3A_354 = tpu.vector_load %arg11[%swap3A_353] {strides = array<i32>} : memref<128xi32, #tpu.memory_space<vmem>>, vector<16xi32>,
        %swap3A_355 = vector.shape_cast %swap3A_354 : vector<16xi32> to vector<16xi32>
        %swap3A_356 = vector.shape_cast %and3A_352 : vector<16xi32> to vector<16xi32>
        tpu.vector_store %arg11[%swap3A_353], %swap3A_356 {strides = array<i32>} : memref<128xi32, #tpu.memory_space<vmem>>, vector<16xi32>,
        %shift_right_logical3A_357 = arith.constant 16 : i32
        %shift_right_logical3A_358 = vector.broadcast %shift_right_logical3A_357 : i32 to vector<16xi32>
        %shift_right_logical3A_359 = arith.shrui %get3A_349, %shift_right_logical3A_358 : vector<16xi32>
        %swap3A_360 = arith.constant 16 : index
        %swap3A_361 = tpu.vector_load %arg11[%swap3A_360] {strides = array<i32>} : memref<128xi32, #tpu.memory_space<vmem>>, vector<16xi32>,
        %swap3A_362 = vector.shape_cast %swap3A_361 : vector<16xi32> to vector<16xi32>
        %swap3A_363 = vector.shape_cast %shift_right_logical3A_359 : vector<16xi32> to vector<16xi32>
        tpu.vector_store %arg11[%swap3A_360], %swap3A_363 {strides = array<i32>} : memref<128xi32, #tpu.memory_space<vmem>>, vector<16xi32>,
        %get3A_364 = arith.index_cast %add3A_345 : i32 to index
        %get3A_365 = arith.constant 16 : index
        %get3A_366 = tpu.vector_load %arg6[%get3A_364, %get3A_365] {strides = array<i32>} : memref<40x128xi32, #tpu.memory_space<vmem>>, vector<1x16xi32>,
        %get3A_367 = vector.shape_cast %get3A_366 : vector<1x16xi32> to vector<16xi32>
        %and3A_368 = arith.constant 65535 : i32
        %and3A_369 = vector.broadcast %and3A_368 : i32 to vector<16xi32>
        %and3A_370 = arith.andi %get3A_367, %and3A_369 : vector<16xi32>
        %swap3A_371 = arith.constant 32 : index
        %swap3A_372 = tpu.vector_load %arg11[%swap3A_371] {strides = array<i32>} : memref<128xi32, #tpu.memory_space<vmem>>, vector<16xi32>,
        %swap3A_373 = vector.shape_cast %swap3A_372 : vector<16xi32> to vector<16xi32>
        %swap3A_374 = vector.shape_cast %and3A_370 : vector<16xi32> to vector<16xi32>
        tpu.vector_store %arg11[%swap3A_371], %swap3A_374 {strides = array<i32>} : memref<128xi32, #tpu.memory_space<vmem>>, vector<16xi32>,
        %shift_right_logical3A_375 = arith.constant 16 : i32
        %shift_right_logical3A_376 = vector.broadcast %shift_right_logical3A_375 : i32 to vector<16xi32>
        %shift_right_logical3A_377 = arith.shrui %get3A_367, %shift_right_logical3A_376 : vector<16xi32>
        %swap3A_378 = arith.constant 48 : index
        %swap3A_379 = tpu.vector_load %arg11[%swap3A_378] {strides = array<i32>} : memref<128xi32, #tpu.memory_space<vmem>>, vector<16xi32>,
        %swap3A_380 = vector.shape_cast %swap3A_379 : vector<16xi32> to vector<16xi32>
        %swap3A_381 = vector.shape_cast %shift_right_logical3A_377 : vector<16xi32> to vector<16xi32>
        tpu.vector_store %arg11[%swap3A_378], %swap3A_381 {strides = array<i32>} : memref<128xi32, #tpu.memory_space<vmem>>, vector<16xi32>,
        %get3A_382 = arith.index_cast %add3A_345 : i32 to index
        %get3A_383 = arith.constant 32 : index
        %get3A_384 = tpu.vector_load %arg6[%get3A_382, %get3A_383] {strides = array<i32>} : memref<40x128xi32, #tpu.memory_space<vmem>>, vector<1x16xi32>,
        %get3A_385 = vector.shape_cast %get3A_384 : vector<1x16xi32> to vector<16xi32>
        %and3A_386 = arith.constant 65535 : i32
        %and3A_387 = vector.broadcast %and3A_386 : i32 to vector<16xi32>
        %and3A_388 = arith.andi %get3A_385, %and3A_387 : vector<16xi32>
        %swap3A_389 = arith.constant 64 : index
        %swap3A_390 = tpu.vector_load %arg11[%swap3A_389] {strides = array<i32>} : memref<128xi32, #tpu.memory_space<vmem>>, vector<16xi32>,
        %swap3A_391 = vector.shape_cast %swap3A_390 : vector<16xi32> to vector<16xi32>
        %swap3A_392 = vector.shape_cast %and3A_388 : vector<16xi32> to vector<16xi32>
        tpu.vector_store %arg11[%swap3A_389], %swap3A_392 {strides = array<i32>} : memref<128xi32, #tpu.memory_space<vmem>>, vector<16xi32>,
        %shift_right_logical3A_393 = arith.constant 16 : i32
        %shift_right_logical3A_394 = vector.broadcast %shift_right_logical3A_393 : i32 to vector<16xi32>
        %shift_right_logical3A_395 = arith.shrui %get3A_385, %shift_right_logical3A_394 : vector<16xi32>
        %swap3A_396 = arith.constant 80 : index
        %swap3A_397 = tpu.vector_load %arg11[%swap3A_396] {strides = array<i32>} : memref<128xi32, #tpu.memory_space<vmem>>, vector<16xi32>,
        %swap3A_398 = vector.shape_cast %swap3A_397 : vector<16xi32> to vector<16xi32>
        %swap3A_399 = vector.shape_cast %shift_right_logical3A_395 : vector<16xi32> to vector<16xi32>
        tpu.vector_store %arg11[%swap3A_396], %swap3A_399 {strides = array<i32>} : memref<128xi32, #tpu.memory_space<vmem>>, vector<16xi32>,
        %get3A_400 = arith.index_cast %add3A_345 : i32 to index
        %get3A_401 = arith.constant 48 : index
        %get3A_402 = tpu.vector_load %arg6[%get3A_400, %get3A_401] {strides = array<i32>} : memref<40x128xi32, #tpu.memory_space<vmem>>, vector<1x16xi32>,
        %get3A_403 = vector.shape_cast %get3A_402 : vector<1x16xi32> to vector<16xi32>
        %and3A_404 = arith.constant 65535 : i32
        %and3A_405 = vector.broadcast %and3A_404 : i32 to vector<16xi32>
        %and3A_406 = arith.andi %get3A_403, %and3A_405 : vector<16xi32>
        %swap3A_407 = arith.constant 96 : index
        %swap3A_408 = tpu.vector_load %arg11[%swap3A_407] {strides = array<i32>} : memref<128xi32, #tpu.memory_space<vmem>>, vector<16xi32>,
        %swap3A_409 = vector.shape_cast %swap3A_408 : vector<16xi32> to vector<16xi32>
        %swap3A_410 = vector.shape_cast %and3A_406 : vector<16xi32> to vector<16xi32>
        tpu.vector_store %arg11[%swap3A_407], %swap3A_410 {strides = array<i32>} : memref<128xi32, #tpu.memory_space<vmem>>, vector<16xi32>,
        %shift_right_logical3A_411 = arith.constant 16 : i32
        %shift_right_logical3A_412 = vector.broadcast %shift_right_logical3A_411 : i32 to vector<16xi32>
        %shift_right_logical3A_413 = arith.shrui %get3A_403, %shift_right_logical3A_412 : vector<16xi32>
        %swap3A_414 = arith.constant 112 : index
        %swap3A_415 = tpu.vector_load %arg11[%swap3A_414] {strides = array<i32>} : memref<128xi32, #tpu.memory_space<vmem>>, vector<16xi32>,
        %swap3A_416 = vector.shape_cast %swap3A_415 : vector<16xi32> to vector<16xi32>
        %swap3A_417 = vector.shape_cast %shift_right_logical3A_413 : vector<16xi32> to vector<16xi32>
        tpu.vector_store %arg11[%swap3A_414], %swap3A_417 {strides = array<i32>} : memref<128xi32, #tpu.memory_space<vmem>>, vector<16xi32>,
        %dma_start3A_418 = arith.constant 0 : i32
        %dma_start3A_419 = arith.constant 0 : i32
        %dma_start3A_420 = tpu.memref_slice %arg2[%dma_start3A_418, %dma_start3A_419] : memref<10240x128xf32, #tpu.memory_space<hbm>> -> memref<10240x128xf32, #tpu.memory_space<hbm>>
        tpu.enqueue_indirect_dma source(%dma_start3A_420 : memref<10240x128xf32, #tpu.memory_space<hbm>>) target(%arg8 : memref<128x128xf32, #tpu.memory_space<vmem>>) offsets(%arg11 : memref<128xi32, #tpu.memory_space<vmem>>) semaphore(%arg14 : memref<!tpu.dma_semaphore, #tpu.memory_space<semaphore_mem>>)
      } else {
      }
      %dma_wait3A_261 = arith.constant 0 : i32
      %dma_wait3A_262 = arith.constant 0 : i32
      %dma_wait3A_263 = tpu.memref_slice %arg2[%dma_wait3A_261, %dma_wait3A_262] : memref<10240x128xf32, #tpu.memory_space<hbm>> -> memref<10240x128xf32, #tpu.memory_space<hbm>>
      tpu.wait_indirect_dma semaphore(%arg15 : memref<!tpu.dma_semaphore, #tpu.memory_space<semaphore_mem>>) src(%dma_wait3A_263 : memref<10240x128xf32, #tpu.memory_space<hbm>>) dst(%arg9 : memref<128x128xf32, #tpu.memory_space<vmem>>)
      %get3A_264 = arith.index_cast %scan3A_181 : i32 to index
      %get3A_265 = arith.constant 64 : index
      %get3A_266 = tpu.vector_load %arg7[%get3A_264, %get3A_265] {strides = array<i32>} : memref<40x128xi32, #tpu.memory_space<vmem>>, vector<1x16xi32>,
      %get3A_267 = vector.shape_cast %get3A_266 : vector<1x16xi32> to vector<16xi32>
      %and3A_268 = arith.constant 65535 : i32
      %and3A_269 = vector.broadcast %and3A_268 : i32 to vector<16xi32>
      %and3A_270 = arith.andi %get3A_267, %and3A_269 : vector<16xi32>
      %swap3A_271 = arith.constant 0 : index
      %swap3A_272 = tpu.vector_load %arg13[%swap3A_271] {strides = array<i32>} : memref<128xi32, #tpu.memory_space<vmem>>, vector<16xi32>,
      %swap3A_273 = vector.shape_cast %swap3A_272 : vector<16xi32> to vector<16xi32>
      %swap3A_274 = vector.shape_cast %and3A_270 : vector<16xi32> to vector<16xi32>
      tpu.vector_store %arg13[%swap3A_271], %swap3A_274 {strides = array<i32>} : memref<128xi32, #tpu.memory_space<vmem>>, vector<16xi32>,
      %shift_right_logical3A_275 = arith.constant 16 : i32
      %shift_right_logical3A_276 = vector.broadcast %shift_right_logical3A_275 : i32 to vector<16xi32>
      %shift_right_logical3A_277 = arith.shrui %get3A_267, %shift_right_logical3A_276 : vector<16xi32>
      %swap3A_278 = arith.constant 16 : index
      %swap3A_279 = tpu.vector_load %arg13[%swap3A_278] {strides = array<i32>} : memref<128xi32, #tpu.memory_space<vmem>>, vector<16xi32>,
      %swap3A_280 = vector.shape_cast %swap3A_279 : vector<16xi32> to vector<16xi32>
      %swap3A_281 = vector.shape_cast %shift_right_logical3A_277 : vector<16xi32> to vector<16xi32>
      tpu.vector_store %arg13[%swap3A_278], %swap3A_281 {strides = array<i32>} : memref<128xi32, #tpu.memory_space<vmem>>, vector<16xi32>,
      %get3A_282 = arith.index_cast %scan3A_181 : i32 to index
      %get3A_283 = arith.constant 80 : index
      %get3A_284 = tpu.vector_load %arg7[%get3A_282, %get3A_283] {strides = array<i32>} : memref<40x128xi32, #tpu.memory_space<vmem>>, vector<1x16xi32>,
      %get3A_285 = vector.shape_cast %get3A_284 : vector<1x16xi32> to vector<16xi32>
      %and3A_286 = arith.constant 65535 : i32
      %and3A_287 = vector.broadcast %and3A_286 : i32 to vector<16xi32>
      %and3A_288 = arith.andi %get3A_285, %and3A_287 : vector<16xi32>
      %swap3A_289 = arith.constant 32 : index
      %swap3A_290 = tpu.vector_load %arg13[%swap3A_289] {strides = array<i32>} : memref<128xi32, #tpu.memory_space<vmem>>, vector<16xi32>,
      %swap3A_291 = vector.shape_cast %swap3A_290 : vector<16xi32> to vector<16xi32>
      %swap3A_292 = vector.shape_cast %and3A_288 : vector<16xi32> to vector<16xi32>
      tpu.vector_store %arg13[%swap3A_289], %swap3A_292 {strides = array<i32>} : memref<128xi32, #tpu.memory_space<vmem>>, vector<16xi32>,
      %shift_right_logical3A_293 = arith.constant 16 : i32
      %shift_right_logical3A_294 = vector.broadcast %shift_right_logical3A_293 : i32 to vector<16xi32>
      %shift_right_logical3A_295 = arith.shrui %get3A_285, %shift_right_logical3A_294 : vector<16xi32>
      %swap3A_296 = arith.constant 48 : index
      %swap3A_297 = tpu.vector_load %arg13[%swap3A_296] {strides = array<i32>} : memref<128xi32, #tpu.memory_space<vmem>>, vector<16xi32>,
      %swap3A_298 = vector.shape_cast %swap3A_297 : vector<16xi32> to vector<16xi32>
      %swap3A_299 = vector.shape_cast %shift_right_logical3A_295 : vector<16xi32> to vector<16xi32>
      tpu.vector_store %arg13[%swap3A_296], %swap3A_299 {strides = array<i32>} : memref<128xi32, #tpu.memory_space<vmem>>, vector<16xi32>,
      %get3A_300 = arith.index_cast %scan3A_181 : i32 to index
      %get3A_301 = arith.constant 96 : index
      %get3A_302 = tpu.vector_load %arg7[%get3A_300, %get3A_301] {strides = array<i32>} : memref<40x128xi32, #tpu.memory_space<vmem>>, vector<1x16xi32>,
      %get3A_303 = vector.shape_cast %get3A_302 : vector<1x16xi32> to vector<16xi32>
      %and3A_304 = arith.constant 65535 : i32
      %and3A_305 = vector.broadcast %and3A_304 : i32 to vector<16xi32>
      %and3A_306 = arith.andi %get3A_303, %and3A_305 : vector<16xi32>
      %swap3A_307 = arith.constant 64 : index
      %swap3A_308 = tpu.vector_load %arg13[%swap3A_307] {strides = array<i32>} : memref<128xi32, #tpu.memory_space<vmem>>, vector<16xi32>,
      %swap3A_309 = vector.shape_cast %swap3A_308 : vector<16xi32> to vector<16xi32>
      %swap3A_310 = vector.shape_cast %and3A_306 : vector<16xi32> to vector<16xi32>
      tpu.vector_store %arg13[%swap3A_307], %swap3A_310 {strides = array<i32>} : memref<128xi32, #tpu.memory_space<vmem>>, vector<16xi32>,
      %shift_right_logical3A_311 = arith.constant 16 : i32
      %shift_right_logical3A_312 = vector.broadcast %shift_right_logical3A_311 : i32 to vector<16xi32>
      %shift_right_logical3A_313 = arith.shrui %get3A_303, %shift_right_logical3A_312 : vector<16xi32>
      %swap3A_314 = arith.constant 80 : index
      %swap3A_315 = tpu.vector_load %arg13[%swap3A_314] {strides = array<i32>} : memref<128xi32, #tpu.memory_space<vmem>>, vector<16xi32>,
      %swap3A_316 = vector.shape_cast %swap3A_315 : vector<16xi32> to vector<16xi32>
      %swap3A_317 = vector.shape_cast %shift_right_logical3A_313 : vector<16xi32> to vector<16xi32>
      tpu.vector_store %arg13[%swap3A_314], %swap3A_317 {strides = array<i32>} : memref<128xi32, #tpu.memory_space<vmem>>, vector<16xi32>,
      %get3A_318 = arith.index_cast %scan3A_181 : i32 to index
      %get3A_319 = arith.constant 112 : index
      %get3A_320 = tpu.vector_load %arg7[%get3A_318, %get3A_319] {strides = array<i32>} : memref<40x128xi32, #tpu.memory_space<vmem>>, vector<1x16xi32>,
      %get3A_321 = vector.shape_cast %get3A_320 : vector<1x16xi32> to vector<16xi32>
      %and3A_322 = arith.constant 65535 : i32
      %and3A_323 = vector.broadcast %and3A_322 : i32 to vector<16xi32>
      %and3A_324 = arith.andi %get3A_321, %and3A_323 : vector<16xi32>
      %swap3A_325 = arith.constant 96 : index
      %swap3A_326 = tpu.vector_load %arg13[%swap3A_325] {strides = array<i32>} : memref<128xi32, #tpu.memory_space<vmem>>, vector<16xi32>,
      %swap3A_327 = vector.shape_cast %swap3A_326 : vector<16xi32> to vector<16xi32>
      %swap3A_328 = vector.shape_cast %and3A_324 : vector<16xi32> to vector<16xi32>
      tpu.vector_store %arg13[%swap3A_325], %swap3A_328 {strides = array<i32>} : memref<128xi32, #tpu.memory_space<vmem>>, vector<16xi32>,
      %shift_right_logical3A_329 = arith.constant 16 : i32
      %shift_right_logical3A_330 = vector.broadcast %shift_right_logical3A_329 : i32 to vector<16xi32>
      %shift_right_logical3A_331 = arith.shrui %get3A_321, %shift_right_logical3A_330 : vector<16xi32>
      %swap3A_332 = arith.constant 112 : index
      %swap3A_333 = tpu.vector_load %arg13[%swap3A_332] {strides = array<i32>} : memref<128xi32, #tpu.memory_space<vmem>>, vector<16xi32>,
      %swap3A_334 = vector.shape_cast %swap3A_333 : vector<16xi32> to vector<16xi32>
      %swap3A_335 = vector.shape_cast %shift_right_logical3A_331 : vector<16xi32> to vector<16xi32>
      tpu.vector_store %arg13[%swap3A_332], %swap3A_335 {strides = array<i32>} : memref<128xi32, #tpu.memory_space<vmem>>, vector<16xi32>,
      "tpu.region"() ({
        %run_scoped3A = tpu.sem_alloc : memref<!tpu.dma_semaphore, #tpu.memory_space<semaphore_mem>>
        %dma_start3A_344 = arith.constant 0 : i32
        %dma_start3A_345 = arith.constant 0 : i32
        %dma_start3A_346 = tpu.memref_slice %arg16[%dma_start3A_344, %dma_start3A_345] : memref<10240x128xf32, #tpu.memory_space<vmem_shared>> -> memref<10240x128xf32, #tpu.memory_space<vmem_shared>>
        tpu.enqueue_indirect_dma source(%arg9 : memref<128x128xf32, #tpu.memory_space<vmem>>) target(%dma_start3A_346 : memref<10240x128xf32, #tpu.memory_space<vmem_shared>>) offsets(%arg13 : memref<128xi32, #tpu.memory_space<vmem>>) semaphore(%run_scoped3A : memref<!tpu.dma_semaphore, #tpu.memory_space<semaphore_mem>>) {add = true}
        %dma_wait3A_347 = arith.constant 0 : i32
        %dma_wait3A_348 = arith.constant 0 : i32
        %dma_wait3A_349 = tpu.memref_slice %arg16[%dma_wait3A_347, %dma_wait3A_348] : memref<10240x128xf32, #tpu.memory_space<vmem_shared>> -> memref<10240x128xf32, #tpu.memory_space<vmem_shared>>
        tpu.wait_indirect_dma semaphore(%run_scoped3A : memref<!tpu.dma_semaphore, #tpu.memory_space<semaphore_mem>>) src(%arg9 : memref<128x128xf32, #tpu.memory_space<vmem>>) dst(%dma_wait3A_349 : memref<10240x128xf32, #tpu.memory_space<vmem_shared>>)
        tpu.yield
      }) : () -> ()
      %add3A_336 = arith.constant 1 : i32
      %add3A_337 = arith.addi %scan3A_181, %add3A_336 : i32
      %lt3A_338 = arith.constant 40 : i32
      %lt3A_339 = arith.cmpi slt, %add3A_337, %lt3A_338 : i32
      %convert_element_type3A_340 = arith.extui %lt3A_339 : i1 to i32
      %cond3A_341 = arith.constant 0 : i32
      %cond3A_342 = arith.cmpi ne, %convert_element_type3A_340, %cond3A_341 : i32
      scf.if %cond3A_342 {
        %add3A_344 = arith.constant 1 : i32
        %add3A_345 = arith.addi %scan3A_181, %add3A_344 : i32
        %get3A_346 = arith.index_cast %add3A_345 : i32 to index
        %get3A_347 = arith.constant 64 : index
        %get3A_348 = tpu.vector_load %arg6[%get3A_346, %get3A_347] {strides = array<i32>} : memref<40x128xi32, #tpu.memory_space<vmem>>, vector<1x16xi32>,
        %get3A_349 = vector.shape_cast %get3A_348 : vector<1x16xi32> to vector<16xi32>
        %and3A_350 = arith.constant 65535 : i32
        %and3A_351 = vector.broadcast %and3A_350 : i32 to vector<16xi32>
        %and3A_352 = arith.andi %get3A_349, %and3A_351 : vector<16xi32>
        %swap3A_353 = arith.constant 0 : index
        %swap3A_354 = tpu.vector_load %arg12[%swap3A_353] {strides = array<i32>} : memref<128xi32, #tpu.memory_space<vmem>>, vector<16xi32>,
        %swap3A_355 = vector.shape_cast %swap3A_354 : vector<16xi32> to vector<16xi32>
        %swap3A_356 = vector.shape_cast %and3A_352 : vector<16xi32> to vector<16xi32>
        tpu.vector_store %arg12[%swap3A_353], %swap3A_356 {strides = array<i32>} : memref<128xi32, #tpu.memory_space<vmem>>, vector<16xi32>,
        %shift_right_logical3A_357 = arith.constant 16 : i32
        %shift_right_logical3A_358 = vector.broadcast %shift_right_logical3A_357 : i32 to vector<16xi32>
        %shift_right_logical3A_359 = arith.shrui %get3A_349, %shift_right_logical3A_358 : vector<16xi32>
        %swap3A_360 = arith.constant 16 : index
        %swap3A_361 = tpu.vector_load %arg12[%swap3A_360] {strides = array<i32>} : memref<128xi32, #tpu.memory_space<vmem>>, vector<16xi32>,
        %swap3A_362 = vector.shape_cast %swap3A_361 : vector<16xi32> to vector<16xi32>
        %swap3A_363 = vector.shape_cast %shift_right_logical3A_359 : vector<16xi32> to vector<16xi32>
        tpu.vector_store %arg12[%swap3A_360], %swap3A_363 {strides = array<i32>} : memref<128xi32, #tpu.memory_space<vmem>>, vector<16xi32>,
        %get3A_364 = arith.index_cast %add3A_345 : i32 to index
        %get3A_365 = arith.constant 80 : index
        %get3A_366 = tpu.vector_load %arg6[%get3A_364, %get3A_365] {strides = array<i32>} : memref<40x128xi32, #tpu.memory_space<vmem>>, vector<1x16xi32>,
        %get3A_367 = vector.shape_cast %get3A_366 : vector<1x16xi32> to vector<16xi32>
        %and3A_368 = arith.constant 65535 : i32
        %and3A_369 = vector.broadcast %and3A_368 : i32 to vector<16xi32>
        %and3A_370 = arith.andi %get3A_367, %and3A_369 : vector<16xi32>
        %swap3A_371 = arith.constant 32 : index
        %swap3A_372 = tpu.vector_load %arg12[%swap3A_371] {strides = array<i32>} : memref<128xi32, #tpu.memory_space<vmem>>, vector<16xi32>,
        %swap3A_373 = vector.shape_cast %swap3A_372 : vector<16xi32> to vector<16xi32>
        %swap3A_374 = vector.shape_cast %and3A_370 : vector<16xi32> to vector<16xi32>
        tpu.vector_store %arg12[%swap3A_371], %swap3A_374 {strides = array<i32>} : memref<128xi32, #tpu.memory_space<vmem>>, vector<16xi32>,
        %shift_right_logical3A_375 = arith.constant 16 : i32
        %shift_right_logical3A_376 = vector.broadcast %shift_right_logical3A_375 : i32 to vector<16xi32>
        %shift_right_logical3A_377 = arith.shrui %get3A_367, %shift_right_logical3A_376 : vector<16xi32>
        %swap3A_378 = arith.constant 48 : index
        %swap3A_379 = tpu.vector_load %arg12[%swap3A_378] {strides = array<i32>} : memref<128xi32, #tpu.memory_space<vmem>>, vector<16xi32>,
        %swap3A_380 = vector.shape_cast %swap3A_379 : vector<16xi32> to vector<16xi32>
        %swap3A_381 = vector.shape_cast %shift_right_logical3A_377 : vector<16xi32> to vector<16xi32>
        tpu.vector_store %arg12[%swap3A_378], %swap3A_381 {strides = array<i32>} : memref<128xi32, #tpu.memory_space<vmem>>, vector<16xi32>,
        %get3A_382 = arith.index_cast %add3A_345 : i32 to index
        %get3A_383 = arith.constant 96 : index
        %get3A_384 = tpu.vector_load %arg6[%get3A_382, %get3A_383] {strides = array<i32>} : memref<40x128xi32, #tpu.memory_space<vmem>>, vector<1x16xi32>,
        %get3A_385 = vector.shape_cast %get3A_384 : vector<1x16xi32> to vector<16xi32>
        %and3A_386 = arith.constant 65535 : i32
        %and3A_387 = vector.broadcast %and3A_386 : i32 to vector<16xi32>
        %and3A_388 = arith.andi %get3A_385, %and3A_387 : vector<16xi32>
        %swap3A_389 = arith.constant 64 : index
        %swap3A_390 = tpu.vector_load %arg12[%swap3A_389] {strides = array<i32>} : memref<128xi32, #tpu.memory_space<vmem>>, vector<16xi32>,
        %swap3A_391 = vector.shape_cast %swap3A_390 : vector<16xi32> to vector<16xi32>
        %swap3A_392 = vector.shape_cast %and3A_388 : vector<16xi32> to vector<16xi32>
        tpu.vector_store %arg12[%swap3A_389], %swap3A_392 {strides = array<i32>} : memref<128xi32, #tpu.memory_space<vmem>>, vector<16xi32>,
        %shift_right_logical3A_393 = arith.constant 16 : i32
        %shift_right_logical3A_394 = vector.broadcast %shift_right_logical3A_393 : i32 to vector<16xi32>
        %shift_right_logical3A_395 = arith.shrui %get3A_385, %shift_right_logical3A_394 : vector<16xi32>
        %swap3A_396 = arith.constant 80 : index
        %swap3A_397 = tpu.vector_load %arg12[%swap3A_396] {strides = array<i32>} : memref<128xi32, #tpu.memory_space<vmem>>, vector<16xi32>,
        %swap3A_398 = vector.shape_cast %swap3A_397 : vector<16xi32> to vector<16xi32>
        %swap3A_399 = vector.shape_cast %shift_right_logical3A_395 : vector<16xi32> to vector<16xi32>
        tpu.vector_store %arg12[%swap3A_396], %swap3A_399 {strides = array<i32>} : memref<128xi32, #tpu.memory_space<vmem>>, vector<16xi32>,
        %get3A_400 = arith.index_cast %add3A_345 : i32 to index
        %get3A_401 = arith.constant 112 : index
        %get3A_402 = tpu.vector_load %arg6[%get3A_400, %get3A_401] {strides = array<i32>} : memref<40x128xi32, #tpu.memory_space<vmem>>, vector<1x16xi32>,
        %get3A_403 = vector.shape_cast %get3A_402 : vector<1x16xi32> to vector<16xi32>
        %and3A_404 = arith.constant 65535 : i32
        %and3A_405 = vector.broadcast %and3A_404 : i32 to vector<16xi32>
        %and3A_406 = arith.andi %get3A_403, %and3A_405 : vector<16xi32>
        %swap3A_407 = arith.constant 96 : index
        %swap3A_408 = tpu.vector_load %arg12[%swap3A_407] {strides = array<i32>} : memref<128xi32, #tpu.memory_space<vmem>>, vector<16xi32>,
        %swap3A_409 = vector.shape_cast %swap3A_408 : vector<16xi32> to vector<16xi32>
        %swap3A_410 = vector.shape_cast %and3A_406 : vector<16xi32> to vector<16xi32>
        tpu.vector_store %arg12[%swap3A_407], %swap3A_410 {strides = array<i32>} : memref<128xi32, #tpu.memory_space<vmem>>, vector<16xi32>,
        %shift_right_logical3A_411 = arith.constant 16 : i32
        %shift_right_logical3A_412 = vector.broadcast %shift_right_logical3A_411 : i32 to vector<16xi32>
        %shift_right_logical3A_413 = arith.shrui %get3A_403, %shift_right_logical3A_412 : vector<16xi32>
        %swap3A_414 = arith.constant 112 : index
        %swap3A_415 = tpu.vector_load %arg12[%swap3A_414] {strides = array<i32>} : memref<128xi32, #tpu.memory_space<vmem>>, vector<16xi32>,
        %swap3A_416 = vector.shape_cast %swap3A_415 : vector<16xi32> to vector<16xi32>
        %swap3A_417 = vector.shape_cast %shift_right_logical3A_413 : vector<16xi32> to vector<16xi32>
        tpu.vector_store %arg12[%swap3A_414], %swap3A_417 {strides = array<i32>} : memref<128xi32, #tpu.memory_space<vmem>>, vector<16xi32>,
        %dma_start3A_418 = arith.constant 0 : i32
        %dma_start3A_419 = arith.constant 0 : i32
        %dma_start3A_420 = tpu.memref_slice %arg2[%dma_start3A_418, %dma_start3A_419] : memref<10240x128xf32, #tpu.memory_space<hbm>> -> memref<10240x128xf32, #tpu.memory_space<hbm>>
        tpu.enqueue_indirect_dma source(%dma_start3A_420 : memref<10240x128xf32, #tpu.memory_space<hbm>>) target(%arg9 : memref<128x128xf32, #tpu.memory_space<vmem>>) offsets(%arg12 : memref<128xi32, #tpu.memory_space<vmem>>) semaphore(%arg15 : memref<!tpu.dma_semaphore, #tpu.memory_space<semaphore_mem>>)
      } else {
      }
      %scan3A_343 = arith.constant 0 : i32
      scf.yield %scan3A_343 : i32
    }
    %scan3A_175 = arith.constant 40 : i32
    %barrier3A_176 = arith.constant 0 : index
    tpu.barrier barrier_id(%barrier3A_176)
    %mul3A_177 = arith.constant 640 : i32
    %mul3A_178 = arith.muli %arg1, %mul3A_177 : i32
    %mul3A_179 = arith.constant 640 : i32
    %mul3A_180 = arith.muli %arg1, %mul3A_179 : i32
    "tpu.region"() ({
      %run_scoped3A = tpu.sem_alloc : memref<!tpu.dma_semaphore, #tpu.memory_space<semaphore_mem>>
      %dma_start3A_181 = arith.constant 0 : i32
      %dma_start3A_182 = tpu.memref_slice %arg5[%arg0, %mul3A_180, %dma_start3A_181] : memref<2x10240x128xf32, #tpu.memory_space<hbm>> -> memref<1x640x128xf32, #tpu.memory_space<hbm>>
      %dma_start3A_183 = tpu.memref_squeeze %dma_start3A_182 : memref<1x640x128xf32, #tpu.memory_space<hbm>> -> memref<640x128xf32, #tpu.memory_space<hbm>>
      %dma_start3A_184 = arith.constant 0 : i32
      %dma_start3A_185 = tpu.memref_slice %arg16[%mul3A_178, %dma_start3A_184] : memref<10240x128xf32, #tpu.memory_space<vmem_shared>> -> memref<640x128xf32, #tpu.memory_space<vmem_shared>>
      tpu.enqueue_dma source(%dma_start3A_185 : memref<640x128xf32, #tpu.memory_space<vmem_shared>>) target(%dma_start3A_183 : memref<640x128xf32, #tpu.memory_space<hbm>>) target_semaphore(%run_scoped3A : memref<!tpu.dma_semaphore, #tpu.memory_space<semaphore_mem>>)
      %dma_wait3A = arith.constant 0 : i32
      %dma_wait3A_186 = tpu.memref_slice %arg5[%arg0, %mul3A_180, %dma_wait3A] : memref<2x10240x128xf32, #tpu.memory_space<hbm>> -> memref<1x640x128xf32, #tpu.memory_space<hbm>>
      %dma_wait3A_187 = tpu.memref_squeeze %dma_wait3A_186 : memref<1x640x128xf32, #tpu.memory_space<hbm>> -> memref<640x128xf32, #tpu.memory_space<hbm>>
      %dma_wait3A_188 = arith.constant 0 : i32
      %dma_wait3A_189 = tpu.memref_slice %arg16[%mul3A_178, %dma_wait3A_188] : memref<10240x128xf32, #tpu.memory_space<vmem_shared>> -> memref<640x128xf32, #tpu.memory_space<vmem_shared>>
      tpu.wait_dma2 semaphore(%run_scoped3A : memref<!tpu.dma_semaphore, #tpu.memory_space<semaphore_mem>>) src(%dma_wait3A_189 : memref<640x128xf32, #tpu.memory_space<vmem_shared>>) dst(%dma_wait3A_187 : memref<640x128xf32, #tpu.memory_space<hbm>>)
      tpu.yield
    }) : () -> ()
    return
  }
}

#map = affine_map<(d0, d1) -> (0, 0)>
#map1 = affine_map<(d0, d1) -> (0, 0, 0)>
module attributes {stable_mosaic.version = 14 : i64} {
  func.func @_segsum_body(%arg0: i32, %arg1: i32, %arg2: memref<10240x128xf32, #tpu.memory_space<hbm>>, %arg3: memref<1280x128xi32, #tpu.memory_space<hbm>>, %arg4: memref<1280x128xi32, #tpu.memory_space<hbm>>, %arg5: memref<2x10240x128xf32, #tpu.memory_space<hbm>>, %arg6: memref<40x128xi32, #tpu.memory_space<vmem>>, %arg7: memref<40x128xi32, #tpu.memory_space<vmem>>, %arg8: memref<128x128xf32, #tpu.memory_space<vmem>>, %arg9: memref<128x128xf32, #tpu.memory_space<vmem>>, %arg10: memref<16x128xf32, #tpu.memory_space<vmem>>, %arg11: memref<128xi32, #tpu.memory_space<vmem>>, %arg12: memref<128xi32, #tpu.memory_space<vmem>>, %arg13: memref<128xi32, #tpu.memory_space<vmem>>, %arg14: memref<!tpu.dma_semaphore, #tpu.memory_space<semaphore_mem>>, %arg15: memref<!tpu.dma_semaphore, #tpu.memory_space<semaphore_mem>>, %arg16: memref<10240x128xf32, #tpu.memory_space<vmem_shared>>) attributes {dimension_semantics = [#tpu.dimension_semantics<core_parallel>, #tpu.dimension_semantics<subcore_parallel>], iteration_bounds = array<i64: 2, 16>, scalar_prefetch = 0 : i64, scratch_operands = 11 : i64, tpu.core_type = #tpu.core_type<sc_vector_subcore>, window_params = [{transform_indices = #map}, {transform_indices = #map}, {transform_indices = #map}, {transform_indices = #map1}]} {
    %mul3A = arith.constant 16 : i32
    %mul3A_0 = arith.muli %arg0, %mul3A : i32
    %add3A = arith.addi %mul3A_0, %arg1 : i32
    %mul3A_1 = arith.constant 40 : i32
    %mul3A_2 = arith.muli %add3A, %mul3A_1 : i32
    "tpu.region"() ({
      %run_scoped3A = tpu.sem_alloc : memref<!tpu.dma_semaphore, #tpu.memory_space<semaphore_mem>>
      %dma_start3A_181 = arith.constant 0 : i32
      %dma_start3A_182 = tpu.memref_slice %arg3[%mul3A_2, %dma_start3A_181] : memref<1280x128xi32, #tpu.memory_space<hbm>> -> memref<40x128xi32, #tpu.memory_space<hbm>>
      %dma_start3A_183 = arith.constant 0 : i32
      %dma_start3A_184 = tpu.memref_slice %arg3[%mul3A_2, %dma_start3A_183] : memref<1280x128xi32, #tpu.memory_space<hbm>> -> memref<40x128xi32, #tpu.memory_space<hbm>>
      tpu.enqueue_dma source(%dma_start3A_184 : memref<40x128xi32, #tpu.memory_space<hbm>>) target(%arg6 : memref<40x128xi32, #tpu.memory_space<vmem>>) target_semaphore(%run_scoped3A : memref<!tpu.dma_semaphore, #tpu.memory_space<semaphore_mem>>)
      %dma_wait3A = arith.constant 0 : i32
      %dma_wait3A_185 = tpu.memref_slice %arg3[%mul3A_2, %dma_wait3A] : memref<1280x128xi32, #tpu.memory_space<hbm>> -> memref<40x128xi32, #tpu.memory_space<hbm>>
      %dma_wait3A_186 = arith.constant 0 : i32
      %dma_wait3A_187 = tpu.memref_slice %arg3[%mul3A_2, %dma_wait3A_186] : memref<1280x128xi32, #tpu.memory_space<hbm>> -> memref<40x128xi32, #tpu.memory_space<hbm>>
      tpu.wait_dma2 semaphore(%run_scoped3A : memref<!tpu.dma_semaphore, #tpu.memory_space<semaphore_mem>>) src(%dma_wait3A_187 : memref<40x128xi32, #tpu.memory_space<hbm>>) dst(%arg6 : memref<40x128xi32, #tpu.memory_space<vmem>>)
      tpu.yield
    }) : () -> ()
    "tpu.region"() ({
      %run_scoped3A = tpu.sem_alloc : memref<!tpu.dma_semaphore, #tpu.memory_space<semaphore_mem>>
      %dma_start3A_181 = arith.constant 0 : i32
      %dma_start3A_182 = tpu.memref_slice %arg4[%mul3A_2, %dma_start3A_181] : memref<1280x128xi32, #tpu.memory_space<hbm>> -> memref<40x128xi32, #tpu.memory_space<hbm>>
      %dma_start3A_183 = arith.constant 0 : i32
      %dma_start3A_184 = tpu.memref_slice %arg4[%mul3A_2, %dma_start3A_183] : memref<1280x128xi32, #tpu.memory_space<hbm>> -> memref<40x128xi32, #tpu.memory_space<hbm>>
      tpu.enqueue_dma source(%dma_start3A_184 : memref<40x128xi32, #tpu.memory_space<hbm>>) target(%arg7 : memref<40x128xi32, #tpu.memory_space<vmem>>) target_semaphore(%run_scoped3A : memref<!tpu.dma_semaphore, #tpu.memory_space<semaphore_mem>>)
      %dma_wait3A = arith.constant 0 : i32
      %dma_wait3A_185 = tpu.memref_slice %arg4[%mul3A_2, %dma_wait3A] : memref<1280x128xi32, #tpu.memory_space<hbm>> -> memref<40x128xi32, #tpu.memory_space<hbm>>
      %dma_wait3A_186 = arith.constant 0 : i32
      %dma_wait3A_187 = tpu.memref_slice %arg4[%mul3A_2, %dma_wait3A_186] : memref<1280x128xi32, #tpu.memory_space<hbm>> -> memref<40x128xi32, #tpu.memory_space<hbm>>
      tpu.wait_dma2 semaphore(%run_scoped3A : memref<!tpu.dma_semaphore, #tpu.memory_space<semaphore_mem>>) src(%dma_wait3A_187 : memref<40x128xi32, #tpu.memory_space<hbm>>) dst(%arg7 : memref<40x128xi32, #tpu.memory_space<vmem>>)
      tpu.yield
    }) : () -> ()
    %get3A = arith.constant 0 : i32
    %get3A_3 = arith.index_cast %get3A : i32 to index
    %get3A_4 = arith.constant 0 : index
    %get3A_5 = tpu.vector_load %arg6[%get3A_3, %get3A_4] {strides = array<i32>} : memref<40x128xi32, #tpu.memory_space<vmem>>, vector<1x16xi32>,
    %get3A_6 = vector.shape_cast %get3A_5 : vector<1x16xi32> to vector<16xi32>
    %and3A = arith.constant 65535 : i32
    %and3A_7 = vector.broadcast %and3A : i32 to vector<16xi32>
    %and3A_8 = arith.andi %get3A_6, %and3A_7 : vector<16xi32>
    %swap3A = arith.constant 0 : index
    %swap3A_9 = tpu.vector_load %arg11[%swap3A] {strides = array<i32>} : memref<128xi32, #tpu.memory_space<vmem>>, vector<16xi32>,
    %swap3A_10 = vector.shape_cast %swap3A_9 : vector<16xi32> to vector<16xi32>
    %swap3A_11 = vector.shape_cast %and3A_8 : vector<16xi32> to vector<16xi32>
    tpu.vector_store %arg11[%swap3A], %swap3A_11 {strides = array<i32>} : memref<128xi32, #tpu.memory_space<vmem>>, vector<16xi32>,
    %shift_right_logical3A = arith.constant 16 : i32
    %shift_right_logical3A_12 = vector.broadcast %shift_right_logical3A : i32 to vector<16xi32>
    %shift_right_logical3A_13 = arith.shrui %get3A_6, %shift_right_logical3A_12 : vector<16xi32>
    %swap3A_14 = arith.constant 16 : index
    %swap3A_15 = tpu.vector_load %arg11[%swap3A_14] {strides = array<i32>} : memref<128xi32, #tpu.memory_space<vmem>>, vector<16xi32>,
    %swap3A_16 = vector.shape_cast %swap3A_15 : vector<16xi32> to vector<16xi32>
    %swap3A_17 = vector.shape_cast %shift_right_logical3A_13 : vector<16xi32> to vector<16xi32>
    tpu.vector_store %arg11[%swap3A_14], %swap3A_17 {strides = array<i32>} : memref<128xi32, #tpu.memory_space<vmem>>, vector<16xi32>,
    %get3A_18 = arith.constant 0 : i32
    %get3A_19 = arith.index_cast %get3A_18 : i32 to index
    %get3A_20 = arith.constant 16 : index
    %get3A_21 = tpu.vector_load %arg6[%get3A_19, %get3A_20] {strides = array<i32>} : memref<40x128xi32, #tpu.memory_space<vmem>>, vector<1x16xi32>,
    %get3A_22 = vector.shape_cast %get3A_21 : vector<1x16xi32> to vector<16xi32>
    %and3A_23 = arith.constant 65535 : i32
    %and3A_24 = vector.broadcast %and3A_23 : i32 to vector<16xi32>
    %and3A_25 = arith.andi %get3A_22, %and3A_24 : vector<16xi32>
    %swap3A_26 = arith.constant 32 : index
    %swap3A_27 = tpu.vector_load %arg11[%swap3A_26] {strides = array<i32>} : memref<128xi32, #tpu.memory_space<vmem>>, vector<16xi32>,
    %swap3A_28 = vector.shape_cast %swap3A_27 : vector<16xi32> to vector<16xi32>
    %swap3A_29 = vector.shape_cast %and3A_25 : vector<16xi32> to vector<16xi32>
    tpu.vector_store %arg11[%swap3A_26], %swap3A_29 {strides = array<i32>} : memref<128xi32, #tpu.memory_space<vmem>>, vector<16xi32>,
    %shift_right_logical3A_30 = arith.constant 16 : i32
    %shift_right_logical3A_31 = vector.broadcast %shift_right_logical3A_30 : i32 to vector<16xi32>
    %shift_right_logical3A_32 = arith.shrui %get3A_22, %shift_right_logical3A_31 : vector<16xi32>
    %swap3A_33 = arith.constant 48 : index
    %swap3A_34 = tpu.vector_load %arg11[%swap3A_33] {strides = array<i32>} : memref<128xi32, #tpu.memory_space<vmem>>, vector<16xi32>,
    %swap3A_35 = vector.shape_cast %swap3A_34 : vector<16xi32> to vector<16xi32>
    %swap3A_36 = vector.shape_cast %shift_right_logical3A_32 : vector<16xi32> to vector<16xi32>
    tpu.vector_store %arg11[%swap3A_33], %swap3A_36 {strides = array<i32>} : memref<128xi32, #tpu.memory_space<vmem>>, vector<16xi32>,
    %get3A_37 = arith.constant 0 : i32
    %get3A_38 = arith.index_cast %get3A_37 : i32 to index
    %get3A_39 = arith.constant 32 : index
    %get3A_40 = tpu.vector_load %arg6[%get3A_38, %get3A_39] {strides = array<i32>} : memref<40x128xi32, #tpu.memory_space<vmem>>, vector<1x16xi32>,
    %get3A_41 = vector.shape_cast %get3A_40 : vector<1x16xi32> to vector<16xi32>
    %and3A_42 = arith.constant 65535 : i32
    %and3A_43 = vector.broadcast %and3A_42 : i32 to vector<16xi32>
    %and3A_44 = arith.andi %get3A_41, %and3A_43 : vector<16xi32>
    %swap3A_45 = arith.constant 64 : index
    %swap3A_46 = tpu.vector_load %arg11[%swap3A_45] {strides = array<i32>} : memref<128xi32, #tpu.memory_space<vmem>>, vector<16xi32>,
    %swap3A_47 = vector.shape_cast %swap3A_46 : vector<16xi32> to vector<16xi32>
    %swap3A_48 = vector.shape_cast %and3A_44 : vector<16xi32> to vector<16xi32>
    tpu.vector_store %arg11[%swap3A_45], %swap3A_48 {strides = array<i32>} : memref<128xi32, #tpu.memory_space<vmem>>, vector<16xi32>,
    %shift_right_logical3A_49 = arith.constant 16 : i32
    %shift_right_logical3A_50 = vector.broadcast %shift_right_logical3A_49 : i32 to vector<16xi32>
    %shift_right_logical3A_51 = arith.shrui %get3A_41, %shift_right_logical3A_50 : vector<16xi32>
    %swap3A_52 = arith.constant 80 : index
    %swap3A_53 = tpu.vector_load %arg11[%swap3A_52] {strides = array<i32>} : memref<128xi32, #tpu.memory_space<vmem>>, vector<16xi32>,
    %swap3A_54 = vector.shape_cast %swap3A_53 : vector<16xi32> to vector<16xi32>
    %swap3A_55 = vector.shape_cast %shift_right_logical3A_51 : vector<16xi32> to vector<16xi32>
    tpu.vector_store %arg11[%swap3A_52], %swap3A_55 {strides = array<i32>} : memref<128xi32, #tpu.memory_space<vmem>>, vector<16xi32>,
    %get3A_56 = arith.constant 0 : i32
    %get3A_57 = arith.index_cast %get3A_56 : i32 to index
    %get3A_58 = arith.constant 48 : index
    %get3A_59 = tpu.vector_load %arg6[%get3A_57, %get3A_58] {strides = array<i32>} : memref<40x128xi32, #tpu.memory_space<vmem>>, vector<1x16xi32>,
    %get3A_60 = vector.shape_cast %get3A_59 : vector<1x16xi32> to vector<16xi32>
    %and3A_61 = arith.constant 65535 : i32
    %and3A_62 = vector.broadcast %and3A_61 : i32 to vector<16xi32>
    %and3A_63 = arith.andi %get3A_60, %and3A_62 : vector<16xi32>
    %swap3A_64 = arith.constant 96 : index
    %swap3A_65 = tpu.vector_load %arg11[%swap3A_64] {strides = array<i32>} : memref<128xi32, #tpu.memory_space<vmem>>, vector<16xi32>,
    %swap3A_66 = vector.shape_cast %swap3A_65 : vector<16xi32> to vector<16xi32>
    %swap3A_67 = vector.shape_cast %and3A_63 : vector<16xi32> to vector<16xi32>
    tpu.vector_store %arg11[%swap3A_64], %swap3A_67 {strides = array<i32>} : memref<128xi32, #tpu.memory_space<vmem>>, vector<16xi32>,
    %shift_right_logical3A_68 = arith.constant 16 : i32
    %shift_right_logical3A_69 = vector.broadcast %shift_right_logical3A_68 : i32 to vector<16xi32>
    %shift_right_logical3A_70 = arith.shrui %get3A_60, %shift_right_logical3A_69 : vector<16xi32>
    %swap3A_71 = arith.constant 112 : index
    %swap3A_72 = tpu.vector_load %arg11[%swap3A_71] {strides = array<i32>} : memref<128xi32, #tpu.memory_space<vmem>>, vector<16xi32>,
    %swap3A_73 = vector.shape_cast %swap3A_72 : vector<16xi32> to vector<16xi32>
    %swap3A_74 = vector.shape_cast %shift_right_logical3A_70 : vector<16xi32> to vector<16xi32>
    tpu.vector_store %arg11[%swap3A_71], %swap3A_74 {strides = array<i32>} : memref<128xi32, #tpu.memory_space<vmem>>, vector<16xi32>,
    %dma_start3A = arith.constant 0 : i32
    %dma_start3A_75 = arith.constant 0 : i32
    %dma_start3A_76 = tpu.memref_slice %arg2[%dma_start3A, %dma_start3A_75] : memref<10240x128xf32, #tpu.memory_space<hbm>> -> memref<10240x128xf32, #tpu.memory_space<hbm>>
    tpu.enqueue_indirect_dma source(%dma_start3A_76 : memref<10240x128xf32, #tpu.memory_space<hbm>>) target(%arg8 : memref<128x128xf32, #tpu.memory_space<vmem>>) offsets(%arg11 : memref<128xi32, #tpu.memory_space<vmem>>) semaphore(%arg14 : memref<!tpu.dma_semaphore, #tpu.memory_space<semaphore_mem>>)
    %get3A_77 = arith.constant 0 : i32
    %get3A_78 = arith.index_cast %get3A_77 : i32 to index
    %get3A_79 = arith.constant 64 : index
    %get3A_80 = tpu.vector_load %arg6[%get3A_78, %get3A_79] {strides = array<i32>} : memref<40x128xi32, #tpu.memory_space<vmem>>, vector<1x16xi32>,
    %get3A_81 = vector.shape_cast %get3A_80 : vector<1x16xi32> to vector<16xi32>
    %and3A_82 = arith.constant 65535 : i32
    %and3A_83 = vector.broadcast %and3A_82 : i32 to vector<16xi32>
    %and3A_84 = arith.andi %get3A_81, %and3A_83 : vector<16xi32>
    %swap3A_85 = arith.constant 0 : index
    %swap3A_86 = tpu.vector_load %arg12[%swap3A_85] {strides = array<i32>} : memref<128xi32, #tpu.memory_space<vmem>>, vector<16xi32>,
    %swap3A_87 = vector.shape_cast %swap3A_86 : vector<16xi32> to vector<16xi32>
    %swap3A_88 = vector.shape_cast %and3A_84 : vector<16xi32> to vector<16xi32>
    tpu.vector_store %arg12[%swap3A_85], %swap3A_88 {strides = array<i32>} : memref<128xi32, #tpu.memory_space<vmem>>, vector<16xi32>,
    %shift_right_logical3A_89 = arith.constant 16 : i32
    %shift_right_logical3A_90 = vector.broadcast %shift_right_logical3A_89 : i32 to vector<16xi32>
    %shift_right_logical3A_91 = arith.shrui %get3A_81, %shift_right_logical3A_90 : vector<16xi32>
    %swap3A_92 = arith.constant 16 : index
    %swap3A_93 = tpu.vector_load %arg12[%swap3A_92] {strides = array<i32>} : memref<128xi32, #tpu.memory_space<vmem>>, vector<16xi32>,
    %swap3A_94 = vector.shape_cast %swap3A_93 : vector<16xi32> to vector<16xi32>
    %swap3A_95 = vector.shape_cast %shift_right_logical3A_91 : vector<16xi32> to vector<16xi32>
    tpu.vector_store %arg12[%swap3A_92], %swap3A_95 {strides = array<i32>} : memref<128xi32, #tpu.memory_space<vmem>>, vector<16xi32>,
    %get3A_96 = arith.constant 0 : i32
    %get3A_97 = arith.index_cast %get3A_96 : i32 to index
    %get3A_98 = arith.constant 80 : index
    %get3A_99 = tpu.vector_load %arg6[%get3A_97, %get3A_98] {strides = array<i32>} : memref<40x128xi32, #tpu.memory_space<vmem>>, vector<1x16xi32>,
    %get3A_100 = vector.shape_cast %get3A_99 : vector<1x16xi32> to vector<16xi32>
    %and3A_101 = arith.constant 65535 : i32
    %and3A_102 = vector.broadcast %and3A_101 : i32 to vector<16xi32>
    %and3A_103 = arith.andi %get3A_100, %and3A_102 : vector<16xi32>
    %swap3A_104 = arith.constant 32 : index
    %swap3A_105 = tpu.vector_load %arg12[%swap3A_104] {strides = array<i32>} : memref<128xi32, #tpu.memory_space<vmem>>, vector<16xi32>,
    %swap3A_106 = vector.shape_cast %swap3A_105 : vector<16xi32> to vector<16xi32>
    %swap3A_107 = vector.shape_cast %and3A_103 : vector<16xi32> to vector<16xi32>
    tpu.vector_store %arg12[%swap3A_104], %swap3A_107 {strides = array<i32>} : memref<128xi32, #tpu.memory_space<vmem>>, vector<16xi32>,
    %shift_right_logical3A_108 = arith.constant 16 : i32
    %shift_right_logical3A_109 = vector.broadcast %shift_right_logical3A_108 : i32 to vector<16xi32>
    %shift_right_logical3A_110 = arith.shrui %get3A_100, %shift_right_logical3A_109 : vector<16xi32>
    %swap3A_111 = arith.constant 48 : index
    %swap3A_112 = tpu.vector_load %arg12[%swap3A_111] {strides = array<i32>} : memref<128xi32, #tpu.memory_space<vmem>>, vector<16xi32>,
    %swap3A_113 = vector.shape_cast %swap3A_112 : vector<16xi32> to vector<16xi32>
    %swap3A_114 = vector.shape_cast %shift_right_logical3A_110 : vector<16xi32> to vector<16xi32>
    tpu.vector_store %arg12[%swap3A_111], %swap3A_114 {strides = array<i32>} : memref<128xi32, #tpu.memory_space<vmem>>, vector<16xi32>,
    %get3A_115 = arith.constant 0 : i32
    %get3A_116 = arith.index_cast %get3A_115 : i32 to index
    %get3A_117 = arith.constant 96 : index
    %get3A_118 = tpu.vector_load %arg6[%get3A_116, %get3A_117] {strides = array<i32>} : memref<40x128xi32, #tpu.memory_space<vmem>>, vector<1x16xi32>,
    %get3A_119 = vector.shape_cast %get3A_118 : vector<1x16xi32> to vector<16xi32>
    %and3A_120 = arith.constant 65535 : i32
    %and3A_121 = vector.broadcast %and3A_120 : i32 to vector<16xi32>
    %and3A_122 = arith.andi %get3A_119, %and3A_121 : vector<16xi32>
    %swap3A_123 = arith.constant 64 : index
    %swap3A_124 = tpu.vector_load %arg12[%swap3A_123] {strides = array<i32>} : memref<128xi32, #tpu.memory_space<vmem>>, vector<16xi32>,
    %swap3A_125 = vector.shape_cast %swap3A_124 : vector<16xi32> to vector<16xi32>
    %swap3A_126 = vector.shape_cast %and3A_122 : vector<16xi32> to vector<16xi32>
    tpu.vector_store %arg12[%swap3A_123], %swap3A_126 {strides = array<i32>} : memref<128xi32, #tpu.memory_space<vmem>>, vector<16xi32>,
    %shift_right_logical3A_127 = arith.constant 16 : i32
    %shift_right_logical3A_128 = vector.broadcast %shift_right_logical3A_127 : i32 to vector<16xi32>
    %shift_right_logical3A_129 = arith.shrui %get3A_119, %shift_right_logical3A_128 : vector<16xi32>
    %swap3A_130 = arith.constant 80 : index
    %swap3A_131 = tpu.vector_load %arg12[%swap3A_130] {strides = array<i32>} : memref<128xi32, #tpu.memory_space<vmem>>, vector<16xi32>,
    %swap3A_132 = vector.shape_cast %swap3A_131 : vector<16xi32> to vector<16xi32>
    %swap3A_133 = vector.shape_cast %shift_right_logical3A_129 : vector<16xi32> to vector<16xi32>
    tpu.vector_store %arg12[%swap3A_130], %swap3A_133 {strides = array<i32>} : memref<128xi32, #tpu.memory_space<vmem>>, vector<16xi32>,
    %get3A_134 = arith.constant 0 : i32
    %get3A_135 = arith.index_cast %get3A_134 : i32 to index
    %get3A_136 = arith.constant 112 : index
    %get3A_137 = tpu.vector_load %arg6[%get3A_135, %get3A_136] {strides = array<i32>} : memref<40x128xi32, #tpu.memory_space<vmem>>, vector<1x16xi32>,
    %get3A_138 = vector.shape_cast %get3A_137 : vector<1x16xi32> to vector<16xi32>
    %and3A_139 = arith.constant 65535 : i32
    %and3A_140 = vector.broadcast %and3A_139 : i32 to vector<16xi32>
    %and3A_141 = arith.andi %get3A_138, %and3A_140 : vector<16xi32>
    %swap3A_142 = arith.constant 96 : index
    %swap3A_143 = tpu.vector_load %arg12[%swap3A_142] {strides = array<i32>} : memref<128xi32, #tpu.memory_space<vmem>>, vector<16xi32>,
    %swap3A_144 = vector.shape_cast %swap3A_143 : vector<16xi32> to vector<16xi32>
    %swap3A_145 = vector.shape_cast %and3A_141 : vector<16xi32> to vector<16xi32>
    tpu.vector_store %arg12[%swap3A_142], %swap3A_145 {strides = array<i32>} : memref<128xi32, #tpu.memory_space<vmem>>, vector<16xi32>,
    %shift_right_logical3A_146 = arith.constant 16 : i32
    %shift_right_logical3A_147 = vector.broadcast %shift_right_logical3A_146 : i32 to vector<16xi32>
    %shift_right_logical3A_148 = arith.shrui %get3A_138, %shift_right_logical3A_147 : vector<16xi32>
    %swap3A_149 = arith.constant 112 : index
    %swap3A_150 = tpu.vector_load %arg12[%swap3A_149] {strides = array<i32>} : memref<128xi32, #tpu.memory_space<vmem>>, vector<16xi32>,
    %swap3A_151 = vector.shape_cast %swap3A_150 : vector<16xi32> to vector<16xi32>
    %swap3A_152 = vector.shape_cast %shift_right_logical3A_148 : vector<16xi32> to vector<16xi32>
    tpu.vector_store %arg12[%swap3A_149], %swap3A_152 {strides = array<i32>} : memref<128xi32, #tpu.memory_space<vmem>>, vector<16xi32>,
    %dma_start3A_153 = arith.constant 0 : i32
    %dma_start3A_154 = arith.constant 0 : i32
    %dma_start3A_155 = tpu.memref_slice %arg2[%dma_start3A_153, %dma_start3A_154] : memref<10240x128xf32, #tpu.memory_space<hbm>> -> memref<10240x128xf32, #tpu.memory_space<hbm>>
    tpu.enqueue_indirect_dma source(%dma_start3A_155 : memref<10240x128xf32, #tpu.memory_space<hbm>>) target(%arg9 : memref<128x128xf32, #tpu.memory_space<vmem>>) offsets(%arg12 : memref<128xi32, #tpu.memory_space<vmem>>) semaphore(%arg15 : memref<!tpu.dma_semaphore, #tpu.memory_space<semaphore_mem>>)
    %scan3A = arith.constant 0 : i32
    %scan3A_156 = arith.constant 0 : i32
    %scan3A_157 = arith.constant 16 : i32
    %scan3A_158 = arith.addi %scan3A_156, %scan3A_157 : i32
    %scan3A_159 = arith.constant 1 : i32
    %scan3A_160 = scf.for %scan3A_181 = %scan3A_156 to %scan3A_158 step %scan3A_159 iter_args(%scan3A_182 = %scan3A) -> (i32)  : i32 {
      %broadcast_in_dim3A = arith.constant 0.000000e+00 : f32
      %broadcast_in_dim3A_183 = vector.broadcast %broadcast_in_dim3A : f32 to vector<16xf32>
      %swap3A_184 = arith.index_cast %scan3A_181 : i32 to index
      %swap3A_185 = arith.constant 0 : index
      %swap3A_186 = tpu.vector_load %arg10[%swap3A_184, %swap3A_185] {strides = array<i32>} : memref<16x128xf32, #tpu.memory_space<vmem>>, vector<1x16xf32>,
      %swap3A_187 = vector.shape_cast %swap3A_186 : vector<1x16xf32> to vector<16xf32>
      %swap3A_188 = vector.shape_cast %broadcast_in_dim3A_183 : vector<16xf32> to vector<1x16xf32>
      tpu.vector_store %arg10[%swap3A_184, %swap3A_185], %swap3A_188 {strides = array<i32>} : memref<16x128xf32, #tpu.memory_space<vmem>>, vector<1x16xf32>,
      %broadcast_in_dim3A_189 = arith.constant 0.000000e+00 : f32
      %broadcast_in_dim3A_190 = vector.broadcast %broadcast_in_dim3A_189 : f32 to vector<16xf32>
      %swap3A_191 = arith.index_cast %scan3A_181 : i32 to index
      %swap3A_192 = arith.constant 16 : index
      %swap3A_193 = tpu.vector_load %arg10[%swap3A_191, %swap3A_192] {strides = array<i32>} : memref<16x128xf32, #tpu.memory_space<vmem>>, vector<1x16xf32>,
      %swap3A_194 = vector.shape_cast %swap3A_193 : vector<1x16xf32> to vector<16xf32>
      %swap3A_195 = vector.shape_cast %broadcast_in_dim3A_190 : vector<16xf32> to vector<1x16xf32>
      tpu.vector_store %arg10[%swap3A_191, %swap3A_192], %swap3A_195 {strides = array<i32>} : memref<16x128xf32, #tpu.memory_space<vmem>>, vector<1x16xf32>,
      %broadcast_in_dim3A_196 = arith.constant 0.000000e+00 : f32
      %broadcast_in_dim3A_197 = vector.broadcast %broadcast_in_dim3A_196 : f32 to vector<16xf32>
      %swap3A_198 = arith.index_cast %scan3A_181 : i32 to index
      %swap3A_199 = arith.constant 32 : index
      %swap3A_200 = tpu.vector_load %arg10[%swap3A_198, %swap3A_199] {strides = array<i32>} : memref<16x128xf32, #tpu.memory_space<vmem>>, vector<1x16xf32>,
      %swap3A_201 = vector.shape_cast %swap3A_200 : vector<1x16xf32> to vector<16xf32>
      %swap3A_202 = vector.shape_cast %broadcast_in_dim3A_197 : vector<16xf32> to vector<1x16xf32>
      tpu.vector_store %arg10[%swap3A_198, %swap3A_199], %swap3A_202 {strides = array<i32>} : memref<16x128xf32, #tpu.memory_space<vmem>>, vector<1x16xf32>,
      %broadcast_in_dim3A_203 = arith.constant 0.000000e+00 : f32
      %broadcast_in_dim3A_204 = vector.broadcast %broadcast_in_dim3A_203 : f32 to vector<16xf32>
      %swap3A_205 = arith.index_cast %scan3A_181 : i32 to index
      %swap3A_206 = arith.constant 48 : index
      %swap3A_207 = tpu.vector_load %arg10[%swap3A_205, %swap3A_206] {strides = array<i32>} : memref<16x128xf32, #tpu.memory_space<vmem>>, vector<1x16xf32>,
      %swap3A_208 = vector.shape_cast %swap3A_207 : vector<1x16xf32> to vector<16xf32>
      %swap3A_209 = vector.shape_cast %broadcast_in_dim3A_204 : vector<16xf32> to vector<1x16xf32>
      tpu.vector_store %arg10[%swap3A_205, %swap3A_206], %swap3A_209 {strides = array<i32>} : memref<16x128xf32, #tpu.memory_space<vmem>>, vector<1x16xf32>,
      %broadcast_in_dim3A_210 = arith.constant 0.000000e+00 : f32
      %broadcast_in_dim3A_211 = vector.broadcast %broadcast_in_dim3A_210 : f32 to vector<16xf32>
      %swap3A_212 = arith.index_cast %scan3A_181 : i32 to index
      %swap3A_213 = arith.constant 64 : index
      %swap3A_214 = tpu.vector_load %arg10[%swap3A_212, %swap3A_213] {strides = array<i32>} : memref<16x128xf32, #tpu.memory_space<vmem>>, vector<1x16xf32>,
      %swap3A_215 = vector.shape_cast %swap3A_214 : vector<1x16xf32> to vector<16xf32>
      %swap3A_216 = vector.shape_cast %broadcast_in_dim3A_211 : vector<16xf32> to vector<1x16xf32>
      tpu.vector_store %arg10[%swap3A_212, %swap3A_213], %swap3A_216 {strides = array<i32>} : memref<16x128xf32, #tpu.memory_space<vmem>>, vector<1x16xf32>,
      %broadcast_in_dim3A_217 = arith.constant 0.000000e+00 : f32
      %broadcast_in_dim3A_218 = vector.broadcast %broadcast_in_dim3A_217 : f32 to vector<16xf32>
      %swap3A_219 = arith.index_cast %scan3A_181 : i32 to index
      %swap3A_220 = arith.constant 80 : index
      %swap3A_221 = tpu.vector_load %arg10[%swap3A_219, %swap3A_220] {strides = array<i32>} : memref<16x128xf32, #tpu.memory_space<vmem>>, vector<1x16xf32>,
      %swap3A_222 = vector.shape_cast %swap3A_221 : vector<1x16xf32> to vector<16xf32>
      %swap3A_223 = vector.shape_cast %broadcast_in_dim3A_218 : vector<16xf32> to vector<1x16xf32>
      tpu.vector_store %arg10[%swap3A_219, %swap3A_220], %swap3A_223 {strides = array<i32>} : memref<16x128xf32, #tpu.memory_space<vmem>>, vector<1x16xf32>,
      %broadcast_in_dim3A_224 = arith.constant 0.000000e+00 : f32
      %broadcast_in_dim3A_225 = vector.broadcast %broadcast_in_dim3A_224 : f32 to vector<16xf32>
      %swap3A_226 = arith.index_cast %scan3A_181 : i32 to index
      %swap3A_227 = arith.constant 96 : index
      %swap3A_228 = tpu.vector_load %arg10[%swap3A_226, %swap3A_227] {strides = array<i32>} : memref<16x128xf32, #tpu.memory_space<vmem>>, vector<1x16xf32>,
      %swap3A_229 = vector.shape_cast %swap3A_228 : vector<1x16xf32> to vector<16xf32>
      %swap3A_230 = vector.shape_cast %broadcast_in_dim3A_225 : vector<16xf32> to vector<1x16xf32>
      tpu.vector_store %arg10[%swap3A_226, %swap3A_227], %swap3A_230 {strides = array<i32>} : memref<16x128xf32, #tpu.memory_space<vmem>>, vector<1x16xf32>,
      %broadcast_in_dim3A_231 = arith.constant 0.000000e+00 : f32
      %broadcast_in_dim3A_232 = vector.broadcast %broadcast_in_dim3A_231 : f32 to vector<16xf32>
      %swap3A_233 = arith.index_cast %scan3A_181 : i32 to index
      %swap3A_234 = arith.constant 112 : index
      %swap3A_235 = tpu.vector_load %arg10[%swap3A_233, %swap3A_234] {strides = array<i32>} : memref<16x128xf32, #tpu.memory_space<vmem>>, vector<1x16xf32>,
      %swap3A_236 = vector.shape_cast %swap3A_235 : vector<1x16xf32> to vector<16xf32>
      %swap3A_237 = vector.shape_cast %broadcast_in_dim3A_232 : vector<16xf32> to vector<1x16xf32>
      tpu.vector_store %arg10[%swap3A_233, %swap3A_234], %swap3A_237 {strides = array<i32>} : memref<16x128xf32, #tpu.memory_space<vmem>>, vector<1x16xf32>,
      %scan3A_238 = arith.constant 0 : i32
      scf.yield %scan3A_238 : i32
    }
    %scan3A_161 = arith.constant 16 : i32
    %scan3A_162 = arith.constant 0 : i32
    %scan3A_163 = arith.constant 0 : i32
    %scan3A_164 = arith.constant 40 : i32
    %scan3A_165 = arith.addi %scan3A_163, %scan3A_164 : i32
    %scan3A_166 = arith.constant 1 : i32
    %scan3A_167 = scf.for %scan3A_181 = %scan3A_163 to %scan3A_165 step %scan3A_166 iter_args(%scan3A_182 = %scan3A_162) -> (i32)  : i32 {
      %mul3A_183 = arith.constant 640 : i32
      %mul3A_184 = arith.muli %arg1, %mul3A_183 : i32
      %mul3A_185 = arith.constant 16 : i32
      %mul3A_186 = arith.muli %scan3A_181, %mul3A_185 : i32
      %add3A_187 = arith.addi %mul3A_184, %mul3A_186 : i32
      "tpu.region"() ({
        %run_scoped3A = tpu.sem_alloc : memref<!tpu.dma_semaphore, #tpu.memory_space<semaphore_mem>>
        %dma_start3A_189 = arith.constant 0 : i32
        %dma_start3A_190 = tpu.memref_slice %arg16[%add3A_187, %dma_start3A_189] : memref<10240x128xf32, #tpu.memory_space<vmem_shared>> -> memref<16x128xf32, #tpu.memory_space<vmem_shared>>
        %dma_start3A_191 = arith.constant 0 : i32
        %dma_start3A_192 = tpu.memref_slice %arg16[%add3A_187, %dma_start3A_191] : memref<10240x128xf32, #tpu.memory_space<vmem_shared>> -> memref<16x128xf32, #tpu.memory_space<vmem_shared>>
        tpu.enqueue_dma source(%arg10 : memref<16x128xf32, #tpu.memory_space<vmem>>) target(%dma_start3A_192 : memref<16x128xf32, #tpu.memory_space<vmem_shared>>) target_semaphore(%run_scoped3A : memref<!tpu.dma_semaphore, #tpu.memory_space<semaphore_mem>>)
        %dma_wait3A = arith.constant 0 : i32
        %dma_wait3A_193 = tpu.memref_slice %arg16[%add3A_187, %dma_wait3A] : memref<10240x128xf32, #tpu.memory_space<vmem_shared>> -> memref<16x128xf32, #tpu.memory_space<vmem_shared>>
        %dma_wait3A_194 = arith.constant 0 : i32
        %dma_wait3A_195 = tpu.memref_slice %arg16[%add3A_187, %dma_wait3A_194] : memref<10240x128xf32, #tpu.memory_space<vmem_shared>> -> memref<16x128xf32, #tpu.memory_space<vmem_shared>>
        tpu.wait_dma2 semaphore(%run_scoped3A : memref<!tpu.dma_semaphore, #tpu.memory_space<semaphore_mem>>) src(%arg10 : memref<16x128xf32, #tpu.memory_space<vmem>>) dst(%dma_wait3A_195 : memref<16x128xf32, #tpu.memory_space<vmem_shared>>)
        tpu.yield
      }) : () -> ()
      %scan3A_188 = arith.constant 0 : i32
      scf.yield %scan3A_188 : i32
    }
    %scan3A_168 = arith.constant 40 : i32
    %barrier3A = arith.constant 0 : index
    tpu.barrier barrier_id(%barrier3A)
    %scan3A_169 = arith.constant 0 : i32
    %scan3A_170 = arith.constant 0 : i32
    %scan3A_171 = arith.constant 40 : i32
    %scan3A_172 = arith.addi %scan3A_170, %scan3A_171 : i32
    %scan3A_173 = arith.constant 1 : i32
    %scan3A_174 = scf.for %scan3A_181 = %scan3A_170 to %scan3A_172 step %scan3A_173 iter_args(%scan3A_182 = %scan3A_169) -> (i32)  : i32 {
      %dma_wait3A = arith.constant 0 : i32
      %dma_wait3A_183 = arith.constant 0 : i32
      %dma_wait3A_184 = tpu.memref_slice %arg2[%dma_wait3A, %dma_wait3A_183] : memref<10240x128xf32, #tpu.memory_space<hbm>> -> memref<10240x128xf32, #tpu.memory_space<hbm>>
      tpu.wait_indirect_dma semaphore(%arg14 : memref<!tpu.dma_semaphore, #tpu.memory_space<semaphore_mem>>) src(%dma_wait3A_184 : memref<10240x128xf32, #tpu.memory_space<hbm>>) dst(%arg8 : memref<128x128xf32, #tpu.memory_space<vmem>>)
      %get3A_185 = arith.index_cast %scan3A_181 : i32 to index
      %get3A_186 = arith.constant 0 : index
      %get3A_187 = tpu.vector_load %arg7[%get3A_185, %get3A_186] {strides = array<i32>} : memref<40x128xi32, #tpu.memory_space<vmem>>, vector<1x16xi32>,
      %get3A_188 = vector.shape_cast %get3A_187 : vector<1x16xi32> to vector<16xi32>
      %and3A_189 = arith.constant 65535 : i32
      %and3A_190 = vector.broadcast %and3A_189 : i32 to vector<16xi32>
      %and3A_191 = arith.andi %get3A_188, %and3A_190 : vector<16xi32>
      %swap3A_192 = arith.constant 0 : index
      %swap3A_193 = tpu.vector_load %arg13[%swap3A_192] {strides = array<i32>} : memref<128xi32, #tpu.memory_space<vmem>>, vector<16xi32>,
      %swap3A_194 = vector.shape_cast %swap3A_193 : vector<16xi32> to vector<16xi32>
      %swap3A_195 = vector.shape_cast %and3A_191 : vector<16xi32> to vector<16xi32>
      tpu.vector_store %arg13[%swap3A_192], %swap3A_195 {strides = array<i32>} : memref<128xi32, #tpu.memory_space<vmem>>, vector<16xi32>,
      %shift_right_logical3A_196 = arith.constant 16 : i32
      %shift_right_logical3A_197 = vector.broadcast %shift_right_logical3A_196 : i32 to vector<16xi32>
      %shift_right_logical3A_198 = arith.shrui %get3A_188, %shift_right_logical3A_197 : vector<16xi32>
      %swap3A_199 = arith.constant 16 : index
      %swap3A_200 = tpu.vector_load %arg13[%swap3A_199] {strides = array<i32>} : memref<128xi32, #tpu.memory_space<vmem>>, vector<16xi32>,
      %swap3A_201 = vector.shape_cast %swap3A_200 : vector<16xi32> to vector<16xi32>
      %swap3A_202 = vector.shape_cast %shift_right_logical3A_198 : vector<16xi32> to vector<16xi32>
      tpu.vector_store %arg13[%swap3A_199], %swap3A_202 {strides = array<i32>} : memref<128xi32, #tpu.memory_space<vmem>>, vector<16xi32>,
      %get3A_203 = arith.index_cast %scan3A_181 : i32 to index
      %get3A_204 = arith.constant 16 : index
      %get3A_205 = tpu.vector_load %arg7[%get3A_203, %get3A_204] {strides = array<i32>} : memref<40x128xi32, #tpu.memory_space<vmem>>, vector<1x16xi32>,
      %get3A_206 = vector.shape_cast %get3A_205 : vector<1x16xi32> to vector<16xi32>
      %and3A_207 = arith.constant 65535 : i32
      %and3A_208 = vector.broadcast %and3A_207 : i32 to vector<16xi32>
      %and3A_209 = arith.andi %get3A_206, %and3A_208 : vector<16xi32>
      %swap3A_210 = arith.constant 32 : index
      %swap3A_211 = tpu.vector_load %arg13[%swap3A_210] {strides = array<i32>} : memref<128xi32, #tpu.memory_space<vmem>>, vector<16xi32>,
      %swap3A_212 = vector.shape_cast %swap3A_211 : vector<16xi32> to vector<16xi32>
      %swap3A_213 = vector.shape_cast %and3A_209 : vector<16xi32> to vector<16xi32>
      tpu.vector_store %arg13[%swap3A_210], %swap3A_213 {strides = array<i32>} : memref<128xi32, #tpu.memory_space<vmem>>, vector<16xi32>,
      %shift_right_logical3A_214 = arith.constant 16 : i32
      %shift_right_logical3A_215 = vector.broadcast %shift_right_logical3A_214 : i32 to vector<16xi32>
      %shift_right_logical3A_216 = arith.shrui %get3A_206, %shift_right_logical3A_215 : vector<16xi32>
      %swap3A_217 = arith.constant 48 : index
      %swap3A_218 = tpu.vector_load %arg13[%swap3A_217] {strides = array<i32>} : memref<128xi32, #tpu.memory_space<vmem>>, vector<16xi32>,
      %swap3A_219 = vector.shape_cast %swap3A_218 : vector<16xi32> to vector<16xi32>
      %swap3A_220 = vector.shape_cast %shift_right_logical3A_216 : vector<16xi32> to vector<16xi32>
      tpu.vector_store %arg13[%swap3A_217], %swap3A_220 {strides = array<i32>} : memref<128xi32, #tpu.memory_space<vmem>>, vector<16xi32>,
      %get3A_221 = arith.index_cast %scan3A_181 : i32 to index
      %get3A_222 = arith.constant 32 : index
      %get3A_223 = tpu.vector_load %arg7[%get3A_221, %get3A_222] {strides = array<i32>} : memref<40x128xi32, #tpu.memory_space<vmem>>, vector<1x16xi32>,
      %get3A_224 = vector.shape_cast %get3A_223 : vector<1x16xi32> to vector<16xi32>
      %and3A_225 = arith.constant 65535 : i32
      %and3A_226 = vector.broadcast %and3A_225 : i32 to vector<16xi32>
      %and3A_227 = arith.andi %get3A_224, %and3A_226 : vector<16xi32>
      %swap3A_228 = arith.constant 64 : index
      %swap3A_229 = tpu.vector_load %arg13[%swap3A_228] {strides = array<i32>} : memref<128xi32, #tpu.memory_space<vmem>>, vector<16xi32>,
      %swap3A_230 = vector.shape_cast %swap3A_229 : vector<16xi32> to vector<16xi32>
      %swap3A_231 = vector.shape_cast %and3A_227 : vector<16xi32> to vector<16xi32>
      tpu.vector_store %arg13[%swap3A_228], %swap3A_231 {strides = array<i32>} : memref<128xi32, #tpu.memory_space<vmem>>, vector<16xi32>,
      %shift_right_logical3A_232 = arith.constant 16 : i32
      %shift_right_logical3A_233 = vector.broadcast %shift_right_logical3A_232 : i32 to vector<16xi32>
      %shift_right_logical3A_234 = arith.shrui %get3A_224, %shift_right_logical3A_233 : vector<16xi32>
      %swap3A_235 = arith.constant 80 : index
      %swap3A_236 = tpu.vector_load %arg13[%swap3A_235] {strides = array<i32>} : memref<128xi32, #tpu.memory_space<vmem>>, vector<16xi32>,
      %swap3A_237 = vector.shape_cast %swap3A_236 : vector<16xi32> to vector<16xi32>
      %swap3A_238 = vector.shape_cast %shift_right_logical3A_234 : vector<16xi32> to vector<16xi32>
      tpu.vector_store %arg13[%swap3A_235], %swap3A_238 {strides = array<i32>} : memref<128xi32, #tpu.memory_space<vmem>>, vector<16xi32>,
      %get3A_239 = arith.index_cast %scan3A_181 : i32 to index
      %get3A_240 = arith.constant 48 : index
      %get3A_241 = tpu.vector_load %arg7[%get3A_239, %get3A_240] {strides = array<i32>} : memref<40x128xi32, #tpu.memory_space<vmem>>, vector<1x16xi32>,
      %get3A_242 = vector.shape_cast %get3A_241 : vector<1x16xi32> to vector<16xi32>
      %and3A_243 = arith.constant 65535 : i32
      %and3A_244 = vector.broadcast %and3A_243 : i32 to vector<16xi32>
      %and3A_245 = arith.andi %get3A_242, %and3A_244 : vector<16xi32>
      %swap3A_246 = arith.constant 96 : index
      %swap3A_247 = tpu.vector_load %arg13[%swap3A_246] {strides = array<i32>} : memref<128xi32, #tpu.memory_space<vmem>>, vector<16xi32>,
      %swap3A_248 = vector.shape_cast %swap3A_247 : vector<16xi32> to vector<16xi32>
      %swap3A_249 = vector.shape_cast %and3A_245 : vector<16xi32> to vector<16xi32>
      tpu.vector_store %arg13[%swap3A_246], %swap3A_249 {strides = array<i32>} : memref<128xi32, #tpu.memory_space<vmem>>, vector<16xi32>,
      %shift_right_logical3A_250 = arith.constant 16 : i32
      %shift_right_logical3A_251 = vector.broadcast %shift_right_logical3A_250 : i32 to vector<16xi32>
      %shift_right_logical3A_252 = arith.shrui %get3A_242, %shift_right_logical3A_251 : vector<16xi32>
      %swap3A_253 = arith.constant 112 : index
      %swap3A_254 = tpu.vector_load %arg13[%swap3A_253] {strides = array<i32>} : memref<128xi32, #tpu.memory_space<vmem>>, vector<16xi32>,
      %swap3A_255 = vector.shape_cast %swap3A_254 : vector<16xi32> to vector<16xi32>
      %swap3A_256 = vector.shape_cast %shift_right_logical3A_252 : vector<16xi32> to vector<16xi32>
      tpu.vector_store %arg13[%swap3A_253], %swap3A_256 {strides = array<i32>} : memref<128xi32, #tpu.memory_space<vmem>>, vector<16xi32>,
      "tpu.region"() ({
        %run_scoped3A = tpu.sem_alloc : memref<!tpu.dma_semaphore, #tpu.memory_space<semaphore_mem>>
        %dma_start3A_344 = arith.constant 0 : i32
        %dma_start3A_345 = arith.constant 0 : i32
        %dma_start3A_346 = tpu.memref_slice %arg16[%dma_start3A_344, %dma_start3A_345] : memref<10240x128xf32, #tpu.memory_space<vmem_shared>> -> memref<10240x128xf32, #tpu.memory_space<vmem_shared>>
        tpu.enqueue_indirect_dma source(%arg8 : memref<128x128xf32, #tpu.memory_space<vmem>>) target(%dma_start3A_346 : memref<10240x128xf32, #tpu.memory_space<vmem_shared>>) offsets(%arg13 : memref<128xi32, #tpu.memory_space<vmem>>) semaphore(%run_scoped3A : memref<!tpu.dma_semaphore, #tpu.memory_space<semaphore_mem>>) {add = true}
        %dma_wait3A_347 = arith.constant 0 : i32
        %dma_wait3A_348 = arith.constant 0 : i32
        %dma_wait3A_349 = tpu.memref_slice %arg16[%dma_wait3A_347, %dma_wait3A_348] : memref<10240x128xf32, #tpu.memory_space<vmem_shared>> -> memref<10240x128xf32, #tpu.memory_space<vmem_shared>>
        tpu.wait_indirect_dma semaphore(%run_scoped3A : memref<!tpu.dma_semaphore, #tpu.memory_space<semaphore_mem>>) src(%arg8 : memref<128x128xf32, #tpu.memory_space<vmem>>) dst(%dma_wait3A_349 : memref<10240x128xf32, #tpu.memory_space<vmem_shared>>)
        tpu.yield
      }) : () -> ()
      %add3A_257 = arith.constant 1 : i32
      %add3A_258 = arith.addi %scan3A_181, %add3A_257 : i32
      %lt3A = arith.constant 40 : i32
      %lt3A_259 = arith.cmpi slt, %add3A_258, %lt3A : i32
      %convert_element_type3A = arith.extui %lt3A_259 : i1 to i32
      %cond3A = arith.constant 0 : i32
      %cond3A_260 = arith.cmpi ne, %convert_element_type3A, %cond3A : i32
      scf.if %cond3A_260 {
        %add3A_344 = arith.constant 1 : i32
        %add3A_345 = arith.addi %scan3A_181, %add3A_344 : i32
        %get3A_346 = arith.index_cast %add3A_345 : i32 to index
        %get3A_347 = arith.constant 0 : index
        %get3A_348 = tpu.vector_load %arg6[%get3A_346, %get3A_347] {strides = array<i32>} : memref<40x128xi32, #tpu.memory_space<vmem>>, vector<1x16xi32>,
        %get3A_349 = vector.shape_cast %get3A_348 : vector<1x16xi32> to vector<16xi32>
        %and3A_350 = arith.constant 65535 : i32
        %and3A_351 = vector.broadcast %and3A_350 : i32 to vector<16xi32>
        %and3A_352 = arith.andi %get3A_349, %and3A_351 : vector<16xi32>
        %swap3A_353 = arith.constant 0 : index
        %swap3A_354 = tpu.vector_load %arg11[%swap3A_353] {strides = array<i32>} : memref<128xi32, #tpu.memory_space<vmem>>, vector<16xi32>,
        %swap3A_355 = vector.shape_cast %swap3A_354 : vector<16xi32> to vector<16xi32>
        %swap3A_356 = vector.shape_cast %and3A_352 : vector<16xi32> to vector<16xi32>
        tpu.vector_store %arg11[%swap3A_353], %swap3A_356 {strides = array<i32>} : memref<128xi32, #tpu.memory_space<vmem>>, vector<16xi32>,
        %shift_right_logical3A_357 = arith.constant 16 : i32
        %shift_right_logical3A_358 = vector.broadcast %shift_right_logical3A_357 : i32 to vector<16xi32>
        %shift_right_logical3A_359 = arith.shrui %get3A_349, %shift_right_logical3A_358 : vector<16xi32>
        %swap3A_360 = arith.constant 16 : index
        %swap3A_361 = tpu.vector_load %arg11[%swap3A_360] {strides = array<i32>} : memref<128xi32, #tpu.memory_space<vmem>>, vector<16xi32>,
        %swap3A_362 = vector.shape_cast %swap3A_361 : vector<16xi32> to vector<16xi32>
        %swap3A_363 = vector.shape_cast %shift_right_logical3A_359 : vector<16xi32> to vector<16xi32>
        tpu.vector_store %arg11[%swap3A_360], %swap3A_363 {strides = array<i32>} : memref<128xi32, #tpu.memory_space<vmem>>, vector<16xi32>,
        %get3A_364 = arith.index_cast %add3A_345 : i32 to index
        %get3A_365 = arith.constant 16 : index
        %get3A_366 = tpu.vector_load %arg6[%get3A_364, %get3A_365] {strides = array<i32>} : memref<40x128xi32, #tpu.memory_space<vmem>>, vector<1x16xi32>,
        %get3A_367 = vector.shape_cast %get3A_366 : vector<1x16xi32> to vector<16xi32>
        %and3A_368 = arith.constant 65535 : i32
        %and3A_369 = vector.broadcast %and3A_368 : i32 to vector<16xi32>
        %and3A_370 = arith.andi %get3A_367, %and3A_369 : vector<16xi32>
        %swap3A_371 = arith.constant 32 : index
        %swap3A_372 = tpu.vector_load %arg11[%swap3A_371] {strides = array<i32>} : memref<128xi32, #tpu.memory_space<vmem>>, vector<16xi32>,
        %swap3A_373 = vector.shape_cast %swap3A_372 : vector<16xi32> to vector<16xi32>
        %swap3A_374 = vector.shape_cast %and3A_370 : vector<16xi32> to vector<16xi32>
        tpu.vector_store %arg11[%swap3A_371], %swap3A_374 {strides = array<i32>} : memref<128xi32, #tpu.memory_space<vmem>>, vector<16xi32>,
        %shift_right_logical3A_375 = arith.constant 16 : i32
        %shift_right_logical3A_376 = vector.broadcast %shift_right_logical3A_375 : i32 to vector<16xi32>
        %shift_right_logical3A_377 = arith.shrui %get3A_367, %shift_right_logical3A_376 : vector<16xi32>
        %swap3A_378 = arith.constant 48 : index
        %swap3A_379 = tpu.vector_load %arg11[%swap3A_378] {strides = array<i32>} : memref<128xi32, #tpu.memory_space<vmem>>, vector<16xi32>,
        %swap3A_380 = vector.shape_cast %swap3A_379 : vector<16xi32> to vector<16xi32>
        %swap3A_381 = vector.shape_cast %shift_right_logical3A_377 : vector<16xi32> to vector<16xi32>
        tpu.vector_store %arg11[%swap3A_378], %swap3A_381 {strides = array<i32>} : memref<128xi32, #tpu.memory_space<vmem>>, vector<16xi32>,
        %get3A_382 = arith.index_cast %add3A_345 : i32 to index
        %get3A_383 = arith.constant 32 : index
        %get3A_384 = tpu.vector_load %arg6[%get3A_382, %get3A_383] {strides = array<i32>} : memref<40x128xi32, #tpu.memory_space<vmem>>, vector<1x16xi32>,
        %get3A_385 = vector.shape_cast %get3A_384 : vector<1x16xi32> to vector<16xi32>
        %and3A_386 = arith.constant 65535 : i32
        %and3A_387 = vector.broadcast %and3A_386 : i32 to vector<16xi32>
        %and3A_388 = arith.andi %get3A_385, %and3A_387 : vector<16xi32>
        %swap3A_389 = arith.constant 64 : index
        %swap3A_390 = tpu.vector_load %arg11[%swap3A_389] {strides = array<i32>} : memref<128xi32, #tpu.memory_space<vmem>>, vector<16xi32>,
        %swap3A_391 = vector.shape_cast %swap3A_390 : vector<16xi32> to vector<16xi32>
        %swap3A_392 = vector.shape_cast %and3A_388 : vector<16xi32> to vector<16xi32>
        tpu.vector_store %arg11[%swap3A_389], %swap3A_392 {strides = array<i32>} : memref<128xi32, #tpu.memory_space<vmem>>, vector<16xi32>,
        %shift_right_logical3A_393 = arith.constant 16 : i32
        %shift_right_logical3A_394 = vector.broadcast %shift_right_logical3A_393 : i32 to vector<16xi32>
        %shift_right_logical3A_395 = arith.shrui %get3A_385, %shift_right_logical3A_394 : vector<16xi32>
        %swap3A_396 = arith.constant 80 : index
        %swap3A_397 = tpu.vector_load %arg11[%swap3A_396] {strides = array<i32>} : memref<128xi32, #tpu.memory_space<vmem>>, vector<16xi32>,
        %swap3A_398 = vector.shape_cast %swap3A_397 : vector<16xi32> to vector<16xi32>
        %swap3A_399 = vector.shape_cast %shift_right_logical3A_395 : vector<16xi32> to vector<16xi32>
        tpu.vector_store %arg11[%swap3A_396], %swap3A_399 {strides = array<i32>} : memref<128xi32, #tpu.memory_space<vmem>>, vector<16xi32>,
        %get3A_400 = arith.index_cast %add3A_345 : i32 to index
        %get3A_401 = arith.constant 48 : index
        %get3A_402 = tpu.vector_load %arg6[%get3A_400, %get3A_401] {strides = array<i32>} : memref<40x128xi32, #tpu.memory_space<vmem>>, vector<1x16xi32>,
        %get3A_403 = vector.shape_cast %get3A_402 : vector<1x16xi32> to vector<16xi32>
        %and3A_404 = arith.constant 65535 : i32
        %and3A_405 = vector.broadcast %and3A_404 : i32 to vector<16xi32>
        %and3A_406 = arith.andi %get3A_403, %and3A_405 : vector<16xi32>
        %swap3A_407 = arith.constant 96 : index
        %swap3A_408 = tpu.vector_load %arg11[%swap3A_407] {strides = array<i32>} : memref<128xi32, #tpu.memory_space<vmem>>, vector<16xi32>,
        %swap3A_409 = vector.shape_cast %swap3A_408 : vector<16xi32> to vector<16xi32>
        %swap3A_410 = vector.shape_cast %and3A_406 : vector<16xi32> to vector<16xi32>
        tpu.vector_store %arg11[%swap3A_407], %swap3A_410 {strides = array<i32>} : memref<128xi32, #tpu.memory_space<vmem>>, vector<16xi32>,
        %shift_right_logical3A_411 = arith.constant 16 : i32
        %shift_right_logical3A_412 = vector.broadcast %shift_right_logical3A_411 : i32 to vector<16xi32>
        %shift_right_logical3A_413 = arith.shrui %get3A_403, %shift_right_logical3A_412 : vector<16xi32>
        %swap3A_414 = arith.constant 112 : index
        %swap3A_415 = tpu.vector_load %arg11[%swap3A_414] {strides = array<i32>} : memref<128xi32, #tpu.memory_space<vmem>>, vector<16xi32>,
        %swap3A_416 = vector.shape_cast %swap3A_415 : vector<16xi32> to vector<16xi32>
        %swap3A_417 = vector.shape_cast %shift_right_logical3A_413 : vector<16xi32> to vector<16xi32>
        tpu.vector_store %arg11[%swap3A_414], %swap3A_417 {strides = array<i32>} : memref<128xi32, #tpu.memory_space<vmem>>, vector<16xi32>,
        %dma_start3A_418 = arith.constant 0 : i32
        %dma_start3A_419 = arith.constant 0 : i32
        %dma_start3A_420 = tpu.memref_slice %arg2[%dma_start3A_418, %dma_start3A_419] : memref<10240x128xf32, #tpu.memory_space<hbm>> -> memref<10240x128xf32, #tpu.memory_space<hbm>>
        tpu.enqueue_indirect_dma source(%dma_start3A_420 : memref<10240x128xf32, #tpu.memory_space<hbm>>) target(%arg8 : memref<128x128xf32, #tpu.memory_space<vmem>>) offsets(%arg11 : memref<128xi32, #tpu.memory_space<vmem>>) semaphore(%arg14 : memref<!tpu.dma_semaphore, #tpu.memory_space<semaphore_mem>>)
      } else {
      }
      %dma_wait3A_261 = arith.constant 0 : i32
      %dma_wait3A_262 = arith.constant 0 : i32
      %dma_wait3A_263 = tpu.memref_slice %arg2[%dma_wait3A_261, %dma_wait3A_262] : memref<10240x128xf32, #tpu.memory_space<hbm>> -> memref<10240x128xf32, #tpu.memory_space<hbm>>
      tpu.wait_indirect_dma semaphore(%arg15 : memref<!tpu.dma_semaphore, #tpu.memory_space<semaphore_mem>>) src(%dma_wait3A_263 : memref<10240x128xf32, #tpu.memory_space<hbm>>) dst(%arg9 : memref<128x128xf32, #tpu.memory_space<vmem>>)
      %get3A_264 = arith.index_cast %scan3A_181 : i32 to index
      %get3A_265 = arith.constant 64 : index
      %get3A_266 = tpu.vector_load %arg7[%get3A_264, %get3A_265] {strides = array<i32>} : memref<40x128xi32, #tpu.memory_space<vmem>>, vector<1x16xi32>,
      %get3A_267 = vector.shape_cast %get3A_266 : vector<1x16xi32> to vector<16xi32>
      %and3A_268 = arith.constant 65535 : i32
      %and3A_269 = vector.broadcast %and3A_268 : i32 to vector<16xi32>
      %and3A_270 = arith.andi %get3A_267, %and3A_269 : vector<16xi32>
      %swap3A_271 = arith.constant 0 : index
      %swap3A_272 = tpu.vector_load %arg13[%swap3A_271] {strides = array<i32>} : memref<128xi32, #tpu.memory_space<vmem>>, vector<16xi32>,
      %swap3A_273 = vector.shape_cast %swap3A_272 : vector<16xi32> to vector<16xi32>
      %swap3A_274 = vector.shape_cast %and3A_270 : vector<16xi32> to vector<16xi32>
      tpu.vector_store %arg13[%swap3A_271], %swap3A_274 {strides = array<i32>} : memref<128xi32, #tpu.memory_space<vmem>>, vector<16xi32>,
      %shift_right_logical3A_275 = arith.constant 16 : i32
      %shift_right_logical3A_276 = vector.broadcast %shift_right_logical3A_275 : i32 to vector<16xi32>
      %shift_right_logical3A_277 = arith.shrui %get3A_267, %shift_right_logical3A_276 : vector<16xi32>
      %swap3A_278 = arith.constant 16 : index
      %swap3A_279 = tpu.vector_load %arg13[%swap3A_278] {strides = array<i32>} : memref<128xi32, #tpu.memory_space<vmem>>, vector<16xi32>,
      %swap3A_280 = vector.shape_cast %swap3A_279 : vector<16xi32> to vector<16xi32>
      %swap3A_281 = vector.shape_cast %shift_right_logical3A_277 : vector<16xi32> to vector<16xi32>
      tpu.vector_store %arg13[%swap3A_278], %swap3A_281 {strides = array<i32>} : memref<128xi32, #tpu.memory_space<vmem>>, vector<16xi32>,
      %get3A_282 = arith.index_cast %scan3A_181 : i32 to index
      %get3A_283 = arith.constant 80 : index
      %get3A_284 = tpu.vector_load %arg7[%get3A_282, %get3A_283] {strides = array<i32>} : memref<40x128xi32, #tpu.memory_space<vmem>>, vector<1x16xi32>,
      %get3A_285 = vector.shape_cast %get3A_284 : vector<1x16xi32> to vector<16xi32>
      %and3A_286 = arith.constant 65535 : i32
      %and3A_287 = vector.broadcast %and3A_286 : i32 to vector<16xi32>
      %and3A_288 = arith.andi %get3A_285, %and3A_287 : vector<16xi32>
      %swap3A_289 = arith.constant 32 : index
      %swap3A_290 = tpu.vector_load %arg13[%swap3A_289] {strides = array<i32>} : memref<128xi32, #tpu.memory_space<vmem>>, vector<16xi32>,
      %swap3A_291 = vector.shape_cast %swap3A_290 : vector<16xi32> to vector<16xi32>
      %swap3A_292 = vector.shape_cast %and3A_288 : vector<16xi32> to vector<16xi32>
      tpu.vector_store %arg13[%swap3A_289], %swap3A_292 {strides = array<i32>} : memref<128xi32, #tpu.memory_space<vmem>>, vector<16xi32>,
      %shift_right_logical3A_293 = arith.constant 16 : i32
      %shift_right_logical3A_294 = vector.broadcast %shift_right_logical3A_293 : i32 to vector<16xi32>
      %shift_right_logical3A_295 = arith.shrui %get3A_285, %shift_right_logical3A_294 : vector<16xi32>
      %swap3A_296 = arith.constant 48 : index
      %swap3A_297 = tpu.vector_load %arg13[%swap3A_296] {strides = array<i32>} : memref<128xi32, #tpu.memory_space<vmem>>, vector<16xi32>,
      %swap3A_298 = vector.shape_cast %swap3A_297 : vector<16xi32> to vector<16xi32>
      %swap3A_299 = vector.shape_cast %shift_right_logical3A_295 : vector<16xi32> to vector<16xi32>
      tpu.vector_store %arg13[%swap3A_296], %swap3A_299 {strides = array<i32>} : memref<128xi32, #tpu.memory_space<vmem>>, vector<16xi32>,
      %get3A_300 = arith.index_cast %scan3A_181 : i32 to index
      %get3A_301 = arith.constant 96 : index
      %get3A_302 = tpu.vector_load %arg7[%get3A_300, %get3A_301] {strides = array<i32>} : memref<40x128xi32, #tpu.memory_space<vmem>>, vector<1x16xi32>,
      %get3A_303 = vector.shape_cast %get3A_302 : vector<1x16xi32> to vector<16xi32>
      %and3A_304 = arith.constant 65535 : i32
      %and3A_305 = vector.broadcast %and3A_304 : i32 to vector<16xi32>
      %and3A_306 = arith.andi %get3A_303, %and3A_305 : vector<16xi32>
      %swap3A_307 = arith.constant 64 : index
      %swap3A_308 = tpu.vector_load %arg13[%swap3A_307] {strides = array<i32>} : memref<128xi32, #tpu.memory_space<vmem>>, vector<16xi32>,
      %swap3A_309 = vector.shape_cast %swap3A_308 : vector<16xi32> to vector<16xi32>
      %swap3A_310 = vector.shape_cast %and3A_306 : vector<16xi32> to vector<16xi32>
      tpu.vector_store %arg13[%swap3A_307], %swap3A_310 {strides = array<i32>} : memref<128xi32, #tpu.memory_space<vmem>>, vector<16xi32>,
      %shift_right_logical3A_311 = arith.constant 16 : i32
      %shift_right_logical3A_312 = vector.broadcast %shift_right_logical3A_311 : i32 to vector<16xi32>
      %shift_right_logical3A_313 = arith.shrui %get3A_303, %shift_right_logical3A_312 : vector<16xi32>
      %swap3A_314 = arith.constant 80 : index
      %swap3A_315 = tpu.vector_load %arg13[%swap3A_314] {strides = array<i32>} : memref<128xi32, #tpu.memory_space<vmem>>, vector<16xi32>,
      %swap3A_316 = vector.shape_cast %swap3A_315 : vector<16xi32> to vector<16xi32>
      %swap3A_317 = vector.shape_cast %shift_right_logical3A_313 : vector<16xi32> to vector<16xi32>
      tpu.vector_store %arg13[%swap3A_314], %swap3A_317 {strides = array<i32>} : memref<128xi32, #tpu.memory_space<vmem>>, vector<16xi32>,
      %get3A_318 = arith.index_cast %scan3A_181 : i32 to index
      %get3A_319 = arith.constant 112 : index
      %get3A_320 = tpu.vector_load %arg7[%get3A_318, %get3A_319] {strides = array<i32>} : memref<40x128xi32, #tpu.memory_space<vmem>>, vector<1x16xi32>,
      %get3A_321 = vector.shape_cast %get3A_320 : vector<1x16xi32> to vector<16xi32>
      %and3A_322 = arith.constant 65535 : i32
      %and3A_323 = vector.broadcast %and3A_322 : i32 to vector<16xi32>
      %and3A_324 = arith.andi %get3A_321, %and3A_323 : vector<16xi32>
      %swap3A_325 = arith.constant 96 : index
      %swap3A_326 = tpu.vector_load %arg13[%swap3A_325] {strides = array<i32>} : memref<128xi32, #tpu.memory_space<vmem>>, vector<16xi32>,
      %swap3A_327 = vector.shape_cast %swap3A_326 : vector<16xi32> to vector<16xi32>
      %swap3A_328 = vector.shape_cast %and3A_324 : vector<16xi32> to vector<16xi32>
      tpu.vector_store %arg13[%swap3A_325], %swap3A_328 {strides = array<i32>} : memref<128xi32, #tpu.memory_space<vmem>>, vector<16xi32>,
      %shift_right_logical3A_329 = arith.constant 16 : i32
      %shift_right_logical3A_330 = vector.broadcast %shift_right_logical3A_329 : i32 to vector<16xi32>
      %shift_right_logical3A_331 = arith.shrui %get3A_321, %shift_right_logical3A_330 : vector<16xi32>
      %swap3A_332 = arith.constant 112 : index
      %swap3A_333 = tpu.vector_load %arg13[%swap3A_332] {strides = array<i32>} : memref<128xi32, #tpu.memory_space<vmem>>, vector<16xi32>,
      %swap3A_334 = vector.shape_cast %swap3A_333 : vector<16xi32> to vector<16xi32>
      %swap3A_335 = vector.shape_cast %shift_right_logical3A_331 : vector<16xi32> to vector<16xi32>
      tpu.vector_store %arg13[%swap3A_332], %swap3A_335 {strides = array<i32>} : memref<128xi32, #tpu.memory_space<vmem>>, vector<16xi32>,
      "tpu.region"() ({
        %run_scoped3A = tpu.sem_alloc : memref<!tpu.dma_semaphore, #tpu.memory_space<semaphore_mem>>
        %dma_start3A_344 = arith.constant 0 : i32
        %dma_start3A_345 = arith.constant 0 : i32
        %dma_start3A_346 = tpu.memref_slice %arg16[%dma_start3A_344, %dma_start3A_345] : memref<10240x128xf32, #tpu.memory_space<vmem_shared>> -> memref<10240x128xf32, #tpu.memory_space<vmem_shared>>
        tpu.enqueue_indirect_dma source(%arg9 : memref<128x128xf32, #tpu.memory_space<vmem>>) target(%dma_start3A_346 : memref<10240x128xf32, #tpu.memory_space<vmem_shared>>) offsets(%arg13 : memref<128xi32, #tpu.memory_space<vmem>>) semaphore(%run_scoped3A : memref<!tpu.dma_semaphore, #tpu.memory_space<semaphore_mem>>) {add = true}
        %dma_wait3A_347 = arith.constant 0 : i32
        %dma_wait3A_348 = arith.constant 0 : i32
        %dma_wait3A_349 = tpu.memref_slice %arg16[%dma_wait3A_347, %dma_wait3A_348] : memref<10240x128xf32, #tpu.memory_space<vmem_shared>> -> memref<10240x128xf32, #tpu.memory_space<vmem_shared>>
        tpu.wait_indirect_dma semaphore(%run_scoped3A : memref<!tpu.dma_semaphore, #tpu.memory_space<semaphore_mem>>) src(%arg9 : memref<128x128xf32, #tpu.memory_space<vmem>>) dst(%dma_wait3A_349 : memref<10240x128xf32, #tpu.memory_space<vmem_shared>>)
        tpu.yield
      }) : () -> ()
      %add3A_336 = arith.constant 1 : i32
      %add3A_337 = arith.addi %scan3A_181, %add3A_336 : i32
      %lt3A_338 = arith.constant 40 : i32
      %lt3A_339 = arith.cmpi slt, %add3A_337, %lt3A_338 : i32
      %convert_element_type3A_340 = arith.extui %lt3A_339 : i1 to i32
      %cond3A_341 = arith.constant 0 : i32
      %cond3A_342 = arith.cmpi ne, %convert_element_type3A_340, %cond3A_341 : i32
      scf.if %cond3A_342 {
        %add3A_344 = arith.constant 1 : i32
        %add3A_345 = arith.addi %scan3A_181, %add3A_344 : i32
        %get3A_346 = arith.index_cast %add3A_345 : i32 to index
        %get3A_347 = arith.constant 64 : index
        %get3A_348 = tpu.vector_load %arg6[%get3A_346, %get3A_347] {strides = array<i32>} : memref<40x128xi32, #tpu.memory_space<vmem>>, vector<1x16xi32>,
        %get3A_349 = vector.shape_cast %get3A_348 : vector<1x16xi32> to vector<16xi32>
        %and3A_350 = arith.constant 65535 : i32
        %and3A_351 = vector.broadcast %and3A_350 : i32 to vector<16xi32>
        %and3A_352 = arith.andi %get3A_349, %and3A_351 : vector<16xi32>
        %swap3A_353 = arith.constant 0 : index
        %swap3A_354 = tpu.vector_load %arg12[%swap3A_353] {strides = array<i32>} : memref<128xi32, #tpu.memory_space<vmem>>, vector<16xi32>,
        %swap3A_355 = vector.shape_cast %swap3A_354 : vector<16xi32> to vector<16xi32>
        %swap3A_356 = vector.shape_cast %and3A_352 : vector<16xi32> to vector<16xi32>
        tpu.vector_store %arg12[%swap3A_353], %swap3A_356 {strides = array<i32>} : memref<128xi32, #tpu.memory_space<vmem>>, vector<16xi32>,
        %shift_right_logical3A_357 = arith.constant 16 : i32
        %shift_right_logical3A_358 = vector.broadcast %shift_right_logical3A_357 : i32 to vector<16xi32>
        %shift_right_logical3A_359 = arith.shrui %get3A_349, %shift_right_logical3A_358 : vector<16xi32>
        %swap3A_360 = arith.constant 16 : index
        %swap3A_361 = tpu.vector_load %arg12[%swap3A_360] {strides = array<i32>} : memref<128xi32, #tpu.memory_space<vmem>>, vector<16xi32>,
        %swap3A_362 = vector.shape_cast %swap3A_361 : vector<16xi32> to vector<16xi32>
        %swap3A_363 = vector.shape_cast %shift_right_logical3A_359 : vector<16xi32> to vector<16xi32>
        tpu.vector_store %arg12[%swap3A_360], %swap3A_363 {strides = array<i32>} : memref<128xi32, #tpu.memory_space<vmem>>, vector<16xi32>,
        %get3A_364 = arith.index_cast %add3A_345 : i32 to index
        %get3A_365 = arith.constant 80 : index
        %get3A_366 = tpu.vector_load %arg6[%get3A_364, %get3A_365] {strides = array<i32>} : memref<40x128xi32, #tpu.memory_space<vmem>>, vector<1x16xi32>,
        %get3A_367 = vector.shape_cast %get3A_366 : vector<1x16xi32> to vector<16xi32>
        %and3A_368 = arith.constant 65535 : i32
        %and3A_369 = vector.broadcast %and3A_368 : i32 to vector<16xi32>
        %and3A_370 = arith.andi %get3A_367, %and3A_369 : vector<16xi32>
        %swap3A_371 = arith.constant 32 : index
        %swap3A_372 = tpu.vector_load %arg12[%swap3A_371] {strides = array<i32>} : memref<128xi32, #tpu.memory_space<vmem>>, vector<16xi32>,
        %swap3A_373 = vector.shape_cast %swap3A_372 : vector<16xi32> to vector<16xi32>
        %swap3A_374 = vector.shape_cast %and3A_370 : vector<16xi32> to vector<16xi32>
        tpu.vector_store %arg12[%swap3A_371], %swap3A_374 {strides = array<i32>} : memref<128xi32, #tpu.memory_space<vmem>>, vector<16xi32>,
        %shift_right_logical3A_375 = arith.constant 16 : i32
        %shift_right_logical3A_376 = vector.broadcast %shift_right_logical3A_375 : i32 to vector<16xi32>
        %shift_right_logical3A_377 = arith.shrui %get3A_367, %shift_right_logical3A_376 : vector<16xi32>
        %swap3A_378 = arith.constant 48 : index
        %swap3A_379 = tpu.vector_load %arg12[%swap3A_378] {strides = array<i32>} : memref<128xi32, #tpu.memory_space<vmem>>, vector<16xi32>,
        %swap3A_380 = vector.shape_cast %swap3A_379 : vector<16xi32> to vector<16xi32>
        %swap3A_381 = vector.shape_cast %shift_right_logical3A_377 : vector<16xi32> to vector<16xi32>
        tpu.vector_store %arg12[%swap3A_378], %swap3A_381 {strides = array<i32>} : memref<128xi32, #tpu.memory_space<vmem>>, vector<16xi32>,
        %get3A_382 = arith.index_cast %add3A_345 : i32 to index
        %get3A_383 = arith.constant 96 : index
        %get3A_384 = tpu.vector_load %arg6[%get3A_382, %get3A_383] {strides = array<i32>} : memref<40x128xi32, #tpu.memory_space<vmem>>, vector<1x16xi32>,
        %get3A_385 = vector.shape_cast %get3A_384 : vector<1x16xi32> to vector<16xi32>
        %and3A_386 = arith.constant 65535 : i32
        %and3A_387 = vector.broadcast %and3A_386 : i32 to vector<16xi32>
        %and3A_388 = arith.andi %get3A_385, %and3A_387 : vector<16xi32>
        %swap3A_389 = arith.constant 64 : index
        %swap3A_390 = tpu.vector_load %arg12[%swap3A_389] {strides = array<i32>} : memref<128xi32, #tpu.memory_space<vmem>>, vector<16xi32>,
        %swap3A_391 = vector.shape_cast %swap3A_390 : vector<16xi32> to vector<16xi32>
        %swap3A_392 = vector.shape_cast %and3A_388 : vector<16xi32> to vector<16xi32>
        tpu.vector_store %arg12[%swap3A_389], %swap3A_392 {strides = array<i32>} : memref<128xi32, #tpu.memory_space<vmem>>, vector<16xi32>,
        %shift_right_logical3A_393 = arith.constant 16 : i32
        %shift_right_logical3A_394 = vector.broadcast %shift_right_logical3A_393 : i32 to vector<16xi32>
        %shift_right_logical3A_395 = arith.shrui %get3A_385, %shift_right_logical3A_394 : vector<16xi32>
        %swap3A_396 = arith.constant 80 : index
        %swap3A_397 = tpu.vector_load %arg12[%swap3A_396] {strides = array<i32>} : memref<128xi32, #tpu.memory_space<vmem>>, vector<16xi32>,
        %swap3A_398 = vector.shape_cast %swap3A_397 : vector<16xi32> to vector<16xi32>
        %swap3A_399 = vector.shape_cast %shift_right_logical3A_395 : vector<16xi32> to vector<16xi32>
        tpu.vector_store %arg12[%swap3A_396], %swap3A_399 {strides = array<i32>} : memref<128xi32, #tpu.memory_space<vmem>>, vector<16xi32>,
        %get3A_400 = arith.index_cast %add3A_345 : i32 to index
        %get3A_401 = arith.constant 112 : index
        %get3A_402 = tpu.vector_load %arg6[%get3A_400, %get3A_401] {strides = array<i32>} : memref<40x128xi32, #tpu.memory_space<vmem>>, vector<1x16xi32>,
        %get3A_403 = vector.shape_cast %get3A_402 : vector<1x16xi32> to vector<16xi32>
        %and3A_404 = arith.constant 65535 : i32
        %and3A_405 = vector.broadcast %and3A_404 : i32 to vector<16xi32>
        %and3A_406 = arith.andi %get3A_403, %and3A_405 : vector<16xi32>
        %swap3A_407 = arith.constant 96 : index
        %swap3A_408 = tpu.vector_load %arg12[%swap3A_407] {strides = array<i32>} : memref<128xi32, #tpu.memory_space<vmem>>, vector<16xi32>,
        %swap3A_409 = vector.shape_cast %swap3A_408 : vector<16xi32> to vector<16xi32>
        %swap3A_410 = vector.shape_cast %and3A_406 : vector<16xi32> to vector<16xi32>
        tpu.vector_store %arg12[%swap3A_407], %swap3A_410 {strides = array<i32>} : memref<128xi32, #tpu.memory_space<vmem>>, vector<16xi32>,
        %shift_right_logical3A_411 = arith.constant 16 : i32
        %shift_right_logical3A_412 = vector.broadcast %shift_right_logical3A_411 : i32 to vector<16xi32>
        %shift_right_logical3A_413 = arith.shrui %get3A_403, %shift_right_logical3A_412 : vector<16xi32>
        %swap3A_414 = arith.constant 112 : index
        %swap3A_415 = tpu.vector_load %arg12[%swap3A_414] {strides = array<i32>} : memref<128xi32, #tpu.memory_space<vmem>>, vector<16xi32>,
        %swap3A_416 = vector.shape_cast %swap3A_415 : vector<16xi32> to vector<16xi32>
        %swap3A_417 = vector.shape_cast %shift_right_logical3A_413 : vector<16xi32> to vector<16xi32>
        tpu.vector_store %arg12[%swap3A_414], %swap3A_417 {strides = array<i32>} : memref<128xi32, #tpu.memory_space<vmem>>, vector<16xi32>,
        %dma_start3A_418 = arith.constant 0 : i32
        %dma_start3A_419 = arith.constant 0 : i32
        %dma_start3A_420 = tpu.memref_slice %arg2[%dma_start3A_418, %dma_start3A_419] : memref<10240x128xf32, #tpu.memory_space<hbm>> -> memref<10240x128xf32, #tpu.memory_space<hbm>>
        tpu.enqueue_indirect_dma source(%dma_start3A_420 : memref<10240x128xf32, #tpu.memory_space<hbm>>) target(%arg9 : memref<128x128xf32, #tpu.memory_space<vmem>>) offsets(%arg12 : memref<128xi32, #tpu.memory_space<vmem>>) semaphore(%arg15 : memref<!tpu.dma_semaphore, #tpu.memory_space<semaphore_mem>>)
      } else {
      }
      %scan3A_343 = arith.constant 0 : i32
      scf.yield %scan3A_343 : i32
    }
    %scan3A_175 = arith.constant 40 : i32
    %barrier3A_176 = arith.constant 0 : index
    tpu.barrier barrier_id(%barrier3A_176)
    %mul3A_177 = arith.constant 640 : i32
    %mul3A_178 = arith.muli %arg1, %mul3A_177 : i32
    %mul3A_179 = arith.constant 640 : i32
    %mul3A_180 = arith.muli %arg1, %mul3A_179 : i32
    "tpu.region"() ({
      %run_scoped3A = tpu.sem_alloc : memref<!tpu.dma_semaphore, #tpu.memory_space<semaphore_mem>>
      %dma_start3A_181 = arith.constant 0 : i32
      %dma_start3A_182 = tpu.memref_slice %arg5[%arg0, %mul3A_180, %dma_start3A_181] : memref<2x10240x128xf32, #tpu.memory_space<hbm>> -> memref<1x640x128xf32, #tpu.memory_space<hbm>>
      %dma_start3A_183 = tpu.memref_squeeze %dma_start3A_182 : memref<1x640x128xf32, #tpu.memory_space<hbm>> -> memref<640x128xf32, #tpu.memory_space<hbm>>
      %dma_start3A_184 = arith.constant 0 : i32
      %dma_start3A_185 = tpu.memref_slice %arg16[%mul3A_178, %dma_start3A_184] : memref<10240x128xf32, #tpu.memory_space<vmem_shared>> -> memref<640x128xf32, #tpu.memory_space<vmem_shared>>
      tpu.enqueue_dma source(%dma_start3A_185 : memref<640x128xf32, #tpu.memory_space<vmem_shared>>) target(%dma_start3A_183 : memref<640x128xf32, #tpu.memory_space<hbm>>) target_semaphore(%run_scoped3A : memref<!tpu.dma_semaphore, #tpu.memory_space<semaphore_mem>>)
      %dma_wait3A = arith.constant 0 : i32
      %dma_wait3A_186 = tpu.memref_slice %arg5[%arg0, %mul3A_180, %dma_wait3A] : memref<2x10240x128xf32, #tpu.memory_space<hbm>> -> memref<1x640x128xf32, #tpu.memory_space<hbm>>
      %dma_wait3A_187 = tpu.memref_squeeze %dma_wait3A_186 : memref<1x640x128xf32, #tpu.memory_space<hbm>> -> memref<640x128xf32, #tpu.memory_space<hbm>>
      %dma_wait3A_188 = arith.constant 0 : i32
      %dma_wait3A_189 = tpu.memref_slice %arg16[%mul3A_178, %dma_wait3A_188] : memref<10240x128xf32, #tpu.memory_space<vmem_shared>> -> memref<640x128xf32, #tpu.memory_space<vmem_shared>>
      tpu.wait_dma2 semaphore(%run_scoped3A : memref<!tpu.dma_semaphore, #tpu.memory_space<semaphore_mem>>) src(%dma_wait3A_189 : memref<640x128xf32, #tpu.memory_space<vmem_shared>>) dst(%dma_wait3A_187 : memref<640x128xf32, #tpu.memory_space<hbm>>)
      tpu.yield
    }) : () -> ()
    return
  }
}

#map = affine_map<(d0, d1) -> (0, 0)>
#map1 = affine_map<(d0, d1) -> (0, 0, 0)>
module attributes {stable_mosaic.version = 14 : i64} {
  func.func @_segsum_body(%arg0: i32, %arg1: i32, %arg2: memref<10240x128xf32, #tpu.memory_space<hbm>>, %arg3: memref<1280x128xi32, #tpu.memory_space<hbm>>, %arg4: memref<1280x128xi32, #tpu.memory_space<hbm>>, %arg5: memref<2x10240x128xf32, #tpu.memory_space<hbm>>, %arg6: memref<40x128xi32, #tpu.memory_space<vmem>>, %arg7: memref<40x128xi32, #tpu.memory_space<vmem>>, %arg8: memref<128x128xf32, #tpu.memory_space<vmem>>, %arg9: memref<128x128xf32, #tpu.memory_space<vmem>>, %arg10: memref<16x128xf32, #tpu.memory_space<vmem>>, %arg11: memref<128xi32, #tpu.memory_space<vmem>>, %arg12: memref<128xi32, #tpu.memory_space<vmem>>, %arg13: memref<128xi32, #tpu.memory_space<vmem>>, %arg14: memref<!tpu.dma_semaphore, #tpu.memory_space<semaphore_mem>>, %arg15: memref<!tpu.dma_semaphore, #tpu.memory_space<semaphore_mem>>, %arg16: memref<10240x128xf32, #tpu.memory_space<vmem_shared>>) attributes {dimension_semantics = [#tpu.dimension_semantics<core_parallel>, #tpu.dimension_semantics<subcore_parallel>], iteration_bounds = array<i64: 2, 16>, scalar_prefetch = 0 : i64, scratch_operands = 11 : i64, tpu.core_type = #tpu.core_type<sc_vector_subcore>, window_params = [{transform_indices = #map}, {transform_indices = #map}, {transform_indices = #map}, {transform_indices = #map1}]} {
    %mul3A = arith.constant 16 : i32
    %mul3A_0 = arith.muli %arg0, %mul3A : i32
    %add3A = arith.addi %mul3A_0, %arg1 : i32
    %mul3A_1 = arith.constant 40 : i32
    %mul3A_2 = arith.muli %add3A, %mul3A_1 : i32
    "tpu.region"() ({
      %run_scoped3A = tpu.sem_alloc : memref<!tpu.dma_semaphore, #tpu.memory_space<semaphore_mem>>
      %dma_start3A_181 = arith.constant 0 : i32
      %dma_start3A_182 = tpu.memref_slice %arg3[%mul3A_2, %dma_start3A_181] : memref<1280x128xi32, #tpu.memory_space<hbm>> -> memref<40x128xi32, #tpu.memory_space<hbm>>
      %dma_start3A_183 = arith.constant 0 : i32
      %dma_start3A_184 = tpu.memref_slice %arg3[%mul3A_2, %dma_start3A_183] : memref<1280x128xi32, #tpu.memory_space<hbm>> -> memref<40x128xi32, #tpu.memory_space<hbm>>
      tpu.enqueue_dma source(%dma_start3A_184 : memref<40x128xi32, #tpu.memory_space<hbm>>) target(%arg6 : memref<40x128xi32, #tpu.memory_space<vmem>>) target_semaphore(%run_scoped3A : memref<!tpu.dma_semaphore, #tpu.memory_space<semaphore_mem>>)
      %dma_wait3A = arith.constant 0 : i32
      %dma_wait3A_185 = tpu.memref_slice %arg3[%mul3A_2, %dma_wait3A] : memref<1280x128xi32, #tpu.memory_space<hbm>> -> memref<40x128xi32, #tpu.memory_space<hbm>>
      %dma_wait3A_186 = arith.constant 0 : i32
      %dma_wait3A_187 = tpu.memref_slice %arg3[%mul3A_2, %dma_wait3A_186] : memref<1280x128xi32, #tpu.memory_space<hbm>> -> memref<40x128xi32, #tpu.memory_space<hbm>>
      tpu.wait_dma2 semaphore(%run_scoped3A : memref<!tpu.dma_semaphore, #tpu.memory_space<semaphore_mem>>) src(%dma_wait3A_187 : memref<40x128xi32, #tpu.memory_space<hbm>>) dst(%arg6 : memref<40x128xi32, #tpu.memory_space<vmem>>)
      tpu.yield
    }) : () -> ()
    "tpu.region"() ({
      %run_scoped3A = tpu.sem_alloc : memref<!tpu.dma_semaphore, #tpu.memory_space<semaphore_mem>>
      %dma_start3A_181 = arith.constant 0 : i32
      %dma_start3A_182 = tpu.memref_slice %arg4[%mul3A_2, %dma_start3A_181] : memref<1280x128xi32, #tpu.memory_space<hbm>> -> memref<40x128xi32, #tpu.memory_space<hbm>>
      %dma_start3A_183 = arith.constant 0 : i32
      %dma_start3A_184 = tpu.memref_slice %arg4[%mul3A_2, %dma_start3A_183] : memref<1280x128xi32, #tpu.memory_space<hbm>> -> memref<40x128xi32, #tpu.memory_space<hbm>>
      tpu.enqueue_dma source(%dma_start3A_184 : memref<40x128xi32, #tpu.memory_space<hbm>>) target(%arg7 : memref<40x128xi32, #tpu.memory_space<vmem>>) target_semaphore(%run_scoped3A : memref<!tpu.dma_semaphore, #tpu.memory_space<semaphore_mem>>)
      %dma_wait3A = arith.constant 0 : i32
      %dma_wait3A_185 = tpu.memref_slice %arg4[%mul3A_2, %dma_wait3A] : memref<1280x128xi32, #tpu.memory_space<hbm>> -> memref<40x128xi32, #tpu.memory_space<hbm>>
      %dma_wait3A_186 = arith.constant 0 : i32
      %dma_wait3A_187 = tpu.memref_slice %arg4[%mul3A_2, %dma_wait3A_186] : memref<1280x128xi32, #tpu.memory_space<hbm>> -> memref<40x128xi32, #tpu.memory_space<hbm>>
      tpu.wait_dma2 semaphore(%run_scoped3A : memref<!tpu.dma_semaphore, #tpu.memory_space<semaphore_mem>>) src(%dma_wait3A_187 : memref<40x128xi32, #tpu.memory_space<hbm>>) dst(%arg7 : memref<40x128xi32, #tpu.memory_space<vmem>>)
      tpu.yield
    }) : () -> ()
    %get3A = arith.constant 0 : i32
    %get3A_3 = arith.index_cast %get3A : i32 to index
    %get3A_4 = arith.constant 0 : index
    %get3A_5 = tpu.vector_load %arg6[%get3A_3, %get3A_4] {strides = array<i32>} : memref<40x128xi32, #tpu.memory_space<vmem>>, vector<1x16xi32>,
    %get3A_6 = vector.shape_cast %get3A_5 : vector<1x16xi32> to vector<16xi32>
    %and3A = arith.constant 65535 : i32
    %and3A_7 = vector.broadcast %and3A : i32 to vector<16xi32>
    %and3A_8 = arith.andi %get3A_6, %and3A_7 : vector<16xi32>
    %swap3A = arith.constant 0 : index
    %swap3A_9 = tpu.vector_load %arg11[%swap3A] {strides = array<i32>} : memref<128xi32, #tpu.memory_space<vmem>>, vector<16xi32>,
    %swap3A_10 = vector.shape_cast %swap3A_9 : vector<16xi32> to vector<16xi32>
    %swap3A_11 = vector.shape_cast %and3A_8 : vector<16xi32> to vector<16xi32>
    tpu.vector_store %arg11[%swap3A], %swap3A_11 {strides = array<i32>} : memref<128xi32, #tpu.memory_space<vmem>>, vector<16xi32>,
    %shift_right_logical3A = arith.constant 16 : i32
    %shift_right_logical3A_12 = vector.broadcast %shift_right_logical3A : i32 to vector<16xi32>
    %shift_right_logical3A_13 = arith.shrui %get3A_6, %shift_right_logical3A_12 : vector<16xi32>
    %swap3A_14 = arith.constant 16 : index
    %swap3A_15 = tpu.vector_load %arg11[%swap3A_14] {strides = array<i32>} : memref<128xi32, #tpu.memory_space<vmem>>, vector<16xi32>,
    %swap3A_16 = vector.shape_cast %swap3A_15 : vector<16xi32> to vector<16xi32>
    %swap3A_17 = vector.shape_cast %shift_right_logical3A_13 : vector<16xi32> to vector<16xi32>
    tpu.vector_store %arg11[%swap3A_14], %swap3A_17 {strides = array<i32>} : memref<128xi32, #tpu.memory_space<vmem>>, vector<16xi32>,
    %get3A_18 = arith.constant 0 : i32
    %get3A_19 = arith.index_cast %get3A_18 : i32 to index
    %get3A_20 = arith.constant 16 : index
    %get3A_21 = tpu.vector_load %arg6[%get3A_19, %get3A_20] {strides = array<i32>} : memref<40x128xi32, #tpu.memory_space<vmem>>, vector<1x16xi32>,
    %get3A_22 = vector.shape_cast %get3A_21 : vector<1x16xi32> to vector<16xi32>
    %and3A_23 = arith.constant 65535 : i32
    %and3A_24 = vector.broadcast %and3A_23 : i32 to vector<16xi32>
    %and3A_25 = arith.andi %get3A_22, %and3A_24 : vector<16xi32>
    %swap3A_26 = arith.constant 32 : index
    %swap3A_27 = tpu.vector_load %arg11[%swap3A_26] {strides = array<i32>} : memref<128xi32, #tpu.memory_space<vmem>>, vector<16xi32>,
    %swap3A_28 = vector.shape_cast %swap3A_27 : vector<16xi32> to vector<16xi32>
    %swap3A_29 = vector.shape_cast %and3A_25 : vector<16xi32> to vector<16xi32>
    tpu.vector_store %arg11[%swap3A_26], %swap3A_29 {strides = array<i32>} : memref<128xi32, #tpu.memory_space<vmem>>, vector<16xi32>,
    %shift_right_logical3A_30 = arith.constant 16 : i32
    %shift_right_logical3A_31 = vector.broadcast %shift_right_logical3A_30 : i32 to vector<16xi32>
    %shift_right_logical3A_32 = arith.shrui %get3A_22, %shift_right_logical3A_31 : vector<16xi32>
    %swap3A_33 = arith.constant 48 : index
    %swap3A_34 = tpu.vector_load %arg11[%swap3A_33] {strides = array<i32>} : memref<128xi32, #tpu.memory_space<vmem>>, vector<16xi32>,
    %swap3A_35 = vector.shape_cast %swap3A_34 : vector<16xi32> to vector<16xi32>
    %swap3A_36 = vector.shape_cast %shift_right_logical3A_32 : vector<16xi32> to vector<16xi32>
    tpu.vector_store %arg11[%swap3A_33], %swap3A_36 {strides = array<i32>} : memref<128xi32, #tpu.memory_space<vmem>>, vector<16xi32>,
    %get3A_37 = arith.constant 0 : i32
    %get3A_38 = arith.index_cast %get3A_37 : i32 to index
    %get3A_39 = arith.constant 32 : index
    %get3A_40 = tpu.vector_load %arg6[%get3A_38, %get3A_39] {strides = array<i32>} : memref<40x128xi32, #tpu.memory_space<vmem>>, vector<1x16xi32>,
    %get3A_41 = vector.shape_cast %get3A_40 : vector<1x16xi32> to vector<16xi32>
    %and3A_42 = arith.constant 65535 : i32
    %and3A_43 = vector.broadcast %and3A_42 : i32 to vector<16xi32>
    %and3A_44 = arith.andi %get3A_41, %and3A_43 : vector<16xi32>
    %swap3A_45 = arith.constant 64 : index
    %swap3A_46 = tpu.vector_load %arg11[%swap3A_45] {strides = array<i32>} : memref<128xi32, #tpu.memory_space<vmem>>, vector<16xi32>,
    %swap3A_47 = vector.shape_cast %swap3A_46 : vector<16xi32> to vector<16xi32>
    %swap3A_48 = vector.shape_cast %and3A_44 : vector<16xi32> to vector<16xi32>
    tpu.vector_store %arg11[%swap3A_45], %swap3A_48 {strides = array<i32>} : memref<128xi32, #tpu.memory_space<vmem>>, vector<16xi32>,
    %shift_right_logical3A_49 = arith.constant 16 : i32
    %shift_right_logical3A_50 = vector.broadcast %shift_right_logical3A_49 : i32 to vector<16xi32>
    %shift_right_logical3A_51 = arith.shrui %get3A_41, %shift_right_logical3A_50 : vector<16xi32>
    %swap3A_52 = arith.constant 80 : index
    %swap3A_53 = tpu.vector_load %arg11[%swap3A_52] {strides = array<i32>} : memref<128xi32, #tpu.memory_space<vmem>>, vector<16xi32>,
    %swap3A_54 = vector.shape_cast %swap3A_53 : vector<16xi32> to vector<16xi32>
    %swap3A_55 = vector.shape_cast %shift_right_logical3A_51 : vector<16xi32> to vector<16xi32>
    tpu.vector_store %arg11[%swap3A_52], %swap3A_55 {strides = array<i32>} : memref<128xi32, #tpu.memory_space<vmem>>, vector<16xi32>,
    %get3A_56 = arith.constant 0 : i32
    %get3A_57 = arith.index_cast %get3A_56 : i32 to index
    %get3A_58 = arith.constant 48 : index
    %get3A_59 = tpu.vector_load %arg6[%get3A_57, %get3A_58] {strides = array<i32>} : memref<40x128xi32, #tpu.memory_space<vmem>>, vector<1x16xi32>,
    %get3A_60 = vector.shape_cast %get3A_59 : vector<1x16xi32> to vector<16xi32>
    %and3A_61 = arith.constant 65535 : i32
    %and3A_62 = vector.broadcast %and3A_61 : i32 to vector<16xi32>
    %and3A_63 = arith.andi %get3A_60, %and3A_62 : vector<16xi32>
    %swap3A_64 = arith.constant 96 : index
    %swap3A_65 = tpu.vector_load %arg11[%swap3A_64] {strides = array<i32>} : memref<128xi32, #tpu.memory_space<vmem>>, vector<16xi32>,
    %swap3A_66 = vector.shape_cast %swap3A_65 : vector<16xi32> to vector<16xi32>
    %swap3A_67 = vector.shape_cast %and3A_63 : vector<16xi32> to vector<16xi32>
    tpu.vector_store %arg11[%swap3A_64], %swap3A_67 {strides = array<i32>} : memref<128xi32, #tpu.memory_space<vmem>>, vector<16xi32>,
    %shift_right_logical3A_68 = arith.constant 16 : i32
    %shift_right_logical3A_69 = vector.broadcast %shift_right_logical3A_68 : i32 to vector<16xi32>
    %shift_right_logical3A_70 = arith.shrui %get3A_60, %shift_right_logical3A_69 : vector<16xi32>
    %swap3A_71 = arith.constant 112 : index
    %swap3A_72 = tpu.vector_load %arg11[%swap3A_71] {strides = array<i32>} : memref<128xi32, #tpu.memory_space<vmem>>, vector<16xi32>,
    %swap3A_73 = vector.shape_cast %swap3A_72 : vector<16xi32> to vector<16xi32>
    %swap3A_74 = vector.shape_cast %shift_right_logical3A_70 : vector<16xi32> to vector<16xi32>
    tpu.vector_store %arg11[%swap3A_71], %swap3A_74 {strides = array<i32>} : memref<128xi32, #tpu.memory_space<vmem>>, vector<16xi32>,
    %dma_start3A = arith.constant 0 : i32
    %dma_start3A_75 = arith.constant 0 : i32
    %dma_start3A_76 = tpu.memref_slice %arg2[%dma_start3A, %dma_start3A_75] : memref<10240x128xf32, #tpu.memory_space<hbm>> -> memref<10240x128xf32, #tpu.memory_space<hbm>>
    tpu.enqueue_indirect_dma source(%dma_start3A_76 : memref<10240x128xf32, #tpu.memory_space<hbm>>) target(%arg8 : memref<128x128xf32, #tpu.memory_space<vmem>>) offsets(%arg11 : memref<128xi32, #tpu.memory_space<vmem>>) semaphore(%arg14 : memref<!tpu.dma_semaphore, #tpu.memory_space<semaphore_mem>>)
    %get3A_77 = arith.constant 0 : i32
    %get3A_78 = arith.index_cast %get3A_77 : i32 to index
    %get3A_79 = arith.constant 64 : index
    %get3A_80 = tpu.vector_load %arg6[%get3A_78, %get3A_79] {strides = array<i32>} : memref<40x128xi32, #tpu.memory_space<vmem>>, vector<1x16xi32>,
    %get3A_81 = vector.shape_cast %get3A_80 : vector<1x16xi32> to vector<16xi32>
    %and3A_82 = arith.constant 65535 : i32
    %and3A_83 = vector.broadcast %and3A_82 : i32 to vector<16xi32>
    %and3A_84 = arith.andi %get3A_81, %and3A_83 : vector<16xi32>
    %swap3A_85 = arith.constant 0 : index
    %swap3A_86 = tpu.vector_load %arg12[%swap3A_85] {strides = array<i32>} : memref<128xi32, #tpu.memory_space<vmem>>, vector<16xi32>,
    %swap3A_87 = vector.shape_cast %swap3A_86 : vector<16xi32> to vector<16xi32>
    %swap3A_88 = vector.shape_cast %and3A_84 : vector<16xi32> to vector<16xi32>
    tpu.vector_store %arg12[%swap3A_85], %swap3A_88 {strides = array<i32>} : memref<128xi32, #tpu.memory_space<vmem>>, vector<16xi32>,
    %shift_right_logical3A_89 = arith.constant 16 : i32
    %shift_right_logical3A_90 = vector.broadcast %shift_right_logical3A_89 : i32 to vector<16xi32>
    %shift_right_logical3A_91 = arith.shrui %get3A_81, %shift_right_logical3A_90 : vector<16xi32>
    %swap3A_92 = arith.constant 16 : index
    %swap3A_93 = tpu.vector_load %arg12[%swap3A_92] {strides = array<i32>} : memref<128xi32, #tpu.memory_space<vmem>>, vector<16xi32>,
    %swap3A_94 = vector.shape_cast %swap3A_93 : vector<16xi32> to vector<16xi32>
    %swap3A_95 = vector.shape_cast %shift_right_logical3A_91 : vector<16xi32> to vector<16xi32>
    tpu.vector_store %arg12[%swap3A_92], %swap3A_95 {strides = array<i32>} : memref<128xi32, #tpu.memory_space<vmem>>, vector<16xi32>,
    %get3A_96 = arith.constant 0 : i32
    %get3A_97 = arith.index_cast %get3A_96 : i32 to index
    %get3A_98 = arith.constant 80 : index
    %get3A_99 = tpu.vector_load %arg6[%get3A_97, %get3A_98] {strides = array<i32>} : memref<40x128xi32, #tpu.memory_space<vmem>>, vector<1x16xi32>,
    %get3A_100 = vector.shape_cast %get3A_99 : vector<1x16xi32> to vector<16xi32>
    %and3A_101 = arith.constant 65535 : i32
    %and3A_102 = vector.broadcast %and3A_101 : i32 to vector<16xi32>
    %and3A_103 = arith.andi %get3A_100, %and3A_102 : vector<16xi32>
    %swap3A_104 = arith.constant 32 : index
    %swap3A_105 = tpu.vector_load %arg12[%swap3A_104] {strides = array<i32>} : memref<128xi32, #tpu.memory_space<vmem>>, vector<16xi32>,
    %swap3A_106 = vector.shape_cast %swap3A_105 : vector<16xi32> to vector<16xi32>
    %swap3A_107 = vector.shape_cast %and3A_103 : vector<16xi32> to vector<16xi32>
    tpu.vector_store %arg12[%swap3A_104], %swap3A_107 {strides = array<i32>} : memref<128xi32, #tpu.memory_space<vmem>>, vector<16xi32>,
    %shift_right_logical3A_108 = arith.constant 16 : i32
    %shift_right_logical3A_109 = vector.broadcast %shift_right_logical3A_108 : i32 to vector<16xi32>
    %shift_right_logical3A_110 = arith.shrui %get3A_100, %shift_right_logical3A_109 : vector<16xi32>
    %swap3A_111 = arith.constant 48 : index
    %swap3A_112 = tpu.vector_load %arg12[%swap3A_111] {strides = array<i32>} : memref<128xi32, #tpu.memory_space<vmem>>, vector<16xi32>,
    %swap3A_113 = vector.shape_cast %swap3A_112 : vector<16xi32> to vector<16xi32>
    %swap3A_114 = vector.shape_cast %shift_right_logical3A_110 : vector<16xi32> to vector<16xi32>
    tpu.vector_store %arg12[%swap3A_111], %swap3A_114 {strides = array<i32>} : memref<128xi32, #tpu.memory_space<vmem>>, vector<16xi32>,
    %get3A_115 = arith.constant 0 : i32
    %get3A_116 = arith.index_cast %get3A_115 : i32 to index
    %get3A_117 = arith.constant 96 : index
    %get3A_118 = tpu.vector_load %arg6[%get3A_116, %get3A_117] {strides = array<i32>} : memref<40x128xi32, #tpu.memory_space<vmem>>, vector<1x16xi32>,
    %get3A_119 = vector.shape_cast %get3A_118 : vector<1x16xi32> to vector<16xi32>
    %and3A_120 = arith.constant 65535 : i32
    %and3A_121 = vector.broadcast %and3A_120 : i32 to vector<16xi32>
    %and3A_122 = arith.andi %get3A_119, %and3A_121 : vector<16xi32>
    %swap3A_123 = arith.constant 64 : index
    %swap3A_124 = tpu.vector_load %arg12[%swap3A_123] {strides = array<i32>} : memref<128xi32, #tpu.memory_space<vmem>>, vector<16xi32>,
    %swap3A_125 = vector.shape_cast %swap3A_124 : vector<16xi32> to vector<16xi32>
    %swap3A_126 = vector.shape_cast %and3A_122 : vector<16xi32> to vector<16xi32>
    tpu.vector_store %arg12[%swap3A_123], %swap3A_126 {strides = array<i32>} : memref<128xi32, #tpu.memory_space<vmem>>, vector<16xi32>,
    %shift_right_logical3A_127 = arith.constant 16 : i32
    %shift_right_logical3A_128 = vector.broadcast %shift_right_logical3A_127 : i32 to vector<16xi32>
    %shift_right_logical3A_129 = arith.shrui %get3A_119, %shift_right_logical3A_128 : vector<16xi32>
    %swap3A_130 = arith.constant 80 : index
    %swap3A_131 = tpu.vector_load %arg12[%swap3A_130] {strides = array<i32>} : memref<128xi32, #tpu.memory_space<vmem>>, vector<16xi32>,
    %swap3A_132 = vector.shape_cast %swap3A_131 : vector<16xi32> to vector<16xi32>
    %swap3A_133 = vector.shape_cast %shift_right_logical3A_129 : vector<16xi32> to vector<16xi32>
    tpu.vector_store %arg12[%swap3A_130], %swap3A_133 {strides = array<i32>} : memref<128xi32, #tpu.memory_space<vmem>>, vector<16xi32>,
    %get3A_134 = arith.constant 0 : i32
    %get3A_135 = arith.index_cast %get3A_134 : i32 to index
    %get3A_136 = arith.constant 112 : index
    %get3A_137 = tpu.vector_load %arg6[%get3A_135, %get3A_136] {strides = array<i32>} : memref<40x128xi32, #tpu.memory_space<vmem>>, vector<1x16xi32>,
    %get3A_138 = vector.shape_cast %get3A_137 : vector<1x16xi32> to vector<16xi32>
    %and3A_139 = arith.constant 65535 : i32
    %and3A_140 = vector.broadcast %and3A_139 : i32 to vector<16xi32>
    %and3A_141 = arith.andi %get3A_138, %and3A_140 : vector<16xi32>
    %swap3A_142 = arith.constant 96 : index
    %swap3A_143 = tpu.vector_load %arg12[%swap3A_142] {strides = array<i32>} : memref<128xi32, #tpu.memory_space<vmem>>, vector<16xi32>,
    %swap3A_144 = vector.shape_cast %swap3A_143 : vector<16xi32> to vector<16xi32>
    %swap3A_145 = vector.shape_cast %and3A_141 : vector<16xi32> to vector<16xi32>
    tpu.vector_store %arg12[%swap3A_142], %swap3A_145 {strides = array<i32>} : memref<128xi32, #tpu.memory_space<vmem>>, vector<16xi32>,
    %shift_right_logical3A_146 = arith.constant 16 : i32
    %shift_right_logical3A_147 = vector.broadcast %shift_right_logical3A_146 : i32 to vector<16xi32>
    %shift_right_logical3A_148 = arith.shrui %get3A_138, %shift_right_logical3A_147 : vector<16xi32>
    %swap3A_149 = arith.constant 112 : index
    %swap3A_150 = tpu.vector_load %arg12[%swap3A_149] {strides = array<i32>} : memref<128xi32, #tpu.memory_space<vmem>>, vector<16xi32>,
    %swap3A_151 = vector.shape_cast %swap3A_150 : vector<16xi32> to vector<16xi32>
    %swap3A_152 = vector.shape_cast %shift_right_logical3A_148 : vector<16xi32> to vector<16xi32>
    tpu.vector_store %arg12[%swap3A_149], %swap3A_152 {strides = array<i32>} : memref<128xi32, #tpu.memory_space<vmem>>, vector<16xi32>,
    %dma_start3A_153 = arith.constant 0 : i32
    %dma_start3A_154 = arith.constant 0 : i32
    %dma_start3A_155 = tpu.memref_slice %arg2[%dma_start3A_153, %dma_start3A_154] : memref<10240x128xf32, #tpu.memory_space<hbm>> -> memref<10240x128xf32, #tpu.memory_space<hbm>>
    tpu.enqueue_indirect_dma source(%dma_start3A_155 : memref<10240x128xf32, #tpu.memory_space<hbm>>) target(%arg9 : memref<128x128xf32, #tpu.memory_space<vmem>>) offsets(%arg12 : memref<128xi32, #tpu.memory_space<vmem>>) semaphore(%arg15 : memref<!tpu.dma_semaphore, #tpu.memory_space<semaphore_mem>>)
    %scan3A = arith.constant 0 : i32
    %scan3A_156 = arith.constant 0 : i32
    %scan3A_157 = arith.constant 16 : i32
    %scan3A_158 = arith.addi %scan3A_156, %scan3A_157 : i32
    %scan3A_159 = arith.constant 1 : i32
    %scan3A_160 = scf.for %scan3A_181 = %scan3A_156 to %scan3A_158 step %scan3A_159 iter_args(%scan3A_182 = %scan3A) -> (i32)  : i32 {
      %broadcast_in_dim3A = arith.constant 0.000000e+00 : f32
      %broadcast_in_dim3A_183 = vector.broadcast %broadcast_in_dim3A : f32 to vector<16xf32>
      %swap3A_184 = arith.index_cast %scan3A_181 : i32 to index
      %swap3A_185 = arith.constant 0 : index
      %swap3A_186 = tpu.vector_load %arg10[%swap3A_184, %swap3A_185] {strides = array<i32>} : memref<16x128xf32, #tpu.memory_space<vmem>>, vector<1x16xf32>,
      %swap3A_187 = vector.shape_cast %swap3A_186 : vector<1x16xf32> to vector<16xf32>
      %swap3A_188 = vector.shape_cast %broadcast_in_dim3A_183 : vector<16xf32> to vector<1x16xf32>
      tpu.vector_store %arg10[%swap3A_184, %swap3A_185], %swap3A_188 {strides = array<i32>} : memref<16x128xf32, #tpu.memory_space<vmem>>, vector<1x16xf32>,
      %broadcast_in_dim3A_189 = arith.constant 0.000000e+00 : f32
      %broadcast_in_dim3A_190 = vector.broadcast %broadcast_in_dim3A_189 : f32 to vector<16xf32>
      %swap3A_191 = arith.index_cast %scan3A_181 : i32 to index
      %swap3A_192 = arith.constant 16 : index
      %swap3A_193 = tpu.vector_load %arg10[%swap3A_191, %swap3A_192] {strides = array<i32>} : memref<16x128xf32, #tpu.memory_space<vmem>>, vector<1x16xf32>,
      %swap3A_194 = vector.shape_cast %swap3A_193 : vector<1x16xf32> to vector<16xf32>
      %swap3A_195 = vector.shape_cast %broadcast_in_dim3A_190 : vector<16xf32> to vector<1x16xf32>
      tpu.vector_store %arg10[%swap3A_191, %swap3A_192], %swap3A_195 {strides = array<i32>} : memref<16x128xf32, #tpu.memory_space<vmem>>, vector<1x16xf32>,
      %broadcast_in_dim3A_196 = arith.constant 0.000000e+00 : f32
      %broadcast_in_dim3A_197 = vector.broadcast %broadcast_in_dim3A_196 : f32 to vector<16xf32>
      %swap3A_198 = arith.index_cast %scan3A_181 : i32 to index
      %swap3A_199 = arith.constant 32 : index
      %swap3A_200 = tpu.vector_load %arg10[%swap3A_198, %swap3A_199] {strides = array<i32>} : memref<16x128xf32, #tpu.memory_space<vmem>>, vector<1x16xf32>,
      %swap3A_201 = vector.shape_cast %swap3A_200 : vector<1x16xf32> to vector<16xf32>
      %swap3A_202 = vector.shape_cast %broadcast_in_dim3A_197 : vector<16xf32> to vector<1x16xf32>
      tpu.vector_store %arg10[%swap3A_198, %swap3A_199], %swap3A_202 {strides = array<i32>} : memref<16x128xf32, #tpu.memory_space<vmem>>, vector<1x16xf32>,
      %broadcast_in_dim3A_203 = arith.constant 0.000000e+00 : f32
      %broadcast_in_dim3A_204 = vector.broadcast %broadcast_in_dim3A_203 : f32 to vector<16xf32>
      %swap3A_205 = arith.index_cast %scan3A_181 : i32 to index
      %swap3A_206 = arith.constant 48 : index
      %swap3A_207 = tpu.vector_load %arg10[%swap3A_205, %swap3A_206] {strides = array<i32>} : memref<16x128xf32, #tpu.memory_space<vmem>>, vector<1x16xf32>,
      %swap3A_208 = vector.shape_cast %swap3A_207 : vector<1x16xf32> to vector<16xf32>
      %swap3A_209 = vector.shape_cast %broadcast_in_dim3A_204 : vector<16xf32> to vector<1x16xf32>
      tpu.vector_store %arg10[%swap3A_205, %swap3A_206], %swap3A_209 {strides = array<i32>} : memref<16x128xf32, #tpu.memory_space<vmem>>, vector<1x16xf32>,
      %broadcast_in_dim3A_210 = arith.constant 0.000000e+00 : f32
      %broadcast_in_dim3A_211 = vector.broadcast %broadcast_in_dim3A_210 : f32 to vector<16xf32>
      %swap3A_212 = arith.index_cast %scan3A_181 : i32 to index
      %swap3A_213 = arith.constant 64 : index
      %swap3A_214 = tpu.vector_load %arg10[%swap3A_212, %swap3A_213] {strides = array<i32>} : memref<16x128xf32, #tpu.memory_space<vmem>>, vector<1x16xf32>,
      %swap3A_215 = vector.shape_cast %swap3A_214 : vector<1x16xf32> to vector<16xf32>
      %swap3A_216 = vector.shape_cast %broadcast_in_dim3A_211 : vector<16xf32> to vector<1x16xf32>
      tpu.vector_store %arg10[%swap3A_212, %swap3A_213], %swap3A_216 {strides = array<i32>} : memref<16x128xf32, #tpu.memory_space<vmem>>, vector<1x16xf32>,
      %broadcast_in_dim3A_217 = arith.constant 0.000000e+00 : f32
      %broadcast_in_dim3A_218 = vector.broadcast %broadcast_in_dim3A_217 : f32 to vector<16xf32>
      %swap3A_219 = arith.index_cast %scan3A_181 : i32 to index
      %swap3A_220 = arith.constant 80 : index
      %swap3A_221 = tpu.vector_load %arg10[%swap3A_219, %swap3A_220] {strides = array<i32>} : memref<16x128xf32, #tpu.memory_space<vmem>>, vector<1x16xf32>,
      %swap3A_222 = vector.shape_cast %swap3A_221 : vector<1x16xf32> to vector<16xf32>
      %swap3A_223 = vector.shape_cast %broadcast_in_dim3A_218 : vector<16xf32> to vector<1x16xf32>
      tpu.vector_store %arg10[%swap3A_219, %swap3A_220], %swap3A_223 {strides = array<i32>} : memref<16x128xf32, #tpu.memory_space<vmem>>, vector<1x16xf32>,
      %broadcast_in_dim3A_224 = arith.constant 0.000000e+00 : f32
      %broadcast_in_dim3A_225 = vector.broadcast %broadcast_in_dim3A_224 : f32 to vector<16xf32>
      %swap3A_226 = arith.index_cast %scan3A_181 : i32 to index
      %swap3A_227 = arith.constant 96 : index
      %swap3A_228 = tpu.vector_load %arg10[%swap3A_226, %swap3A_227] {strides = array<i32>} : memref<16x128xf32, #tpu.memory_space<vmem>>, vector<1x16xf32>,
      %swap3A_229 = vector.shape_cast %swap3A_228 : vector<1x16xf32> to vector<16xf32>
      %swap3A_230 = vector.shape_cast %broadcast_in_dim3A_225 : vector<16xf32> to vector<1x16xf32>
      tpu.vector_store %arg10[%swap3A_226, %swap3A_227], %swap3A_230 {strides = array<i32>} : memref<16x128xf32, #tpu.memory_space<vmem>>, vector<1x16xf32>,
      %broadcast_in_dim3A_231 = arith.constant 0.000000e+00 : f32
      %broadcast_in_dim3A_232 = vector.broadcast %broadcast_in_dim3A_231 : f32 to vector<16xf32>
      %swap3A_233 = arith.index_cast %scan3A_181 : i32 to index
      %swap3A_234 = arith.constant 112 : index
      %swap3A_235 = tpu.vector_load %arg10[%swap3A_233, %swap3A_234] {strides = array<i32>} : memref<16x128xf32, #tpu.memory_space<vmem>>, vector<1x16xf32>,
      %swap3A_236 = vector.shape_cast %swap3A_235 : vector<1x16xf32> to vector<16xf32>
      %swap3A_237 = vector.shape_cast %broadcast_in_dim3A_232 : vector<16xf32> to vector<1x16xf32>
      tpu.vector_store %arg10[%swap3A_233, %swap3A_234], %swap3A_237 {strides = array<i32>} : memref<16x128xf32, #tpu.memory_space<vmem>>, vector<1x16xf32>,
      %scan3A_238 = arith.constant 0 : i32
      scf.yield %scan3A_238 : i32
    }
    %scan3A_161 = arith.constant 16 : i32
    %scan3A_162 = arith.constant 0 : i32
    %scan3A_163 = arith.constant 0 : i32
    %scan3A_164 = arith.constant 40 : i32
    %scan3A_165 = arith.addi %scan3A_163, %scan3A_164 : i32
    %scan3A_166 = arith.constant 1 : i32
    %scan3A_167 = scf.for %scan3A_181 = %scan3A_163 to %scan3A_165 step %scan3A_166 iter_args(%scan3A_182 = %scan3A_162) -> (i32)  : i32 {
      %mul3A_183 = arith.constant 640 : i32
      %mul3A_184 = arith.muli %arg1, %mul3A_183 : i32
      %mul3A_185 = arith.constant 16 : i32
      %mul3A_186 = arith.muli %scan3A_181, %mul3A_185 : i32
      %add3A_187 = arith.addi %mul3A_184, %mul3A_186 : i32
      "tpu.region"() ({
        %run_scoped3A = tpu.sem_alloc : memref<!tpu.dma_semaphore, #tpu.memory_space<semaphore_mem>>
        %dma_start3A_189 = arith.constant 0 : i32
        %dma_start3A_190 = tpu.memref_slice %arg16[%add3A_187, %dma_start3A_189] : memref<10240x128xf32, #tpu.memory_space<vmem_shared>> -> memref<16x128xf32, #tpu.memory_space<vmem_shared>>
        %dma_start3A_191 = arith.constant 0 : i32
        %dma_start3A_192 = tpu.memref_slice %arg16[%add3A_187, %dma_start3A_191] : memref<10240x128xf32, #tpu.memory_space<vmem_shared>> -> memref<16x128xf32, #tpu.memory_space<vmem_shared>>
        tpu.enqueue_dma source(%arg10 : memref<16x128xf32, #tpu.memory_space<vmem>>) target(%dma_start3A_192 : memref<16x128xf32, #tpu.memory_space<vmem_shared>>) target_semaphore(%run_scoped3A : memref<!tpu.dma_semaphore, #tpu.memory_space<semaphore_mem>>)
        %dma_wait3A = arith.constant 0 : i32
        %dma_wait3A_193 = tpu.memref_slice %arg16[%add3A_187, %dma_wait3A] : memref<10240x128xf32, #tpu.memory_space<vmem_shared>> -> memref<16x128xf32, #tpu.memory_space<vmem_shared>>
        %dma_wait3A_194 = arith.constant 0 : i32
        %dma_wait3A_195 = tpu.memref_slice %arg16[%add3A_187, %dma_wait3A_194] : memref<10240x128xf32, #tpu.memory_space<vmem_shared>> -> memref<16x128xf32, #tpu.memory_space<vmem_shared>>
        tpu.wait_dma2 semaphore(%run_scoped3A : memref<!tpu.dma_semaphore, #tpu.memory_space<semaphore_mem>>) src(%arg10 : memref<16x128xf32, #tpu.memory_space<vmem>>) dst(%dma_wait3A_195 : memref<16x128xf32, #tpu.memory_space<vmem_shared>>)
        tpu.yield
      }) : () -> ()
      %scan3A_188 = arith.constant 0 : i32
      scf.yield %scan3A_188 : i32
    }
    %scan3A_168 = arith.constant 40 : i32
    %barrier3A = arith.constant 0 : index
    tpu.barrier barrier_id(%barrier3A)
    %scan3A_169 = arith.constant 0 : i32
    %scan3A_170 = arith.constant 0 : i32
    %scan3A_171 = arith.constant 40 : i32
    %scan3A_172 = arith.addi %scan3A_170, %scan3A_171 : i32
    %scan3A_173 = arith.constant 1 : i32
    %scan3A_174 = scf.for %scan3A_181 = %scan3A_170 to %scan3A_172 step %scan3A_173 iter_args(%scan3A_182 = %scan3A_169) -> (i32)  : i32 {
      %dma_wait3A = arith.constant 0 : i32
      %dma_wait3A_183 = arith.constant 0 : i32
      %dma_wait3A_184 = tpu.memref_slice %arg2[%dma_wait3A, %dma_wait3A_183] : memref<10240x128xf32, #tpu.memory_space<hbm>> -> memref<10240x128xf32, #tpu.memory_space<hbm>>
      tpu.wait_indirect_dma semaphore(%arg14 : memref<!tpu.dma_semaphore, #tpu.memory_space<semaphore_mem>>) src(%dma_wait3A_184 : memref<10240x128xf32, #tpu.memory_space<hbm>>) dst(%arg8 : memref<128x128xf32, #tpu.memory_space<vmem>>)
      %get3A_185 = arith.index_cast %scan3A_181 : i32 to index
      %get3A_186 = arith.constant 0 : index
      %get3A_187 = tpu.vector_load %arg7[%get3A_185, %get3A_186] {strides = array<i32>} : memref<40x128xi32, #tpu.memory_space<vmem>>, vector<1x16xi32>,
      %get3A_188 = vector.shape_cast %get3A_187 : vector<1x16xi32> to vector<16xi32>
      %and3A_189 = arith.constant 65535 : i32
      %and3A_190 = vector.broadcast %and3A_189 : i32 to vector<16xi32>
      %and3A_191 = arith.andi %get3A_188, %and3A_190 : vector<16xi32>
      %swap3A_192 = arith.constant 0 : index
      %swap3A_193 = tpu.vector_load %arg13[%swap3A_192] {strides = array<i32>} : memref<128xi32, #tpu.memory_space<vmem>>, vector<16xi32>,
      %swap3A_194 = vector.shape_cast %swap3A_193 : vector<16xi32> to vector<16xi32>
      %swap3A_195 = vector.shape_cast %and3A_191 : vector<16xi32> to vector<16xi32>
      tpu.vector_store %arg13[%swap3A_192], %swap3A_195 {strides = array<i32>} : memref<128xi32, #tpu.memory_space<vmem>>, vector<16xi32>,
      %shift_right_logical3A_196 = arith.constant 16 : i32
      %shift_right_logical3A_197 = vector.broadcast %shift_right_logical3A_196 : i32 to vector<16xi32>
      %shift_right_logical3A_198 = arith.shrui %get3A_188, %shift_right_logical3A_197 : vector<16xi32>
      %swap3A_199 = arith.constant 16 : index
      %swap3A_200 = tpu.vector_load %arg13[%swap3A_199] {strides = array<i32>} : memref<128xi32, #tpu.memory_space<vmem>>, vector<16xi32>,
      %swap3A_201 = vector.shape_cast %swap3A_200 : vector<16xi32> to vector<16xi32>
      %swap3A_202 = vector.shape_cast %shift_right_logical3A_198 : vector<16xi32> to vector<16xi32>
      tpu.vector_store %arg13[%swap3A_199], %swap3A_202 {strides = array<i32>} : memref<128xi32, #tpu.memory_space<vmem>>, vector<16xi32>,
      %get3A_203 = arith.index_cast %scan3A_181 : i32 to index
      %get3A_204 = arith.constant 16 : index
      %get3A_205 = tpu.vector_load %arg7[%get3A_203, %get3A_204] {strides = array<i32>} : memref<40x128xi32, #tpu.memory_space<vmem>>, vector<1x16xi32>,
      %get3A_206 = vector.shape_cast %get3A_205 : vector<1x16xi32> to vector<16xi32>
      %and3A_207 = arith.constant 65535 : i32
      %and3A_208 = vector.broadcast %and3A_207 : i32 to vector<16xi32>
      %and3A_209 = arith.andi %get3A_206, %and3A_208 : vector<16xi32>
      %swap3A_210 = arith.constant 32 : index
      %swap3A_211 = tpu.vector_load %arg13[%swap3A_210] {strides = array<i32>} : memref<128xi32, #tpu.memory_space<vmem>>, vector<16xi32>,
      %swap3A_212 = vector.shape_cast %swap3A_211 : vector<16xi32> to vector<16xi32>
      %swap3A_213 = vector.shape_cast %and3A_209 : vector<16xi32> to vector<16xi32>
      tpu.vector_store %arg13[%swap3A_210], %swap3A_213 {strides = array<i32>} : memref<128xi32, #tpu.memory_space<vmem>>, vector<16xi32>,
      %shift_right_logical3A_214 = arith.constant 16 : i32
      %shift_right_logical3A_215 = vector.broadcast %shift_right_logical3A_214 : i32 to vector<16xi32>
      %shift_right_logical3A_216 = arith.shrui %get3A_206, %shift_right_logical3A_215 : vector<16xi32>
      %swap3A_217 = arith.constant 48 : index
      %swap3A_218 = tpu.vector_load %arg13[%swap3A_217] {strides = array<i32>} : memref<128xi32, #tpu.memory_space<vmem>>, vector<16xi32>,
      %swap3A_219 = vector.shape_cast %swap3A_218 : vector<16xi32> to vector<16xi32>
      %swap3A_220 = vector.shape_cast %shift_right_logical3A_216 : vector<16xi32> to vector<16xi32>
      tpu.vector_store %arg13[%swap3A_217], %swap3A_220 {strides = array<i32>} : memref<128xi32, #tpu.memory_space<vmem>>, vector<16xi32>,
      %get3A_221 = arith.index_cast %scan3A_181 : i32 to index
      %get3A_222 = arith.constant 32 : index
      %get3A_223 = tpu.vector_load %arg7[%get3A_221, %get3A_222] {strides = array<i32>} : memref<40x128xi32, #tpu.memory_space<vmem>>, vector<1x16xi32>,
      %get3A_224 = vector.shape_cast %get3A_223 : vector<1x16xi32> to vector<16xi32>
      %and3A_225 = arith.constant 65535 : i32
      %and3A_226 = vector.broadcast %and3A_225 : i32 to vector<16xi32>
      %and3A_227 = arith.andi %get3A_224, %and3A_226 : vector<16xi32>
      %swap3A_228 = arith.constant 64 : index
      %swap3A_229 = tpu.vector_load %arg13[%swap3A_228] {strides = array<i32>} : memref<128xi32, #tpu.memory_space<vmem>>, vector<16xi32>,
      %swap3A_230 = vector.shape_cast %swap3A_229 : vector<16xi32> to vector<16xi32>
      %swap3A_231 = vector.shape_cast %and3A_227 : vector<16xi32> to vector<16xi32>
      tpu.vector_store %arg13[%swap3A_228], %swap3A_231 {strides = array<i32>} : memref<128xi32, #tpu.memory_space<vmem>>, vector<16xi32>,
      %shift_right_logical3A_232 = arith.constant 16 : i32
      %shift_right_logical3A_233 = vector.broadcast %shift_right_logical3A_232 : i32 to vector<16xi32>
      %shift_right_logical3A_234 = arith.shrui %get3A_224, %shift_right_logical3A_233 : vector<16xi32>
      %swap3A_235 = arith.constant 80 : index
      %swap3A_236 = tpu.vector_load %arg13[%swap3A_235] {strides = array<i32>} : memref<128xi32, #tpu.memory_space<vmem>>, vector<16xi32>,
      %swap3A_237 = vector.shape_cast %swap3A_236 : vector<16xi32> to vector<16xi32>
      %swap3A_238 = vector.shape_cast %shift_right_logical3A_234 : vector<16xi32> to vector<16xi32>
      tpu.vector_store %arg13[%swap3A_235], %swap3A_238 {strides = array<i32>} : memref<128xi32, #tpu.memory_space<vmem>>, vector<16xi32>,
      %get3A_239 = arith.index_cast %scan3A_181 : i32 to index
      %get3A_240 = arith.constant 48 : index
      %get3A_241 = tpu.vector_load %arg7[%get3A_239, %get3A_240] {strides = array<i32>} : memref<40x128xi32, #tpu.memory_space<vmem>>, vector<1x16xi32>,
      %get3A_242 = vector.shape_cast %get3A_241 : vector<1x16xi32> to vector<16xi32>
      %and3A_243 = arith.constant 65535 : i32
      %and3A_244 = vector.broadcast %and3A_243 : i32 to vector<16xi32>
      %and3A_245 = arith.andi %get3A_242, %and3A_244 : vector<16xi32>
      %swap3A_246 = arith.constant 96 : index
      %swap3A_247 = tpu.vector_load %arg13[%swap3A_246] {strides = array<i32>} : memref<128xi32, #tpu.memory_space<vmem>>, vector<16xi32>,
      %swap3A_248 = vector.shape_cast %swap3A_247 : vector<16xi32> to vector<16xi32>
      %swap3A_249 = vector.shape_cast %and3A_245 : vector<16xi32> to vector<16xi32>
      tpu.vector_store %arg13[%swap3A_246], %swap3A_249 {strides = array<i32>} : memref<128xi32, #tpu.memory_space<vmem>>, vector<16xi32>,
      %shift_right_logical3A_250 = arith.constant 16 : i32
      %shift_right_logical3A_251 = vector.broadcast %shift_right_logical3A_250 : i32 to vector<16xi32>
      %shift_right_logical3A_252 = arith.shrui %get3A_242, %shift_right_logical3A_251 : vector<16xi32>
      %swap3A_253 = arith.constant 112 : index
      %swap3A_254 = tpu.vector_load %arg13[%swap3A_253] {strides = array<i32>} : memref<128xi32, #tpu.memory_space<vmem>>, vector<16xi32>,
      %swap3A_255 = vector.shape_cast %swap3A_254 : vector<16xi32> to vector<16xi32>
      %swap3A_256 = vector.shape_cast %shift_right_logical3A_252 : vector<16xi32> to vector<16xi32>
      tpu.vector_store %arg13[%swap3A_253], %swap3A_256 {strides = array<i32>} : memref<128xi32, #tpu.memory_space<vmem>>, vector<16xi32>,
      "tpu.region"() ({
        %run_scoped3A = tpu.sem_alloc : memref<!tpu.dma_semaphore, #tpu.memory_space<semaphore_mem>>
        %dma_start3A_344 = arith.constant 0 : i32
        %dma_start3A_345 = arith.constant 0 : i32
        %dma_start3A_346 = tpu.memref_slice %arg16[%dma_start3A_344, %dma_start3A_345] : memref<10240x128xf32, #tpu.memory_space<vmem_shared>> -> memref<10240x128xf32, #tpu.memory_space<vmem_shared>>
        tpu.enqueue_indirect_dma source(%arg8 : memref<128x128xf32, #tpu.memory_space<vmem>>) target(%dma_start3A_346 : memref<10240x128xf32, #tpu.memory_space<vmem_shared>>) offsets(%arg13 : memref<128xi32, #tpu.memory_space<vmem>>) semaphore(%run_scoped3A : memref<!tpu.dma_semaphore, #tpu.memory_space<semaphore_mem>>) {add = true}
        %dma_wait3A_347 = arith.constant 0 : i32
        %dma_wait3A_348 = arith.constant 0 : i32
        %dma_wait3A_349 = tpu.memref_slice %arg16[%dma_wait3A_347, %dma_wait3A_348] : memref<10240x128xf32, #tpu.memory_space<vmem_shared>> -> memref<10240x128xf32, #tpu.memory_space<vmem_shared>>
        tpu.wait_indirect_dma semaphore(%run_scoped3A : memref<!tpu.dma_semaphore, #tpu.memory_space<semaphore_mem>>) src(%arg8 : memref<128x128xf32, #tpu.memory_space<vmem>>) dst(%dma_wait3A_349 : memref<10240x128xf32, #tpu.memory_space<vmem_shared>>)
        tpu.yield
      }) : () -> ()
      %add3A_257 = arith.constant 1 : i32
      %add3A_258 = arith.addi %scan3A_181, %add3A_257 : i32
      %lt3A = arith.constant 40 : i32
      %lt3A_259 = arith.cmpi slt, %add3A_258, %lt3A : i32
      %convert_element_type3A = arith.extui %lt3A_259 : i1 to i32
      %cond3A = arith.constant 0 : i32
      %cond3A_260 = arith.cmpi ne, %convert_element_type3A, %cond3A : i32
      scf.if %cond3A_260 {
        %add3A_344 = arith.constant 1 : i32
        %add3A_345 = arith.addi %scan3A_181, %add3A_344 : i32
        %get3A_346 = arith.index_cast %add3A_345 : i32 to index
        %get3A_347 = arith.constant 0 : index
        %get3A_348 = tpu.vector_load %arg6[%get3A_346, %get3A_347] {strides = array<i32>} : memref<40x128xi32, #tpu.memory_space<vmem>>, vector<1x16xi32>,
        %get3A_349 = vector.shape_cast %get3A_348 : vector<1x16xi32> to vector<16xi32>
        %and3A_350 = arith.constant 65535 : i32
        %and3A_351 = vector.broadcast %and3A_350 : i32 to vector<16xi32>
        %and3A_352 = arith.andi %get3A_349, %and3A_351 : vector<16xi32>
        %swap3A_353 = arith.constant 0 : index
        %swap3A_354 = tpu.vector_load %arg11[%swap3A_353] {strides = array<i32>} : memref<128xi32, #tpu.memory_space<vmem>>, vector<16xi32>,
        %swap3A_355 = vector.shape_cast %swap3A_354 : vector<16xi32> to vector<16xi32>
        %swap3A_356 = vector.shape_cast %and3A_352 : vector<16xi32> to vector<16xi32>
        tpu.vector_store %arg11[%swap3A_353], %swap3A_356 {strides = array<i32>} : memref<128xi32, #tpu.memory_space<vmem>>, vector<16xi32>,
        %shift_right_logical3A_357 = arith.constant 16 : i32
        %shift_right_logical3A_358 = vector.broadcast %shift_right_logical3A_357 : i32 to vector<16xi32>
        %shift_right_logical3A_359 = arith.shrui %get3A_349, %shift_right_logical3A_358 : vector<16xi32>
        %swap3A_360 = arith.constant 16 : index
        %swap3A_361 = tpu.vector_load %arg11[%swap3A_360] {strides = array<i32>} : memref<128xi32, #tpu.memory_space<vmem>>, vector<16xi32>,
        %swap3A_362 = vector.shape_cast %swap3A_361 : vector<16xi32> to vector<16xi32>
        %swap3A_363 = vector.shape_cast %shift_right_logical3A_359 : vector<16xi32> to vector<16xi32>
        tpu.vector_store %arg11[%swap3A_360], %swap3A_363 {strides = array<i32>} : memref<128xi32, #tpu.memory_space<vmem>>, vector<16xi32>,
        %get3A_364 = arith.index_cast %add3A_345 : i32 to index
        %get3A_365 = arith.constant 16 : index
        %get3A_366 = tpu.vector_load %arg6[%get3A_364, %get3A_365] {strides = array<i32>} : memref<40x128xi32, #tpu.memory_space<vmem>>, vector<1x16xi32>,
        %get3A_367 = vector.shape_cast %get3A_366 : vector<1x16xi32> to vector<16xi32>
        %and3A_368 = arith.constant 65535 : i32
        %and3A_369 = vector.broadcast %and3A_368 : i32 to vector<16xi32>
        %and3A_370 = arith.andi %get3A_367, %and3A_369 : vector<16xi32>
        %swap3A_371 = arith.constant 32 : index
        %swap3A_372 = tpu.vector_load %arg11[%swap3A_371] {strides = array<i32>} : memref<128xi32, #tpu.memory_space<vmem>>, vector<16xi32>,
        %swap3A_373 = vector.shape_cast %swap3A_372 : vector<16xi32> to vector<16xi32>
        %swap3A_374 = vector.shape_cast %and3A_370 : vector<16xi32> to vector<16xi32>
        tpu.vector_store %arg11[%swap3A_371], %swap3A_374 {strides = array<i32>} : memref<128xi32, #tpu.memory_space<vmem>>, vector<16xi32>,
        %shift_right_logical3A_375 = arith.constant 16 : i32
        %shift_right_logical3A_376 = vector.broadcast %shift_right_logical3A_375 : i32 to vector<16xi32>
        %shift_right_logical3A_377 = arith.shrui %get3A_367, %shift_right_logical3A_376 : vector<16xi32>
        %swap3A_378 = arith.constant 48 : index
        %swap3A_379 = tpu.vector_load %arg11[%swap3A_378] {strides = array<i32>} : memref<128xi32, #tpu.memory_space<vmem>>, vector<16xi32>,
        %swap3A_380 = vector.shape_cast %swap3A_379 : vector<16xi32> to vector<16xi32>
        %swap3A_381 = vector.shape_cast %shift_right_logical3A_377 : vector<16xi32> to vector<16xi32>
        tpu.vector_store %arg11[%swap3A_378], %swap3A_381 {strides = array<i32>} : memref<128xi32, #tpu.memory_space<vmem>>, vector<16xi32>,
        %get3A_382 = arith.index_cast %add3A_345 : i32 to index
        %get3A_383 = arith.constant 32 : index
        %get3A_384 = tpu.vector_load %arg6[%get3A_382, %get3A_383] {strides = array<i32>} : memref<40x128xi32, #tpu.memory_space<vmem>>, vector<1x16xi32>,
        %get3A_385 = vector.shape_cast %get3A_384 : vector<1x16xi32> to vector<16xi32>
        %and3A_386 = arith.constant 65535 : i32
        %and3A_387 = vector.broadcast %and3A_386 : i32 to vector<16xi32>
        %and3A_388 = arith.andi %get3A_385, %and3A_387 : vector<16xi32>
        %swap3A_389 = arith.constant 64 : index
        %swap3A_390 = tpu.vector_load %arg11[%swap3A_389] {strides = array<i32>} : memref<128xi32, #tpu.memory_space<vmem>>, vector<16xi32>,
        %swap3A_391 = vector.shape_cast %swap3A_390 : vector<16xi32> to vector<16xi32>
        %swap3A_392 = vector.shape_cast %and3A_388 : vector<16xi32> to vector<16xi32>
        tpu.vector_store %arg11[%swap3A_389], %swap3A_392 {strides = array<i32>} : memref<128xi32, #tpu.memory_space<vmem>>, vector<16xi32>,
        %shift_right_logical3A_393 = arith.constant 16 : i32
        %shift_right_logical3A_394 = vector.broadcast %shift_right_logical3A_393 : i32 to vector<16xi32>
        %shift_right_logical3A_395 = arith.shrui %get3A_385, %shift_right_logical3A_394 : vector<16xi32>
        %swap3A_396 = arith.constant 80 : index
        %swap3A_397 = tpu.vector_load %arg11[%swap3A_396] {strides = array<i32>} : memref<128xi32, #tpu.memory_space<vmem>>, vector<16xi32>,
        %swap3A_398 = vector.shape_cast %swap3A_397 : vector<16xi32> to vector<16xi32>
        %swap3A_399 = vector.shape_cast %shift_right_logical3A_395 : vector<16xi32> to vector<16xi32>
        tpu.vector_store %arg11[%swap3A_396], %swap3A_399 {strides = array<i32>} : memref<128xi32, #tpu.memory_space<vmem>>, vector<16xi32>,
        %get3A_400 = arith.index_cast %add3A_345 : i32 to index
        %get3A_401 = arith.constant 48 : index
        %get3A_402 = tpu.vector_load %arg6[%get3A_400, %get3A_401] {strides = array<i32>} : memref<40x128xi32, #tpu.memory_space<vmem>>, vector<1x16xi32>,
        %get3A_403 = vector.shape_cast %get3A_402 : vector<1x16xi32> to vector<16xi32>
        %and3A_404 = arith.constant 65535 : i32
        %and3A_405 = vector.broadcast %and3A_404 : i32 to vector<16xi32>
        %and3A_406 = arith.andi %get3A_403, %and3A_405 : vector<16xi32>
        %swap3A_407 = arith.constant 96 : index
        %swap3A_408 = tpu.vector_load %arg11[%swap3A_407] {strides = array<i32>} : memref<128xi32, #tpu.memory_space<vmem>>, vector<16xi32>,
        %swap3A_409 = vector.shape_cast %swap3A_408 : vector<16xi32> to vector<16xi32>
        %swap3A_410 = vector.shape_cast %and3A_406 : vector<16xi32> to vector<16xi32>
        tpu.vector_store %arg11[%swap3A_407], %swap3A_410 {strides = array<i32>} : memref<128xi32, #tpu.memory_space<vmem>>, vector<16xi32>,
        %shift_right_logical3A_411 = arith.constant 16 : i32
        %shift_right_logical3A_412 = vector.broadcast %shift_right_logical3A_411 : i32 to vector<16xi32>
        %shift_right_logical3A_413 = arith.shrui %get3A_403, %shift_right_logical3A_412 : vector<16xi32>
        %swap3A_414 = arith.constant 112 : index
        %swap3A_415 = tpu.vector_load %arg11[%swap3A_414] {strides = array<i32>} : memref<128xi32, #tpu.memory_space<vmem>>, vector<16xi32>,
        %swap3A_416 = vector.shape_cast %swap3A_415 : vector<16xi32> to vector<16xi32>
        %swap3A_417 = vector.shape_cast %shift_right_logical3A_413 : vector<16xi32> to vector<16xi32>
        tpu.vector_store %arg11[%swap3A_414], %swap3A_417 {strides = array<i32>} : memref<128xi32, #tpu.memory_space<vmem>>, vector<16xi32>,
        %dma_start3A_418 = arith.constant 0 : i32
        %dma_start3A_419 = arith.constant 0 : i32
        %dma_start3A_420 = tpu.memref_slice %arg2[%dma_start3A_418, %dma_start3A_419] : memref<10240x128xf32, #tpu.memory_space<hbm>> -> memref<10240x128xf32, #tpu.memory_space<hbm>>
        tpu.enqueue_indirect_dma source(%dma_start3A_420 : memref<10240x128xf32, #tpu.memory_space<hbm>>) target(%arg8 : memref<128x128xf32, #tpu.memory_space<vmem>>) offsets(%arg11 : memref<128xi32, #tpu.memory_space<vmem>>) semaphore(%arg14 : memref<!tpu.dma_semaphore, #tpu.memory_space<semaphore_mem>>)
      } else {
      }
      %dma_wait3A_261 = arith.constant 0 : i32
      %dma_wait3A_262 = arith.constant 0 : i32
      %dma_wait3A_263 = tpu.memref_slice %arg2[%dma_wait3A_261, %dma_wait3A_262] : memref<10240x128xf32, #tpu.memory_space<hbm>> -> memref<10240x128xf32, #tpu.memory_space<hbm>>
      tpu.wait_indirect_dma semaphore(%arg15 : memref<!tpu.dma_semaphore, #tpu.memory_space<semaphore_mem>>) src(%dma_wait3A_263 : memref<10240x128xf32, #tpu.memory_space<hbm>>) dst(%arg9 : memref<128x128xf32, #tpu.memory_space<vmem>>)
      %get3A_264 = arith.index_cast %scan3A_181 : i32 to index
      %get3A_265 = arith.constant 64 : index
      %get3A_266 = tpu.vector_load %arg7[%get3A_264, %get3A_265] {strides = array<i32>} : memref<40x128xi32, #tpu.memory_space<vmem>>, vector<1x16xi32>,
      %get3A_267 = vector.shape_cast %get3A_266 : vector<1x16xi32> to vector<16xi32>
      %and3A_268 = arith.constant 65535 : i32
      %and3A_269 = vector.broadcast %and3A_268 : i32 to vector<16xi32>
      %and3A_270 = arith.andi %get3A_267, %and3A_269 : vector<16xi32>
      %swap3A_271 = arith.constant 0 : index
      %swap3A_272 = tpu.vector_load %arg13[%swap3A_271] {strides = array<i32>} : memref<128xi32, #tpu.memory_space<vmem>>, vector<16xi32>,
      %swap3A_273 = vector.shape_cast %swap3A_272 : vector<16xi32> to vector<16xi32>
      %swap3A_274 = vector.shape_cast %and3A_270 : vector<16xi32> to vector<16xi32>
      tpu.vector_store %arg13[%swap3A_271], %swap3A_274 {strides = array<i32>} : memref<128xi32, #tpu.memory_space<vmem>>, vector<16xi32>,
      %shift_right_logical3A_275 = arith.constant 16 : i32
      %shift_right_logical3A_276 = vector.broadcast %shift_right_logical3A_275 : i32 to vector<16xi32>
      %shift_right_logical3A_277 = arith.shrui %get3A_267, %shift_right_logical3A_276 : vector<16xi32>
      %swap3A_278 = arith.constant 16 : index
      %swap3A_279 = tpu.vector_load %arg13[%swap3A_278] {strides = array<i32>} : memref<128xi32, #tpu.memory_space<vmem>>, vector<16xi32>,
      %swap3A_280 = vector.shape_cast %swap3A_279 : vector<16xi32> to vector<16xi32>
      %swap3A_281 = vector.shape_cast %shift_right_logical3A_277 : vector<16xi32> to vector<16xi32>
      tpu.vector_store %arg13[%swap3A_278], %swap3A_281 {strides = array<i32>} : memref<128xi32, #tpu.memory_space<vmem>>, vector<16xi32>,
      %get3A_282 = arith.index_cast %scan3A_181 : i32 to index
      %get3A_283 = arith.constant 80 : index
      %get3A_284 = tpu.vector_load %arg7[%get3A_282, %get3A_283] {strides = array<i32>} : memref<40x128xi32, #tpu.memory_space<vmem>>, vector<1x16xi32>,
      %get3A_285 = vector.shape_cast %get3A_284 : vector<1x16xi32> to vector<16xi32>
      %and3A_286 = arith.constant 65535 : i32
      %and3A_287 = vector.broadcast %and3A_286 : i32 to vector<16xi32>
      %and3A_288 = arith.andi %get3A_285, %and3A_287 : vector<16xi32>
      %swap3A_289 = arith.constant 32 : index
      %swap3A_290 = tpu.vector_load %arg13[%swap3A_289] {strides = array<i32>} : memref<128xi32, #tpu.memory_space<vmem>>, vector<16xi32>,
      %swap3A_291 = vector.shape_cast %swap3A_290 : vector<16xi32> to vector<16xi32>
      %swap3A_292 = vector.shape_cast %and3A_288 : vector<16xi32> to vector<16xi32>
      tpu.vector_store %arg13[%swap3A_289], %swap3A_292 {strides = array<i32>} : memref<128xi32, #tpu.memory_space<vmem>>, vector<16xi32>,
      %shift_right_logical3A_293 = arith.constant 16 : i32
      %shift_right_logical3A_294 = vector.broadcast %shift_right_logical3A_293 : i32 to vector<16xi32>
      %shift_right_logical3A_295 = arith.shrui %get3A_285, %shift_right_logical3A_294 : vector<16xi32>
      %swap3A_296 = arith.constant 48 : index
      %swap3A_297 = tpu.vector_load %arg13[%swap3A_296] {strides = array<i32>} : memref<128xi32, #tpu.memory_space<vmem>>, vector<16xi32>,
      %swap3A_298 = vector.shape_cast %swap3A_297 : vector<16xi32> to vector<16xi32>
      %swap3A_299 = vector.shape_cast %shift_right_logical3A_295 : vector<16xi32> to vector<16xi32>
      tpu.vector_store %arg13[%swap3A_296], %swap3A_299 {strides = array<i32>} : memref<128xi32, #tpu.memory_space<vmem>>, vector<16xi32>,
      %get3A_300 = arith.index_cast %scan3A_181 : i32 to index
      %get3A_301 = arith.constant 96 : index
      %get3A_302 = tpu.vector_load %arg7[%get3A_300, %get3A_301] {strides = array<i32>} : memref<40x128xi32, #tpu.memory_space<vmem>>, vector<1x16xi32>,
      %get3A_303 = vector.shape_cast %get3A_302 : vector<1x16xi32> to vector<16xi32>
      %and3A_304 = arith.constant 65535 : i32
      %and3A_305 = vector.broadcast %and3A_304 : i32 to vector<16xi32>
      %and3A_306 = arith.andi %get3A_303, %and3A_305 : vector<16xi32>
      %swap3A_307 = arith.constant 64 : index
      %swap3A_308 = tpu.vector_load %arg13[%swap3A_307] {strides = array<i32>} : memref<128xi32, #tpu.memory_space<vmem>>, vector<16xi32>,
      %swap3A_309 = vector.shape_cast %swap3A_308 : vector<16xi32> to vector<16xi32>
      %swap3A_310 = vector.shape_cast %and3A_306 : vector<16xi32> to vector<16xi32>
      tpu.vector_store %arg13[%swap3A_307], %swap3A_310 {strides = array<i32>} : memref<128xi32, #tpu.memory_space<vmem>>, vector<16xi32>,
      %shift_right_logical3A_311 = arith.constant 16 : i32
      %shift_right_logical3A_312 = vector.broadcast %shift_right_logical3A_311 : i32 to vector<16xi32>
      %shift_right_logical3A_313 = arith.shrui %get3A_303, %shift_right_logical3A_312 : vector<16xi32>
      %swap3A_314 = arith.constant 80 : index
      %swap3A_315 = tpu.vector_load %arg13[%swap3A_314] {strides = array<i32>} : memref<128xi32, #tpu.memory_space<vmem>>, vector<16xi32>,
      %swap3A_316 = vector.shape_cast %swap3A_315 : vector<16xi32> to vector<16xi32>
      %swap3A_317 = vector.shape_cast %shift_right_logical3A_313 : vector<16xi32> to vector<16xi32>
      tpu.vector_store %arg13[%swap3A_314], %swap3A_317 {strides = array<i32>} : memref<128xi32, #tpu.memory_space<vmem>>, vector<16xi32>,
      %get3A_318 = arith.index_cast %scan3A_181 : i32 to index
      %get3A_319 = arith.constant 112 : index
      %get3A_320 = tpu.vector_load %arg7[%get3A_318, %get3A_319] {strides = array<i32>} : memref<40x128xi32, #tpu.memory_space<vmem>>, vector<1x16xi32>,
      %get3A_321 = vector.shape_cast %get3A_320 : vector<1x16xi32> to vector<16xi32>
      %and3A_322 = arith.constant 65535 : i32
      %and3A_323 = vector.broadcast %and3A_322 : i32 to vector<16xi32>
      %and3A_324 = arith.andi %get3A_321, %and3A_323 : vector<16xi32>
      %swap3A_325 = arith.constant 96 : index
      %swap3A_326 = tpu.vector_load %arg13[%swap3A_325] {strides = array<i32>} : memref<128xi32, #tpu.memory_space<vmem>>, vector<16xi32>,
      %swap3A_327 = vector.shape_cast %swap3A_326 : vector<16xi32> to vector<16xi32>
      %swap3A_328 = vector.shape_cast %and3A_324 : vector<16xi32> to vector<16xi32>
      tpu.vector_store %arg13[%swap3A_325], %swap3A_328 {strides = array<i32>} : memref<128xi32, #tpu.memory_space<vmem>>, vector<16xi32>,
      %shift_right_logical3A_329 = arith.constant 16 : i32
      %shift_right_logical3A_330 = vector.broadcast %shift_right_logical3A_329 : i32 to vector<16xi32>
      %shift_right_logical3A_331 = arith.shrui %get3A_321, %shift_right_logical3A_330 : vector<16xi32>
      %swap3A_332 = arith.constant 112 : index
      %swap3A_333 = tpu.vector_load %arg13[%swap3A_332] {strides = array<i32>} : memref<128xi32, #tpu.memory_space<vmem>>, vector<16xi32>,
      %swap3A_334 = vector.shape_cast %swap3A_333 : vector<16xi32> to vector<16xi32>
      %swap3A_335 = vector.shape_cast %shift_right_logical3A_331 : vector<16xi32> to vector<16xi32>
      tpu.vector_store %arg13[%swap3A_332], %swap3A_335 {strides = array<i32>} : memref<128xi32, #tpu.memory_space<vmem>>, vector<16xi32>,
      "tpu.region"() ({
        %run_scoped3A = tpu.sem_alloc : memref<!tpu.dma_semaphore, #tpu.memory_space<semaphore_mem>>
        %dma_start3A_344 = arith.constant 0 : i32
        %dma_start3A_345 = arith.constant 0 : i32
        %dma_start3A_346 = tpu.memref_slice %arg16[%dma_start3A_344, %dma_start3A_345] : memref<10240x128xf32, #tpu.memory_space<vmem_shared>> -> memref<10240x128xf32, #tpu.memory_space<vmem_shared>>
        tpu.enqueue_indirect_dma source(%arg9 : memref<128x128xf32, #tpu.memory_space<vmem>>) target(%dma_start3A_346 : memref<10240x128xf32, #tpu.memory_space<vmem_shared>>) offsets(%arg13 : memref<128xi32, #tpu.memory_space<vmem>>) semaphore(%run_scoped3A : memref<!tpu.dma_semaphore, #tpu.memory_space<semaphore_mem>>) {add = true}
        %dma_wait3A_347 = arith.constant 0 : i32
        %dma_wait3A_348 = arith.constant 0 : i32
        %dma_wait3A_349 = tpu.memref_slice %arg16[%dma_wait3A_347, %dma_wait3A_348] : memref<10240x128xf32, #tpu.memory_space<vmem_shared>> -> memref<10240x128xf32, #tpu.memory_space<vmem_shared>>
        tpu.wait_indirect_dma semaphore(%run_scoped3A : memref<!tpu.dma_semaphore, #tpu.memory_space<semaphore_mem>>) src(%arg9 : memref<128x128xf32, #tpu.memory_space<vmem>>) dst(%dma_wait3A_349 : memref<10240x128xf32, #tpu.memory_space<vmem_shared>>)
        tpu.yield
      }) : () -> ()
      %add3A_336 = arith.constant 1 : i32
      %add3A_337 = arith.addi %scan3A_181, %add3A_336 : i32
      %lt3A_338 = arith.constant 40 : i32
      %lt3A_339 = arith.cmpi slt, %add3A_337, %lt3A_338 : i32
      %convert_element_type3A_340 = arith.extui %lt3A_339 : i1 to i32
      %cond3A_341 = arith.constant 0 : i32
      %cond3A_342 = arith.cmpi ne, %convert_element_type3A_340, %cond3A_341 : i32
      scf.if %cond3A_342 {
        %add3A_344 = arith.constant 1 : i32
        %add3A_345 = arith.addi %scan3A_181, %add3A_344 : i32
        %get3A_346 = arith.index_cast %add3A_345 : i32 to index
        %get3A_347 = arith.constant 64 : index
        %get3A_348 = tpu.vector_load %arg6[%get3A_346, %get3A_347] {strides = array<i32>} : memref<40x128xi32, #tpu.memory_space<vmem>>, vector<1x16xi32>,
        %get3A_349 = vector.shape_cast %get3A_348 : vector<1x16xi32> to vector<16xi32>
        %and3A_350 = arith.constant 65535 : i32
        %and3A_351 = vector.broadcast %and3A_350 : i32 to vector<16xi32>
        %and3A_352 = arith.andi %get3A_349, %and3A_351 : vector<16xi32>
        %swap3A_353 = arith.constant 0 : index
        %swap3A_354 = tpu.vector_load %arg12[%swap3A_353] {strides = array<i32>} : memref<128xi32, #tpu.memory_space<vmem>>, vector<16xi32>,
        %swap3A_355 = vector.shape_cast %swap3A_354 : vector<16xi32> to vector<16xi32>
        %swap3A_356 = vector.shape_cast %and3A_352 : vector<16xi32> to vector<16xi32>
        tpu.vector_store %arg12[%swap3A_353], %swap3A_356 {strides = array<i32>} : memref<128xi32, #tpu.memory_space<vmem>>, vector<16xi32>,
        %shift_right_logical3A_357 = arith.constant 16 : i32
        %shift_right_logical3A_358 = vector.broadcast %shift_right_logical3A_357 : i32 to vector<16xi32>
        %shift_right_logical3A_359 = arith.shrui %get3A_349, %shift_right_logical3A_358 : vector<16xi32>
        %swap3A_360 = arith.constant 16 : index
        %swap3A_361 = tpu.vector_load %arg12[%swap3A_360] {strides = array<i32>} : memref<128xi32, #tpu.memory_space<vmem>>, vector<16xi32>,
        %swap3A_362 = vector.shape_cast %swap3A_361 : vector<16xi32> to vector<16xi32>
        %swap3A_363 = vector.shape_cast %shift_right_logical3A_359 : vector<16xi32> to vector<16xi32>
        tpu.vector_store %arg12[%swap3A_360], %swap3A_363 {strides = array<i32>} : memref<128xi32, #tpu.memory_space<vmem>>, vector<16xi32>,
        %get3A_364 = arith.index_cast %add3A_345 : i32 to index
        %get3A_365 = arith.constant 80 : index
        %get3A_366 = tpu.vector_load %arg6[%get3A_364, %get3A_365] {strides = array<i32>} : memref<40x128xi32, #tpu.memory_space<vmem>>, vector<1x16xi32>,
        %get3A_367 = vector.shape_cast %get3A_366 : vector<1x16xi32> to vector<16xi32>
        %and3A_368 = arith.constant 65535 : i32
        %and3A_369 = vector.broadcast %and3A_368 : i32 to vector<16xi32>
        %and3A_370 = arith.andi %get3A_367, %and3A_369 : vector<16xi32>
        %swap3A_371 = arith.constant 32 : index
        %swap3A_372 = tpu.vector_load %arg12[%swap3A_371] {strides = array<i32>} : memref<128xi32, #tpu.memory_space<vmem>>, vector<16xi32>,
        %swap3A_373 = vector.shape_cast %swap3A_372 : vector<16xi32> to vector<16xi32>
        %swap3A_374 = vector.shape_cast %and3A_370 : vector<16xi32> to vector<16xi32>
        tpu.vector_store %arg12[%swap3A_371], %swap3A_374 {strides = array<i32>} : memref<128xi32, #tpu.memory_space<vmem>>, vector<16xi32>,
        %shift_right_logical3A_375 = arith.constant 16 : i32
        %shift_right_logical3A_376 = vector.broadcast %shift_right_logical3A_375 : i32 to vector<16xi32>
        %shift_right_logical3A_377 = arith.shrui %get3A_367, %shift_right_logical3A_376 : vector<16xi32>
        %swap3A_378 = arith.constant 48 : index
        %swap3A_379 = tpu.vector_load %arg12[%swap3A_378] {strides = array<i32>} : memref<128xi32, #tpu.memory_space<vmem>>, vector<16xi32>,
        %swap3A_380 = vector.shape_cast %swap3A_379 : vector<16xi32> to vector<16xi32>
        %swap3A_381 = vector.shape_cast %shift_right_logical3A_377 : vector<16xi32> to vector<16xi32>
        tpu.vector_store %arg12[%swap3A_378], %swap3A_381 {strides = array<i32>} : memref<128xi32, #tpu.memory_space<vmem>>, vector<16xi32>,
        %get3A_382 = arith.index_cast %add3A_345 : i32 to index
        %get3A_383 = arith.constant 96 : index
        %get3A_384 = tpu.vector_load %arg6[%get3A_382, %get3A_383] {strides = array<i32>} : memref<40x128xi32, #tpu.memory_space<vmem>>, vector<1x16xi32>,
        %get3A_385 = vector.shape_cast %get3A_384 : vector<1x16xi32> to vector<16xi32>
        %and3A_386 = arith.constant 65535 : i32
        %and3A_387 = vector.broadcast %and3A_386 : i32 to vector<16xi32>
        %and3A_388 = arith.andi %get3A_385, %and3A_387 : vector<16xi32>
        %swap3A_389 = arith.constant 64 : index
        %swap3A_390 = tpu.vector_load %arg12[%swap3A_389] {strides = array<i32>} : memref<128xi32, #tpu.memory_space<vmem>>, vector<16xi32>,
        %swap3A_391 = vector.shape_cast %swap3A_390 : vector<16xi32> to vector<16xi32>
        %swap3A_392 = vector.shape_cast %and3A_388 : vector<16xi32> to vector<16xi32>
        tpu.vector_store %arg12[%swap3A_389], %swap3A_392 {strides = array<i32>} : memref<128xi32, #tpu.memory_space<vmem>>, vector<16xi32>,
        %shift_right_logical3A_393 = arith.constant 16 : i32
        %shift_right_logical3A_394 = vector.broadcast %shift_right_logical3A_393 : i32 to vector<16xi32>
        %shift_right_logical3A_395 = arith.shrui %get3A_385, %shift_right_logical3A_394 : vector<16xi32>
        %swap3A_396 = arith.constant 80 : index
        %swap3A_397 = tpu.vector_load %arg12[%swap3A_396] {strides = array<i32>} : memref<128xi32, #tpu.memory_space<vmem>>, vector<16xi32>,
        %swap3A_398 = vector.shape_cast %swap3A_397 : vector<16xi32> to vector<16xi32>
        %swap3A_399 = vector.shape_cast %shift_right_logical3A_395 : vector<16xi32> to vector<16xi32>
        tpu.vector_store %arg12[%swap3A_396], %swap3A_399 {strides = array<i32>} : memref<128xi32, #tpu.memory_space<vmem>>, vector<16xi32>,
        %get3A_400 = arith.index_cast %add3A_345 : i32 to index
        %get3A_401 = arith.constant 112 : index
        %get3A_402 = tpu.vector_load %arg6[%get3A_400, %get3A_401] {strides = array<i32>} : memref<40x128xi32, #tpu.memory_space<vmem>>, vector<1x16xi32>,
        %get3A_403 = vector.shape_cast %get3A_402 : vector<1x16xi32> to vector<16xi32>
        %and3A_404 = arith.constant 65535 : i32
        %and3A_405 = vector.broadcast %and3A_404 : i32 to vector<16xi32>
        %and3A_406 = arith.andi %get3A_403, %and3A_405 : vector<16xi32>
        %swap3A_407 = arith.constant 96 : index
        %swap3A_408 = tpu.vector_load %arg12[%swap3A_407] {strides = array<i32>} : memref<128xi32, #tpu.memory_space<vmem>>, vector<16xi32>,
        %swap3A_409 = vector.shape_cast %swap3A_408 : vector<16xi32> to vector<16xi32>
        %swap3A_410 = vector.shape_cast %and3A_406 : vector<16xi32> to vector<16xi32>
        tpu.vector_store %arg12[%swap3A_407], %swap3A_410 {strides = array<i32>} : memref<128xi32, #tpu.memory_space<vmem>>, vector<16xi32>,
        %shift_right_logical3A_411 = arith.constant 16 : i32
        %shift_right_logical3A_412 = vector.broadcast %shift_right_logical3A_411 : i32 to vector<16xi32>
        %shift_right_logical3A_413 = arith.shrui %get3A_403, %shift_right_logical3A_412 : vector<16xi32>
        %swap3A_414 = arith.constant 112 : index
        %swap3A_415 = tpu.vector_load %arg12[%swap3A_414] {strides = array<i32>} : memref<128xi32, #tpu.memory_space<vmem>>, vector<16xi32>,
        %swap3A_416 = vector.shape_cast %swap3A_415 : vector<16xi32> to vector<16xi32>
        %swap3A_417 = vector.shape_cast %shift_right_logical3A_413 : vector<16xi32> to vector<16xi32>
        tpu.vector_store %arg12[%swap3A_414], %swap3A_417 {strides = array<i32>} : memref<128xi32, #tpu.memory_space<vmem>>, vector<16xi32>,
        %dma_start3A_418 = arith.constant 0 : i32
        %dma_start3A_419 = arith.constant 0 : i32
        %dma_start3A_420 = tpu.memref_slice %arg2[%dma_start3A_418, %dma_start3A_419] : memref<10240x128xf32, #tpu.memory_space<hbm>> -> memref<10240x128xf32, #tpu.memory_space<hbm>>
        tpu.enqueue_indirect_dma source(%dma_start3A_420 : memref<10240x128xf32, #tpu.memory_space<hbm>>) target(%arg9 : memref<128x128xf32, #tpu.memory_space<vmem>>) offsets(%arg12 : memref<128xi32, #tpu.memory_space<vmem>>) semaphore(%arg15 : memref<!tpu.dma_semaphore, #tpu.memory_space<semaphore_mem>>)
      } else {
      }
      %scan3A_343 = arith.constant 0 : i32
      scf.yield %scan3A_343 : i32
    }
    %scan3A_175 = arith.constant 40 : i32
    %barrier3A_176 = arith.constant 0 : index
    tpu.barrier barrier_id(%barrier3A_176)
    %mul3A_177 = arith.constant 640 : i32
    %mul3A_178 = arith.muli %arg1, %mul3A_177 : i32
    %mul3A_179 = arith.constant 640 : i32
    %mul3A_180 = arith.muli %arg1, %mul3A_179 : i32
    "tpu.region"() ({
      %run_scoped3A = tpu.sem_alloc : memref<!tpu.dma_semaphore, #tpu.memory_space<semaphore_mem>>
      %dma_start3A_181 = arith.constant 0 : i32
      %dma_start3A_182 = tpu.memref_slice %arg5[%arg0, %mul3A_180, %dma_start3A_181] : memref<2x10240x128xf32, #tpu.memory_space<hbm>> -> memref<1x640x128xf32, #tpu.memory_space<hbm>>
      %dma_start3A_183 = tpu.memref_squeeze %dma_start3A_182 : memref<1x640x128xf32, #tpu.memory_space<hbm>> -> memref<640x128xf32, #tpu.memory_space<hbm>>
      %dma_start3A_184 = arith.constant 0 : i32
      %dma_start3A_185 = tpu.memref_slice %arg16[%mul3A_178, %dma_start3A_184] : memref<10240x128xf32, #tpu.memory_space<vmem_shared>> -> memref<640x128xf32, #tpu.memory_space<vmem_shared>>
      tpu.enqueue_dma source(%dma_start3A_185 : memref<640x128xf32, #tpu.memory_space<vmem_shared>>) target(%dma_start3A_183 : memref<640x128xf32, #tpu.memory_space<hbm>>) target_semaphore(%run_scoped3A : memref<!tpu.dma_semaphore, #tpu.memory_space<semaphore_mem>>)
      %dma_wait3A = arith.constant 0 : i32
      %dma_wait3A_186 = tpu.memref_slice %arg5[%arg0, %mul3A_180, %dma_wait3A] : memref<2x10240x128xf32, #tpu.memory_space<hbm>> -> memref<1x640x128xf32, #tpu.memory_space<hbm>>
      %dma_wait3A_187 = tpu.memref_squeeze %dma_wait3A_186 : memref<1x640x128xf32, #tpu.memory_space<hbm>> -> memref<640x128xf32, #tpu.memory_space<hbm>>
      %dma_wait3A_188 = arith.constant 0 : i32
      %dma_wait3A_189 = tpu.memref_slice %arg16[%mul3A_178, %dma_wait3A_188] : memref<10240x128xf32, #tpu.memory_space<vmem_shared>> -> memref<640x128xf32, #tpu.memory_space<vmem_shared>>
      tpu.wait_dma2 semaphore(%run_scoped3A : memref<!tpu.dma_semaphore, #tpu.memory_space<semaphore_mem>>) src(%dma_wait3A_189 : memref<640x128xf32, #tpu.memory_space<vmem_shared>>) dst(%dma_wait3A_187 : memref<640x128xf32, #tpu.memory_space<hbm>>)
      tpu.yield
    }) : () -> ()
    return
  }
}

module attributes {stable_mosaic.version = 14 : i64} {
  func.func @_tc1(%arg0: memref<2x10240x1xf32, #tpu.memory_space<vmem>>, %arg1: memref<10240x128xf32, #tpu.memory_space<vmem>>, %arg2: memref<128x128xf32, #tpu.memory_space<vmem>>, %arg3: memref<10240x128xf32, #tpu.memory_space<vmem>>, %arg4: memref<10240x1xf32, #tpu.memory_space<vmem>>) attributes {dimension_semantics = [], scalar_prefetch = 0 : i64, scratch_operands = 0 : i64, tpu.core_type = #tpu.core_type<tc>} {
    %get3A = arith.constant 0 : index
    %get3A_0 = arith.constant 0 : index
    %get3A_1 = arith.constant 0 : index
    %get3A_2 = vector.load %arg0[%get3A, %get3A_0, %get3A_1] : memref<2x10240x1xf32, #tpu.memory_space<vmem>>, vector<1x10240x1xf32>
    %get3A_3 = vector.shape_cast %get3A_2 : vector<1x10240x1xf32> to vector<10240x1xf32>
    %get3A_4 = arith.constant 1 : index
    %get3A_5 = arith.constant 0 : index
    %get3A_6 = arith.constant 0 : index
    %get3A_7 = vector.load %arg0[%get3A_4, %get3A_5, %get3A_6] : memref<2x10240x1xf32, #tpu.memory_space<vmem>>, vector<1x10240x1xf32>
    %get3A_8 = vector.shape_cast %get3A_7 : vector<1x10240x1xf32> to vector<10240x1xf32>
    %add3A = arith.addf %get3A_3, %get3A_8 : vector<10240x1xf32>
    %add3A_9 = arith.constant 1.000000e+00 : f32
    %add3A_10 = vector.broadcast %add3A_9 : f32 to vector<10240x1xf32>
    %add3A_11 = arith.addf %add3A, %add3A_10 : vector<10240x1xf32>
    %rsqrt3A = math.rsqrt %add3A_11 : vector<10240x1xf32>
    %get3A_12 = arith.constant 0 : index
    %get3A_13 = arith.constant 0 : index
    %get3A_14 = vector.load %arg1[%get3A_12, %get3A_13] : memref<10240x128xf32, #tpu.memory_space<vmem>>, vector<10240x128xf32>
    %get3A_15 = arith.constant 0 : index
    %get3A_16 = arith.constant 0 : index
    %get3A_17 = vector.load %arg2[%get3A_15, %get3A_16] : memref<128x128xf32, #tpu.memory_space<vmem>>, vector<128x128xf32>
    %dot_general3A = arith.constant dense<0.000000e+00> : vector<10240x128xf32>
    %dot_general3A_18 = tpu.matmul %get3A_14, %get3A_17, %dot_general3A {dimension_numbers = #tpu.dot_dimension_numbers<[1], [0], [0], [1], [0, 0, 1, 1], [], []>, transpose_lhs_hint = false} : vector<10240x128xf32>, vector<128x128xf32>, vector<10240x128xf32> -> vector<10240x128xf32>
    %mul3A = vector.broadcast %rsqrt3A : vector<10240x1xf32> to vector<10240x128xf32>
    %mul3A_19 = arith.mulf %dot_general3A_18, %mul3A : vector<10240x128xf32>
    %swap3A = arith.constant 0 : index
    %swap3A_20 = arith.constant 0 : index
    %swap3A_21 = vector.load %arg3[%swap3A, %swap3A_20] : memref<10240x128xf32, #tpu.memory_space<vmem>>, vector<10240x128xf32>
    tpu.vector_store %arg3[%swap3A, %swap3A_20], %mul3A_19 {strides = array<i32>} : memref<10240x128xf32, #tpu.memory_space<vmem>>, vector<10240x128xf32>,
    %swap3A_22 = arith.constant 0 : index
    %swap3A_23 = arith.constant 0 : index
    %swap3A_24 = vector.load %arg4[%swap3A_22, %swap3A_23] : memref<10240x1xf32, #tpu.memory_space<vmem>>, vector<10240x1xf32>
    tpu.vector_store %arg4[%swap3A_22, %swap3A_23], %rsqrt3A {strides = array<i32>} : memref<10240x1xf32, #tpu.memory_space<vmem>>, vector<10240x1xf32>,
    return
  }
}

module attributes {stable_mosaic.version = 14 : i64} {
  func.func @_tc2(%arg0: memref<2x10240x128xf32, #tpu.memory_space<vmem>>, %arg1: memref<10240x128xf32, #tpu.memory_space<vmem>>, %arg2: memref<10240x1xf32, #tpu.memory_space<vmem>>, %arg3: memref<1x128xf32, #tpu.memory_space<vmem>>, %arg4: memref<1x128xf32, #tpu.memory_space<vmem>>, %arg5: memref<128x128xf32, #tpu.memory_space<vmem>>, %arg6: memref<10240x128xf32, #tpu.memory_space<vmem>>, %arg7: memref<80x128xf32, #tpu.memory_space<vmem>>, %arg8: memref<10240x128xf32, #tpu.memory_space<vmem>>) attributes {dimension_semantics = [], scalar_prefetch = 0 : i64, scratch_operands = 0 : i64, tpu.core_type = #tpu.core_type<tc>} {
    %get3A = arith.constant 0 : index
    %get3A_0 = arith.constant 0 : index
    %get3A_1 = arith.constant 0 : index
    %get3A_2 = vector.load %arg0[%get3A, %get3A_0, %get3A_1] : memref<2x10240x128xf32, #tpu.memory_space<vmem>>, vector<1x10240x128xf32>
    %get3A_3 = vector.shape_cast %get3A_2 : vector<1x10240x128xf32> to vector<10240x128xf32>
    %get3A_4 = arith.constant 1 : index
    %get3A_5 = arith.constant 0 : index
    %get3A_6 = arith.constant 0 : index
    %get3A_7 = vector.load %arg0[%get3A_4, %get3A_5, %get3A_6] : memref<2x10240x128xf32, #tpu.memory_space<vmem>>, vector<1x10240x128xf32>
    %get3A_8 = vector.shape_cast %get3A_7 : vector<1x10240x128xf32> to vector<10240x128xf32>
    %add3A = arith.addf %get3A_3, %get3A_8 : vector<10240x128xf32>
    %get3A_9 = arith.constant 0 : index
    %get3A_10 = arith.constant 0 : index
    %get3A_11 = vector.load %arg2[%get3A_9, %get3A_10] : memref<10240x1xf32, #tpu.memory_space<vmem>>, vector<10240x1xf32>
    %iota3A = tpu.iota {dimensions = array<i32: 0>} : vector<10240x1xi32>
    %lt3A = arith.constant 10000 : i32
    %lt3A_12 = vector.broadcast %lt3A : i32 to vector<10240x1xi32>
    %lt3A_13 = arith.cmpi slt, %iota3A, %lt3A_12 : vector<10240x1xi32>
    %get3A_14 = arith.constant 0 : index
    %get3A_15 = arith.constant 0 : index
    %get3A_16 = vector.load %arg1[%get3A_14, %get3A_15] : memref<10240x128xf32, #tpu.memory_space<vmem>>, vector<10240x128xf32>
    %add3A_17 = arith.addf %add3A, %get3A_16 : vector<10240x128xf32>
    %mul3A = vector.broadcast %get3A_11 : vector<10240x1xf32> to vector<10240x128xf32>
    %mul3A_18 = arith.mulf %add3A_17, %mul3A : vector<10240x128xf32>
    %get3A_19 = arith.constant 0 : index
    %get3A_20 = arith.constant 0 : index
    %get3A_21 = vector.load %arg3[%get3A_19, %get3A_20] : memref<1x128xf32, #tpu.memory_space<vmem>>, vector<1x128xf32>
    %add3A_22 = vector.broadcast %get3A_21 : vector<1x128xf32> to vector<10240x128xf32>
    %add3A_23 = arith.addf %mul3A_18, %add3A_22 : vector<10240x128xf32>
    %max3A = arith.constant 0.000000e+00 : f32
    %max3A_24 = vector.broadcast %max3A : f32 to vector<10240x128xf32>
    %max3A_25 = arith.maximumf %add3A_23, %max3A_24 : vector<10240x128xf32>
    %jit3A = arith.constant 0.000000e+00 : f32
    %broadcast_in_dim3A = vector.shape_cast %lt3A_13 : vector<10240x1xi1> to vector<10240x1xi1>
    %broadcast_in_dim3A_26 = vector.broadcast %broadcast_in_dim3A : vector<10240x1xi1> to vector<10240x128xi1>
    %broadcast_in_dim3A_27 = vector.broadcast %jit3A : f32 to vector<10240x128xf32>
    %select_n3A = arith.select %broadcast_in_dim3A_26, %max3A_25, %broadcast_in_dim3A_27 : vector<10240x128xi1>, vector<10240x128xf32>
    %swap3A = arith.constant 0 : index
    %swap3A_28 = arith.constant 0 : index
    %swap3A_29 = vector.load %arg6[%swap3A, %swap3A_28] : memref<10240x128xf32, #tpu.memory_space<vmem>>, vector<10240x128xf32>
    tpu.vector_store %arg6[%swap3A, %swap3A_28], %select_n3A {strides = array<i32>} : memref<10240x128xf32, #tpu.memory_space<vmem>>, vector<10240x128xf32>,
    %get3A_30 = arith.constant 0 : index
    %get3A_31 = arith.constant 0 : index
    %get3A_32 = vector.load %arg4[%get3A_30, %get3A_31] : memref<1x128xf32, #tpu.memory_space<vmem>>, vector<1x128xf32>
    %mul3A_33 = arith.mulf %get3A_32, %get3A_32 : vector<1x128xf32>
    %reduce_sum3A = vector.shape_cast %mul3A_33 : vector<1x128xf32> to vector<1x1x128xf32>
    %reduce_sum3A_34 = arith.constant dense<0.000000e+00> : vector<1xf32>
    %reduce_sum3A_35 = vector.multi_reduction <add>, %reduce_sum3A, %reduce_sum3A_34 [1, 2] : vector<1x1x128xf32> to vector<1xf32>
    %reduce_sum3A_36 = vector.shape_cast %reduce_sum3A_35 : vector<1xf32> to vector<1x1x1xf32>
    %reduce_sum3A_37 = vector.extract %reduce_sum3A_36[0, 0, 0] : f32 from vector<1x1x1xf32>
    %rsqrt3A = math.rsqrt %reduce_sum3A_37 : f32
    %mul3A_38 = vector.broadcast %rsqrt3A : f32 to vector<1x128xf32>
    %mul3A_39 = arith.mulf %get3A_32, %mul3A_38 : vector<1x128xf32>
    %reshape3A = vector.shape_cast %select_n3A : vector<10240x128xf32> to vector<80x128x128xf32>
    %reshape3A_40 = vector.shape_cast %mul3A_39 : vector<1x128xf32> to vector<1x1x128xf32>
    %mul3A_41 = vector.broadcast %reshape3A_40 : vector<1x1x128xf32> to vector<80x128x128xf32>
    %mul3A_42 = arith.mulf %reshape3A, %mul3A_41 : vector<80x128x128xf32>
    %reduce_sum3A_43 = arith.constant dense<0.000000e+00> : vector<80x128xf32>
    %reduce_sum3A_44 = vector.multi_reduction <add>, %mul3A_42, %reduce_sum3A_43 [2] : vector<80x128x128xf32> to vector<80x128xf32>
    %tanh3A = math.tanh %reduce_sum3A_44 : vector<80x128xf32>
    %bitcast_convert_type3A = tpu.bitcast %tanh3A : vector<80x128xf32> -> vector<80x128xi32>
    %shift_right_arithmetic3A = arith.constant 31 : i32
    %shift_right_arithmetic3A_45 = vector.broadcast %shift_right_arithmetic3A : i32 to vector<80x128xi32>
    %shift_right_arithmetic3A_46 = arith.shrsi %bitcast_convert_type3A, %shift_right_arithmetic3A_45 : vector<80x128xi32>
    %and3A = arith.constant 2147483647 : i32
    %and3A_47 = vector.broadcast %and3A : i32 to vector<80x128xi32>
    %and3A_48 = arith.andi %shift_right_arithmetic3A_46, %and3A_47 : vector<80x128xi32>
    %xor3A = arith.xori %bitcast_convert_type3A, %and3A_48 : vector<80x128xi32>
    %iota3A_49 = tpu.iota {dimensions = array<i32: 0>} : vector<80x128xi32>
    %mul3A_50 = arith.constant 128 : i32
    %mul3A_51 = vector.broadcast %mul3A_50 : i32 to vector<80x128xi32>
    %mul3A_52 = arith.muli %iota3A_49, %mul3A_51 : vector<80x128xi32>
    %iota3A_53 = tpu.iota {dimensions = array<i32: 1>} : vector<80x128xi32>
    %add3A_54 = arith.addi %mul3A_52, %iota3A_53 : vector<80x128xi32>
    %lt3A_55 = arith.constant 10000 : i32
    %lt3A_56 = vector.broadcast %lt3A_55 : i32 to vector<80x128xi32>
    %lt3A_57 = arith.cmpi slt, %add3A_54, %lt3A_56 : vector<80x128xi32>
    %jit3A_58 = arith.constant -2147483648 : i32
    %broadcast_in_dim3A_59 = vector.broadcast %jit3A_58 : i32 to vector<80x128xi32>
    %select_n3A_60 = arith.select %lt3A_57, %xor3A, %broadcast_in_dim3A_59 : vector<80x128xi1>, vector<80x128xi32>
    %scan3A = arith.constant -2147483648 : i32
    %scan3A_61 = arith.constant 2147483647 : i32
    %scan3A_62 = arith.constant 0 : i32
    %scan3A_63 = arith.constant 32 : i32
    %scan3A_64 = arith.addi %scan3A_62, %scan3A_63 : i32
    %scan3A_65 = arith.constant 1 : i32
    %scan3A_66:2 = scf.for %scan3A_123 = %scan3A_62 to %scan3A_64 step %scan3A_65 iter_args(%scan3A_124 = %scan3A, %scan3A_125 = %scan3A_61) -> (i32, i32)  : i32 {
      %shift_right_arithmetic3A_126 = arith.constant 1 : i32
      %shift_right_arithmetic3A_127 = arith.shrsi %scan3A_124, %shift_right_arithmetic3A_126 : i32
      %shift_right_arithmetic3A_128 = arith.constant 1 : i32
      %shift_right_arithmetic3A_129 = arith.shrsi %scan3A_125, %shift_right_arithmetic3A_128 : i32
      %add3A_130 = arith.addi %shift_right_arithmetic3A_127, %shift_right_arithmetic3A_129 : i32
      %and3A_131 = arith.andi %scan3A_124, %scan3A_125 : i32
      %and3A_132 = arith.constant 1 : i32
      %and3A_133 = arith.andi %and3A_131, %and3A_132 : i32
      %add3A_134 = arith.addi %add3A_130, %and3A_133 : i32
      %ge3A = vector.broadcast %add3A_134 : i32 to vector<80x128xi32>
      %ge3A_135 = arith.cmpi sge, %select_n3A_60, %ge3A : vector<80x128xi32>
      %convert_element_type3A_136 = arith.extui %ge3A_135 : vector<80x128xi1> to vector<80x128xi32>
      %reduce_sum3A_137 = vector.shape_cast %convert_element_type3A_136 : vector<80x128xi32> to vector<1x80x128xi32>
      %reduce_sum3A_138 = arith.constant dense<0> : vector<1xi32>
      %reduce_sum3A_139 = vector.multi_reduction <add>, %reduce_sum3A_137, %reduce_sum3A_138 [1, 2] : vector<1x80x128xi32> to vector<1xi32>
      %reduce_sum3A_140 = vector.shape_cast %reduce_sum3A_139 : vector<1xi32> to vector<1x1x1xi32>
      %reduce_sum3A_141 = vector.extract %reduce_sum3A_140[0, 0, 0] : i32 from vector<1x1x1xi32>
      %ge3A_142 = arith.constant 5000 : i32
      %ge3A_143 = arith.cmpi sge, %reduce_sum3A_141, %ge3A_142 : i32
      %select_n3A_144 = arith.select %ge3A_143, %add3A_134, %scan3A_124 : i32
      %select_n3A_145 = arith.select %ge3A_143, %scan3A_125, %add3A_134 : i32
      scf.yield %select_n3A_144, %select_n3A_145 : i32, i32
    }
    %gt3A = vector.broadcast %scan3A_66#0 : i32 to vector<80x128xi32>
    %gt3A_67 = arith.cmpi sgt, %select_n3A_60, %gt3A : vector<80x128xi32>
    %convert_element_type3A = arith.extui %gt3A_67 : vector<80x128xi1> to vector<80x128xi32>
    %reduce_sum3A_68 = vector.shape_cast %convert_element_type3A : vector<80x128xi32> to vector<1x80x128xi32>
    %reduce_sum3A_69 = arith.constant dense<0> : vector<1xi32>
    %reduce_sum3A_70 = vector.multi_reduction <add>, %reduce_sum3A_68, %reduce_sum3A_69 [1, 2] : vector<1x80x128xi32> to vector<1xi32>
    %reduce_sum3A_71 = vector.shape_cast %reduce_sum3A_70 : vector<1xi32> to vector<1x1x1xi32>
    %reduce_sum3A_72 = vector.extract %reduce_sum3A_71[0, 0, 0] : i32 from vector<1x1x1xi32>
    %sub3A = arith.constant 5000 : i32
    %sub3A_73 = arith.subi %sub3A, %reduce_sum3A_72 : i32
    %convert_element_type3A_74 = arith.sitofp %sub3A_73 : i32 to f32
    %eq3A = vector.broadcast %scan3A_66#0 : i32 to vector<80x128xi32>
    %eq3A_75 = arith.cmpi eq, %select_n3A_60, %eq3A : vector<80x128xi32>
    %and3A_76 = arith.andi %eq3A_75, %lt3A_57 : vector<80x128xi1>
    %convert_element_type3A_77 = arith.extui %and3A_76 : vector<80x128xi1> to vector<80x128xi32>
    %convert_element_type3A_78 = arith.sitofp %convert_element_type3A_77 : vector<80x128xi32> to vector<80x128xf32>
    %iota3A_79 = tpu.iota {dimensions = array<i32: 0>} : vector<128x128xi32>
    %iota3A_80 = tpu.iota {dimensions = array<i32: 1>} : vector<128x128xi32>
    %lt3A_81 = arith.cmpi slt, %iota3A_79, %iota3A_80 : vector<128x128xi32>
    %convert_element_type3A_82 = arith.extui %lt3A_81 : vector<128x128xi1> to vector<128x128xi32>
    %convert_element_type3A_83 = arith.sitofp %convert_element_type3A_82 : vector<128x128xi32> to vector<128x128xf32>
    %dot_general3A = arith.constant dense<0.000000e+00> : vector<80x128xf32>
    %dot_general3A_84 = tpu.matmul %convert_element_type3A_78, %convert_element_type3A_83, %dot_general3A {dimension_numbers = #tpu.dot_dimension_numbers<[1], [0], [0], [1], [0, 0, 1, 1], [], []>, transpose_lhs_hint = false} : vector<80x128xf32>, vector<128x128xf32>, vector<80x128xf32> -> vector<80x128xf32>
    %reduce_sum3A_85 = arith.constant dense<0.000000e+00> : vector<80xf32>
    %reduce_sum3A_86 = vector.multi_reduction <add>, %convert_element_type3A_78, %reduce_sum3A_85 [1] : vector<80x128xf32> to vector<80xf32>
    %broadcast_in_dim3A_87 = vector.shape_cast %reduce_sum3A_86 : vector<80xf32> to vector<80x1xf32>
    %iota3A_88 = tpu.iota {dimensions = array<i32: 0>} : vector<80x80xi32>
    %iota3A_89 = tpu.iota {dimensions = array<i32: 1>} : vector<80x80xi32>
    %lt3A_90 = arith.cmpi slt, %iota3A_89, %iota3A_88 : vector<80x80xi32>
    %convert_element_type3A_91 = arith.extui %lt3A_90 : vector<80x80xi1> to vector<80x80xi32>
    %convert_element_type3A_92 = arith.sitofp %convert_element_type3A_91 : vector<80x80xi32> to vector<80x80xf32>
    %dot_general3A_93 = arith.constant dense<0.000000e+00> : vector<80x1xf32>
    %dot_general3A_94 = tpu.matmul %convert_element_type3A_92, %broadcast_in_dim3A_87, %dot_general3A_93 {dimension_numbers = #tpu.dot_dimension_numbers<[1], [0], [0], [1], [0, 0, 1, 1], [], []>, transpose_lhs_hint = false} : vector<80x80xf32>, vector<80x1xf32>, vector<80x1xf32> -> vector<80x1xf32>
    %add3A_95 = vector.broadcast %dot_general3A_94 : vector<80x1xf32> to vector<80x128xf32>
    %add3A_96 = arith.addf %dot_general3A_84, %add3A_95 : vector<80x128xf32>
    %gt3A_97 = vector.broadcast %scan3A_66#0 : i32 to vector<80x128xi32>
    %gt3A_98 = arith.cmpi sgt, %select_n3A_60, %gt3A_97 : vector<80x128xi32>
    %eq3A_99 = vector.broadcast %scan3A_66#0 : i32 to vector<80x128xi32>
    %eq3A_100 = arith.cmpi eq, %select_n3A_60, %eq3A_99 : vector<80x128xi32>
    %and3A_101 = arith.andi %eq3A_100, %lt3A_57 : vector<80x128xi1>
    %lt3A_102 = vector.broadcast %convert_element_type3A_74 : f32 to vector<80x128xf32>
    %lt3A_103 = arith.cmpf olt, %add3A_96, %lt3A_102 : vector<80x128xf32>
    %and3A_104 = arith.andi %and3A_101, %lt3A_103 : vector<80x128xi1>
    %or3A = arith.ori %gt3A_98, %and3A_104 : vector<80x128xi1>
    %convert_element_type3A_105 = arith.extui %or3A : vector<80x128xi1> to vector<80x128xi32>
    %convert_element_type3A_106 = arith.sitofp %convert_element_type3A_105 : vector<80x128xi32> to vector<80x128xf32>
    %swap3A_107 = arith.constant 0 : index
    %swap3A_108 = arith.constant 0 : index
    %swap3A_109 = vector.load %arg7[%swap3A_107, %swap3A_108] : memref<80x128xf32, #tpu.memory_space<vmem>>, vector<80x128xf32>
    tpu.vector_store %arg7[%swap3A_107, %swap3A_108], %convert_element_type3A_106 {strides = array<i32>} : memref<80x128xf32, #tpu.memory_space<vmem>>, vector<80x128xf32>,
    %mul3A_110 = arith.mulf %tanh3A, %convert_element_type3A_106 : vector<80x128xf32>
    %broadcast_in_dim3A_111 = vector.shape_cast %mul3A_110 : vector<80x128xf32> to vector<80x128x1xf32>
    %mul3A_112 = vector.broadcast %broadcast_in_dim3A_111 : vector<80x128x1xf32> to vector<80x128x128xf32>
    %mul3A_113 = arith.mulf %reshape3A, %mul3A_112 : vector<80x128x128xf32>
    %reshape3A_114 = vector.shape_cast %mul3A_113 : vector<80x128x128xf32> to vector<10240x128xf32>
    %get3A_115 = arith.constant 0 : index
    %get3A_116 = arith.constant 0 : index
    %get3A_117 = vector.load %arg5[%get3A_115, %get3A_116] : memref<128x128xf32, #tpu.memory_space<vmem>>, vector<128x128xf32>
    %dot_general3A_118 = arith.constant dense<0.000000e+00> : vector<10240x128xf32>
    %dot_general3A_119 = tpu.matmul %reshape3A_114, %get3A_117, %dot_general3A_118 {dimension_numbers = #tpu.dot_dimension_numbers<[1], [0], [0], [1], [0, 0, 1, 1], [], []>, transpose_lhs_hint = false} : vector<10240x128xf32>, vector<128x128xf32>, vector<10240x128xf32> -> vector<10240x128xf32>
    %swap3A_120 = arith.constant 0 : index
    %swap3A_121 = arith.constant 0 : index
    %swap3A_122 = vector.load %arg8[%swap3A_120, %swap3A_121] : memref<10240x128xf32, #tpu.memory_space<vmem>>, vector<10240x128xf32>
    tpu.vector_store %arg8[%swap3A_120, %swap3A_121], %dot_general3A_119 {strides = array<i32>} : memref<10240x128xf32, #tpu.memory_space<vmem>>, vector<10240x128xf32>,
    return
  }
}

module attributes {stable_mosaic.version = 14 : i64} {
  func.func @_tc3(%arg0: memref<2x10240x1xf32, #tpu.memory_space<vmem>>, %arg1: memref<10240x1xf32, #tpu.memory_space<vmem>>, %arg2: memref<10240x128xf32, #tpu.memory_space<vmem>>, %arg3: memref<10240x128xf32, #tpu.memory_space<vmem>>, %arg4: memref<10240x1xf32, #tpu.memory_space<vmem>>) attributes {dimension_semantics = [], scalar_prefetch = 0 : i64, scratch_operands = 0 : i64, tpu.core_type = #tpu.core_type<tc>} {
    %get3A = arith.constant 0 : index
    %get3A_0 = arith.constant 0 : index
    %get3A_1 = arith.constant 0 : index
    %get3A_2 = vector.load %arg0[%get3A, %get3A_0, %get3A_1] : memref<2x10240x1xf32, #tpu.memory_space<vmem>>, vector<1x10240x1xf32>
    %get3A_3 = vector.shape_cast %get3A_2 : vector<1x10240x1xf32> to vector<10240x1xf32>
    %get3A_4 = arith.constant 1 : index
    %get3A_5 = arith.constant 0 : index
    %get3A_6 = arith.constant 0 : index
    %get3A_7 = vector.load %arg0[%get3A_4, %get3A_5, %get3A_6] : memref<2x10240x1xf32, #tpu.memory_space<vmem>>, vector<1x10240x1xf32>
    %get3A_8 = vector.shape_cast %get3A_7 : vector<1x10240x1xf32> to vector<10240x1xf32>
    %add3A = arith.addf %get3A_3, %get3A_8 : vector<10240x1xf32>
    %get3A_9 = arith.constant 0 : index
    %get3A_10 = arith.constant 0 : index
    %get3A_11 = vector.load %arg1[%get3A_9, %get3A_10] : memref<10240x1xf32, #tpu.memory_space<vmem>>, vector<10240x1xf32>
    %mul3A = arith.mulf %add3A, %get3A_11 : vector<10240x1xf32>
    %add3A_12 = arith.constant 1.000000e+00 : f32
    %add3A_13 = vector.broadcast %add3A_12 : f32 to vector<10240x1xf32>
    %add3A_14 = arith.addf %mul3A, %add3A_13 : vector<10240x1xf32>
    %rsqrt3A = math.rsqrt %add3A_14 : vector<10240x1xf32>
    %swap3A = arith.constant 0 : index
    %swap3A_15 = arith.constant 0 : index
    %swap3A_16 = vector.load %arg4[%swap3A, %swap3A_15] : memref<10240x1xf32, #tpu.memory_space<vmem>>, vector<10240x1xf32>
    tpu.vector_store %arg4[%swap3A, %swap3A_15], %rsqrt3A {strides = array<i32>} : memref<10240x1xf32, #tpu.memory_space<vmem>>, vector<10240x1xf32>,
    %get3A_17 = arith.constant 0 : index
    %get3A_18 = arith.constant 0 : index
    %get3A_19 = vector.load %arg2[%get3A_17, %get3A_18] : memref<10240x128xf32, #tpu.memory_space<vmem>>, vector<10240x128xf32>
    %mul3A_20 = vector.broadcast %rsqrt3A : vector<10240x1xf32> to vector<10240x128xf32>
    %mul3A_21 = arith.mulf %get3A_19, %mul3A_20 : vector<10240x128xf32>
    %swap3A_22 = arith.constant 0 : index
    %swap3A_23 = arith.constant 0 : index
    %swap3A_24 = vector.load %arg3[%swap3A_22, %swap3A_23] : memref<10240x128xf32, #tpu.memory_space<vmem>>, vector<10240x128xf32>
    tpu.vector_store %arg3[%swap3A_22, %swap3A_23], %mul3A_21 {strides = array<i32>} : memref<10240x128xf32, #tpu.memory_space<vmem>>, vector<10240x128xf32>,
    return
  }
}

module attributes {stable_mosaic.version = 14 : i64} {
  func.func @_tc4(%arg0: memref<2x10240x128xf32, #tpu.memory_space<vmem>>, %arg1: memref<10240x128xf32, #tpu.memory_space<vmem>>, %arg2: memref<10240x1xf32, #tpu.memory_space<vmem>>, %arg3: memref<10240x1xf32, #tpu.memory_space<vmem>>, %arg4: memref<1x128xf32, #tpu.memory_space<vmem>>, %arg5: memref<2x128x128xf32, #tpu.memory_space<vmem>>, %arg6: memref<10240x128xf32, #tpu.memory_space<vmem>>) attributes {dimension_semantics = [], scalar_prefetch = 0 : i64, scratch_operands = 0 : i64, tpu.core_type = #tpu.core_type<tc>} {
    %get3A = arith.constant 0 : index
    %get3A_0 = arith.constant 0 : index
    %get3A_1 = arith.constant 0 : index
    %get3A_2 = vector.load %arg0[%get3A, %get3A_0, %get3A_1] : memref<2x10240x128xf32, #tpu.memory_space<vmem>>, vector<1x10240x128xf32>
    %get3A_3 = vector.shape_cast %get3A_2 : vector<1x10240x128xf32> to vector<10240x128xf32>
    %get3A_4 = arith.constant 1 : index
    %get3A_5 = arith.constant 0 : index
    %get3A_6 = arith.constant 0 : index
    %get3A_7 = vector.load %arg0[%get3A_4, %get3A_5, %get3A_6] : memref<2x10240x128xf32, #tpu.memory_space<vmem>>, vector<1x10240x128xf32>
    %get3A_8 = vector.shape_cast %get3A_7 : vector<1x10240x128xf32> to vector<10240x128xf32>
    %add3A = arith.addf %get3A_3, %get3A_8 : vector<10240x128xf32>
    %get3A_9 = arith.constant 0 : index
    %get3A_10 = arith.constant 0 : index
    %get3A_11 = vector.load %arg2[%get3A_9, %get3A_10] : memref<10240x1xf32, #tpu.memory_space<vmem>>, vector<10240x1xf32>
    %get3A_12 = arith.constant 0 : index
    %get3A_13 = arith.constant 0 : index
    %get3A_14 = vector.load %arg3[%get3A_12, %get3A_13] : memref<10240x1xf32, #tpu.memory_space<vmem>>, vector<10240x1xf32>
    %mul3A = vector.broadcast %get3A_14 : vector<10240x1xf32> to vector<10240x128xf32>
    %mul3A_15 = arith.mulf %add3A, %mul3A : vector<10240x128xf32>
    %get3A_16 = arith.constant 0 : index
    %get3A_17 = arith.constant 0 : index
    %get3A_18 = vector.load %arg1[%get3A_16, %get3A_17] : memref<10240x128xf32, #tpu.memory_space<vmem>>, vector<10240x128xf32>
    %add3A_19 = arith.addf %mul3A_15, %get3A_18 : vector<10240x128xf32>
    %mul3A_20 = vector.broadcast %get3A_11 : vector<10240x1xf32> to vector<10240x128xf32>
    %mul3A_21 = arith.mulf %add3A_19, %mul3A_20 : vector<10240x128xf32>
    %get3A_22 = arith.constant 0 : index
    %get3A_23 = arith.constant 0 : index
    %get3A_24 = vector.load %arg4[%get3A_22, %get3A_23] : memref<1x128xf32, #tpu.memory_space<vmem>>, vector<1x128xf32>
    %add3A_25 = vector.broadcast %get3A_24 : vector<1x128xf32> to vector<10240x128xf32>
    %add3A_26 = arith.addf %mul3A_21, %add3A_25 : vector<10240x128xf32>
    %max3A = arith.constant 0.000000e+00 : f32
    %max3A_27 = vector.broadcast %max3A : f32 to vector<10240x128xf32>
    %max3A_28 = arith.maximumf %add3A_26, %max3A_27 : vector<10240x128xf32>
    %mul3A_29 = vector.broadcast %get3A_14 : vector<10240x1xf32> to vector<10240x128xf32>
    %mul3A_30 = arith.mulf %max3A_28, %mul3A_29 : vector<10240x128xf32>
    %get3A_31 = arith.constant 0 : index
    %get3A_32 = arith.constant 0 : index
    %get3A_33 = arith.constant 0 : index
    %get3A_34 = vector.load %arg5[%get3A_31, %get3A_32, %get3A_33] : memref<2x128x128xf32, #tpu.memory_space<vmem>>, vector<1x128x128xf32>
    %get3A_35 = vector.shape_cast %get3A_34 : vector<1x128x128xf32> to vector<128x128xf32>
    %get3A_36 = arith.constant 1 : index
    %get3A_37 = arith.constant 0 : index
    %get3A_38 = arith.constant 0 : index
    %get3A_39 = vector.load %arg5[%get3A_36, %get3A_37, %get3A_38] : memref<2x128x128xf32, #tpu.memory_space<vmem>>, vector<1x128x128xf32>
    %get3A_40 = vector.shape_cast %get3A_39 : vector<1x128x128xf32> to vector<128x128xf32>
    %add3A_41 = arith.addf %get3A_35, %get3A_40 : vector<128x128xf32>
    %dot_general3A = arith.constant dense<0.000000e+00> : vector<10240x128xf32>
    %dot_general3A_42 = tpu.matmul %mul3A_30, %add3A_41, %dot_general3A {dimension_numbers = #tpu.dot_dimension_numbers<[1], [0], [0], [1], [0, 0, 1, 1], [], []>, transpose_lhs_hint = false} : vector<10240x128xf32>, vector<128x128xf32>, vector<10240x128xf32> -> vector<10240x128xf32>
    %mul3A_43 = vector.broadcast %get3A_11 : vector<10240x1xf32> to vector<10240x128xf32>
    %mul3A_44 = arith.mulf %dot_general3A_42, %mul3A_43 : vector<10240x128xf32>
    %swap3A = arith.constant 0 : index
    %swap3A_45 = arith.constant 0 : index
    %swap3A_46 = vector.load %arg6[%swap3A, %swap3A_45] : memref<10240x128xf32, #tpu.memory_space<vmem>>, vector<10240x128xf32>
    tpu.vector_store %arg6[%swap3A, %swap3A_45], %mul3A_44 {strides = array<i32>} : memref<10240x128xf32, #tpu.memory_space<vmem>>, vector<10240x128xf32>,
    return
  }
}

module attributes {stable_mosaic.version = 14 : i64} {
  func.func @_tc5(%arg0: memref<2x10240x128xf32, #tpu.memory_space<vmem>>, %arg1: memref<10240x128xf32, #tpu.memory_space<vmem>>, %arg2: memref<10240x1xf32, #tpu.memory_space<vmem>>, %arg3: memref<10240x1xf32, #tpu.memory_space<vmem>>, %arg4: memref<1x128xf32, #tpu.memory_space<vmem>>, %arg5: memref<2x128x128xf32, #tpu.memory_space<vmem>>, %arg6: memref<10240x128xf32, #tpu.memory_space<vmem>>, %arg7: memref<10240x1xf32, #tpu.memory_space<vmem>>, %arg8: memref<10240x128xf32, #tpu.memory_space<vmem>>) attributes {dimension_semantics = [], scalar_prefetch = 0 : i64, scratch_operands = 0 : i64, tpu.core_type = #tpu.core_type<tc>} {
    %get3A = arith.constant 0 : index
    %get3A_0 = arith.constant 0 : index
    %get3A_1 = arith.constant 0 : index
    %get3A_2 = vector.load %arg0[%get3A, %get3A_0, %get3A_1] : memref<2x10240x128xf32, #tpu.memory_space<vmem>>, vector<1x10240x128xf32>
    %get3A_3 = vector.shape_cast %get3A_2 : vector<1x10240x128xf32> to vector<10240x128xf32>
    %get3A_4 = arith.constant 1 : index
    %get3A_5 = arith.constant 0 : index
    %get3A_6 = arith.constant 0 : index
    %get3A_7 = vector.load %arg0[%get3A_4, %get3A_5, %get3A_6] : memref<2x10240x128xf32, #tpu.memory_space<vmem>>, vector<1x10240x128xf32>
    %get3A_8 = vector.shape_cast %get3A_7 : vector<1x10240x128xf32> to vector<10240x128xf32>
    %add3A = arith.addf %get3A_3, %get3A_8 : vector<10240x128xf32>
    %get3A_9 = arith.constant 0 : index
    %get3A_10 = arith.constant 0 : index
    %get3A_11 = vector.load %arg2[%get3A_9, %get3A_10] : memref<10240x1xf32, #tpu.memory_space<vmem>>, vector<10240x1xf32>
    %get3A_12 = arith.constant 0 : index
    %get3A_13 = arith.constant 0 : index
    %get3A_14 = vector.load %arg3[%get3A_12, %get3A_13] : memref<10240x1xf32, #tpu.memory_space<vmem>>, vector<10240x1xf32>
    %mul3A = vector.broadcast %get3A_14 : vector<10240x1xf32> to vector<10240x128xf32>
    %mul3A_15 = arith.mulf %add3A, %mul3A : vector<10240x128xf32>
    %get3A_16 = arith.constant 0 : index
    %get3A_17 = arith.constant 0 : index
    %get3A_18 = vector.load %arg1[%get3A_16, %get3A_17] : memref<10240x128xf32, #tpu.memory_space<vmem>>, vector<10240x128xf32>
    %add3A_19 = arith.addf %mul3A_15, %get3A_18 : vector<10240x128xf32>
    %mul3A_20 = vector.broadcast %get3A_11 : vector<10240x1xf32> to vector<10240x128xf32>
    %mul3A_21 = arith.mulf %add3A_19, %mul3A_20 : vector<10240x128xf32>
    %get3A_22 = arith.constant 0 : index
    %get3A_23 = arith.constant 0 : index
    %get3A_24 = vector.load %arg4[%get3A_22, %get3A_23] : memref<1x128xf32, #tpu.memory_space<vmem>>, vector<1x128xf32>
    %add3A_25 = vector.broadcast %get3A_24 : vector<1x128xf32> to vector<10240x128xf32>
    %add3A_26 = arith.addf %mul3A_21, %add3A_25 : vector<10240x128xf32>
    %max3A = arith.constant 0.000000e+00 : f32
    %max3A_27 = vector.broadcast %max3A : f32 to vector<10240x128xf32>
    %max3A_28 = arith.maximumf %add3A_26, %max3A_27 : vector<10240x128xf32>
    %mul3A_29 = vector.broadcast %get3A_14 : vector<10240x1xf32> to vector<10240x128xf32>
    %mul3A_30 = arith.mulf %max3A_28, %mul3A_29 : vector<10240x128xf32>
    %get3A_31 = arith.constant 0 : index
    %get3A_32 = arith.constant 0 : index
    %get3A_33 = arith.constant 0 : index
    %get3A_34 = vector.load %arg5[%get3A_31, %get3A_32, %get3A_33] : memref<2x128x128xf32, #tpu.memory_space<vmem>>, vector<1x128x128xf32>
    %get3A_35 = vector.shape_cast %get3A_34 : vector<1x128x128xf32> to vector<128x128xf32>
    %dot_general3A = arith.constant dense<0.000000e+00> : vector<10240x128xf32>
    %dot_general3A_36 = tpu.matmul %mul3A_30, %get3A_35, %dot_general3A {dimension_numbers = #tpu.dot_dimension_numbers<[1], [0], [0], [1], [0, 0, 1, 1], [], []>, transpose_lhs_hint = false} : vector<10240x128xf32>, vector<128x128xf32>, vector<10240x128xf32> -> vector<10240x128xf32>
    %get3A_37 = arith.constant 0 : index
    %get3A_38 = arith.constant 0 : index
    %get3A_39 = vector.load %arg6[%get3A_37, %get3A_38] : memref<10240x128xf32, #tpu.memory_space<vmem>>, vector<10240x128xf32>
    %get3A_40 = arith.constant 1 : index
    %get3A_41 = arith.constant 0 : index
    %get3A_42 = arith.constant 0 : index
    %get3A_43 = vector.load %arg5[%get3A_40, %get3A_41, %get3A_42] : memref<2x128x128xf32, #tpu.memory_space<vmem>>, vector<1x128x128xf32>
    %get3A_44 = vector.shape_cast %get3A_43 : vector<1x128x128xf32> to vector<128x128xf32>
    %dot_general3A_45 = arith.constant dense<0.000000e+00> : vector<10240x128xf32>
    %dot_general3A_46 = tpu.matmul %get3A_39, %get3A_44, %dot_general3A_45 {dimension_numbers = #tpu.dot_dimension_numbers<[1], [0], [0], [1], [0, 0, 1, 1], [], []>, transpose_lhs_hint = false} : vector<10240x128xf32>, vector<128x128xf32>, vector<10240x128xf32> -> vector<10240x128xf32>
    %add3A_47 = arith.addf %dot_general3A_36, %dot_general3A_46 : vector<10240x128xf32>
    %get3A_48 = arith.constant 0 : index
    %get3A_49 = arith.constant 0 : index
    %get3A_50 = vector.load %arg7[%get3A_48, %get3A_49] : memref<10240x1xf32, #tpu.memory_space<vmem>>, vector<10240x1xf32>
    %mul3A_51 = vector.broadcast %get3A_50 : vector<10240x1xf32> to vector<10240x128xf32>
    %mul3A_52 = arith.mulf %add3A_47, %mul3A_51 : vector<10240x128xf32>
    %swap3A = arith.constant 0 : index
    %swap3A_53 = arith.constant 0 : index
    %swap3A_54 = vector.load %arg8[%swap3A, %swap3A_53] : memref<10240x128xf32, #tpu.memory_space<vmem>>, vector<10240x128xf32>
    tpu.vector_store %arg8[%swap3A, %swap3A_53], %mul3A_52 {strides = array<i32>} : memref<10240x128xf32, #tpu.memory_space<vmem>>, vector<10240x128xf32>,
    return
  }
}

module attributes {stable_mosaic.version = 14 : i64} {
  func.func @_tc6(%arg0: memref<2x10240x128xf32, #tpu.memory_space<vmem>>, %arg1: memref<10240x128xf32, #tpu.memory_space<vmem>>, %arg2: memref<10240x1xf32, #tpu.memory_space<vmem>>, %arg3: memref<1x128xf32, #tpu.memory_space<vmem>>, %arg4: memref<10240x128xf32, #tpu.memory_space<vmem>>) attributes {dimension_semantics = [], scalar_prefetch = 0 : i64, scratch_operands = 0 : i64, tpu.core_type = #tpu.core_type<tc>} {
    %get3A = arith.constant 0 : index
    %get3A_0 = arith.constant 0 : index
    %get3A_1 = arith.constant 0 : index
    %get3A_2 = vector.load %arg0[%get3A, %get3A_0, %get3A_1] : memref<2x10240x128xf32, #tpu.memory_space<vmem>>, vector<1x10240x128xf32>
    %get3A_3 = vector.shape_cast %get3A_2 : vector<1x10240x128xf32> to vector<10240x128xf32>
    %get3A_4 = arith.constant 1 : index
    %get3A_5 = arith.constant 0 : index
    %get3A_6 = arith.constant 0 : index
    %get3A_7 = vector.load %arg0[%get3A_4, %get3A_5, %get3A_6] : memref<2x10240x128xf32, #tpu.memory_space<vmem>>, vector<1x10240x128xf32>
    %get3A_8 = vector.shape_cast %get3A_7 : vector<1x10240x128xf32> to vector<10240x128xf32>
    %add3A = arith.addf %get3A_3, %get3A_8 : vector<10240x128xf32>
    %get3A_9 = arith.constant 0 : index
    %get3A_10 = arith.constant 0 : index
    %get3A_11 = vector.load %arg2[%get3A_9, %get3A_10] : memref<10240x1xf32, #tpu.memory_space<vmem>>, vector<10240x1xf32>
    %get3A_12 = arith.constant 0 : index
    %get3A_13 = arith.constant 0 : index
    %get3A_14 = vector.load %arg1[%get3A_12, %get3A_13] : memref<10240x128xf32, #tpu.memory_space<vmem>>, vector<10240x128xf32>
    %add3A_15 = arith.addf %add3A, %get3A_14 : vector<10240x128xf32>
    %mul3A = vector.broadcast %get3A_11 : vector<10240x1xf32> to vector<10240x128xf32>
    %mul3A_16 = arith.mulf %add3A_15, %mul3A : vector<10240x128xf32>
    %get3A_17 = arith.constant 0 : index
    %get3A_18 = arith.constant 0 : index
    %get3A_19 = vector.load %arg3[%get3A_17, %get3A_18] : memref<1x128xf32, #tpu.memory_space<vmem>>, vector<1x128xf32>
    %add3A_20 = vector.broadcast %get3A_19 : vector<1x128xf32> to vector<10240x128xf32>
    %add3A_21 = arith.addf %mul3A_16, %add3A_20 : vector<10240x128xf32>
    %swap3A = arith.constant 0 : index
    %swap3A_22 = arith.constant 0 : index
    %swap3A_23 = vector.load %arg4[%swap3A, %swap3A_22] : memref<10240x128xf32, #tpu.memory_space<vmem>>, vector<10240x128xf32>
    tpu.vector_store %arg4[%swap3A, %swap3A_22], %add3A_21 {strides = array<i32>} : memref<10240x128xf32, #tpu.memory_space<vmem>>, vector<10240x128xf32>,
    return
  }
}

</mosaic_0001>

<sc_bundles>
// kernel: kernel.14.cloned.1.call-start
scs
__scs_entry_jumppad:
0x0: {  	(pc) =	sbr.rel $0x88, $3  }
0x1: {  	(tag) =	ssettag $0x0;
	lr =	simm.s32 $0x1  }
0x2: {  	[smem:$0x3F96] =	sst lr;
	_ =	strace $0xD0000000  }
0x3: {  	_ = 	snop  }
0x4: {  	_ = 	snop  }
0x5: {  	_ = 	snop  }
0x6: {  	_ = 	snop  }
0x7: {  	_ = 	snop  }
__scs_overlays_trampoline_lowered:
0x8: {  	[smem:$0x3FA5] =	sst s0  }
0x9: {  	[smem:$0x3FA6] =	sst s1  }
0xa: {  	[smem:$0x3FA7] =	sst s2  }
0xb: {  	[smem:$0x3FA8] =	sst s3  }
0xc: {  	[smem:$0x3FA9] =	sst s4  }
0xd: {  	[smem:$0x3FAA] =	sst s5  }
0xe: {  	[smem:$0x3FAB] =	sst s6  }
0xf: {  	[smem:$0x3FAC] =	sst s7  }
0x10: {  	[smem:$0x3FAD] =	sst s8  }
0x11: {  	[smem:$0x3FAE] =	sst s9;
	s0 =	simm.s32 @!p0 $0x0  }
0x12: {  	s1 =	sld [smem:$0x3F94];
	s0 =	simm.s32 @p0 $0x1  }
0x13: {  	[smem:$0x3FAF] =	sst s0;
	s0 =	simm.s32 @!p1 $0x0  }
0x14: {  	s2 =	sld [smem:$0x3F93];
	s0 =	simm.s32 @p1 $0x1  }
0x15: {  	[smem:$0x3FB0] =	sst s0;
	s0 =	simm.s32 @!p2 $0x0  }
0x16: {  	s3 =	sld [smem:$0x3FDB];
	s0 =	simm.s32 @p2 $0x1  }
0x17: {  	s4 =	simm.s32 $0x1BF5;
	[smem:$0x3FB2] =	sst s0  }
0x18: {  	s0 =	sld [smem:$0x3F95];
	_ =	swait.ge [sflag:s4], $0x0  }
0x19: {  	s7 =	sld [smem:$0x3F96]  }
0x1a: {  	s8 =	sadd.s32 $0xFFFFE003, lr  }
0x1b: {  	s9 =	sadd.s32 $0xFFFFFEF7, lr;
	s5 =	simm.s32 $0xFFFFFFFF;
	p2 =	slt.u32 s8, $0xFFFFF086  }
0x1c: {  	p1 =	slt.u32 s9, $0xF7A;
	s5 =	simm.s32 @!p2 $0x0  }
0x1d: {  	s5 =	simm.s32 @p1 $0x1;
	p0 =	seq.s32 s7, s2  }
0x1e: {  	s7 =	smul.u32 @!p0 $0xF7A, s2;
	p2 =	seq.s32 @!p0 s5, $0x0  }
0x1f: {  	s9 =	smul.u32 $0xF7A, s1;
	s8 =	simm.s32 @!p0 $0x1BF5;
	p2 =	por !p2, p0  }
0x20: {  	[sflag:s8] =	ssyncset.s32 @!p0 $0xFFFFF086;
	s6 =	sadd.s32 @!p0 s3, s7;
	s7 =	simm.s32 @!p0 $0x108  }
0x21: {  	s3 =	sadd.s32 s3, s9;
	s6 =	sadd.s32 @!p0 $0x88, s6;
	s7 =	simm.s32 @p2 $0x1082  }
0x22: {  	[simem:s7], [sflag:s8] =	dma.local @!p0 [hbm:s6], $0xF7A  }
0x23: {  	s9 =	sor.u32 $0xD0000000, s2;
	s6 =	simm.s32 $0x108;
	_ =	swait.ge @!p0 [sflag:s8], $0x0  }
0x24: {  	s3 =	sadd.s32 $0x88, s3;
	s6 =	simm.s32 @!p1 $0x1082;
	[sflag:s4] =	ssyncset.s32 $0xFFFFF086  }
0x25: {  	[simem:s6], [sflag:s4] =	dma.local [hbm:s3], $0xF7A  }
0x26: {  	[smem:$0x3F96] =	sst s1;
	(tag) =	ssettag s2;
	_ =	strace s9  }
0x27: {  	s1 =	sld [smem:$0x3FA6]  }
0x28: {  	s2 =	sld [smem:$0x3FA7]  }
0x29: {  	s4 =	sld [smem:$0x3FA9]  }
0x2a: {  	p0 =	seq.s32 s5, $0x0;
	s5 =	sld [smem:$0x3FAA]  }
0x2b: {  	s6 =	sld [smem:$0x3FAB]  }
0x2c: {  	s7 =	sld [smem:$0x3FAC]  }
0x2d: {  	s3 =	simm.s32 $0x108;
	s8 =	sld [smem:$0x3FAD]  }
0x2e: {  	s3 =	simm.s32 @!p0 $0x1082;
	s9 =	sld [smem:$0x3FAE]  }
0x2f: {  	lr =	sadd.s32 s0, s3;
	s0 =	sld [smem:$0x3FA5]  }
0x30: {  	s3 =	sld [smem:$0x3FA8]  }
0x31: {  	[smem:$0x3FB1] =	sst s10  }
0x32: {  	s10 =	sld [smem:$0x3FAF];
	_ =	sdelay $0x3  }
0x33: {  	p0 =	seq.s32 s10, $0x1;
	s10 =	sld [smem:$0x3FB1];
	_ =	sdelay $0x3  }
0x34: {  	[smem:$0x3FB1] =	sst s10  }
0x35: {  	s10 =	sld [smem:$0x3FB0];
	_ =	sdelay $0x3  }
0x36: {  	p1 =	seq.s32 s10, $0x1;
	s10 =	sld [smem:$0x3FB1];
	_ =	sdelay $0x3  }
0x37: {  	[smem:$0x3FB1] =	sst s10  }
0x38: {  	s10 =	sld [smem:$0x3FB2]  }
0x39: {  	_ = 	snop;
	(pc) =	sbr.ind lr, $3  }
0x3a: {  	_ = 	snop  }
0x3b: {  	_ = 	snop  }
0x3c: {  	p2 =	seq.s32 s10, $0x1;
	s10 =	sld [smem:$0x3FB1]  }
0x3d: {  	_ =	shalt  }
0x3e: {  	_ =	shalt  }
0x3f: {  	_ =	shalt  }
0x40: {  	_ =	shalt  }
0x41: {  	_ =	shalt  }
0x42: {  	_ =	shalt  }
0x43: {  	_ =	shalt  }
0x44: {  	_ =	shalt  }
0x45: {  	_ =	shalt  }
0x46: {  	_ =	shalt  }
0x47: {  	_ =	shalt  }
0x48: {  	_ =	shalt  }
0x49: {  	_ =	shalt  }
0x4a: {  	_ =	shalt  }
0x4b: {  	_ =	shalt  }
0x4c: {  	_ =	shalt  }
0x4d: {  	_ =	shalt  }
0x4e: {  	_ =	shalt  }
0x4f: {  	_ =	shalt  }
0x50: {  	_ =	shalt  }
0x51: {  	_ =	shalt  }
0x52: {  	_ =	shalt  }
0x53: {  	_ =	shalt  }
0x54: {  	_ =	shalt  }
0x55: {  	_ =	shalt  }
0x56: {  	_ =	shalt  }
0x57: {  	_ =	shalt  }
0x58: {  	_ =	shalt  }
0x59: {  	_ =	shalt  }
0x5a: {  	_ =	shalt  }
0x5b: {  	_ =	shalt  }
0x5c: {  	_ =	shalt  }
0x5d: {  	_ =	shalt  }
0x5e: {  	_ =	shalt  }
0x5f: {  	_ =	shalt  }
0x60: {  	_ =	shalt  }
0x61: {  	_ =	shalt  }
0x62: {  	_ =	shalt  }
0x63: {  	_ =	shalt  }
0x64: {  	_ =	shalt  }
0x65: {  	_ =	shalt  }
0x66: {  	_ =	shalt  }
0x67: {  	_ =	shalt  }
0x68: {  	_ =	shalt  }
0x69: {  	_ =	shalt  }
0x6a: {  	_ =	shalt  }
0x6b: {  	_ =	shalt  }
0x6c: {  	_ =	shalt  }
0x6d: {  	_ =	shalt  }
0x6e: {  	_ =	shalt  }
0x6f: {  	_ =	shalt  }
0x70: {  	_ =	shalt  }
0x71: {  	_ =	shalt  }
0x72: {  	_ =	shalt  }
0x73: {  	_ =	shalt  }
0x74: {  	_ =	shalt  }
0x75: {  	_ =	shalt  }
0x76: {  	_ =	shalt  }
0x77: {  	_ =	shalt  }
0x78: {  	_ =	shalt  }
0x79: {  	_ =	shalt  }
0x7a: {  	_ =	shalt  }
0x7b: {  	_ =	shalt  }
0x7c: {  	_ =	shalt  }
0x7d: {  	_ =	shalt  }
0x7e: {  	_ =	shalt  }
0x7f: {  	_ =	shalt  }
0x80: {  	_ =	shalt  }
0x81: {  	_ =	shalt  }
0x82: {  	_ =	shalt  }
0x83: {  	_ =	shalt  }
0x84: {  	_ =	shalt  }
0x85: {  	_ =	shalt  }
0x86: {  	_ =	shalt  }
0x87: {  	_ =	shalt  }
.Lfunc_end0:
.L_simem_size_0:
called_computation_lowered:
.L_overlay_start_0:
0x88: {  	s2 =	sld [smem:$0x3FD9]  }
0x89: {  	s3 =	sld [smem:$0x3FFE];
	_ =	sdelay $0x1  }
0x8a: {  	s1 =	srdreg.scid  }
0x8b: {  	s0 =	sand.u32 $0x1, s1  }
0x8c: {  	s17 =	sshll.u32 s0, $0xA;
	s2 =	sadd.s32 s3, s2  }
0x8d: {  	s2 =	sadd.s32 s2, s17  }
0x8e: {  	[smem:$0x3FBD] =	sst s2  }
0x8f: {  	_ = 	snop  }
0x90: {  	s2 =	sld [smem:$0x3FD0];
	(tm) =	ssettm $0x1  }
0x91: {  	s18 =	sld [smem:$0x3FFB];
	_ =	sdelay $0x3  }
0x92: {  	_ =	strace s18  }
0x93: {  	s3 =	sld [smem:$0x3FFC];
	_ =	sdelay $0x3  }
0x94: {  	_ =	strace s3  }
0x95: {  	s3 =	sld [smem:$0x3FFD];
	_ =	sdelay $0x3  }
0x96: {  	_ =	strace s3  }
0x97: {  	_ =	strace $0x8FFFFFFF  }
0x98: {  	s19 =	sld [smem:$0x3FDB];
	_ =	sdelay $0x1  }
0x99: {  	s4 =	simm.s32 $_scs_section_size  }
0x9a: {  	s5 =	simm.s32 $_size__tile_overlayer_lowered;
	s6 =	simm.s32 $_tile_overlayer_lowered  }
0x9b: {  	s22 =	simm.s32 $0x1BFF;
	s21 =	sshll.u32 s6, $0x1;
	s3 =	sadd.s32 s4, s19  }
0x9c: {  	s7 =	simm.s32 $0x0;
	s20 =	sshll.u32 s5, $0x1;
	s5 =	sadd.s32 s21, s3  }
0x9d: {  	[timem:s7], [sflag:s22] =	dma.local [hbm:s5], s20  }
0x9e: {  	_ =	swait.ge [sflag:s22], s20  }
0x9f: {  	s4 =	ssub.s32 $0x0, s20;
	[sflag:s22] =	ssyncset.done $0x0  }
0xa0: {  	[sflag:s22] =	ssyncadd.s32 s4;
	_ =	sdelay $0x1  }
0xa1: {  	s23 =	simm.s32 $0x1B8B  }
0xa2: {  	_ =	swait.ge [sflag:s23], $0x1  }
0xa3: {  	[sflag:s23] =	ssyncset.done $0x0  }
0xa4: {  	s25 =	simm.s32 $0x1B8E;
	s24 =	sld [smem:$0x3FFE];
	[sflag:s23] =	ssyncadd.s32 $0xFFFFFFFF  }
0xa5: {  	s26 =	simm.s32 $execute0_lowered;
	[smem:$0x3FD2] =	sst s25  }
0xa6: {  	s5 =	sshll.u32 s26, $0x1;
	_ =	strace $0x80000046;
	[dreg:$0x1] =	wrdreg $0xFFFFFFFF  }
0xa7: {  	s28 =	simm.s32 $_size_execute0_lowered;
	s3 =	sadd.s32 s3, s5;
	[dreg:$0x0] =	wrdreg $0x0  }
0xa8: {  	s5 =	sshll.u32 s28, $0x1;
	[dreg:$0x2] =	wrdreg s3  }
0xa9: {  	[dreg:$0x3] =	wrdreg s5  }
0xaa: {  	[dreg:$0x4] =	wrdreg $0xC0  }
0xab: {  	_ =	task [dreg:s7], $0x5FFFF  }
0xac: {  	[dreg:$0x1] =	wrdreg $0xFFFFFFFF  }
0xad: {  	[dreg:$0x0] =	wrdreg $0x60  }
0xae: {  	[dreg:$0x2] =	wrdreg s2  }
0xaf: {  	[dreg:$0x3] =	wrdreg s24  }
0xb0: {  	[dreg:$0x4] =	wrdreg $0x17800  }
0xb1: {  	[dreg:$0x5] =	wrdreg $0x9  }
0xb2: {  	_ =	task.clear_ibuf [dreg:s7], $0x6FFFF;
	_ =	strace $0x90000046  }
0xb3: {  	s29 =	simm.s32 $0x9;
	_ =	strace $0x80000048  }
0xb4: {  	_ =	swait.ge [sflag:s29], $0x1  }
0xb5: {  	[sflag:s29] =	ssyncadd.s32 $0xFFFFFFFF  }
0xb6: {  	_ =	strace $0x90000048  }
0xb7: {  	_ =	sfence  }
0xb8: {  	s30 =	sld [smem:$0x0];
	_ =	sdelay $0x2  }
0xb9: {  	s31 =	sshll.u32 s1, $0xD;
	s1 =	sshrl.u32 s1, $0x2  }
0xba: {  	s3 =	sand.u32 $0x4000, s31;
	s1 =	sadd.s32 s1, s30  }
0xbb: {  	s0 =	sor.u32 s3, s0;
	s1 =	sshll.u32 s1, $0x11  }
0xbc: {  	s0 =	sor.u32 s1, s0  }
0xbd: {  	s0 =	sadd.s32 $0x8F2B, s0  }
0xbe: {  	[sflag:s0] =	ssyncadd.remote.s32 $0x1  }
0xbf: {  	_ =	sfence.sel $0xFFFF  }
0xc0: {  	[dreg:$0x0] =	wrdreg $0xFFFFFFFF;
	(pc) =	sbr.abs _section_cstart, $3  }
0xc1: {  	[dreg:$0x1] =	wrdreg $0xFFFFFFFF  }
0xc2: {  	_ =	task.clear_ibuf [dreg:s7], $0x2FFFF;
	_ =	strace $0x9FFFFFFF  }
0xc3: {  	(tm) =	ssettm $0x7FFFFFFF  }
tec
execute0_lowered:
.L_overlay_start_1:
0x0: {  	(tag) =	ssettag $0x1  }
0x1: {  	s4 =	rddreg [dreg:$0x0]  }
0x2: {  	s5 =	rddreg [dreg:$0x1]  }
0x3: {  	s2 =	rddreg [dreg:$0x2]  }
0x4: {  	s0 =	rddreg [dreg:$0x3];
	s6 =	srdreg.scid  }
0x5: {  	s1 =	stileid.u32;
	s3 =	simm.s32 $0x0;
	s11 =	simm.s32 $0x1700  }
0x6: {  	s12 =	simm.s32 $0x1400;
	s15 =	simm.s32 $0x20;
	s16 =	simm.s32 $0x10  }
0x7: {  	s17 =	simm.s32 $0x0;
	s6 =	sand.u32 $0x1, s6;
	s7 =	smul.u32 $0x500, s1  }
0x8: {  	[smem:$0x7FF] =	sst s3;
	s9 =	smul.u32 $0xA00, s1;
	s13 =	sshll.u32 s1, $0x6  }
0x9: {  	s8 =	sshll.u32 s6, $0x7;
	_ =	strace $0x80000047;
	s30 =	sshll.u32 s6, $0x4  }
0xa: {  	s6 =	ssub.s32 $0x2, s6;
	s13 =	sor.u32 $0x1C01, s13;
	s7 =	sor.u32 s8, s7  }
0xb: {  	s8 =	sor.u32 s1, s30;
	s10 =	sshrl.u32 s6, $0x1;
	s31 =	sshrl.u32 s9, $0x2  }
0xc: {  	s9 =	simm.s32 $0x1480;
	s7 =	sshrl.u32 s7, $0x3;
	s8 =	smul.u32 $0x280, s8  }
0xd: {  	s10 =	ssub.s32 s6, s10;
	s7 =	sadd.s32 s7, s5;
	s5 =	sadd.s32 s31, s2  }
0xe: {  	s4 =	sadd.s32 s4, s8;
	s6 =	sadd.s32 $0x2000, s7;
	s7 =	smax.u32 s10, $0x1  }
0xf: {  	v0 =	vimm.f32 $1.000000000e+00;
	v1 =	vimm.f32 $0.0e+00;
	s8 =	simm.s32 $0x1;
	s10 =	simm.s32 $0x80;
	s14 =	sshrl.u32 s5, $0x3  }
.LBB2_1:
0x10: {  	[tilespmem:s3], [sflag:$0x1] =	stream.linear.gather [hbm4b:s4+s3], $0x1400, $0x38;
	[tilespmem:$0x1A00] =	vst v63  }
0x11: {  	_ =	swait.ge [sflag:s8], $0x1400  }
0x12: {  	[sflag:s8] =	ssyncset.done $0x0  }
0x13: {  	[sflag:s8] =	ssyncadd.s32 $0xFFFFEC00  }
0x14: {  	[tilespmem:$0x1400] =	vst v0  }
0x15: {  	[tilespmem:$0x1480] =	vst v1  }
0x16: {  	[tilespmem:$0x1410] =	vst v0  }
0x17: {  	[tilespmem:$0x1490] =	vst v1  }
0x18: {  	[tilespmem:$0x1420] =	vst v0  }
0x19: {  	[tilespmem:$0x14A0] =	vst v1  }
0x1a: {  	[tilespmem:$0x1430] =	vst v0  }
0x1b: {  	[tilespmem:$0x14B0] =	vst v1  }
0x1c: {  	[tilespmem:$0x1440] =	vst v0  }
0x1d: {  	[tilespmem:$0x14C0] =	vst v1  }
0x1e: {  	[tilespmem:$0x1450] =	vst v0  }
0x1f: {  	[tilespmem:$0x14D0] =	vst v1  }
0x20: {  	[tilespmem:$0x1460] =	vst v0  }
0x21: {  	[tilespmem:$0x14E0] =	vst v1  }
0x22: {  	[tilespmem:$0x1470] =	vst v0  }
0x23: {  	[tilespmem:$0x14F0] =	vst v1  }
0x24: {  	[tilespmem:$0x1500] =	vst v1  }
0x25: {  	[tilespmem:$0x1510] =	vst v1  }
0x26: {  	[tilespmem:$0x1520] =	vst v1  }
0x27: {  	[tilespmem:$0x1530] =	vst v1  }
0x28: {  	[tilespmem:$0x1540] =	vst v1  }
0x29: {  	[tilespmem:$0x1550] =	vst v1  }
0x2a: {  	[tilespmem:$0x1560] =	vst v1  }
0x2b: {  	[tilespmem:$0x1570] =	vst v1  }
0x2c: {  	[tilespmem:$0x1580] =	vst v1  }
0x2d: {  	[tilespmem:$0x1590] =	vst v1  }
0x2e: {  	[tilespmem:$0x15A0] =	vst v1  }
0x2f: {  	[tilespmem:$0x15B0] =	vst v1  }
0x30: {  	[tilespmem:$0x15C0] =	vst v1  }
0x31: {  	[tilespmem:$0x15D0] =	vst v1  }
0x32: {  	[tilespmem:$0x15E0] =	vst v1  }
0x33: {  	[tilespmem:$0x15F0] =	vst v1  }
0x34: {  	[tilespmem:$0x1600] =	vst v1  }
0x35: {  	[tilespmem:$0x1610] =	vst v1  }
0x36: {  	[tilespmem:$0x1620] =	vst v1  }
0x37: {  	[tilespmem:$0x1630] =	vst v1  }
0x38: {  	[tilespmem:$0x1640] =	vst v1  }
0x39: {  	[tilespmem:$0x1650] =	vst v1  }
0x3a: {  	[tilespmem:$0x1660] =	vst v1  }
0x3b: {  	[tilespmem:$0x1670] =	vst v1  }
0x3c: {  	[tilespmem:$0x1680] =	vst v1  }
0x3d: {  	[tilespmem:$0x1690] =	vst v1  }
0x3e: {  	[tilespmem:$0x16A0] =	vst v1  }
0x3f: {  	[tilespmem:$0x16B0] =	vst v1  }
0x40: {  	[tilespmem:$0x16C0] =	vst v1  }
0x41: {  	[tilespmem:$0x16D0] =	vst v1  }
0x42: {  	[tilespmem:$0x16E0] =	vst v1  }
0x43: {  	[tilespmem:$0x16F0] =	vst v1  }
0x44: {  	[spmem:s5] =	stream.linear.scatter [tilespmem:s9], [sflag:$0x1], $0x280, $0x38;
	[tilespmem:$0x1A00] =	vst v63  }
0x45: {  	_ =	swait.ge [sflag:s8], $0x280  }
0x46: {  	[sflag:s8] =	ssyncset.done $0x0  }
0x47: {  	[sflag:s8] =	ssyncadd.s32 $0xFFFFFD80  }
0x48: {  	s19 =	simm.s32 $0x0;
	[bflag:$0x0] =	sbarrier.arrive $0xFFFF  }
0x49: {  	v2 =	vld [tilespmem:s19+$0x0];
	_ =	sdelay $0x4  }
0x4a: {  	v3 =	vand.u32 $0xFFFF, v2  }
0x4b: {  	v2 =	vshrl.u32 v2, $0x10;
	[tilespmem:$0x1700] =	vst v3  }
0x4c: {  	[tilespmem:$0x1710] =	vst v2  }
0x4d: {  	v2 =	vld [tilespmem:s19+$0x10];
	_ =	sdelay $0x4  }
0x4e: {  	v3 =	vand.u32 $0xFFFF, v2  }
0x4f: {  	v2 =	vshrl.u32 v2, $0x10;
	[tilespmem:$0x1720] =	vst v3  }
0x50: {  	[tilespmem:$0x1730] =	vst v2  }
0x51: {  	v2 =	vld [tilespmem:s19+$0x20];
	_ =	sdelay $0x4  }
0x52: {  	v3 =	vand.u32 $0xFFFF, v2  }
0x53: {  	v2 =	vshrl.u32 v2, $0x10;
	[tilespmem:$0x1740] =	vst v3  }
0x54: {  	[tilespmem:$0x1750] =	vst v2  }
0x55: {  	v2 =	vld [tilespmem:s19+$0x30];
	_ =	sdelay $0x4  }
0x56: {  	v3 =	vand.u32 $0xFFFF, v2  }
0x57: {  	v2 =	vshrl.u32 v2, $0x10;
	[tilespmem:$0x1760] =	vst v3  }
0x58: {  	[tilespmem:$0x1770] =	vst v2  }
0x59: {  	[spmem:s2] =	stream.indirect.scatter.add.f32 [tilespmem:s12], [sflag:$0x1], $0x1, s11, s10, $0xb8;
	[tilespmem:$0x1A00] =	vst v63  }
0x5a: {  	_ =	swait.ge [sflag:s8], $0x80  }
0x5b: {  	[sflag:s8] =	ssyncset.done $0x0  }
0x5c: {  	[sflag:s8] =	ssyncadd.s32 $0xFFFFFF80  }
0x5d: {  	v2 =	vld [tilespmem:s19+$0x40];
	_ =	sdelay $0x4  }
0x5e: {  	v3 =	vand.u32 $0xFFFF, v2  }
0x5f: {  	v2 =	vshrl.u32 v2, $0x10;
	[tilespmem:$0x1700] =	vst v3  }
0x60: {  	[tilespmem:$0x1710] =	vst v2  }
0x61: {  	v2 =	vld [tilespmem:s19+$0x50];
	_ =	sdelay $0x4  }
0x62: {  	v3 =	vand.u32 $0xFFFF, v2  }
0x63: {  	v2 =	vshrl.u32 v2, $0x10;
	[tilespmem:$0x1720] =	vst v3  }
0x64: {  	[tilespmem:$0x1730] =	vst v2  }
0x65: {  	v2 =	vld [tilespmem:s19+$0x60];
	_ =	sdelay $0x4  }
0x66: {  	v3 =	vand.u32 $0xFFFF, v2  }
0x67: {  	v2 =	vshrl.u32 v2, $0x10;
	[tilespmem:$0x1740] =	vst v3  }
0x68: {  	[tilespmem:$0x1750] =	vst v2  }
0x69: {  	s18 =	simm.s32 $0x200;
	v2 =	vld [tilespmem:s19+$0x70]  }
.LBB2_2:
0x6a: {  	_ =	sdelay $0x1  }
0x6b: {  	p0 =	sne.s32 s18, $0x4E00;
	s19 =	smov.u32 s18;
	s18 =	sadd.s32 $0x200, s18  }
0x6c: {  	_ = 	snop  }
0x6d: {  	v3 =	vand.u32 $0xFFFF, v2;
	v2 =	vshrl.u32 v2, $0x10  }
0x6e: {  	[tilespmem:$0x1760] =	vst v3  }
0x6f: {  	[tilespmem:$0x1770] =	vst v2  }
0x70: {  	[spmem:s2] =	stream.indirect.scatter.add.f32 [tilespmem:s12], [sflag:$0x1], $0x1, s11, s10, $0xb8;
	[tilespmem:$0x1A00] =	vst v63  }
0x71: {  	_ =	swait.ge [sflag:s8], $0x80  }
0x72: {  	[sflag:s8] =	ssyncset.done $0x0  }
0x73: {  	s19 =	sshra.s32 s19, $0x2;
	[sflag:s8] =	ssyncadd.s32 $0xFFFFFF80  }
0x74: {  	v2 =	vld [tilespmem:s19+$0x0];
	_ =	sdelay $0x4  }
0x75: {  	v3 =	vand.u32 $0xFFFF, v2;
	v2 =	vshrl.u32 v2, $0x10  }
0x76: {  	[tilespmem:$0x1700] =	vst v3  }
0x77: {  	[tilespmem:$0x1710] =	vst v2  }
0x78: {  	v2 =	vld [tilespmem:s19+$0x10];
	_ =	sdelay $0x4  }
0x79: {  	v3 =	vand.u32 $0xFFFF, v2;
	v2 =	vshrl.u32 v2, $0x10  }
0x7a: {  	[tilespmem:$0x1720] =	vst v3  }
0x7b: {  	[tilespmem:$0x1730] =	vst v2  }
0x7c: {  	v2 =	vld [tilespmem:s19+$0x20];
	_ =	sdelay $0x4  }
0x7d: {  	v3 =	vand.u32 $0xFFFF, v2;
	v2 =	vshrl.u32 v2, $0x10  }
0x7e: {  	[tilespmem:$0x1740] =	vst v3  }
0x7f: {  	[tilespmem:$0x1750] =	vst v2  }
0x80: {  	v2 =	vld [tilespmem:s19+$0x30];
	_ =	sdelay $0x4  }
0x81: {  	v3 =	vand.u32 $0xFFFF, v2;
	v2 =	vshrl.u32 v2, $0x10  }
0x82: {  	[tilespmem:$0x1760] =	vst v3  }
0x83: {  	[tilespmem:$0x1770] =	vst v2  }
0x84: {  	[spmem:s2] =	stream.indirect.scatter.add.f32 [tilespmem:s12], [sflag:$0x1], $0x1, s11, s10, $0xb8;
	[tilespmem:$0x1A00] =	vst v63  }
0x85: {  	_ =	swait.ge [sflag:s8], $0x80  }
0x86: {  	[sflag:s8] =	ssyncset.done $0x0  }
0x87: {  	[sflag:s8] =	ssyncadd.s32 $0xFFFFFF80  }
0x88: {  	v2 =	vld [tilespmem:s19+$0x40];
	_ =	sdelay $0x4  }
0x89: {  	v3 =	vand.u32 $0xFFFF, v2;
	v2 =	vshrl.u32 v2, $0x10  }
0x8a: {  	[tilespmem:$0x1700] =	vst v3  }
0x8b: {  	[tilespmem:$0x1710] =	vst v2  }
0x8c: {  	v2 =	vld [tilespmem:s19+$0x50];
	_ =	sdelay $0x4  }
0x8d: {  	v3 =	vand.u32 $0xFFFF, v2;
	v2 =	vshrl.u32 v2, $0x10  }
0x8e: {  	[tilespmem:$0x1720] =	vst v3  }
0x8f: {  	[tilespmem:$0x1730] =	vst v2  }
0x90: {  	v2 =	vld [tilespmem:s19+$0x60];
	_ =	sdelay $0x3  }
.Ltmp0:
0x91: {  	(pc) =	sbr.rel @p0 .LBB2_2-.Ltmp0, $4  }
0x92: {  	v3 =	vand.u32 $0xFFFF, v2;
	v2 =	vshrl.u32 v2, $0x10  }
0x93: {  	[tilespmem:$0x1740] =	vst v3  }
0x94: {  	[tilespmem:$0x1750] =	vst v2  }
0x95: {  	v2 =	vld [tilespmem:s19+$0x70]  }
0x96: {  	_ =	sdelay $0x3  }
0x97: {  	v3 =	vand.u32 $0xFFFF, v2  }
0x98: {  	v2 =	vshrl.u32 v2, $0x10;
	[tilespmem:$0x1760] =	vst v3  }
0x99: {  	[tilespmem:$0x1770] =	vst v2  }
0x9a: {  	[spmem:s2] =	stream.indirect.scatter.add.f32 [tilespmem:s12], [sflag:$0x1], $0x1, s11, s10, $0xb8;
	[tilespmem:$0x1A00] =	vst v63  }
0x9b: {  	_ =	swait.ge [sflag:s8], $0x80  }
0x9c: {  	s17 =	sadd.s32 $0x1, s17;
	[sflag:s8] =	ssyncset.done $0x0  }
0x9d: {  	p0 =	sne.s32 s17, s7;
	[sflag:s8] =	ssyncadd.s32 $0xFFFFFF80  }
.Ltmp1:
0x9e: {  	[bflag:$0x0] =	sbarrier.arrive $0xFFFF;
	(pc) =	sbr.rel @p0 .LBB2_1-.Ltmp1, $4  }
0x9f: {  	[hbm:s6@s15], [sflag:s13] =	dma.strided [spmem:s14@s16], $0x50, s8, $0x10   }
0xa0: {  	_ =	swait.ge [sflag:s8], $0x50  }
0xa1: {  	[sflag:s8] =	ssyncset.done $0x0  }
0xa2: {  	[sflag:s8] =	ssyncadd.s32 $0xFFFFFFB0  }
0xa3: {  	_ =	sfence.sel $0x180000  }
0xa4: {  	[bflag:$0x0] =	sbarrier.arrive $0xFFFF  }
0xa5: {  	p0 =	sne.s32 s1, $0x0;
	_ =	strace $0x90000047  }
0xa6: {  	s0 =	sadd.s32 @!p0 $0x100000, s0;
	[bflag:$0x2] =	sbarrier.arrive $0xFFFF  }
0xa7: {  	[sflag:s0] =	ssyncadd.tile.s32 @!p0 $0x1;
	_ =	shalt  }
.Lfunc_end2:
_tile_overlayer_lowered:
.L_overlay_start_2:
0xa8: {  	(tag) =	ssettag $0x2  }
0xa9: {  	s0 =	rddreg [dreg:$0x0];
	s2 =	stileid.u32  }
0xaa: {  	s1 =	rddreg [dreg:$0x1];
	p0 =	sne.s32 s2, $0x0  }
0xab: {  	s3 =	rddreg [dreg:$0x2];
	[bflag:$0x3] =	sbarrier.arrive $0xFFFF;
	s2 =	simm.s32 @!p0 $0x1C01  }
0xac: {  	[timem:s3], [sflag:s2] =	dma.local @!p0 [hbm:s0], s1  }
0xad: {  	s0 =	simm.s32 @!p0 $0x1  }
0xae: {  	_ =	swait.ge @!p0 [sflag:s0], s1  }
0xaf: {  	s1 =	ssub.s32 @!p0 $0x0, s1;
	[sflag:s0] =	ssyncset.done @!p0 $0x0  }
0xb0: {  	[sflag:s0] =	ssyncadd.s32 @!p0 s1  }
0xb1: {  	[bflag:$0x3] =	sbarrier.arrive $0xFFFF  }
0xb2: {  	_ =	shalt  }

// kernel: kernel.17.cloned.1.call-start
scs
__scs_entry_jumppad:
0x0: {  	(pc) =	sbr.rel $0x88, $3  }
0x1: {  	(tag) =	ssettag $0x0;
	lr =	simm.s32 $0x1  }
0x2: {  	[smem:$0x3F96] =	sst lr;
	_ =	strace $0xD0000000  }
0x3: {  	_ = 	snop  }
0x4: {  	_ = 	snop  }
0x5: {  	_ = 	snop  }
0x6: {  	_ = 	snop  }
0x7: {  	_ = 	snop  }
__scs_overlays_trampoline_lowered:
0x8: {  	[smem:$0x3FA5] =	sst s0  }
0x9: {  	[smem:$0x3FA6] =	sst s1  }
0xa: {  	[smem:$0x3FA7] =	sst s2  }
0xb: {  	[smem:$0x3FA8] =	sst s3  }
0xc: {  	[smem:$0x3FA9] =	sst s4  }
0xd: {  	[smem:$0x3FAA] =	sst s5  }
0xe: {  	[smem:$0x3FAB] =	sst s6  }
0xf: {  	[smem:$0x3FAC] =	sst s7  }
0x10: {  	[smem:$0x3FAD] =	sst s8  }
0x11: {  	[smem:$0x3FAE] =	sst s9;
	s0 =	simm.s32 @!p0 $0x0  }
0x12: {  	s1 =	sld [smem:$0x3F94];
	s0 =	simm.s32 @p0 $0x1  }
0x13: {  	[smem:$0x3FAF] =	sst s0;
	s0 =	simm.s32 @!p1 $0x0  }
0x14: {  	s2 =	sld [smem:$0x3F93];
	s0 =	simm.s32 @p1 $0x1  }
0x15: {  	[smem:$0x3FB0] =	sst s0;
	s0 =	simm.s32 @!p2 $0x0  }
0x16: {  	s3 =	sld [smem:$0x3FDB];
	s0 =	simm.s32 @p2 $0x1  }
0x17: {  	s4 =	simm.s32 $0x1BF5;
	[smem:$0x3FB2] =	sst s0  }
0x18: {  	s0 =	sld [smem:$0x3F95];
	_ =	swait.ge [sflag:s4], $0x0  }
0x19: {  	s7 =	sld [smem:$0x3F96]  }
0x1a: {  	s8 =	sadd.s32 $0xFFFFE003, lr  }
0x1b: {  	s9 =	sadd.s32 $0xFFFFFEF7, lr;
	s5 =	simm.s32 $0xFFFFFFFF;
	p2 =	slt.u32 s8, $0xFFFFF086  }
0x1c: {  	p1 =	slt.u32 s9, $0xF7A;
	s5 =	simm.s32 @!p2 $0x0  }
0x1d: {  	s5 =	simm.s32 @p1 $0x1;
	p0 =	seq.s32 s7, s2  }
0x1e: {  	s7 =	smul.u32 @!p0 $0xF7A, s2;
	p2 =	seq.s32 @!p0 s5, $0x0  }
0x1f: {  	s9 =	smul.u32 $0xF7A, s1;
	s8 =	simm.s32 @!p0 $0x1BF5;
	p2 =	por !p2, p0  }
0x20: {  	[sflag:s8] =	ssyncset.s32 @!p0 $0xFFFFF086;
	s6 =	sadd.s32 @!p0 s3, s7;
	s7 =	simm.s32 @!p0 $0x108  }
0x21: {  	s3 =	sadd.s32 s3, s9;
	s6 =	sadd.s32 @!p0 $0x88, s6;
	s7 =	simm.s32 @p2 $0x1082  }
0x22: {  	[simem:s7], [sflag:s8] =	dma.local @!p0 [hbm:s6], $0xF7A  }
0x23: {  	s9 =	sor.u32 $0xD0000000, s2;
	s6 =	simm.s32 $0x108;
	_ =	swait.ge @!p0 [sflag:s8], $0x0  }
0x24: {  	s3 =	sadd.s32 $0x88, s3;
	s6 =	simm.s32 @!p1 $0x1082;
	[sflag:s4] =	ssyncset.s32 $0xFFFFF086  }
0x25: {  	[simem:s6], [sflag:s4] =	dma.local [hbm:s3], $0xF7A  }
0x26: {  	[smem:$0x3F96] =	sst s1;
	(tag) =	ssettag s2;
	_ =	strace s9  }
0x27: {  	s1 =	sld [smem:$0x3FA6]  }
0x28: {  	s2 =	sld [smem:$0x3FA7]  }
0x29: {  	s4 =	sld [smem:$0x3FA9]  }
0x2a: {  	p0 =	seq.s32 s5, $0x0;
	s5 =	sld [smem:$0x3FAA]  }
0x2b: {  	s6 =	sld [smem:$0x3FAB]  }
0x2c: {  	s7 =	sld [smem:$0x3FAC]  }
0x2d: {  	s3 =	simm.s32 $0x108;
	s8 =	sld [smem:$0x3FAD]  }
0x2e: {  	s3 =	simm.s32 @!p0 $0x1082;
	s9 =	sld [smem:$0x3FAE]  }
0x2f: {  	lr =	sadd.s32 s0, s3;
	s0 =	sld [smem:$0x3FA5]  }
0x30: {  	s3 =	sld [smem:$0x3FA8]  }
0x31: {  	[smem:$0x3FB1] =	sst s10  }
0x32: {  	s10 =	sld [smem:$0x3FAF];
	_ =	sdelay $0x3  }
0x33: {  	p0 =	seq.s32 s10, $0x1;
	s10 =	sld [smem:$0x3FB1];
	_ =	sdelay $0x3  }
0x34: {  	[smem:$0x3FB1] =	sst s10  }
0x35: {  	s10 =	sld [smem:$0x3FB0];
	_ =	sdelay $0x3  }
0x36: {  	p1 =	seq.s32 s10, $0x1;
	s10 =	sld [smem:$0x3FB1];
	_ =	sdelay $0x3  }
0x37: {  	[smem:$0x3FB1] =	sst s10  }
0x38: {  	s10 =	sld [smem:$0x3FB2]  }
0x39: {  	_ = 	snop;
	(pc) =	sbr.ind lr, $3  }
0x3a: {  	_ = 	snop  }
0x3b: {  	_ = 	snop  }
0x3c: {  	p2 =	seq.s32 s10, $0x1;
	s10 =	sld [smem:$0x3FB1]  }
0x3d: {  	_ =	shalt  }
0x3e: {  	_ =	shalt  }
0x3f: {  	_ =	shalt  }
0x40: {  	_ =	shalt  }
0x41: {  	_ =	shalt  }
0x42: {  	_ =	shalt  }
0x43: {  	_ =	shalt  }
0x44: {  	_ =	shalt  }
0x45: {  	_ =	shalt  }
0x46: {  	_ =	shalt  }
0x47: {  	_ =	shalt  }
0x48: {  	_ =	shalt  }
0x49: {  	_ =	shalt  }
0x4a: {  	_ =	shalt  }
0x4b: {  	_ =	shalt  }
0x4c: {  	_ =	shalt  }
0x4d: {  	_ =	shalt  }
0x4e: {  	_ =	shalt  }
0x4f: {  	_ =	shalt  }
0x50: {  	_ =	shalt  }
0x51: {  	_ =	shalt  }
0x52: {  	_ =	shalt  }
0x53: {  	_ =	shalt  }
0x54: {  	_ =	shalt  }
0x55: {  	_ =	shalt  }
0x56: {  	_ =	shalt  }
0x57: {  	_ =	shalt  }
0x58: {  	_ =	shalt  }
0x59: {  	_ =	shalt  }
0x5a: {  	_ =	shalt  }
0x5b: {  	_ =	shalt  }
0x5c: {  	_ =	shalt  }
0x5d: {  	_ =	shalt  }
0x5e: {  	_ =	shalt  }
0x5f: {  	_ =	shalt  }
0x60: {  	_ =	shalt  }
0x61: {  	_ =	shalt  }
0x62: {  	_ =	shalt  }
0x63: {  	_ =	shalt  }
0x64: {  	_ =	shalt  }
0x65: {  	_ =	shalt  }
0x66: {  	_ =	shalt  }
0x67: {  	_ =	shalt  }
0x68: {  	_ =	shalt  }
0x69: {  	_ =	shalt  }
0x6a: {  	_ =	shalt  }
0x6b: {  	_ =	shalt  }
0x6c: {  	_ =	shalt  }
0x6d: {  	_ =	shalt  }
0x6e: {  	_ =	shalt  }
0x6f: {  	_ =	shalt  }
0x70: {  	_ =	shalt  }
0x71: {  	_ =	shalt  }
0x72: {  	_ =	shalt  }
0x73: {  	_ =	shalt  }
0x74: {  	_ =	shalt  }
0x75: {  	_ =	shalt  }
0x76: {  	_ =	shalt  }
0x77: {  	_ =	shalt  }
0x78: {  	_ =	shalt  }
0x79: {  	_ =	shalt  }
0x7a: {  	_ =	shalt  }
0x7b: {  	_ =	shalt  }
0x7c: {  	_ =	shalt  }
0x7d: {  	_ =	shalt  }
0x7e: {  	_ =	shalt  }
0x7f: {  	_ =	shalt  }
0x80: {  	_ =	shalt  }
0x81: {  	_ =	shalt  }
0x82: {  	_ =	shalt  }
0x83: {  	_ =	shalt  }
0x84: {  	_ =	shalt  }
0x85: {  	_ =	shalt  }
0x86: {  	_ =	shalt  }
0x87: {  	_ =	shalt  }
.Lfunc_end0:
.L_simem_size_0:
called_computation.1_lowered:
.L_overlay_start_0:
0x88: {  	s2 =	sld [smem:$0x3FD9]  }
0x89: {  	s3 =	sld [smem:$0x3FFE];
	_ =	sdelay $0x1  }
0x8a: {  	s1 =	srdreg.scid  }
0x8b: {  	s0 =	sand.u32 $0x1, s1  }
0x8c: {  	s17 =	sshll.u32 s0, $0xA;
	s2 =	sadd.s32 s3, s2  }
0x8d: {  	s2 =	sadd.s32 s2, s17  }
0x8e: {  	[smem:$0x3FBD] =	sst s2  }
0x8f: {  	_ = 	snop  }
0x90: {  	s2 =	sld [smem:$0x3FD0];
	(tm) =	ssettm $0x1  }
0x91: {  	s18 =	sld [smem:$0x3FFB];
	_ =	sdelay $0x3  }
0x92: {  	_ =	strace s18  }
0x93: {  	s3 =	sld [smem:$0x3FFC];
	_ =	sdelay $0x3  }
0x94: {  	_ =	strace s3  }
0x95: {  	s3 =	sld [smem:$0x3FFD];
	_ =	sdelay $0x3  }
0x96: {  	_ =	strace s3  }
0x97: {  	_ =	strace $0x8FFFFFFF  }
0x98: {  	s19 =	sld [smem:$0x3FDB];
	_ =	sdelay $0x1  }
0x99: {  	s4 =	simm.s32 $_scs_section_size  }
0x9a: {  	s5 =	simm.s32 $_size__tile_overlayer_lowered;
	s6 =	simm.s32 $_tile_overlayer_lowered  }
0x9b: {  	s22 =	simm.s32 $0x1BFF;
	s21 =	sshll.u32 s6, $0x1;
	s3 =	sadd.s32 s4, s19  }
0x9c: {  	s7 =	simm.s32 $0x0;
	s20 =	sshll.u32 s5, $0x1;
	s5 =	sadd.s32 s21, s3  }
0x9d: {  	[timem:s7], [sflag:s22] =	dma.local [hbm:s5], s20  }
0x9e: {  	_ =	swait.ge [sflag:s22], s20  }
0x9f: {  	s4 =	ssub.s32 $0x0, s20;
	[sflag:s22] =	ssyncset.done $0x0  }
0xa0: {  	[sflag:s22] =	ssyncadd.s32 s4;
	_ =	sdelay $0x1  }
0xa1: {  	s23 =	simm.s32 $0x1B8B  }
0xa2: {  	_ =	swait.ge [sflag:s23], $0x1  }
0xa3: {  	[sflag:s23] =	ssyncset.done $0x0  }
0xa4: {  	s25 =	simm.s32 $0x1B8E;
	s24 =	sld [smem:$0x3FFE];
	[sflag:s23] =	ssyncadd.s32 $0xFFFFFFFF  }
0xa5: {  	s26 =	simm.s32 $execute0_lowered;
	[smem:$0x3FD2] =	sst s25  }
0xa6: {  	s5 =	sshll.u32 s26, $0x1;
	_ =	strace $0x80000049;
	[dreg:$0x1] =	wrdreg $0xFFFFFFFF  }
0xa7: {  	s28 =	simm.s32 $_size_execute0_lowered;
	s3 =	sadd.s32 s3, s5;
	[dreg:$0x0] =	wrdreg $0x0  }
0xa8: {  	s5 =	sshll.u32 s28, $0x1;
	[dreg:$0x2] =	wrdreg s3  }
0xa9: {  	[dreg:$0x3] =	wrdreg s5  }
0xaa: {  	[dreg:$0x4] =	wrdreg $0xC0  }
0xab: {  	_ =	task [dreg:s7], $0x5FFFF  }
0xac: {  	[dreg:$0x1] =	wrdreg $0xFFFFFFFF  }
0xad: {  	[dreg:$0x0] =	wrdreg $0x60  }
0xae: {  	[dreg:$0x2] =	wrdreg s24  }
0xaf: {  	[dreg:$0x3] =	wrdreg s2  }
0xb0: {  	[dreg:$0x4] =	wrdreg $0xB1800  }
0xb1: {  	[dreg:$0x5] =	wrdreg $0x9  }
0xb2: {  	_ =	task.clear_ibuf [dreg:s7], $0x6FFFF;
	_ =	strace $0x90000049  }
0xb3: {  	s29 =	simm.s32 $0x9;
	_ =	strace $0x8000004B  }
0xb4: {  	_ =	swait.ge [sflag:s29], $0x1  }
0xb5: {  	[sflag:s29] =	ssyncadd.s32 $0xFFFFFFFF  }
0xb6: {  	_ =	strace $0x9000004B  }
0xb7: {  	_ =	sfence  }
0xb8: {  	s30 =	sld [smem:$0x0];
	_ =	sdelay $0x2  }
0xb9: {  	s31 =	sshll.u32 s1, $0xD;
	s1 =	sshrl.u32 s1, $0x2  }
0xba: {  	s3 =	sand.u32 $0x4000, s31;
	s1 =	sadd.s32 s1, s30  }
0xbb: {  	s0 =	sor.u32 s3, s0;
	s1 =	sshll.u32 s1, $0x11  }
0xbc: {  	s0 =	sor.u32 s1, s0  }
0xbd: {  	s0 =	sadd.s32 $0x8F2B, s0  }
0xbe: {  	[sflag:s0] =	ssyncadd.remote.s32 $0x1  }
0xbf: {  	_ =	sfence.sel $0xFFFF  }
0xc0: {  	[dreg:$0x0] =	wrdreg $0xFFFFFFFF;
	(pc) =	sbr.abs _section_cstart, $3  }
0xc1: {  	[dreg:$0x1] =	wrdreg $0xFFFFFFFF  }
0xc2: {  	_ =	task.clear_ibuf [dreg:s7], $0x2FFFF;
	_ =	strace $0x9FFFFFFF  }
0xc3: {  	(tm) =	ssettm $0x7FFFFFFF  }
tec
execute0_lowered:
.L_overlay_start_1:
0x0: {  	(tag) =	ssettag $0x1  }
0x1: {  	s5 =	rddreg [dreg:$0x0]  }
0x2: {  	s6 =	rddreg [dreg:$0x1]  }
0x3: {  	s1 =	rddreg [dreg:$0x2]  }
0x4: {  	s2 =	srdreg.scid;
	s0 =	rddreg [dreg:$0x3];
	s3 =	simm.s32 $0x0  }
0x5: {  	s13 =	simm.s32 $0xB000;
	s14 =	simm.s32 $0x2800;
	s15 =	simm.s32 $0xB080  }
0x6: {  	s16 =	simm.s32 $0x6800;
	s17 =	simm.s32 $0xA800;
	s18 =	simm.s32 $0x1  }
0x7: {  	s19 =	simm.s32 $0xB100;
	s20 =	simm.s32 $0x2;
	s21 =	simm.s32 $0x0  }
0x8: {  	s7 =	sand.u32 $0x1, s2;
	s2 =	stileid.u32;
	[smem:$0x7FF] =	sst s3  }
0x9: {  	s4 =	sadd.s32 $0x7FA00, s5;
	s8 =	smul.u32 $0x140000, s7;
	s9 =	sshll.u32 s7, $0x4  }
0xa: {  	s10 =	smul.u32 $0x14000, s2;
	_ =	strace $0x8000004A;
	s7 =	ssub.s32 $0x2, s7  }
0xb: {  	s11 =	smul.u32 $0x50000, s2;
	s9 =	sor.u32 s2, s9;
	s30 =	sshrl.u32 s7, $0x1  }
0xc: {  	s9 =	smul.u32 $0x280, s9;
	s8 =	sadd.s32 s10, s8;
	s10 =	ssub.s32 s7, s30  }
0xd: {  	s31 =	sshrl.u32 s11, $0x2;
	s11 =	simm.s32 $0x1400;
	s8 =	sshrl.u32 s8, $0x3  }
0xe: {  	s7 =	sadd.s32 s31, s1;
	s12 =	sadd.s32 s9, s5;
	s8 =	sadd.s32 s8, s5  }
0xf: {  	s6 =	sadd.s32 s6, s9;
	s9 =	smax.u32 s10, $0x1;
	s10 =	simm.s32 $0x3  }
0x10: {  	v0 =	vimm.f32 $0.0e+00;
	s5 =	sadd.s32 $0x2A00, s12;
	s8 =	sadd.s32 $0x7A00, s8;
	s12 =	simm.s32 $0x80  }
.LBB2_1:
0x11: {  	[tilespmem:s3], [sflag:$0x3] =	stream.linear.gather [hbm4b:s5+s3], $0x1400, $0x38;
	[tilespmem:$0x1F180] =	vst v63  }
0x12: {  	_ =	swait.ge [sflag:s10], $0x1400  }
0x13: {  	[sflag:s10] =	ssyncset.done $0x0  }
0x14: {  	[sflag:s10] =	ssyncadd.s32 $0xFFFFEC00  }
0x15: {  	[tilespmem:s11], [sflag:$0x3] =	stream.linear.gather [hbm4b:s6+s3], $0x1400, $0x38;
	[tilespmem:$0x1F180] =	vst v63  }
0x16: {  	_ =	swait.ge [sflag:s10], $0x1400  }
0x17: {  	[sflag:s10] =	ssyncset.done $0x0  }
0x18: {  	[sflag:s10] =	ssyncadd.s32 $0xFFFFEC00  }
0x19: {  	v1 =	vld [tilespmem:$0x0];
	_ =	sdelay $0x1  }
0x1a: {  	v2 =	vld [tilespmem:$0x10];
	_ =	sdelay $0x1  }
0x1b: {  	v3 =	vld [tilespmem:$0x20]  }
0x1c: {  	v4 =	vand.u32 $0xFFFF, v1  }
0x1d: {  	v61 =	vld [tilespmem:$0x30];
	v1 =	vshrl.u32 v1, $0x10;
	[tilespmem:$0xB000] =	vst v4  }
0x1e: {  	[tilespmem:$0xB010] =	vst v1;
	v1 =	vand.u32 $0xFFFF, v2  }
0x1f: {  	[tilespmem:$0xB020] =	vst v1;
	v1 =	vshrl.u32 v2, $0x10  }
0x20: {  	[tilespmem:$0xB030] =	vst v1;
	v1 =	vand.u32 $0xFFFF, v3  }
0x21: {  	[tilespmem:$0xB040] =	vst v1;
	v1 =	vshrl.u32 v3, $0x10  }
0x22: {  	[tilespmem:$0xB050] =	vst v1;
	v1 =	vand.u32 $0xFFFF, v61  }
0x23: {  	[tilespmem:$0xB060] =	vst v1;
	v1 =	vshrl.u32 v61, $0x10  }
0x24: {  	[tilespmem:$0xB070] =	vst v1  }
0x25: {  	[tilespmem:s14], [sflag:$0x1] =	stream.indirect.gather [hbm4b:s4+s12], $0x80, s13, s12, $0xb8;
	[tilespmem:$0x1F180] =	vst v63  }
0x26: {  	v1 =	vld [tilespmem:$0x40];
	_ =	sdelay $0x1  }
0x27: {  	v2 =	vld [tilespmem:$0x50];
	_ =	sdelay $0x1  }
0x28: {  	v3 =	vld [tilespmem:$0x60]  }
0x29: {  	v62 =	vand.u32 $0xFFFF, v1  }
0x2a: {  	v63 =	vld [tilespmem:$0x70];
	v1 =	vshrl.u32 v1, $0x10;
	[tilespmem:$0xB080] =	vst v62  }
0x2b: {  	[tilespmem:$0xB090] =	vst v1;
	v1 =	vand.u32 $0xFFFF, v2  }
0x2c: {  	[tilespmem:$0xB0A0] =	vst v1;
	v1 =	vshrl.u32 v2, $0x10  }
0x2d: {  	[tilespmem:$0xB0B0] =	vst v1;
	v1 =	vand.u32 $0xFFFF, v3  }
0x2e: {  	[tilespmem:$0xB0C0] =	vst v1;
	v1 =	vshrl.u32 v3, $0x10  }
0x2f: {  	[tilespmem:$0xB0D0] =	vst v1;
	v1 =	vand.u32 $0xFFFF, v63  }
0x30: {  	[tilespmem:$0xB0E0] =	vst v1;
	v1 =	vshrl.u32 v63, $0x10  }
0x31: {  	s22 =	simm.s32 $0x0;
	s23 =	simm.s32 $0x200;
	[tilespmem:$0xB0F0] =	vst v1  }
0x32: {  	[tilespmem:s16], [sflag:$0x2] =	stream.indirect.gather [hbm4b:s4+s12], $0x80, s15, s12, $0xb8;
	[tilespmem:$0x1F180] =	vst v63  }
.LBB2_2:
0x33: {  	p0 =	sne.s32 s23, $0x1E00;
	[tilespmem:s22+$0xA870] =	vst v0  }
0x34: {  	[tilespmem:s22+$0xA800] =	vst v0  }
0x35: {  	[tilespmem:s22+$0xA810] =	vst v0  }
.Ltmp0:
0x36: {  	[tilespmem:s22+$0xA820] =	vst v0;
	(pc) =	sbr.rel @p0 .LBB2_2-.Ltmp0, $4  }
0x37: {  	[tilespmem:s22+$0xA830] =	vst v0  }
0x38: {  	[tilespmem:s22+$0xA840] =	vst v0  }
0x39: {  	[tilespmem:s22+$0xA850] =	vst v0  }
0x3a: {  	[tilespmem:s22+$0xA860] =	vst v0;
	s22 =	sshra.s32 s23, $0x2;
	s23 =	sadd.s32 $0x200, s23  }
0x3b: {  	[tilespmem:s22+$0xA870] =	vst v0  }
0x3c: {  	[tilespmem:s22+$0xA800] =	vst v0  }
0x3d: {  	[tilespmem:s22+$0xA810] =	vst v0  }
0x3e: {  	[tilespmem:s22+$0xA820] =	vst v0  }
0x3f: {  	[tilespmem:s22+$0xA830] =	vst v0  }
0x40: {  	[tilespmem:s22+$0xA840] =	vst v0  }
0x41: {  	[tilespmem:s22+$0xA850] =	vst v0  }
0x42: {  	[tilespmem:s22+$0xA860] =	vst v0;
	s31 =	sadd.s32 $0x0, s7  }
0x43: {  	[spmem:s31] =	stream.linear.scatter [tilespmem:s17], [sflag:$0x3], $0x800, $0x38;
	[tilespmem:$0x1F180] =	vst v63  }
0x44: {  	s22 =	simm.s32 $0x2000;
	_ =	swait.ge [sflag:s10], $0x800  }
.LBB2_4:
0x45: {  	s23 =	sshra.s32 s22, $0x2;
	[sflag:s10] =	ssyncset.done $0x0;
	p0 =	sne.s32 s22, $0x4E000  }
.Ltmp1:
0x46: {  	s23 =	sadd.s32 s23, s7;
	[sflag:s10] =	ssyncadd.s32 $0xFFFFF800;
	(pc) =	sbr.rel @p0 .LBB2_4-.Ltmp1, $3  }
0x47: {  	[spmem:s23] =	stream.linear.scatter [tilespmem:s17], [sflag:$0x3], $0x800, $0x38;
	[tilespmem:$0x1F180] =	vst v63  }
0x48: {  	s22 =	sadd.s32 $0x2000, s22;
	_ =	sdelay $0x1  }
0x49: {  	_ =	swait.ge [sflag:s10], $0x800  }
0x4a: {  	[sflag:s10] =	ssyncset.done $0x0  }
0x4b: {  	[sflag:s10] =	ssyncadd.s32 $0xFFFFF800  }
0x4c: {  	s22 =	simm.s32 $0x0;
	[bflag:$0x0] =	sbarrier.arrive $0xFFFF  }
.LBB2_6:
0x4d: {  	_ =	swait.ge [sflag:s18], $0x4000  }
0x4e: {  	[sflag:s18] =	ssyncset.done $0x0  }
0x4f: {  	s23 =	sshra.s32 s22, $0x2;
	[sflag:s18] =	ssyncadd.s32 $0xFFFFC000  }
0x50: {  	v1 =	vld [tilespmem:s23+$0x1400];
	_ =	sdelay $0x4  }
0x51: {  	v2 =	vand.u32 $0xFFFF, v1  }
0x52: {  	v1 =	vshrl.u32 v1, $0x10;
	[tilespmem:$0xB100] =	vst v2  }
0x53: {  	[tilespmem:$0xB110] =	vst v1  }
0x54: {  	v1 =	vld [tilespmem:s23+$0x1410];
	_ =	sdelay $0x4  }
0x55: {  	v2 =	vand.u32 $0xFFFF, v1  }
0x56: {  	v1 =	vshrl.u32 v1, $0x10;
	[tilespmem:$0xB120] =	vst v2  }
0x57: {  	[tilespmem:$0xB130] =	vst v1  }
0x58: {  	v1 =	vld [tilespmem:s23+$0x1420];
	_ =	sdelay $0x4  }
0x59: {  	v2 =	vand.u32 $0xFFFF, v1  }
0x5a: {  	v1 =	vshrl.u32 v1, $0x10;
	[tilespmem:$0xB140] =	vst v2  }
0x5b: {  	[tilespmem:$0xB150] =	vst v1  }
0x5c: {  	v1 =	vld [tilespmem:s23+$0x1430];
	_ =	sdelay $0x4  }
0x5d: {  	v2 =	vand.u32 $0xFFFF, v1  }
0x5e: {  	v1 =	vshrl.u32 v1, $0x10;
	[tilespmem:$0xB160] =	vst v2  }
0x5f: {  	[tilespmem:$0xB170] =	vst v1  }
0x60: {  	[spmem:s1] =	stream.indirect.scatter.add.f32 [tilespmem:s14], [sflag:$0x3], $0x80, s19, s12, $0xb8;
	[tilespmem:$0x1F180] =	vst v63  }
0x61: {  	_ =	swait.ge [sflag:s10], $0x4000  }
0x62: {  	p0 =	seq.s32 s22, $0x4E00;
	[sflag:s10] =	ssyncset.done $0x0  }
0x63: {  	s24 =	sshra.s32 @!p0 s22, $0x2;
	[sflag:s10] =	ssyncadd.s32 $0xFFFFC000  }
0x64: {  	v1 =	vld @!p0 [tilespmem:s24+$0x80];
	_ =	sdelay $0x4  }
0x65: {  	v2 =	vand.u32 @!p0 $0xFFFF, v1  }
0x66: {  	v1 =	vshrl.u32 @!p0 v1, $0x10;
	[tilespmem:$0xB000] =	vst @!p0 v2  }
0x67: {  	[tilespmem:$0xB010] =	vst @!p0 v1  }
0x68: {  	v1 =	vld @!p0 [tilespmem:s24+$0x90];
	_ =	sdelay $0x4  }
0x69: {  	v2 =	vand.u32 @!p0 $0xFFFF, v1  }
0x6a: {  	v1 =	vshrl.u32 @!p0 v1, $0x10;
	[tilespmem:$0xB020] =	vst @!p0 v2  }
0x6b: {  	[tilespmem:$0xB030] =	vst @!p0 v1  }
0x6c: {  	v1 =	vld @!p0 [tilespmem:s24+$0xA0];
	_ =	sdelay $0x4  }
0x6d: {  	v2 =	vand.u32 @!p0 $0xFFFF, v1  }
0x6e: {  	v1 =	vshrl.u32 @!p0 v1, $0x10;
	[tilespmem:$0xB040] =	vst @!p0 v2  }
0x6f: {  	[tilespmem:$0xB050] =	vst @!p0 v1  }
0x70: {  	v1 =	vld @!p0 [tilespmem:s24+$0xB0];
	_ =	sdelay $0x4  }
0x71: {  	v2 =	vand.u32 @!p0 $0xFFFF, v1  }
0x72: {  	v1 =	vshrl.u32 @!p0 v1, $0x10;
	[tilespmem:$0xB060] =	vst @!p0 v2  }
0x73: {  	s25 =	simm.s32 @!p0 $0x80;
	s26 =	simm.s32 @!p0 $0xB000;
	s28 =	simm.s32 @!p0 $0x2800;
	[tilespmem:$0xB070] =	vst @!p0 v1  }
0x74: {  	[tilespmem:s28], [sflag:$0x1] =	stream.indirect.gather @!p0 [hbm4b:s4+s25], $0x80, s26, s25, $0xb8;
	[tilespmem:$0x1F180] =	vst v63  }
0x75: {  	_ =	swait.ge [sflag:s20], $0x4000  }
0x76: {  	[sflag:s20] =	ssyncset.done $0x0  }
0x77: {  	[sflag:s20] =	ssyncadd.s32 $0xFFFFC000  }
0x78: {  	v1 =	vld [tilespmem:s23+$0x1440];
	_ =	sdelay $0x4  }
0x79: {  	v2 =	vand.u32 $0xFFFF, v1  }
0x7a: {  	v1 =	vshrl.u32 v1, $0x10;
	[tilespmem:$0xB100] =	vst v2  }
0x7b: {  	[tilespmem:$0xB110] =	vst v1  }
0x7c: {  	v1 =	vld [tilespmem:s23+$0x1450];
	_ =	sdelay $0x4  }
0x7d: {  	v2 =	vand.u32 $0xFFFF, v1  }
0x7e: {  	v1 =	vshrl.u32 v1, $0x10;
	[tilespmem:$0xB120] =	vst v2  }
0x7f: {  	[tilespmem:$0xB130] =	vst v1  }
0x80: {  	v1 =	vld [tilespmem:s23+$0x1460];
	_ =	sdelay $0x4  }
0x81: {  	v2 =	vand.u32 $0xFFFF, v1  }
0x82: {  	v1 =	vshrl.u32 v1, $0x10;
	[tilespmem:$0xB140] =	vst v2  }
0x83: {  	[tilespmem:$0xB150] =	vst v1  }
0x84: {  	v1 =	vld [tilespmem:s23+$0x1470];
	_ =	sdelay $0x4  }
0x85: {  	v2 =	vand.u32 $0xFFFF, v1  }
0x86: {  	v1 =	vshrl.u32 v1, $0x10;
	[tilespmem:$0xB160] =	vst v2  }
0x87: {  	[tilespmem:$0xB170] =	vst v1  }
0x88: {  	[spmem:s1] =	stream.indirect.scatter.add.f32 [tilespmem:s16], [sflag:$0x3], $0x80, s19, s12, $0xb8;
	[tilespmem:$0x1F180] =	vst v63  }
0x89: {  	_ =	swait.ge [sflag:s10], $0x4000  }
0x8a: {  	[sflag:s10] =	ssyncset.done $0x0  }
0x8b: {  	[sflag:s10] =	ssyncadd.s32 $0xFFFFC000  }
0x8c: {  	v1 =	vld @!p0 [tilespmem:s24+$0xC0];
	_ =	sdelay $0x4  }
0x8d: {  	v2 =	vand.u32 @!p0 $0xFFFF, v1  }
0x8e: {  	v1 =	vshrl.u32 @!p0 v1, $0x10;
	[tilespmem:$0xB080] =	vst @!p0 v2  }
0x8f: {  	[tilespmem:$0xB090] =	vst @!p0 v1  }
0x90: {  	v1 =	vld @!p0 [tilespmem:s24+$0xD0];
	_ =	sdelay $0x4  }
0x91: {  	v2 =	vand.u32 @!p0 $0xFFFF, v1  }
0x92: {  	v1 =	vshrl.u32 @!p0 v1, $0x10;
	[tilespmem:$0xB0A0] =	vst @!p0 v2  }
0x93: {  	[tilespmem:$0xB0B0] =	vst @!p0 v1  }
0x94: {  	v1 =	vld @!p0 [tilespmem:s24+$0xE0];
	_ =	sdelay $0x4  }
0x95: {  	v2 =	vand.u32 @!p0 $0xFFFF, v1  }
0x96: {  	v1 =	vshrl.u32 @!p0 v1, $0x10;
	[tilespmem:$0xB0C0] =	vst @!p0 v2  }
0x97: {  	[tilespmem:$0xB0D0] =	vst @!p0 v1  }
0x98: {  	v1 =	vld @!p0 [tilespmem:s24+$0xF0];
	_ =	sdelay $0x4  }
0x99: {  	v2 =	vand.u32 @!p0 $0xFFFF, v1  }
0x9a: {  	s22 =	sadd.s32 @!p0 $0x200, s22;
	v1 =	vshrl.u32 @!p0 v1, $0x10;
	[tilespmem:$0xB0E0] =	vst @!p0 v2  }
0x9b: {  	p1 =	sne.s32 @!p0 s22, $0x5000;
	s23 =	simm.s32 @!p0 $0xB080;
	s24 =	simm.s32 @!p0 $0x6800;
	[tilespmem:$0xB0F0] =	vst @!p0 v1  }
0x9c: {  	[tilespmem:s24], [sflag:$0x2] =	stream.indirect.gather @!p0 [hbm4b:s4+s25], $0x80, s23, s25, $0xb8;
	[tilespmem:$0x1F180] =	vst v63  }
0x9d: {  	p0 =	por p0, !p1  }
.Ltmp2:
0x9e: {  	_ = 	snop;
	(pc) =	sbr.rel @!p0 .LBB2_6-.Ltmp2, $1  }
0x9f: {  	_ =	sdelay $0x3  }
0xa0: {  	s21 =	sadd.s32 $0x1, s21  }
0xa1: {  	s22 =	sshll.u32 s2, $0x6;
	[bflag:$0x0] =	sbarrier.arrive $0xFFFF;
	p0 =	sne.s32 s21, s9  }
.Ltmp3:
0xa2: {  	s23 =	sshrl.u32 s7, $0x3;
	s22 =	sor.u32 $0x1C03, s22;
	(pc) =	sbr.rel @p0 .LBB2_1-.Ltmp3, $4  }
0xa3: {  	[hbm:s8], [sflag:s22] =	dma.local [spmem:s23], $0x2800  }
0xa4: {  	_ =	swait.ge [sflag:s10], $0x2800  }
0xa5: {  	[sflag:s10] =	ssyncset.done $0x0  }
0xa6: {  	[sflag:s10] =	ssyncadd.s32 $0xFFFFD800  }
0xa7: {  	_ =	sfence.sel $0x180000  }
0xa8: {  	[bflag:$0x0] =	sbarrier.arrive $0xFFFF  }
0xa9: {  	p0 =	sne.s32 s2, $0x0;
	_ =	strace $0x9000004A  }
0xaa: {  	s0 =	sadd.s32 @!p0 $0x100000, s0;
	[bflag:$0x2] =	sbarrier.arrive $0xFFFF  }
0xab: {  	[sflag:s0] =	ssyncadd.tile.s32 @!p0 $0x1;
	_ =	shalt  }
.Lfunc_end2:
_tile_overlayer_lowered:
.L_overlay_start_2:
0xac: {  	(tag) =	ssettag $0x2  }
0xad: {  	s0 =	rddreg [dreg:$0x0];
	s2 =	stileid.u32  }
0xae: {  	s1 =	rddreg [dreg:$0x1];
	p0 =	sne.s32 s2, $0x0  }
0xaf: {  	s3 =	rddreg [dreg:$0x2];
	[bflag:$0x3] =	sbarrier.arrive $0xFFFF;
	s2 =	simm.s32 @!p0 $0x1C03  }
0xb0: {  	[timem:s3], [sflag:s2] =	dma.local @!p0 [hbm:s0], s1  }
0xb1: {  	s0 =	simm.s32 @!p0 $0x3  }
0xb2: {  	_ =	swait.ge @!p0 [sflag:s0], s1  }
0xb3: {  	s1 =	ssub.s32 @!p0 $0x0, s1;
	[sflag:s0] =	ssyncset.done @!p0 $0x0  }
0xb4: {  	[sflag:s0] =	ssyncadd.s32 @!p0 s1  }
0xb5: {  	[bflag:$0x3] =	sbarrier.arrive $0xFFFF  }
0xb6: {  	_ =	shalt  }

// kernel: kernel.20.cloned.1.call-start
scs
__scs_entry_jumppad:
0x0: {  	(pc) =	sbr.rel $0x88, $3  }
0x1: {  	(tag) =	ssettag $0x0;
	lr =	simm.s32 $0x1  }
0x2: {  	[smem:$0x3F96] =	sst lr;
	_ =	strace $0xD0000000  }
0x3: {  	_ = 	snop  }
0x4: {  	_ = 	snop  }
0x5: {  	_ = 	snop  }
0x6: {  	_ = 	snop  }
0x7: {  	_ = 	snop  }
__scs_overlays_trampoline_lowered:
0x8: {  	[smem:$0x3FA5] =	sst s0  }
0x9: {  	[smem:$0x3FA6] =	sst s1  }
0xa: {  	[smem:$0x3FA7] =	sst s2  }
0xb: {  	[smem:$0x3FA8] =	sst s3  }
0xc: {  	[smem:$0x3FA9] =	sst s4  }
0xd: {  	[smem:$0x3FAA] =	sst s5  }
0xe: {  	[smem:$0x3FAB] =	sst s6  }
0xf: {  	[smem:$0x3FAC] =	sst s7  }
0x10: {  	[smem:$0x3FAD] =	sst s8  }
0x11: {  	[smem:$0x3FAE] =	sst s9;
	s0 =	simm.s32 @!p0 $0x0  }
0x12: {  	s1 =	sld [smem:$0x3F94];
	s0 =	simm.s32 @p0 $0x1  }
0x13: {  	[smem:$0x3FAF] =	sst s0;
	s0 =	simm.s32 @!p1 $0x0  }
0x14: {  	s2 =	sld [smem:$0x3F93];
	s0 =	simm.s32 @p1 $0x1  }
0x15: {  	[smem:$0x3FB0] =	sst s0;
	s0 =	simm.s32 @!p2 $0x0  }
0x16: {  	s3 =	sld [smem:$0x3FDB];
	s0 =	simm.s32 @p2 $0x1  }
0x17: {  	s4 =	simm.s32 $0x1BF5;
	[smem:$0x3FB2] =	sst s0  }
0x18: {  	s0 =	sld [smem:$0x3F95];
	_ =	swait.ge [sflag:s4], $0x0  }
0x19: {  	s7 =	sld [smem:$0x3F96]  }
0x1a: {  	s8 =	sadd.s32 $0xFFFFE003, lr  }
0x1b: {  	s9 =	sadd.s32 $0xFFFFFEF7, lr;
	s5 =	simm.s32 $0xFFFFFFFF;
	p2 =	slt.u32 s8, $0xFFFFF086  }
0x1c: {  	p1 =	slt.u32 s9, $0xF7A;
	s5 =	simm.s32 @!p2 $0x0  }
0x1d: {  	s5 =	simm.s32 @p1 $0x1;
	p0 =	seq.s32 s7, s2  }
0x1e: {  	s7 =	smul.u32 @!p0 $0xF7A, s2;
	p2 =	seq.s32 @!p0 s5, $0x0  }
0x1f: {  	s9 =	smul.u32 $0xF7A, s1;
	s8 =	simm.s32 @!p0 $0x1BF5;
	p2 =	por !p2, p0  }
0x20: {  	[sflag:s8] =	ssyncset.s32 @!p0 $0xFFFFF086;
	s6 =	sadd.s32 @!p0 s3, s7;
	s7 =	simm.s32 @!p0 $0x108  }
0x21: {  	s3 =	sadd.s32 s3, s9;
	s6 =	sadd.s32 @!p0 $0x88, s6;
	s7 =	simm.s32 @p2 $0x1082  }
0x22: {  	[simem:s7], [sflag:s8] =	dma.local @!p0 [hbm:s6], $0xF7A  }
0x23: {  	s9 =	sor.u32 $0xD0000000, s2;
	s6 =	simm.s32 $0x108;
	_ =	swait.ge @!p0 [sflag:s8], $0x0  }
0x24: {  	s3 =	sadd.s32 $0x88, s3;
	s6 =	simm.s32 @!p1 $0x1082;
	[sflag:s4] =	ssyncset.s32 $0xFFFFF086  }
0x25: {  	[simem:s6], [sflag:s4] =	dma.local [hbm:s3], $0xF7A  }
0x26: {  	[smem:$0x3F96] =	sst s1;
	(tag) =	ssettag s2;
	_ =	strace s9  }
0x27: {  	s1 =	sld [smem:$0x3FA6]  }
0x28: {  	s2 =	sld [smem:$0x3FA7]  }
0x29: {  	s4 =	sld [smem:$0x3FA9]  }
0x2a: {  	p0 =	seq.s32 s5, $0x0;
	s5 =	sld [smem:$0x3FAA]  }
0x2b: {  	s6 =	sld [smem:$0x3FAB]  }
0x2c: {  	s7 =	sld [smem:$0x3FAC]  }
0x2d: {  	s3 =	simm.s32 $0x108;
	s8 =	sld [smem:$0x3FAD]  }
0x2e: {  	s3 =	simm.s32 @!p0 $0x1082;
	s9 =	sld [smem:$0x3FAE]  }
0x2f: {  	lr =	sadd.s32 s0, s3;
	s0 =	sld [smem:$0x3FA5]  }
0x30: {  	s3 =	sld [smem:$0x3FA8]  }
0x31: {  	[smem:$0x3FB1] =	sst s10  }
0x32: {  	s10 =	sld [smem:$0x3FAF];
	_ =	sdelay $0x3  }
0x33: {  	p0 =	seq.s32 s10, $0x1;
	s10 =	sld [smem:$0x3FB1];
	_ =	sdelay $0x3  }
0x34: {  	[smem:$0x3FB1] =	sst s10  }
0x35: {  	s10 =	sld [smem:$0x3FB0];
	_ =	sdelay $0x3  }
0x36: {  	p1 =	seq.s32 s10, $0x1;
	s10 =	sld [smem:$0x3FB1];
	_ =	sdelay $0x3  }
0x37: {  	[smem:$0x3FB1] =	sst s10  }
0x38: {  	s10 =	sld [smem:$0x3FB2]  }
0x39: {  	_ = 	snop;
	(pc) =	sbr.ind lr, $3  }
0x3a: {  	_ = 	snop  }
0x3b: {  	_ = 	snop  }
0x3c: {  	p2 =	seq.s32 s10, $0x1;
	s10 =	sld [smem:$0x3FB1]  }
0x3d: {  	_ =	shalt  }
0x3e: {  	_ =	shalt  }
0x3f: {  	_ =	shalt  }
0x40: {  	_ =	shalt  }
0x41: {  	_ =	shalt  }
0x42: {  	_ =	shalt  }
0x43: {  	_ =	shalt  }
0x44: {  	_ =	shalt  }
0x45: {  	_ =	shalt  }
0x46: {  	_ =	shalt  }
0x47: {  	_ =	shalt  }
0x48: {  	_ =	shalt  }
0x49: {  	_ =	shalt  }
0x4a: {  	_ =	shalt  }
0x4b: {  	_ =	shalt  }
0x4c: {  	_ =	shalt  }
0x4d: {  	_ =	shalt  }
0x4e: {  	_ =	shalt  }
0x4f: {  	_ =	shalt  }
0x50: {  	_ =	shalt  }
0x51: {  	_ =	shalt  }
0x52: {  	_ =	shalt  }
0x53: {  	_ =	shalt  }
0x54: {  	_ =	shalt  }
0x55: {  	_ =	shalt  }
0x56: {  	_ =	shalt  }
0x57: {  	_ =	shalt  }
0x58: {  	_ =	shalt  }
0x59: {  	_ =	shalt  }
0x5a: {  	_ =	shalt  }
0x5b: {  	_ =	shalt  }
0x5c: {  	_ =	shalt  }
0x5d: {  	_ =	shalt  }
0x5e: {  	_ =	shalt  }
0x5f: {  	_ =	shalt  }
0x60: {  	_ =	shalt  }
0x61: {  	_ =	shalt  }
0x62: {  	_ =	shalt  }
0x63: {  	_ =	shalt  }
0x64: {  	_ =	shalt  }
0x65: {  	_ =	shalt  }
0x66: {  	_ =	shalt  }
0x67: {  	_ =	shalt  }
0x68: {  	_ =	shalt  }
0x69: {  	_ =	shalt  }
0x6a: {  	_ =	shalt  }
0x6b: {  	_ =	shalt  }
0x6c: {  	_ =	shalt  }
0x6d: {  	_ =	shalt  }
0x6e: {  	_ =	shalt  }
0x6f: {  	_ =	shalt  }
0x70: {  	_ =	shalt  }
0x71: {  	_ =	shalt  }
0x72: {  	_ =	shalt  }
0x73: {  	_ =	shalt  }
0x74: {  	_ =	shalt  }
0x75: {  	_ =	shalt  }
0x76: {  	_ =	shalt  }
0x77: {  	_ =	shalt  }
0x78: {  	_ =	shalt  }
0x79: {  	_ =	shalt  }
0x7a: {  	_ =	shalt  }
0x7b: {  	_ =	shalt  }
0x7c: {  	_ =	shalt  }
0x7d: {  	_ =	shalt  }
0x7e: {  	_ =	shalt  }
0x7f: {  	_ =	shalt  }
0x80: {  	_ =	shalt  }
0x81: {  	_ =	shalt  }
0x82: {  	_ =	shalt  }
0x83: {  	_ =	shalt  }
0x84: {  	_ =	shalt  }
0x85: {  	_ =	shalt  }
0x86: {  	_ =	shalt  }
0x87: {  	_ =	shalt  }
.Lfunc_end0:
.L_simem_size_0:
called_computation.2_lowered:
.L_overlay_start_0:
0x88: {  	s2 =	sld [smem:$0x3FD9]  }
0x89: {  	s3 =	sld [smem:$0x3FFE];
	_ =	sdelay $0x1  }
0x8a: {  	s1 =	srdreg.scid  }
0x8b: {  	s0 =	sand.u32 $0x1, s1  }
0x8c: {  	s17 =	sshll.u32 s0, $0xA;
	s2 =	sadd.s32 s3, s2  }
0x8d: {  	s2 =	sadd.s32 s2, s17  }
0x8e: {  	[smem:$0x3FBD] =	sst s2  }
0x8f: {  	_ = 	snop  }
0x90: {  	s2 =	sld [smem:$0x3FD0];
	(tm) =	ssettm $0x1  }
0x91: {  	s18 =	sld [smem:$0x3FFB];
	_ =	sdelay $0x3  }
0x92: {  	_ =	strace s18  }
0x93: {  	s3 =	sld [smem:$0x3FFC];
	_ =	sdelay $0x3  }
0x94: {  	_ =	strace s3  }
0x95: {  	s3 =	sld [smem:$0x3FFD];
	_ =	sdelay $0x3  }
0x96: {  	_ =	strace s3  }
0x97: {  	_ =	strace $0x8FFFFFFF  }
0x98: {  	s19 =	sld [smem:$0x3FDB];
	_ =	sdelay $0x1  }
0x99: {  	s4 =	simm.s32 $_scs_section_size  }
0x9a: {  	s5 =	simm.s32 $_size__tile_overlayer_lowered;
	s6 =	simm.s32 $_tile_overlayer_lowered  }
0x9b: {  	s22 =	simm.s32 $0x1BFF;
	s21 =	sshll.u32 s6, $0x1;
	s3 =	sadd.s32 s4, s19  }
0x9c: {  	s7 =	simm.s32 $0x0;
	s20 =	sshll.u32 s5, $0x1;
	s5 =	sadd.s32 s21, s3  }
0x9d: {  	[timem:s7], [sflag:s22] =	dma.local [hbm:s5], s20  }
0x9e: {  	_ =	swait.ge [sflag:s22], s20  }
0x9f: {  	s4 =	ssub.s32 $0x0, s20;
	[sflag:s22] =	ssyncset.done $0x0  }
0xa0: {  	[sflag:s22] =	ssyncadd.s32 s4;
	_ =	sdelay $0x1  }
0xa1: {  	s23 =	simm.s32 $0x1B8B  }
0xa2: {  	_ =	swait.ge [sflag:s23], $0x1  }
0xa3: {  	[sflag:s23] =	ssyncset.done $0x0  }
0xa4: {  	s25 =	simm.s32 $0x1B8E;
	s24 =	sld [smem:$0x3FFE];
	[sflag:s23] =	ssyncadd.s32 $0xFFFFFFFF  }
0xa5: {  	s26 =	simm.s32 $execute0_lowered;
	[smem:$0x3FD2] =	sst s25  }
0xa6: {  	s5 =	sshll.u32 s26, $0x1;
	_ =	strace $0x8000004C;
	[dreg:$0x1] =	wrdreg $0xFFFFFFFF  }
0xa7: {  	s28 =	simm.s32 $_size_execute0_lowered;
	s3 =	sadd.s32 s3, s5;
	[dreg:$0x0] =	wrdreg $0x0  }
0xa8: {  	s5 =	sshll.u32 s28, $0x1;
	[dreg:$0x2] =	wrdreg s3  }
0xa9: {  	[dreg:$0x3] =	wrdreg s5  }
0xaa: {  	[dreg:$0x4] =	wrdreg $0xC0  }
0xab: {  	_ =	task [dreg:s7], $0x5FFFF  }
0xac: {  	[dreg:$0x1] =	wrdreg $0xFFFFFFFF  }
0xad: {  	[dreg:$0x0] =	wrdreg $0x60  }
0xae: {  	[dreg:$0x2] =	wrdreg s24  }
0xaf: {  	[dreg:$0x3] =	wrdreg s2  }
0xb0: {  	[dreg:$0x4] =	wrdreg $0x2B000  }
0xb1: {  	[dreg:$0x5] =	wrdreg $0x9  }
0xb2: {  	_ =	task.clear_ibuf [dreg:s7], $0x6FFFF;
	_ =	strace $0x9000004C  }
0xb3: {  	s29 =	simm.s32 $0x9;
	_ =	strace $0x8000004E  }
0xb4: {  	_ =	swait.ge [sflag:s29], $0x1  }
0xb5: {  	[sflag:s29] =	ssyncadd.s32 $0xFFFFFFFF  }
0xb6: {  	_ =	strace $0x9000004E  }
0xb7: {  	_ =	sfence  }
0xb8: {  	s30 =	sld [smem:$0x0];
	_ =	sdelay $0x2  }
0xb9: {  	s31 =	sshll.u32 s1, $0xD;
	s1 =	sshrl.u32 s1, $0x2  }
0xba: {  	s3 =	sand.u32 $0x4000, s31;
	s1 =	sadd.s32 s1, s30  }
0xbb: {  	s0 =	sor.u32 s3, s0;
	s1 =	sshll.u32 s1, $0x11  }
0xbc: {  	s0 =	sor.u32 s1, s0  }
0xbd: {  	s0 =	sadd.s32 $0x8F2B, s0  }
0xbe: {  	[sflag:s0] =	ssyncadd.remote.s32 $0x1  }
0xbf: {  	_ =	sfence.sel $0xFFFF  }
0xc0: {  	[dreg:$0x0] =	wrdreg $0xFFFFFFFF;
	(pc) =	sbr.abs _section_cstart, $3  }
0xc1: {  	[dreg:$0x1] =	wrdreg $0xFFFFFFFF  }
0xc2: {  	_ =	task.clear_ibuf [dreg:s7], $0x2FFFF;
	_ =	strace $0x9FFFFFFF  }
0xc3: {  	(tm) =	ssettm $0x7FFFFFFF  }
tec
execute0_lowered:
.L_overlay_start_1:
0x0: {  	(tag) =	ssettag $0x1  }
0x1: {  	s5 =	rddreg [dreg:$0x0]  }
0x2: {  	s6 =	rddreg [dreg:$0x1]  }
0x3: {  	s2 =	rddreg [dreg:$0x2];
	s4 =	srdreg.scid  }
0x4: {  	s3 =	simm.s32 $0x0;
	s1 =	stileid.u32;
	s13 =	simm.s32 $0x2980  }
0x5: {  	s14 =	simm.s32 $0x2800;
	s15 =	simm.s32 $0x2A00;
	s16 =	simm.s32 $0x2880  }
0x6: {  	s17 =	simm.s32 $0x2900;
	s18 =	simm.s32 $0x1;
	s19 =	simm.s32 $0x2A80  }
0x7: {  	s20 =	simm.s32 $0x2;
	s23 =	simm.s32 $0x20;
	s24 =	simm.s32 $0x10  }
0x8: {  	s25 =	simm.s32 $0x0;
	s7 =	sand.u32 $0x1, s4;
	s8 =	smul.u32 $0x500, s1  }
0x9: {  	[smem:$0x7FF] =	sst s3;
	s29 =	smul.u32 $0xA00, s1;
	s21 =	sshll.u32 s1, $0x6  }
0xa: {  	s4 =	sshll.u32 s7, $0x4;
	_ =	strace $0x8000004D;
	s10 =	sshll.u32 s7, $0x7  }
0xb: {  	s7 =	ssub.s32 $0x2, s7;
	s21 =	sor.u32 $0x1C03, s21;
	s9 =	sor.u32 s1, s4  }
0xc: {  	s4 =	sadd.s32 $0x2000, s5;
	s8 =	sor.u32 s10, s8;
	s30 =	sshrl.u32 s7, $0x1  }
0xd: {  	s31 =	sshrl.u32 s29, $0x2;
	s10 =	simm.s32 $0x3;
	s9 =	smul.u32 $0x280, s9  }
0xe: {  	s8 =	sshrl.u32 s8, $0x3;
	s12 =	ssub.s32 s7, s30;
	s7 =	sadd.s32 s31, s2  }
0xf: {  	s8 =	sadd.s32 s8, s5;
	s22 =	sshrl.u32 s7, $0x3;
	s11 =	sadd.s32 s9, s5  }
0x10: {  	s6 =	sadd.s32 s6, s9;
	s8 =	sadd.s32 $0x7FA00, s8;
	s9 =	smax.u32 s12, $0x1  }
0x11: {  	v0 =	vimm.f32 $0.0e+00;
	s12 =	simm.s32 $0x80;
	s5 =	sadd.s32 $0x2A00, s11;
	s11 =	simm.s32 $0x1400  }
.LBB2_1:
0x12: {  	[tilespmem:s3], [sflag:$0x3] =	stream.linear.gather [hbm4b:s5+s3], $0x1400, $0x38;
	[tilespmem:$0x2D80] =	vst v63  }
0x13: {  	_ =	swait.ge [sflag:s10], $0x1400  }
0x14: {  	[sflag:s10] =	ssyncset.done $0x0  }
0x15: {  	[sflag:s10] =	ssyncadd.s32 $0xFFFFEC00  }
0x16: {  	[tilespmem:s11], [sflag:$0x3] =	stream.linear.gather [hbm4b:s6+s3], $0x1400, $0x38;
	[tilespmem:$0x2D80] =	vst v63  }
0x17: {  	_ =	swait.ge [sflag:s10], $0x1400  }
0x18: {  	[sflag:s10] =	ssyncset.done $0x0  }
0x19: {  	[sflag:s10] =	ssyncadd.s32 $0xFFFFEC00  }
0x1a: {  	v1 =	vld [tilespmem:$0x0];
	_ =	sdelay $0x1  }
0x1b: {  	v2 =	vld [tilespmem:$0x10];
	_ =	sdelay $0x1  }
0x1c: {  	v3 =	vld [tilespmem:$0x20]  }
0x1d: {  	v4 =	vand.u32 $0xFFFF, v1  }
0x1e: {  	v61 =	vld [tilespmem:$0x30];
	v1 =	vshrl.u32 v1, $0x10;
	[tilespmem:$0x2980] =	vst v4  }
0x1f: {  	[tilespmem:$0x2990] =	vst v1;
	v1 =	vand.u32 $0xFFFF, v2  }
0x20: {  	[tilespmem:$0x29A0] =	vst v1;
	v1 =	vshrl.u32 v2, $0x10  }
0x21: {  	[tilespmem:$0x29B0] =	vst v1;
	v1 =	vand.u32 $0xFFFF, v3  }
0x22: {  	[tilespmem:$0x29C0] =	vst v1;
	v1 =	vshrl.u32 v3, $0x10  }
0x23: {  	[tilespmem:$0x29D0] =	vst v1;
	v1 =	vand.u32 $0xFFFF, v61  }
0x24: {  	[tilespmem:$0x29E0] =	vst v1;
	v1 =	vshrl.u32 v61, $0x10  }
0x25: {  	[tilespmem:$0x29F0] =	vst v1  }
0x26: {  	[tilespmem:s14], [sflag:$0x1] =	stream.indirect.gather [hbm4b:s4+s12], $0x1, s13, s12, $0xb8;
	[tilespmem:$0x2D80] =	vst v63  }
0x27: {  	v1 =	vld [tilespmem:$0x40];
	_ =	sdelay $0x1  }
0x28: {  	v2 =	vld [tilespmem:$0x50];
	_ =	sdelay $0x1  }
0x29: {  	v3 =	vld [tilespmem:$0x60]  }
0x2a: {  	v62 =	vand.u32 $0xFFFF, v1  }
0x2b: {  	v63 =	vld [tilespmem:$0x70];
	v1 =	vshrl.u32 v1, $0x10;
	[tilespmem:$0x2A00] =	vst v62  }
0x2c: {  	[tilespmem:$0x2A10] =	vst v1;
	v1 =	vand.u32 $0xFFFF, v2  }
0x2d: {  	[tilespmem:$0x2A20] =	vst v1;
	v1 =	vshrl.u32 v2, $0x10  }
0x2e: {  	[tilespmem:$0x2A30] =	vst v1;
	v1 =	vand.u32 $0xFFFF, v3  }
0x2f: {  	[tilespmem:$0x2A40] =	vst v1;
	v1 =	vshrl.u32 v3, $0x10  }
0x30: {  	[tilespmem:$0x2A50] =	vst v1;
	v1 =	vand.u32 $0xFFFF, v63  }
0x31: {  	[tilespmem:$0x2A60] =	vst v1;
	v1 =	vshrl.u32 v63, $0x10  }
0x32: {  	[tilespmem:$0x2A70] =	vst v1  }
0x33: {  	[tilespmem:s16], [sflag:$0x2] =	stream.indirect.gather [hbm4b:s4+s12], $0x1, s15, s12, $0xb8;
	[tilespmem:$0x2D80] =	vst v63  }
0x34: {  	[tilespmem:$0x2900] =	vst v0  }
0x35: {  	[tilespmem:$0x2910] =	vst v0  }
0x36: {  	[tilespmem:$0x2920] =	vst v0  }
0x37: {  	[tilespmem:$0x2930] =	vst v0  }
0x38: {  	[tilespmem:$0x2940] =	vst v0  }
0x39: {  	[tilespmem:$0x2950] =	vst v0  }
0x3a: {  	[tilespmem:$0x2960] =	vst v0  }
0x3b: {  	[tilespmem:$0x2970] =	vst v0  }
0x3c: {  	[tilespmem:$0x2980] =	vst v0  }
0x3d: {  	[tilespmem:$0x2990] =	vst v0  }
0x3e: {  	[tilespmem:$0x29A0] =	vst v0  }
0x3f: {  	[tilespmem:$0x29B0] =	vst v0  }
0x40: {  	[tilespmem:$0x29C0] =	vst v0  }
0x41: {  	[tilespmem:$0x29D0] =	vst v0  }
0x42: {  	[tilespmem:$0x29E0] =	vst v0  }
0x43: {  	s26 =	sadd.s32 $0x0, s7;
	[tilespmem:$0x29F0] =	vst v0  }
0x44: {  	[spmem:s26] =	stream.linear.scatter [tilespmem:s17], [sflag:$0x3], $0x10, $0x38;
	[tilespmem:$0x2D80] =	vst v63  }
0x45: {  	s26 =	simm.s32 $0x40;
	_ =	swait.ge [sflag:s10], $0x10  }
.LBB2_2:
0x46: {  	s28 =	sshra.s32 s26, $0x2;
	[sflag:s10] =	ssyncset.done $0x0;
	p0 =	sne.s32 s26, $0x9C0  }
.Ltmp0:
0x47: {  	s28 =	sadd.s32 s28, s7;
	[sflag:s10] =	ssyncadd.s32 $0xFFFFFFF0;
	(pc) =	sbr.rel @p0 .LBB2_2-.Ltmp0, $3  }
0x48: {  	[spmem:s28] =	stream.linear.scatter [tilespmem:s17], [sflag:$0x3], $0x10, $0x38;
	[tilespmem:$0x2D80] =	vst v63  }
0x49: {  	s26 =	sadd.s32 $0x40, s26;
	_ =	sdelay $0x1  }
0x4a: {  	_ =	swait.ge [sflag:s10], $0x10  }
0x4b: {  	[sflag:s10] =	ssyncset.done $0x0  }
0x4c: {  	[sflag:s10] =	ssyncadd.s32 $0xFFFFFFF0  }
0x4d: {  	s26 =	simm.s32 $0x0;
	[bflag:$0x0] =	sbarrier.arrive $0xFFFF  }
.LBB2_4:
0x4e: {  	_ =	swait.ge [sflag:s18], $0x80  }
0x4f: {  	[sflag:s18] =	ssyncset.done $0x0  }
0x50: {  	s28 =	sshra.s32 s26, $0x2;
	[sflag:s18] =	ssyncadd.s32 $0xFFFFFF80  }
0x51: {  	v1 =	vld [tilespmem:s28+$0x1400];
	_ =	sdelay $0x4  }
0x52: {  	v2 =	vand.u32 $0xFFFF, v1  }
0x53: {  	v1 =	vshrl.u32 v1, $0x10;
	[tilespmem:$0x2A80] =	vst v2  }
0x54: {  	[tilespmem:$0x2A90] =	vst v1  }
0x55: {  	v1 =	vld [tilespmem:s28+$0x1410];
	_ =	sdelay $0x4  }
0x56: {  	v2 =	vand.u32 $0xFFFF, v1  }
0x57: {  	v1 =	vshrl.u32 v1, $0x10;
	[tilespmem:$0x2AA0] =	vst v2  }
0x58: {  	[tilespmem:$0x2AB0] =	vst v1  }
0x59: {  	v1 =	vld [tilespmem:s28+$0x1420];
	_ =	sdelay $0x4  }
0x5a: {  	v2 =	vand.u32 $0xFFFF, v1  }
0x5b: {  	v1 =	vshrl.u32 v1, $0x10;
	[tilespmem:$0x2AC0] =	vst v2  }
0x5c: {  	[tilespmem:$0x2AD0] =	vst v1  }
0x5d: {  	v1 =	vld [tilespmem:s28+$0x1430];
	_ =	sdelay $0x4  }
0x5e: {  	v2 =	vand.u32 $0xFFFF, v1  }
0x5f: {  	v1 =	vshrl.u32 v1, $0x10;
	[tilespmem:$0x2AE0] =	vst v2  }
0x60: {  	[tilespmem:$0x2AF0] =	vst v1  }
0x61: {  	[spmem:s2] =	stream.indirect.scatter.add.f32 [tilespmem:s14], [sflag:$0x3], $0x1, s19, s12, $0xb8;
	[tilespmem:$0x2D80] =	vst v63  }
0x62: {  	_ =	swait.ge [sflag:s10], $0x80  }
0x63: {  	p0 =	seq.s32 s26, $0x4E00;
	[sflag:s10] =	ssyncset.done $0x0  }
0x64: {  	s29 =	sshra.s32 @!p0 s26, $0x2;
	[sflag:s10] =	ssyncadd.s32 $0xFFFFFF80  }
0x65: {  	v1 =	vld @!p0 [tilespmem:s29+$0x80];
	_ =	sdelay $0x4  }
0x66: {  	v2 =	vand.u32 @!p0 $0xFFFF, v1  }
0x67: {  	v1 =	vshrl.u32 @!p0 v1, $0x10;
	[tilespmem:$0x2980] =	vst @!p0 v2  }
0x68: {  	[tilespmem:$0x2990] =	vst @!p0 v1  }
0x69: {  	v1 =	vld @!p0 [tilespmem:s29+$0x90];
	_ =	sdelay $0x4  }
0x6a: {  	v2 =	vand.u32 @!p0 $0xFFFF, v1  }
0x6b: {  	v1 =	vshrl.u32 @!p0 v1, $0x10;
	[tilespmem:$0x29A0] =	vst @!p0 v2  }
0x6c: {  	[tilespmem:$0x29B0] =	vst @!p0 v1  }
0x6d: {  	v1 =	vld @!p0 [tilespmem:s29+$0xA0];
	_ =	sdelay $0x4  }
0x6e: {  	v2 =	vand.u32 @!p0 $0xFFFF, v1  }
0x6f: {  	v1 =	vshrl.u32 @!p0 v1, $0x10;
	[tilespmem:$0x29C0] =	vst @!p0 v2  }
0x70: {  	[tilespmem:$0x29D0] =	vst @!p0 v1  }
0x71: {  	v1 =	vld @!p0 [tilespmem:s29+$0xB0];
	_ =	sdelay $0x4  }
0x72: {  	v2 =	vand.u32 @!p0 $0xFFFF, v1  }
0x73: {  	v1 =	vshrl.u32 @!p0 v1, $0x10;
	[tilespmem:$0x29E0] =	vst @!p0 v2  }
0x74: {  	s30 =	simm.s32 @!p0 $0x80;
	s31 =	simm.s32 @!p0 $0x2980;
	s0 =	simm.s32 @!p0 $0x2800;
	[tilespmem:$0x29F0] =	vst @!p0 v1  }
0x75: {  	[tilespmem:s0], [sflag:$0x1] =	stream.indirect.gather @!p0 [hbm4b:s4+s30], $0x1, s31, s30, $0xb8;
	[tilespmem:$0x2D80] =	vst v63  }
0x76: {  	_ =	swait.ge [sflag:s20], $0x80  }
0x77: {  	[sflag:s20] =	ssyncset.done $0x0  }
0x78: {  	[sflag:s20] =	ssyncadd.s32 $0xFFFFFF80  }
0x79: {  	v1 =	vld [tilespmem:s28+$0x1440];
	_ =	sdelay $0x4  }
0x7a: {  	v2 =	vand.u32 $0xFFFF, v1  }
0x7b: {  	v1 =	vshrl.u32 v1, $0x10;
	[tilespmem:$0x2A80] =	vst v2  }
0x7c: {  	[tilespmem:$0x2A90] =	vst v1  }
0x7d: {  	v1 =	vld [tilespmem:s28+$0x1450];
	_ =	sdelay $0x4  }
0x7e: {  	v2 =	vand.u32 $0xFFFF, v1  }
0x7f: {  	v1 =	vshrl.u32 v1, $0x10;
	[tilespmem:$0x2AA0] =	vst v2  }
0x80: {  	[tilespmem:$0x2AB0] =	vst v1  }
0x81: {  	v1 =	vld [tilespmem:s28+$0x1460];
	_ =	sdelay $0x4  }
0x82: {  	v2 =	vand.u32 $0xFFFF, v1  }
0x83: {  	v1 =	vshrl.u32 v1, $0x10;
	[tilespmem:$0x2AC0] =	vst v2  }
0x84: {  	[tilespmem:$0x2AD0] =	vst v1  }
0x85: {  	v1 =	vld [tilespmem:s28+$0x1470];
	_ =	sdelay $0x4  }
0x86: {  	v2 =	vand.u32 $0xFFFF, v1  }
0x87: {  	v1 =	vshrl.u32 v1, $0x10;
	[tilespmem:$0x2AE0] =	vst v2  }
0x88: {  	[tilespmem:$0x2AF0] =	vst v1  }
0x89: {  	[spmem:s2] =	stream.indirect.scatter.add.f32 [tilespmem:s16], [sflag:$0x3], $0x1, s19, s12, $0xb8;
	[tilespmem:$0x2D80] =	vst v63  }
0x8a: {  	_ =	swait.ge [sflag:s10], $0x80  }
0x8b: {  	[sflag:s10] =	ssyncset.done $0x0  }
0x8c: {  	[sflag:s10] =	ssyncadd.s32 $0xFFFFFF80  }
0x8d: {  	v1 =	vld @!p0 [tilespmem:s29+$0xC0];
	_ =	sdelay $0x4  }
0x8e: {  	v2 =	vand.u32 @!p0 $0xFFFF, v1  }
0x8f: {  	v1 =	vshrl.u32 @!p0 v1, $0x10;
	[tilespmem:$0x2A00] =	vst @!p0 v2  }
0x90: {  	[tilespmem:$0x2A10] =	vst @!p0 v1  }
0x91: {  	v1 =	vld @!p0 [tilespmem:s29+$0xD0];
	_ =	sdelay $0x4  }
0x92: {  	v2 =	vand.u32 @!p0 $0xFFFF, v1  }
0x93: {  	v1 =	vshrl.u32 @!p0 v1, $0x10;
	[tilespmem:$0x2A20] =	vst @!p0 v2  }
0x94: {  	[tilespmem:$0x2A30] =	vst @!p0 v1  }
0x95: {  	v1 =	vld @!p0 [tilespmem:s29+$0xE0];
	_ =	sdelay $0x4  }
0x96: {  	v2 =	vand.u32 @!p0 $0xFFFF, v1  }
0x97: {  	v1 =	vshrl.u32 @!p0 v1, $0x10;
	[tilespmem:$0x2A40] =	vst @!p0 v2  }
0x98: {  	[tilespmem:$0x2A50] =	vst @!p0 v1  }
0x99: {  	v1 =	vld @!p0 [tilespmem:s29+$0xF0];
	_ =	sdelay $0x4  }
0x9a: {  	v2 =	vand.u32 @!p0 $0xFFFF, v1  }
0x9b: {  	s26 =	sadd.s32 @!p0 $0x200, s26;
	v1 =	vshrl.u32 @!p0 v1, $0x10;
	[tilespmem:$0x2A60] =	vst @!p0 v2  }
0x9c: {  	p1 =	sne.s32 @!p0 s26, $0x5000;
	s0 =	simm.s32 @!p0 $0x2A00;
	s28 =	simm.s32 @!p0 $0x2880;
	[tilespmem:$0x2A70] =	vst @!p0 v1  }
0x9d: {  	[tilespmem:s28], [sflag:$0x2] =	stream.indirect.gather @!p0 [hbm4b:s4+s30], $0x1, s0, s30, $0xb8;
	[tilespmem:$0x2D80] =	vst v63  }
0x9e: {  	p0 =	por p0, !p1  }
.Ltmp1:
0x9f: {  	_ = 	snop;
	(pc) =	sbr.rel @!p0 .LBB2_4-.Ltmp1, $1  }
0xa0: {  	_ =	sdelay $0x3  }
0xa1: {  	s25 =	sadd.s32 $0x1, s25  }
0xa2: {  	p0 =	sne.s32 s25, s9  }
.Ltmp2:
0xa3: {  	[bflag:$0x0] =	sbarrier.arrive $0xFFFF;
	(pc) =	sbr.rel @p0 .LBB2_1-.Ltmp2, $4  }
0xa4: {  	[hbm:s8@s23], [sflag:s21] =	dma.strided [spmem:s22@s24], $0x50, s18, $0x10   }
0xa5: {  	_ =	swait.ge [sflag:s10], $0x50  }
0xa6: {  	[sflag:s10] =	ssyncset.done $0x0  }
0xa7: {  	[sflag:s10] =	ssyncadd.s32 $0xFFFFFFB0  }
0xa8: {  	_ =	sfence.sel $0x180000  }
0xa9: {  	[bflag:$0x0] =	sbarrier.arrive $0xFFFF  }
0xaa: {  	_ =	strace $0x9000004D  }
0xab: {  	[bflag:$0x2] =	sbarrier.arrive $0xFFFF  }
0xac: {  	p0 =	sne.s32 s1, $0x0;
	s0 =	rddreg [dreg:$0x3]  }
0xad: {  	s0 =	sadd.s32 @!p0 $0x100000, s0  }
0xae: {  	[sflag:s0] =	ssyncadd.tile.s32 @!p0 $0x1;
	_ =	shalt  }
.Lfunc_end2:
_tile_overlayer_lowered:
.L_overlay_start_2:
0xaf: {  	(tag) =	ssettag $0x2  }
0xb0: {  	s0 =	rddreg [dreg:$0x0];
	s2 =	stileid.u32  }
0xb1: {  	s1 =	rddreg [dreg:$0x1];
	p0 =	sne.s32 s2, $0x0  }
0xb2: {  	s3 =	rddreg [dreg:$0x2];
	[bflag:$0x3] =	sbarrier.arrive $0xFFFF;
	s2 =	simm.s32 @!p0 $0x1C03  }
0xb3: {  	[timem:s3], [sflag:s2] =	dma.local @!p0 [hbm:s0], s1  }
0xb4: {  	s0 =	simm.s32 @!p0 $0x3  }
0xb5: {  	_ =	swait.ge @!p0 [sflag:s0], s1  }
0xb6: {  	s1 =	ssub.s32 @!p0 $0x0, s1;
	[sflag:s0] =	ssyncset.done @!p0 $0x0  }
0xb7: {  	[sflag:s0] =	ssyncadd.s32 @!p0 s1  }
0xb8: {  	[bflag:$0x3] =	sbarrier.arrive $0xFFFF  }
0xb9: {  	_ =	shalt  }

// kernel: kernel.23.cloned.1.call-start
scs
__scs_entry_jumppad:
0x0: {  	(pc) =	sbr.rel $0x88, $3  }
0x1: {  	(tag) =	ssettag $0x0;
	lr =	simm.s32 $0x1  }
0x2: {  	[smem:$0x3F96] =	sst lr;
	_ =	strace $0xD0000000  }
0x3: {  	_ = 	snop  }
0x4: {  	_ = 	snop  }
0x5: {  	_ = 	snop  }
0x6: {  	_ = 	snop  }
0x7: {  	_ = 	snop  }
__scs_overlays_trampoline_lowered:
0x8: {  	[smem:$0x3FA5] =	sst s0  }
0x9: {  	[smem:$0x3FA6] =	sst s1  }
0xa: {  	[smem:$0x3FA7] =	sst s2  }
0xb: {  	[smem:$0x3FA8] =	sst s3  }
0xc: {  	[smem:$0x3FA9] =	sst s4  }
0xd: {  	[smem:$0x3FAA] =	sst s5  }
0xe: {  	[smem:$0x3FAB] =	sst s6  }
0xf: {  	[smem:$0x3FAC] =	sst s7  }
0x10: {  	[smem:$0x3FAD] =	sst s8  }
0x11: {  	[smem:$0x3FAE] =	sst s9;
	s0 =	simm.s32 @!p0 $0x0  }
0x12: {  	s1 =	sld [smem:$0x3F94];
	s0 =	simm.s32 @p0 $0x1  }
0x13: {  	[smem:$0x3FAF] =	sst s0;
	s0 =	simm.s32 @!p1 $0x0  }
0x14: {  	s2 =	sld [smem:$0x3F93];
	s0 =	simm.s32 @p1 $0x1  }
0x15: {  	[smem:$0x3FB0] =	sst s0;
	s0 =	simm.s32 @!p2 $0x0  }
0x16: {  	s3 =	sld [smem:$0x3FDB];
	s0 =	simm.s32 @p2 $0x1  }
0x17: {  	s4 =	simm.s32 $0x1BF5;
	[smem:$0x3FB2] =	sst s0  }
0x18: {  	s0 =	sld [smem:$0x3F95];
	_ =	swait.ge [sflag:s4], $0x0  }
0x19: {  	s7 =	sld [smem:$0x3F96]  }
0x1a: {  	s8 =	sadd.s32 $0xFFFFE003, lr  }
0x1b: {  	s9 =	sadd.s32 $0xFFFFFEF7, lr;
	s5 =	simm.s32 $0xFFFFFFFF;
	p2 =	slt.u32 s8, $0xFFFFF086  }
0x1c: {  	p1 =	slt.u32 s9, $0xF7A;
	s5 =	simm.s32 @!p2 $0x0  }
0x1d: {  	s5 =	simm.s32 @p1 $0x1;
	p0 =	seq.s32 s7, s2  }
0x1e: {  	s7 =	smul.u32 @!p0 $0xF7A, s2;
	p2 =	seq.s32 @!p0 s5, $0x0  }
0x1f: {  	s9 =	smul.u32 $0xF7A, s1;
	s8 =	simm.s32 @!p0 $0x1BF5;
	p2 =	por !p2, p0  }
0x20: {  	[sflag:s8] =	ssyncset.s32 @!p0 $0xFFFFF086;
	s6 =	sadd.s32 @!p0 s3, s7;
	s7 =	simm.s32 @!p0 $0x108  }
0x21: {  	s3 =	sadd.s32 s3, s9;
	s6 =	sadd.s32 @!p0 $0x88, s6;
	s7 =	simm.s32 @p2 $0x1082  }
0x22: {  	[simem:s7], [sflag:s8] =	dma.local @!p0 [hbm:s6], $0xF7A  }
0x23: {  	s9 =	sor.u32 $0xD0000000, s2;
	s6 =	simm.s32 $0x108;
	_ =	swait.ge @!p0 [sflag:s8], $0x0  }
0x24: {  	s3 =	sadd.s32 $0x88, s3;
	s6 =	simm.s32 @!p1 $0x1082;
	[sflag:s4] =	ssyncset.s32 $0xFFFFF086  }
0x25: {  	[simem:s6], [sflag:s4] =	dma.local [hbm:s3], $0xF7A  }
0x26: {  	[smem:$0x3F96] =	sst s1;
	(tag) =	ssettag s2;
	_ =	strace s9  }
0x27: {  	s1 =	sld [smem:$0x3FA6]  }
0x28: {  	s2 =	sld [smem:$0x3FA7]  }
0x29: {  	s4 =	sld [smem:$0x3FA9]  }
0x2a: {  	p0 =	seq.s32 s5, $0x0;
	s5 =	sld [smem:$0x3FAA]  }
0x2b: {  	s6 =	sld [smem:$0x3FAB]  }
0x2c: {  	s7 =	sld [smem:$0x3FAC]  }
0x2d: {  	s3 =	simm.s32 $0x108;
	s8 =	sld [smem:$0x3FAD]  }
0x2e: {  	s3 =	simm.s32 @!p0 $0x1082;
	s9 =	sld [smem:$0x3FAE]  }
0x2f: {  	lr =	sadd.s32 s0, s3;
	s0 =	sld [smem:$0x3FA5]  }
0x30: {  	s3 =	sld [smem:$0x3FA8]  }
0x31: {  	[smem:$0x3FB1] =	sst s10  }
0x32: {  	s10 =	sld [smem:$0x3FAF];
	_ =	sdelay $0x3  }
0x33: {  	p0 =	seq.s32 s10, $0x1;
	s10 =	sld [smem:$0x3FB1];
	_ =	sdelay $0x3  }
0x34: {  	[smem:$0x3FB1] =	sst s10  }
0x35: {  	s10 =	sld [smem:$0x3FB0];
	_ =	sdelay $0x3  }
0x36: {  	p1 =	seq.s32 s10, $0x1;
	s10 =	sld [smem:$0x3FB1];
	_ =	sdelay $0x3  }
0x37: {  	[smem:$0x3FB1] =	sst s10  }
0x38: {  	s10 =	sld [smem:$0x3FB2]  }
0x39: {  	_ = 	snop;
	(pc) =	sbr.ind lr, $3  }
0x3a: {  	_ = 	snop  }
0x3b: {  	_ = 	snop  }
0x3c: {  	p2 =	seq.s32 s10, $0x1;
	s10 =	sld [smem:$0x3FB1]  }
0x3d: {  	_ =	shalt  }
0x3e: {  	_ =	shalt  }
0x3f: {  	_ =	shalt  }
0x40: {  	_ =	shalt  }
0x41: {  	_ =	shalt  }
0x42: {  	_ =	shalt  }
0x43: {  	_ =	shalt  }
0x44: {  	_ =	shalt  }
0x45: {  	_ =	shalt  }
0x46: {  	_ =	shalt  }
0x47: {  	_ =	shalt  }
0x48: {  	_ =	shalt  }
0x49: {  	_ =	shalt  }
0x4a: {  	_ =	shalt  }
0x4b: {  	_ =	shalt  }
0x4c: {  	_ =	shalt  }
0x4d: {  	_ =	shalt  }
0x4e: {  	_ =	shalt  }
0x4f: {  	_ =	shalt  }
0x50: {  	_ =	shalt  }
0x51: {  	_ =	shalt  }
0x52: {  	_ =	shalt  }
0x53: {  	_ =	shalt  }
0x54: {  	_ =	shalt  }
0x55: {  	_ =	shalt  }
0x56: {  	_ =	shalt  }
0x57: {  	_ =	shalt  }
0x58: {  	_ =	shalt  }
0x59: {  	_ =	shalt  }
0x5a: {  	_ =	shalt  }
0x5b: {  	_ =	shalt  }
0x5c: {  	_ =	shalt  }
0x5d: {  	_ =	shalt  }
0x5e: {  	_ =	shalt  }
0x5f: {  	_ =	shalt  }
0x60: {  	_ =	shalt  }
0x61: {  	_ =	shalt  }
0x62: {  	_ =	shalt  }
0x63: {  	_ =	shalt  }
0x64: {  	_ =	shalt  }
0x65: {  	_ =	shalt  }
0x66: {  	_ =	shalt  }
0x67: {  	_ =	shalt  }
0x68: {  	_ =	shalt  }
0x69: {  	_ =	shalt  }
0x6a: {  	_ =	shalt  }
0x6b: {  	_ =	shalt  }
0x6c: {  	_ =	shalt  }
0x6d: {  	_ =	shalt  }
0x6e: {  	_ =	shalt  }
0x6f: {  	_ =	shalt  }
0x70: {  	_ =	shalt  }
0x71: {  	_ =	shalt  }
0x72: {  	_ =	shalt  }
0x73: {  	_ =	shalt  }
0x74: {  	_ =	shalt  }
0x75: {  	_ =	shalt  }
0x76: {  	_ =	shalt  }
0x77: {  	_ =	shalt  }
0x78: {  	_ =	shalt  }
0x79: {  	_ =	shalt  }
0x7a: {  	_ =	shalt  }
0x7b: {  	_ =	shalt  }
0x7c: {  	_ =	shalt  }
0x7d: {  	_ =	shalt  }
0x7e: {  	_ =	shalt  }
0x7f: {  	_ =	shalt  }
0x80: {  	_ =	shalt  }
0x81: {  	_ =	shalt  }
0x82: {  	_ =	shalt  }
0x83: {  	_ =	shalt  }
0x84: {  	_ =	shalt  }
0x85: {  	_ =	shalt  }
0x86: {  	_ =	shalt  }
0x87: {  	_ =	shalt  }
.Lfunc_end0:
.L_simem_size_0:
called_computation.3_lowered:
.L_overlay_start_0:
0x88: {  	s2 =	sld [smem:$0x3FD9]  }
0x89: {  	s3 =	sld [smem:$0x3FFE];
	_ =	sdelay $0x1  }
0x8a: {  	s1 =	srdreg.scid  }
0x8b: {  	s0 =	sand.u32 $0x1, s1  }
0x8c: {  	s17 =	sshll.u32 s0, $0xA;
	s2 =	sadd.s32 s3, s2  }
0x8d: {  	s2 =	sadd.s32 s2, s17  }
0x8e: {  	[smem:$0x3FBD] =	sst s2  }
0x8f: {  	_ = 	snop  }
0x90: {  	s2 =	sld [smem:$0x3FD0];
	(tm) =	ssettm $0x1  }
0x91: {  	s18 =	sld [smem:$0x3FFB];
	_ =	sdelay $0x3  }
0x92: {  	_ =	strace s18  }
0x93: {  	s3 =	sld [smem:$0x3FFC];
	_ =	sdelay $0x3  }
0x94: {  	_ =	strace s3  }
0x95: {  	s3 =	sld [smem:$0x3FFD];
	_ =	sdelay $0x3  }
0x96: {  	_ =	strace s3  }
0x97: {  	_ =	strace $0x8FFFFFFF  }
0x98: {  	s19 =	sld [smem:$0x3FDB];
	_ =	sdelay $0x1  }
0x99: {  	s4 =	simm.s32 $_scs_section_size  }
0x9a: {  	s5 =	simm.s32 $_size__tile_overlayer_lowered;
	s6 =	simm.s32 $_tile_overlayer_lowered  }
0x9b: {  	s22 =	simm.s32 $0x1BFF;
	s21 =	sshll.u32 s6, $0x1;
	s3 =	sadd.s32 s4, s19  }
0x9c: {  	s7 =	simm.s32 $0x0;
	s20 =	sshll.u32 s5, $0x1;
	s5 =	sadd.s32 s21, s3  }
0x9d: {  	[timem:s7], [sflag:s22] =	dma.local [hbm:s5], s20  }
0x9e: {  	_ =	swait.ge [sflag:s22], s20  }
0x9f: {  	s4 =	ssub.s32 $0x0, s20;
	[sflag:s22] =	ssyncset.done $0x0  }
0xa0: {  	[sflag:s22] =	ssyncadd.s32 s4;
	_ =	sdelay $0x1  }
0xa1: {  	s23 =	simm.s32 $0x1B8B  }
0xa2: {  	_ =	swait.ge [sflag:s23], $0x1  }
0xa3: {  	[sflag:s23] =	ssyncset.done $0x0  }
0xa4: {  	s25 =	simm.s32 $0x1B8E;
	s24 =	sld [smem:$0x3FFE];
	[sflag:s23] =	ssyncadd.s32 $0xFFFFFFFF  }
0xa5: {  	s26 =	simm.s32 $execute0_lowered;
	[smem:$0x3FD2] =	sst s25  }
0xa6: {  	s5 =	sshll.u32 s26, $0x1;
	_ =	strace $0x8000004F;
	[dreg:$0x1] =	wrdreg $0xFFFFFFFF  }
0xa7: {  	s28 =	simm.s32 $_size_execute0_lowered;
	s3 =	sadd.s32 s3, s5;
	[dreg:$0x0] =	wrdreg $0x0  }
0xa8: {  	s5 =	sshll.u32 s28, $0x1;
	[dreg:$0x2] =	wrdreg s3  }
0xa9: {  	[dreg:$0x3] =	wrdreg s5  }
0xaa: {  	[dreg:$0x4] =	wrdreg $0xC0  }
0xab: {  	_ =	task [dreg:s7], $0x5FFFF  }
0xac: {  	[dreg:$0x1] =	wrdreg $0xFFFFFFFF  }
0xad: {  	[dreg:$0x0] =	wrdreg $0x60  }
0xae: {  	[dreg:$0x2] =	wrdreg s24  }
0xaf: {  	[dreg:$0x3] =	wrdreg s2  }
0xb0: {  	[dreg:$0x4] =	wrdreg $0xB1800  }
0xb1: {  	[dreg:$0x5] =	wrdreg $0x9  }
0xb2: {  	_ =	task.clear_ibuf [dreg:s7], $0x6FFFF;
	_ =	strace $0x9000004F  }
0xb3: {  	s29 =	simm.s32 $0x9;
	_ =	strace $0x80000051  }
0xb4: {  	_ =	swait.ge [sflag:s29], $0x1  }
0xb5: {  	[sflag:s29] =	ssyncadd.s32 $0xFFFFFFFF  }
0xb6: {  	_ =	strace $0x90000051  }
0xb7: {  	_ =	sfence  }
0xb8: {  	s30 =	sld [smem:$0x0];
	_ =	sdelay $0x2  }
0xb9: {  	s31 =	sshll.u32 s1, $0xD;
	s1 =	sshrl.u32 s1, $0x2  }
0xba: {  	s3 =	sand.u32 $0x4000, s31;
	s1 =	sadd.s32 s1, s30  }
0xbb: {  	s0 =	sor.u32 s3, s0;
	s1 =	sshll.u32 s1, $0x11  }
0xbc: {  	s0 =	sor.u32 s1, s0  }
0xbd: {  	s0 =	sadd.s32 $0x8F2B, s0  }
0xbe: {  	[sflag:s0] =	ssyncadd.remote.s32 $0x1  }
0xbf: {  	_ =	sfence.sel $0xFFFF  }
0xc0: {  	[dreg:$0x0] =	wrdreg $0xFFFFFFFF;
	(pc) =	sbr.abs _section_cstart, $3  }
0xc1: {  	[dreg:$0x1] =	wrdreg $0xFFFFFFFF  }
0xc2: {  	_ =	task.clear_ibuf [dreg:s7], $0x2FFFF;
	_ =	strace $0x9FFFFFFF  }
0xc3: {  	(tm) =	ssettm $0x7FFFFFFF  }
tec
execute0_lowered:
.L_overlay_start_1:
0x0: {  	(tag) =	ssettag $0x1  }
0x1: {  	s5 =	rddreg [dreg:$0x0]  }
0x2: {  	s6 =	rddreg [dreg:$0x1]  }
0x3: {  	s1 =	rddreg [dreg:$0x2]  }
0x4: {  	s2 =	srdreg.scid;
	s0 =	rddreg [dreg:$0x3];
	s3 =	simm.s32 $0x0  }
0x5: {  	s13 =	simm.s32 $0xB000;
	s14 =	simm.s32 $0x2800;
	s15 =	simm.s32 $0xB080  }
0x6: {  	s16 =	simm.s32 $0x6800;
	s17 =	simm.s32 $0xA800;
	s18 =	simm.s32 $0x1  }
0x7: {  	s19 =	simm.s32 $0xB100;
	s20 =	simm.s32 $0x2;
	s21 =	simm.s32 $0x0  }
0x8: {  	s7 =	sand.u32 $0x1, s2;
	s2 =	stileid.u32;
	[smem:$0x7FF] =	sst s3  }
0x9: {  	s4 =	sadd.s32 $0x2FA00, s5;
	s8 =	smul.u32 $0x140000, s7;
	s9 =	sshll.u32 s7, $0x4  }
0xa: {  	s10 =	smul.u32 $0x14000, s2;
	_ =	strace $0x80000050;
	s7 =	ssub.s32 $0x2, s7  }
0xb: {  	s11 =	smul.u32 $0x50000, s2;
	s9 =	sor.u32 s2, s9;
	s30 =	sshrl.u32 s7, $0x1  }
0xc: {  	s9 =	smul.u32 $0x280, s9;
	s8 =	sadd.s32 s10, s8;
	s10 =	ssub.s32 s7, s30  }
0xd: {  	s31 =	sshrl.u32 s11, $0x2;
	s11 =	simm.s32 $0x1400;
	s8 =	sshrl.u32 s8, $0x3  }
0xe: {  	s7 =	sadd.s32 s31, s1;
	s12 =	sadd.s32 s9, s5;
	s8 =	sadd.s32 s8, s5  }
0xf: {  	s6 =	sadd.s32 s6, s9;
	s9 =	smax.u32 s10, $0x1;
	s10 =	simm.s32 $0x3  }
0x10: {  	v0 =	vimm.f32 $0.0e+00;
	s5 =	sadd.s32 $0x2A00, s12;
	s8 =	sadd.s32 $0xF7A00, s8;
	s12 =	simm.s32 $0x80  }
.LBB2_1:
0x11: {  	[tilespmem:s3], [sflag:$0x3] =	stream.linear.gather [hbm4b:s5+s3], $0x1400, $0x38;
	[tilespmem:$0x1F180] =	vst v63  }
0x12: {  	_ =	swait.ge [sflag:s10], $0x1400  }
0x13: {  	[sflag:s10] =	ssyncset.done $0x0  }
0x14: {  	[sflag:s10] =	ssyncadd.s32 $0xFFFFEC00  }
0x15: {  	[tilespmem:s11], [sflag:$0x3] =	stream.linear.gather [hbm4b:s6+s3], $0x1400, $0x38;
	[tilespmem:$0x1F180] =	vst v63  }
0x16: {  	_ =	swait.ge [sflag:s10], $0x1400  }
0x17: {  	[sflag:s10] =	ssyncset.done $0x0  }
0x18: {  	[sflag:s10] =	ssyncadd.s32 $0xFFFFEC00  }
0x19: {  	v1 =	vld [tilespmem:$0x0];
	_ =	sdelay $0x1  }
0x1a: {  	v2 =	vld [tilespmem:$0x10];
	_ =	sdelay $0x1  }
0x1b: {  	v3 =	vld [tilespmem:$0x20]  }
0x1c: {  	v4 =	vand.u32 $0xFFFF, v1  }
0x1d: {  	v61 =	vld [tilespmem:$0x30];
	v1 =	vshrl.u32 v1, $0x10;
	[tilespmem:$0xB000] =	vst v4  }
0x1e: {  	[tilespmem:$0xB010] =	vst v1;
	v1 =	vand.u32 $0xFFFF, v2  }
0x1f: {  	[tilespmem:$0xB020] =	vst v1;
	v1 =	vshrl.u32 v2, $0x10  }
0x20: {  	[tilespmem:$0xB030] =	vst v1;
	v1 =	vand.u32 $0xFFFF, v3  }
0x21: {  	[tilespmem:$0xB040] =	vst v1;
	v1 =	vshrl.u32 v3, $0x10  }
0x22: {  	[tilespmem:$0xB050] =	vst v1;
	v1 =	vand.u32 $0xFFFF, v61  }
0x23: {  	[tilespmem:$0xB060] =	vst v1;
	v1 =	vshrl.u32 v61, $0x10  }
0x24: {  	[tilespmem:$0xB070] =	vst v1  }
0x25: {  	[tilespmem:s14], [sflag:$0x1] =	stream.indirect.gather [hbm4b:s4+s12], $0x80, s13, s12, $0xb8;
	[tilespmem:$0x1F180] =	vst v63  }
0x26: {  	v1 =	vld [tilespmem:$0x40];
	_ =	sdelay $0x1  }
0x27: {  	v2 =	vld [tilespmem:$0x50];
	_ =	sdelay $0x1  }
0x28: {  	v3 =	vld [tilespmem:$0x60]  }
0x29: {  	v62 =	vand.u32 $0xFFFF, v1  }
0x2a: {  	v63 =	vld [tilespmem:$0x70];
	v1 =	vshrl.u32 v1, $0x10;
	[tilespmem:$0xB080] =	vst v62  }
0x2b: {  	[tilespmem:$0xB090] =	vst v1;
	v1 =	vand.u32 $0xFFFF, v2  }
0x2c: {  	[tilespmem:$0xB0A0] =	vst v1;
	v1 =	vshrl.u32 v2, $0x10  }
0x2d: {  	[tilespmem:$0xB0B0] =	vst v1;
	v1 =	vand.u32 $0xFFFF, v3  }
0x2e: {  	[tilespmem:$0xB0C0] =	vst v1;
	v1 =	vshrl.u32 v3, $0x10  }
0x2f: {  	[tilespmem:$0xB0D0] =	vst v1;
	v1 =	vand.u32 $0xFFFF, v63  }
0x30: {  	[tilespmem:$0xB0E0] =	vst v1;
	v1 =	vshrl.u32 v63, $0x10  }
0x31: {  	s22 =	simm.s32 $0x0;
	s23 =	simm.s32 $0x200;
	[tilespmem:$0xB0F0] =	vst v1  }
0x32: {  	[tilespmem:s16], [sflag:$0x2] =	stream.indirect.gather [hbm4b:s4+s12], $0x80, s15, s12, $0xb8;
	[tilespmem:$0x1F180] =	vst v63  }
.LBB2_2:
0x33: {  	p0 =	sne.s32 s23, $0x1E00;
	[tilespmem:s22+$0xA870] =	vst v0  }
0x34: {  	[tilespmem:s22+$0xA800] =	vst v0  }
0x35: {  	[tilespmem:s22+$0xA810] =	vst v0  }
.Ltmp0:
0x36: {  	[tilespmem:s22+$0xA820] =	vst v0;
	(pc) =	sbr.rel @p0 .LBB2_2-.Ltmp0, $4  }
0x37: {  	[tilespmem:s22+$0xA830] =	vst v0  }
0x38: {  	[tilespmem:s22+$0xA840] =	vst v0  }
0x39: {  	[tilespmem:s22+$0xA850] =	vst v0  }
0x3a: {  	[tilespmem:s22+$0xA860] =	vst v0;
	s22 =	sshra.s32 s23, $0x2;
	s23 =	sadd.s32 $0x200, s23  }
0x3b: {  	[tilespmem:s22+$0xA870] =	vst v0  }
0x3c: {  	[tilespmem:s22+$0xA800] =	vst v0  }
0x3d: {  	[tilespmem:s22+$0xA810] =	vst v0  }
0x3e: {  	[tilespmem:s22+$0xA820] =	vst v0  }
0x3f: {  	[tilespmem:s22+$0xA830] =	vst v0  }
0x40: {  	[tilespmem:s22+$0xA840] =	vst v0  }
0x41: {  	[tilespmem:s22+$0xA850] =	vst v0  }
0x42: {  	[tilespmem:s22+$0xA860] =	vst v0;
	s31 =	sadd.s32 $0x0, s7  }
0x43: {  	[spmem:s31] =	stream.linear.scatter [tilespmem:s17], [sflag:$0x3], $0x800, $0x38;
	[tilespmem:$0x1F180] =	vst v63  }
0x44: {  	s22 =	simm.s32 $0x2000;
	_ =	swait.ge [sflag:s10], $0x800  }
.LBB2_4:
0x45: {  	s23 =	sshra.s32 s22, $0x2;
	[sflag:s10] =	ssyncset.done $0x0;
	p0 =	sne.s32 s22, $0x4E000  }
.Ltmp1:
0x46: {  	s23 =	sadd.s32 s23, s7;
	[sflag:s10] =	ssyncadd.s32 $0xFFFFF800;
	(pc) =	sbr.rel @p0 .LBB2_4-.Ltmp1, $3  }
0x47: {  	[spmem:s23] =	stream.linear.scatter [tilespmem:s17], [sflag:$0x3], $0x800, $0x38;
	[tilespmem:$0x1F180] =	vst v63  }
0x48: {  	s22 =	sadd.s32 $0x2000, s22;
	_ =	sdelay $0x1  }
0x49: {  	_ =	swait.ge [sflag:s10], $0x800  }
0x4a: {  	[sflag:s10] =	ssyncset.done $0x0  }
0x4b: {  	[sflag:s10] =	ssyncadd.s32 $0xFFFFF800  }
0x4c: {  	s22 =	simm.s32 $0x0;
	[bflag:$0x0] =	sbarrier.arrive $0xFFFF  }
.LBB2_6:
0x4d: {  	_ =	swait.ge [sflag:s18], $0x4000  }
0x4e: {  	[sflag:s18] =	ssyncset.done $0x0  }
0x4f: {  	s23 =	sshra.s32 s22, $0x2;
	[sflag:s18] =	ssyncadd.s32 $0xFFFFC000  }
0x50: {  	v1 =	vld [tilespmem:s23+$0x1400];
	_ =	sdelay $0x4  }
0x51: {  	v2 =	vand.u32 $0xFFFF, v1  }
0x52: {  	v1 =	vshrl.u32 v1, $0x10;
	[tilespmem:$0xB100] =	vst v2  }
0x53: {  	[tilespmem:$0xB110] =	vst v1  }
0x54: {  	v1 =	vld [tilespmem:s23+$0x1410];
	_ =	sdelay $0x4  }
0x55: {  	v2 =	vand.u32 $0xFFFF, v1  }
0x56: {  	v1 =	vshrl.u32 v1, $0x10;
	[tilespmem:$0xB120] =	vst v2  }
0x57: {  	[tilespmem:$0xB130] =	vst v1  }
0x58: {  	v1 =	vld [tilespmem:s23+$0x1420];
	_ =	sdelay $0x4  }
0x59: {  	v2 =	vand.u32 $0xFFFF, v1  }
0x5a: {  	v1 =	vshrl.u32 v1, $0x10;
	[tilespmem:$0xB140] =	vst v2  }
0x5b: {  	[tilespmem:$0xB150] =	vst v1  }
0x5c: {  	v1 =	vld [tilespmem:s23+$0x1430];
	_ =	sdelay $0x4  }
0x5d: {  	v2 =	vand.u32 $0xFFFF, v1  }
0x5e: {  	v1 =	vshrl.u32 v1, $0x10;
	[tilespmem:$0xB160] =	vst v2  }
0x5f: {  	[tilespmem:$0xB170] =	vst v1  }
0x60: {  	[spmem:s1] =	stream.indirect.scatter.add.f32 [tilespmem:s14], [sflag:$0x3], $0x80, s19, s12, $0xb8;
	[tilespmem:$0x1F180] =	vst v63  }
0x61: {  	_ =	swait.ge [sflag:s10], $0x4000  }
0x62: {  	p0 =	seq.s32 s22, $0x4E00;
	[sflag:s10] =	ssyncset.done $0x0  }
0x63: {  	s24 =	sshra.s32 @!p0 s22, $0x2;
	[sflag:s10] =	ssyncadd.s32 $0xFFFFC000  }
0x64: {  	v1 =	vld @!p0 [tilespmem:s24+$0x80];
	_ =	sdelay $0x4  }
0x65: {  	v2 =	vand.u32 @!p0 $0xFFFF, v1  }
0x66: {  	v1 =	vshrl.u32 @!p0 v1, $0x10;
	[tilespmem:$0xB000] =	vst @!p0 v2  }
0x67: {  	[tilespmem:$0xB010] =	vst @!p0 v1  }
0x68: {  	v1 =	vld @!p0 [tilespmem:s24+$0x90];
	_ =	sdelay $0x4  }
0x69: {  	v2 =	vand.u32 @!p0 $0xFFFF, v1  }
0x6a: {  	v1 =	vshrl.u32 @!p0 v1, $0x10;
	[tilespmem:$0xB020] =	vst @!p0 v2  }
0x6b: {  	[tilespmem:$0xB030] =	vst @!p0 v1  }
0x6c: {  	v1 =	vld @!p0 [tilespmem:s24+$0xA0];
	_ =	sdelay $0x4  }
0x6d: {  	v2 =	vand.u32 @!p0 $0xFFFF, v1  }
0x6e: {  	v1 =	vshrl.u32 @!p0 v1, $0x10;
	[tilespmem:$0xB040] =	vst @!p0 v2  }
0x6f: {  	[tilespmem:$0xB050] =	vst @!p0 v1  }
0x70: {  	v1 =	vld @!p0 [tilespmem:s24+$0xB0];
	_ =	sdelay $0x4  }
0x71: {  	v2 =	vand.u32 @!p0 $0xFFFF, v1  }
0x72: {  	v1 =	vshrl.u32 @!p0 v1, $0x10;
	[tilespmem:$0xB060] =	vst @!p0 v2  }
0x73: {  	s25 =	simm.s32 @!p0 $0x80;
	s26 =	simm.s32 @!p0 $0xB000;
	s28 =	simm.s32 @!p0 $0x2800;
	[tilespmem:$0xB070] =	vst @!p0 v1  }
0x74: {  	[tilespmem:s28], [sflag:$0x1] =	stream.indirect.gather @!p0 [hbm4b:s4+s25], $0x80, s26, s25, $0xb8;
	[tilespmem:$0x1F180] =	vst v63  }
0x75: {  	_ =	swait.ge [sflag:s20], $0x4000  }
0x76: {  	[sflag:s20] =	ssyncset.done $0x0  }
0x77: {  	[sflag:s20] =	ssyncadd.s32 $0xFFFFC000  }
0x78: {  	v1 =	vld [tilespmem:s23+$0x1440];
	_ =	sdelay $0x4  }
0x79: {  	v2 =	vand.u32 $0xFFFF, v1  }
0x7a: {  	v1 =	vshrl.u32 v1, $0x10;
	[tilespmem:$0xB100] =	vst v2  }
0x7b: {  	[tilespmem:$0xB110] =	vst v1  }
0x7c: {  	v1 =	vld [tilespmem:s23+$0x1450];
	_ =	sdelay $0x4  }
0x7d: {  	v2 =	vand.u32 $0xFFFF, v1  }
0x7e: {  	v1 =	vshrl.u32 v1, $0x10;
	[tilespmem:$0xB120] =	vst v2  }
0x7f: {  	[tilespmem:$0xB130] =	vst v1  }
0x80: {  	v1 =	vld [tilespmem:s23+$0x1460];
	_ =	sdelay $0x4  }
0x81: {  	v2 =	vand.u32 $0xFFFF, v1  }
0x82: {  	v1 =	vshrl.u32 v1, $0x10;
	[tilespmem:$0xB140] =	vst v2  }
0x83: {  	[tilespmem:$0xB150] =	vst v1  }
0x84: {  	v1 =	vld [tilespmem:s23+$0x1470];
	_ =	sdelay $0x4  }
0x85: {  	v2 =	vand.u32 $0xFFFF, v1  }
0x86: {  	v1 =	vshrl.u32 v1, $0x10;
	[tilespmem:$0xB160] =	vst v2  }
0x87: {  	[tilespmem:$0xB170] =	vst v1  }
0x88: {  	[spmem:s1] =	stream.indirect.scatter.add.f32 [tilespmem:s16], [sflag:$0x3], $0x80, s19, s12, $0xb8;
	[tilespmem:$0x1F180] =	vst v63  }
0x89: {  	_ =	swait.ge [sflag:s10], $0x4000  }
0x8a: {  	[sflag:s10] =	ssyncset.done $0x0  }
0x8b: {  	[sflag:s10] =	ssyncadd.s32 $0xFFFFC000  }
0x8c: {  	v1 =	vld @!p0 [tilespmem:s24+$0xC0];
	_ =	sdelay $0x4  }
0x8d: {  	v2 =	vand.u32 @!p0 $0xFFFF, v1  }
0x8e: {  	v1 =	vshrl.u32 @!p0 v1, $0x10;
	[tilespmem:$0xB080] =	vst @!p0 v2  }
0x8f: {  	[tilespmem:$0xB090] =	vst @!p0 v1  }
0x90: {  	v1 =	vld @!p0 [tilespmem:s24+$0xD0];
	_ =	sdelay $0x4  }
0x91: {  	v2 =	vand.u32 @!p0 $0xFFFF, v1  }
0x92: {  	v1 =	vshrl.u32 @!p0 v1, $0x10;
	[tilespmem:$0xB0A0] =	vst @!p0 v2  }
0x93: {  	[tilespmem:$0xB0B0] =	vst @!p0 v1  }
0x94: {  	v1 =	vld @!p0 [tilespmem:s24+$0xE0];
	_ =	sdelay $0x4  }
0x95: {  	v2 =	vand.u32 @!p0 $0xFFFF, v1  }
0x96: {  	v1 =	vshrl.u32 @!p0 v1, $0x10;
	[tilespmem:$0xB0C0] =	vst @!p0 v2  }
0x97: {  	[tilespmem:$0xB0D0] =	vst @!p0 v1  }
0x98: {  	v1 =	vld @!p0 [tilespmem:s24+$0xF0];
	_ =	sdelay $0x4  }
0x99: {  	v2 =	vand.u32 @!p0 $0xFFFF, v1  }
0x9a: {  	s22 =	sadd.s32 @!p0 $0x200, s22;
	v1 =	vshrl.u32 @!p0 v1, $0x10;
	[tilespmem:$0xB0E0] =	vst @!p0 v2  }
0x9b: {  	p1 =	sne.s32 @!p0 s22, $0x5000;
	s23 =	simm.s32 @!p0 $0xB080;
	s24 =	simm.s32 @!p0 $0x6800;
	[tilespmem:$0xB0F0] =	vst @!p0 v1  }
0x9c: {  	[tilespmem:s24], [sflag:$0x2] =	stream.indirect.gather @!p0 [hbm4b:s4+s25], $0x80, s23, s25, $0xb8;
	[tilespmem:$0x1F180] =	vst v63  }
0x9d: {  	p0 =	por p0, !p1  }
.Ltmp2:
0x9e: {  	_ = 	snop;
	(pc) =	sbr.rel @!p0 .LBB2_6-.Ltmp2, $1  }
0x9f: {  	_ =	sdelay $0x3  }
0xa0: {  	s21 =	sadd.s32 $0x1, s21  }
0xa1: {  	s22 =	sshll.u32 s2, $0x6;
	[bflag:$0x0] =	sbarrier.arrive $0xFFFF;
	p0 =	sne.s32 s21, s9  }
.Ltmp3:
0xa2: {  	s23 =	sshrl.u32 s7, $0x3;
	s22 =	sor.u32 $0x1C03, s22;
	(pc) =	sbr.rel @p0 .LBB2_1-.Ltmp3, $4  }
0xa3: {  	[hbm:s8], [sflag:s22] =	dma.local [spmem:s23], $0x2800  }
0xa4: {  	_ =	swait.ge [sflag:s10], $0x2800  }
0xa5: {  	[sflag:s10] =	ssyncset.done $0x0  }
0xa6: {  	[sflag:s10] =	ssyncadd.s32 $0xFFFFD800  }
0xa7: {  	_ =	sfence.sel $0x180000  }
0xa8: {  	[bflag:$0x0] =	sbarrier.arrive $0xFFFF  }
0xa9: {  	p0 =	sne.s32 s2, $0x0;
	_ =	strace $0x90000050  }
0xaa: {  	s0 =	sadd.s32 @!p0 $0x100000, s0;
	[bflag:$0x2] =	sbarrier.arrive $0xFFFF  }
0xab: {  	[sflag:s0] =	ssyncadd.tile.s32 @!p0 $0x1;
	_ =	shalt  }
.Lfunc_end2:
_tile_overlayer_lowered:
.L_overlay_start_2:
0xac: {  	(tag) =	ssettag $0x2  }
0xad: {  	s0 =	rddreg [dreg:$0x0];
	s2 =	stileid.u32  }
0xae: {  	s1 =	rddreg [dreg:$0x1];
	p0 =	sne.s32 s2, $0x0  }
0xaf: {  	s3 =	rddreg [dreg:$0x2];
	[bflag:$0x3] =	sbarrier.arrive $0xFFFF;
	s2 =	simm.s32 @!p0 $0x1C03  }
0xb0: {  	[timem:s3], [sflag:s2] =	dma.local @!p0 [hbm:s0], s1  }
0xb1: {  	s0 =	simm.s32 @!p0 $0x3  }
0xb2: {  	_ =	swait.ge @!p0 [sflag:s0], s1  }
0xb3: {  	s1 =	ssub.s32 @!p0 $0x0, s1;
	[sflag:s0] =	ssyncset.done @!p0 $0x0  }
0xb4: {  	[sflag:s0] =	ssyncadd.s32 @!p0 s1  }
0xb5: {  	[bflag:$0x3] =	sbarrier.arrive $0xFFFF  }
0xb6: {  	_ =	shalt  }

// kernel: kernel.26.cloned.1.call-start
scs
__scs_entry_jumppad:
0x0: {  	(pc) =	sbr.rel $0x88, $3  }
0x1: {  	(tag) =	ssettag $0x0;
	lr =	simm.s32 $0x1  }
0x2: {  	[smem:$0x3F96] =	sst lr;
	_ =	strace $0xD0000000  }
0x3: {  	_ = 	snop  }
0x4: {  	_ = 	snop  }
0x5: {  	_ = 	snop  }
0x6: {  	_ = 	snop  }
0x7: {  	_ = 	snop  }
__scs_overlays_trampoline_lowered:
0x8: {  	[smem:$0x3FA5] =	sst s0  }
0x9: {  	[smem:$0x3FA6] =	sst s1  }
0xa: {  	[smem:$0x3FA7] =	sst s2  }
0xb: {  	[smem:$0x3FA8] =	sst s3  }
0xc: {  	[smem:$0x3FA9] =	sst s4  }
0xd: {  	[smem:$0x3FAA] =	sst s5  }
0xe: {  	[smem:$0x3FAB] =	sst s6  }
0xf: {  	[smem:$0x3FAC] =	sst s7  }
0x10: {  	[smem:$0x3FAD] =	sst s8  }
0x11: {  	[smem:$0x3FAE] =	sst s9;
	s0 =	simm.s32 @!p0 $0x0  }
0x12: {  	s1 =	sld [smem:$0x3F94];
	s0 =	simm.s32 @p0 $0x1  }
0x13: {  	[smem:$0x3FAF] =	sst s0;
	s0 =	simm.s32 @!p1 $0x0  }
0x14: {  	s2 =	sld [smem:$0x3F93];
	s0 =	simm.s32 @p1 $0x1  }
0x15: {  	[smem:$0x3FB0] =	sst s0;
	s0 =	simm.s32 @!p2 $0x0  }
0x16: {  	s3 =	sld [smem:$0x3FDB];
	s0 =	simm.s32 @p2 $0x1  }
0x17: {  	s4 =	simm.s32 $0x1BF5;
	[smem:$0x3FB2] =	sst s0  }
0x18: {  	s0 =	sld [smem:$0x3F95];
	_ =	swait.ge [sflag:s4], $0x0  }
0x19: {  	s7 =	sld [smem:$0x3F96]  }
0x1a: {  	s8 =	sadd.s32 $0xFFFFE003, lr  }
0x1b: {  	s9 =	sadd.s32 $0xFFFFFEF7, lr;
	s5 =	simm.s32 $0xFFFFFFFF;
	p2 =	slt.u32 s8, $0xFFFFF086  }
0x1c: {  	p1 =	slt.u32 s9, $0xF7A;
	s5 =	simm.s32 @!p2 $0x0  }
0x1d: {  	s5 =	simm.s32 @p1 $0x1;
	p0 =	seq.s32 s7, s2  }
0x1e: {  	s7 =	smul.u32 @!p0 $0xF7A, s2;
	p2 =	seq.s32 @!p0 s5, $0x0  }
0x1f: {  	s9 =	smul.u32 $0xF7A, s1;
	s8 =	simm.s32 @!p0 $0x1BF5;
	p2 =	por !p2, p0  }
0x20: {  	[sflag:s8] =	ssyncset.s32 @!p0 $0xFFFFF086;
	s6 =	sadd.s32 @!p0 s3, s7;
	s7 =	simm.s32 @!p0 $0x108  }
0x21: {  	s3 =	sadd.s32 s3, s9;
	s6 =	sadd.s32 @!p0 $0x88, s6;
	s7 =	simm.s32 @p2 $0x1082  }
0x22: {  	[simem:s7], [sflag:s8] =	dma.local @!p0 [hbm:s6], $0xF7A  }
0x23: {  	s9 =	sor.u32 $0xD0000000, s2;
	s6 =	simm.s32 $0x108;
	_ =	swait.ge @!p0 [sflag:s8], $0x0  }
0x24: {  	s3 =	sadd.s32 $0x88, s3;
	s6 =	simm.s32 @!p1 $0x1082;
	[sflag:s4] =	ssyncset.s32 $0xFFFFF086  }
0x25: {  	[simem:s6], [sflag:s4] =	dma.local [hbm:s3], $0xF7A  }
0x26: {  	[smem:$0x3F96] =	sst s1;
	(tag) =	ssettag s2;
	_ =	strace s9  }
0x27: {  	s1 =	sld [smem:$0x3FA6]  }
0x28: {  	s2 =	sld [smem:$0x3FA7]  }
0x29: {  	s4 =	sld [smem:$0x3FA9]  }
0x2a: {  	p0 =	seq.s32 s5, $0x0;
	s5 =	sld [smem:$0x3FAA]  }
0x2b: {  	s6 =	sld [smem:$0x3FAB]  }
0x2c: {  	s7 =	sld [smem:$0x3FAC]  }
0x2d: {  	s3 =	simm.s32 $0x108;
	s8 =	sld [smem:$0x3FAD]  }
0x2e: {  	s3 =	simm.s32 @!p0 $0x1082;
	s9 =	sld [smem:$0x3FAE]  }
0x2f: {  	lr =	sadd.s32 s0, s3;
	s0 =	sld [smem:$0x3FA5]  }
0x30: {  	s3 =	sld [smem:$0x3FA8]  }
0x31: {  	[smem:$0x3FB1] =	sst s10  }
0x32: {  	s10 =	sld [smem:$0x3FAF];
	_ =	sdelay $0x3  }
0x33: {  	p0 =	seq.s32 s10, $0x1;
	s10 =	sld [smem:$0x3FB1];
	_ =	sdelay $0x3  }
0x34: {  	[smem:$0x3FB1] =	sst s10  }
0x35: {  	s10 =	sld [smem:$0x3FB0];
	_ =	sdelay $0x3  }
0x36: {  	p1 =	seq.s32 s10, $0x1;
	s10 =	sld [smem:$0x3FB1];
	_ =	sdelay $0x3  }
0x37: {  	[smem:$0x3FB1] =	sst s10  }
0x38: {  	s10 =	sld [smem:$0x3FB2]  }
0x39: {  	_ = 	snop;
	(pc) =	sbr.ind lr, $3  }
0x3a: {  	_ = 	snop  }
0x3b: {  	_ = 	snop  }
0x3c: {  	p2 =	seq.s32 s10, $0x1;
	s10 =	sld [smem:$0x3FB1]  }
0x3d: {  	_ =	shalt  }
0x3e: {  	_ =	shalt  }
0x3f: {  	_ =	shalt  }
0x40: {  	_ =	shalt  }
0x41: {  	_ =	shalt  }
0x42: {  	_ =	shalt  }
0x43: {  	_ =	shalt  }
0x44: {  	_ =	shalt  }
0x45: {  	_ =	shalt  }
0x46: {  	_ =	shalt  }
0x47: {  	_ =	shalt  }
0x48: {  	_ =	shalt  }
0x49: {  	_ =	shalt  }
0x4a: {  	_ =	shalt  }
0x4b: {  	_ =	shalt  }
0x4c: {  	_ =	shalt  }
0x4d: {  	_ =	shalt  }
0x4e: {  	_ =	shalt  }
0x4f: {  	_ =	shalt  }
0x50: {  	_ =	shalt  }
0x51: {  	_ =	shalt  }
0x52: {  	_ =	shalt  }
0x53: {  	_ =	shalt  }
0x54: {  	_ =	shalt  }
0x55: {  	_ =	shalt  }
0x56: {  	_ =	shalt  }
0x57: {  	_ =	shalt  }
0x58: {  	_ =	shalt  }
0x59: {  	_ =	shalt  }
0x5a: {  	_ =	shalt  }
0x5b: {  	_ =	shalt  }
0x5c: {  	_ =	shalt  }
0x5d: {  	_ =	shalt  }
0x5e: {  	_ =	shalt  }
0x5f: {  	_ =	shalt  }
0x60: {  	_ =	shalt  }
0x61: {  	_ =	shalt  }
0x62: {  	_ =	shalt  }
0x63: {  	_ =	shalt  }
0x64: {  	_ =	shalt  }
0x65: {  	_ =	shalt  }
0x66: {  	_ =	shalt  }
0x67: {  	_ =	shalt  }
0x68: {  	_ =	shalt  }
0x69: {  	_ =	shalt  }
0x6a: {  	_ =	shalt  }
0x6b: {  	_ =	shalt  }
0x6c: {  	_ =	shalt  }
0x6d: {  	_ =	shalt  }
0x6e: {  	_ =	shalt  }
0x6f: {  	_ =	shalt  }
0x70: {  	_ =	shalt  }
0x71: {  	_ =	shalt  }
0x72: {  	_ =	shalt  }
0x73: {  	_ =	shalt  }
0x74: {  	_ =	shalt  }
0x75: {  	_ =	shalt  }
0x76: {  	_ =	shalt  }
0x77: {  	_ =	shalt  }
0x78: {  	_ =	shalt  }
0x79: {  	_ =	shalt  }
0x7a: {  	_ =	shalt  }
0x7b: {  	_ =	shalt  }
0x7c: {  	_ =	shalt  }
0x7d: {  	_ =	shalt  }
0x7e: {  	_ =	shalt  }
0x7f: {  	_ =	shalt  }
0x80: {  	_ =	shalt  }
0x81: {  	_ =	shalt  }
0x82: {  	_ =	shalt  }
0x83: {  	_ =	shalt  }
0x84: {  	_ =	shalt  }
0x85: {  	_ =	shalt  }
0x86: {  	_ =	shalt  }
0x87: {  	_ =	shalt  }
.Lfunc_end0:
.L_simem_size_0:
called_computation.4_lowered:
.L_overlay_start_0:
0x88: {  	s2 =	sld [smem:$0x3FD9]  }
0x89: {  	s3 =	sld [smem:$0x3FFE];
	_ =	sdelay $0x1  }
0x8a: {  	s1 =	srdreg.scid  }
0x8b: {  	s0 =	sand.u32 $0x1, s1  }
0x8c: {  	s17 =	sshll.u32 s0, $0xA;
	s2 =	sadd.s32 s3, s2  }
0x8d: {  	s2 =	sadd.s32 s2, s17  }
0x8e: {  	[smem:$0x3FBD] =	sst s2  }
0x8f: {  	_ = 	snop  }
0x90: {  	s2 =	sld [smem:$0x3FD0];
	(tm) =	ssettm $0x1  }
0x91: {  	s18 =	sld [smem:$0x3FFB];
	_ =	sdelay $0x3  }
0x92: {  	_ =	strace s18  }
0x93: {  	s3 =	sld [smem:$0x3FFC];
	_ =	sdelay $0x3  }
0x94: {  	_ =	strace s3  }
0x95: {  	s3 =	sld [smem:$0x3FFD];
	_ =	sdelay $0x3  }
0x96: {  	_ =	strace s3  }
0x97: {  	_ =	strace $0x8FFFFFFF  }
0x98: {  	s19 =	sld [smem:$0x3FDB];
	_ =	sdelay $0x1  }
0x99: {  	s4 =	simm.s32 $_scs_section_size  }
0x9a: {  	s5 =	simm.s32 $_size__tile_overlayer_lowered;
	s6 =	simm.s32 $_tile_overlayer_lowered  }
0x9b: {  	s22 =	simm.s32 $0x1BFF;
	s21 =	sshll.u32 s6, $0x1;
	s3 =	sadd.s32 s4, s19  }
0x9c: {  	s7 =	simm.s32 $0x0;
	s20 =	sshll.u32 s5, $0x1;
	s5 =	sadd.s32 s21, s3  }
0x9d: {  	[timem:s7], [sflag:s22] =	dma.local [hbm:s5], s20  }
0x9e: {  	_ =	swait.ge [sflag:s22], s20  }
0x9f: {  	s4 =	ssub.s32 $0x0, s20;
	[sflag:s22] =	ssyncset.done $0x0  }
0xa0: {  	[sflag:s22] =	ssyncadd.s32 s4;
	_ =	sdelay $0x1  }
0xa1: {  	s23 =	simm.s32 $0x1B8B  }
0xa2: {  	_ =	swait.ge [sflag:s23], $0x1  }
0xa3: {  	[sflag:s23] =	ssyncset.done $0x0  }
0xa4: {  	s25 =	simm.s32 $0x1B8E;
	s24 =	sld [smem:$0x3FFE];
	[sflag:s23] =	ssyncadd.s32 $0xFFFFFFFF  }
0xa5: {  	s26 =	simm.s32 $execute0_lowered;
	[smem:$0x3FD2] =	sst s25  }
0xa6: {  	s5 =	sshll.u32 s26, $0x1;
	_ =	strace $0x80000052;
	[dreg:$0x1] =	wrdreg $0xFFFFFFFF  }
0xa7: {  	s28 =	simm.s32 $_size_execute0_lowered;
	s3 =	sadd.s32 s3, s5;
	[dreg:$0x0] =	wrdreg $0x0  }
0xa8: {  	s5 =	sshll.u32 s28, $0x1;
	[dreg:$0x2] =	wrdreg s3  }
0xa9: {  	[dreg:$0x3] =	wrdreg s5  }
0xaa: {  	[dreg:$0x4] =	wrdreg $0xC0  }
0xab: {  	_ =	task [dreg:s7], $0x5FFFF  }
0xac: {  	[dreg:$0x1] =	wrdreg $0xFFFFFFFF  }
0xad: {  	[dreg:$0x0] =	wrdreg $0x60  }
0xae: {  	[dreg:$0x2] =	wrdreg s24  }
0xaf: {  	[dreg:$0x3] =	wrdreg s2  }
0xb0: {  	[dreg:$0x4] =	wrdreg $0xB1800  }
0xb1: {  	[dreg:$0x5] =	wrdreg $0x9  }
0xb2: {  	_ =	task.clear_ibuf [dreg:s7], $0x6FFFF;
	_ =	strace $0x90000052  }
0xb3: {  	s29 =	simm.s32 $0x9;
	_ =	strace $0x80000054  }
0xb4: {  	_ =	swait.ge [sflag:s29], $0x1  }
0xb5: {  	[sflag:s29] =	ssyncadd.s32 $0xFFFFFFFF  }
0xb6: {  	_ =	strace $0x90000054  }
0xb7: {  	_ =	sfence  }
0xb8: {  	s30 =	sld [smem:$0x0];
	_ =	sdelay $0x2  }
0xb9: {  	s31 =	sshll.u32 s1, $0xD;
	s1 =	sshrl.u32 s1, $0x2  }
0xba: {  	s3 =	sand.u32 $0x4000, s31;
	s1 =	sadd.s32 s1, s30  }
0xbb: {  	s0 =	sor.u32 s3, s0;
	s1 =	sshll.u32 s1, $0x11  }
0xbc: {  	s0 =	sor.u32 s1, s0  }
0xbd: {  	s0 =	sadd.s32 $0x8F2B, s0  }
0xbe: {  	[sflag:s0] =	ssyncadd.remote.s32 $0x1  }
0xbf: {  	_ =	sfence.sel $0xFFFF  }
0xc0: {  	[dreg:$0x0] =	wrdreg $0xFFFFFFFF;
	(pc) =	sbr.abs _section_cstart, $3  }
0xc1: {  	[dreg:$0x1] =	wrdreg $0xFFFFFFFF  }
0xc2: {  	_ =	task.clear_ibuf [dreg:s7], $0x2FFFF;
	_ =	strace $0x9FFFFFFF  }
0xc3: {  	(tm) =	ssettm $0x7FFFFFFF  }
tec
execute0_lowered:
.L_overlay_start_1:
0x0: {  	(tag) =	ssettag $0x1  }
0x1: {  	s5 =	rddreg [dreg:$0x0]  }
0x2: {  	s6 =	rddreg [dreg:$0x1]  }
0x3: {  	s1 =	rddreg [dreg:$0x2]  }
0x4: {  	s2 =	srdreg.scid;
	s0 =	rddreg [dreg:$0x3];
	s3 =	simm.s32 $0x0  }
0x5: {  	s13 =	simm.s32 $0xB000;
	s14 =	simm.s32 $0x2800;
	s15 =	simm.s32 $0xB080  }
0x6: {  	s16 =	simm.s32 $0x6800;
	s17 =	simm.s32 $0xA800;
	s18 =	simm.s32 $0x1  }
0x7: {  	s19 =	simm.s32 $0xB100;
	s20 =	simm.s32 $0x2;
	s21 =	simm.s32 $0x0  }
0x8: {  	s7 =	sand.u32 $0x1, s2;
	s2 =	stileid.u32;
	[smem:$0x7FF] =	sst s3  }
0x9: {  	s4 =	sadd.s32 $0x57A00, s5;
	s8 =	smul.u32 $0x140000, s7;
	s9 =	sshll.u32 s7, $0x4  }
0xa: {  	s10 =	smul.u32 $0x14000, s2;
	_ =	strace $0x80000053;
	s7 =	ssub.s32 $0x2, s7  }
0xb: {  	s11 =	smul.u32 $0x50000, s2;
	s9 =	sor.u32 s2, s9;
	s30 =	sshrl.u32 s7, $0x1  }
0xc: {  	s9 =	smul.u32 $0x280, s9;
	s8 =	sadd.s32 s10, s8;
	s10 =	ssub.s32 s7, s30  }
0xd: {  	s31 =	sshrl.u32 s11, $0x2;
	s11 =	simm.s32 $0x1400;
	s8 =	sshrl.u32 s8, $0x3  }
0xe: {  	s7 =	sadd.s32 s31, s1;
	s12 =	sadd.s32 s9, s5;
	s8 =	sadd.s32 s8, s5  }
0xf: {  	s6 =	sadd.s32 s6, s9;
	s9 =	smax.u32 s10, $0x1;
	s10 =	simm.s32 $0x3  }
0x10: {  	v0 =	vimm.f32 $0.0e+00;
	s5 =	sadd.s32 $0x2A00, s12;
	s8 =	sadd.s32 $0xF7A00, s8;
	s12 =	simm.s32 $0x80  }
.LBB2_1:
0x11: {  	[tilespmem:s3], [sflag:$0x3] =	stream.linear.gather [hbm4b:s5+s3], $0x1400, $0x38;
	[tilespmem:$0x1F180] =	vst v63  }
0x12: {  	_ =	swait.ge [sflag:s10], $0x1400  }
0x13: {  	[sflag:s10] =	ssyncset.done $0x0  }
0x14: {  	[sflag:s10] =	ssyncadd.s32 $0xFFFFEC00  }
0x15: {  	[tilespmem:s11], [sflag:$0x3] =	stream.linear.gather [hbm4b:s6+s3], $0x1400, $0x38;
	[tilespmem:$0x1F180] =	vst v63  }
0x16: {  	_ =	swait.ge [sflag:s10], $0x1400  }
0x17: {  	[sflag:s10] =	ssyncset.done $0x0  }
0x18: {  	[sflag:s10] =	ssyncadd.s32 $0xFFFFEC00  }
0x19: {  	v1 =	vld [tilespmem:$0x0];
	_ =	sdelay $0x1  }
0x1a: {  	v2 =	vld [tilespmem:$0x10];
	_ =	sdelay $0x1  }
0x1b: {  	v3 =	vld [tilespmem:$0x20]  }
0x1c: {  	v4 =	vand.u32 $0xFFFF, v1  }
0x1d: {  	v61 =	vld [tilespmem:$0x30];
	v1 =	vshrl.u32 v1, $0x10;
	[tilespmem:$0xB000] =	vst v4  }
0x1e: {  	[tilespmem:$0xB010] =	vst v1;
	v1 =	vand.u32 $0xFFFF, v2  }
0x1f: {  	[tilespmem:$0xB020] =	vst v1;
	v1 =	vshrl.u32 v2, $0x10  }
0x20: {  	[tilespmem:$0xB030] =	vst v1;
	v1 =	vand.u32 $0xFFFF, v3  }
0x21: {  	[tilespmem:$0xB040] =	vst v1;
	v1 =	vshrl.u32 v3, $0x10  }
0x22: {  	[tilespmem:$0xB050] =	vst v1;
	v1 =	vand.u32 $0xFFFF, v61  }
0x23: {  	[tilespmem:$0xB060] =	vst v1;
	v1 =	vshrl.u32 v61, $0x10  }
0x24: {  	[tilespmem:$0xB070] =	vst v1  }
0x25: {  	[tilespmem:s14], [sflag:$0x1] =	stream.indirect.gather [hbm4b:s4+s12], $0x80, s13, s12, $0xb8;
	[tilespmem:$0x1F180] =	vst v63  }
0x26: {  	v1 =	vld [tilespmem:$0x40];
	_ =	sdelay $0x1  }
0x27: {  	v2 =	vld [tilespmem:$0x50];
	_ =	sdelay $0x1  }
0x28: {  	v3 =	vld [tilespmem:$0x60]  }
0x29: {  	v62 =	vand.u32 $0xFFFF, v1  }
0x2a: {  	v63 =	vld [tilespmem:$0x70];
	v1 =	vshrl.u32 v1, $0x10;
	[tilespmem:$0xB080] =	vst v62  }
0x2b: {  	[tilespmem:$0xB090] =	vst v1;
	v1 =	vand.u32 $0xFFFF, v2  }
0x2c: {  	[tilespmem:$0xB0A0] =	vst v1;
	v1 =	vshrl.u32 v2, $0x10  }
0x2d: {  	[tilespmem:$0xB0B0] =	vst v1;
	v1 =	vand.u32 $0xFFFF, v3  }
0x2e: {  	[tilespmem:$0xB0C0] =	vst v1;
	v1 =	vshrl.u32 v3, $0x10  }
0x2f: {  	[tilespmem:$0xB0D0] =	vst v1;
	v1 =	vand.u32 $0xFFFF, v63  }
0x30: {  	[tilespmem:$0xB0E0] =	vst v1;
	v1 =	vshrl.u32 v63, $0x10  }
0x31: {  	s22 =	simm.s32 $0x0;
	s23 =	simm.s32 $0x200;
	[tilespmem:$0xB0F0] =	vst v1  }
0x32: {  	[tilespmem:s16], [sflag:$0x2] =	stream.indirect.gather [hbm4b:s4+s12], $0x80, s15, s12, $0xb8;
	[tilespmem:$0x1F180] =	vst v63  }
.LBB2_2:
0x33: {  	p0 =	sne.s32 s23, $0x1E00;
	[tilespmem:s22+$0xA870] =	vst v0  }
0x34: {  	[tilespmem:s22+$0xA800] =	vst v0  }
0x35: {  	[tilespmem:s22+$0xA810] =	vst v0  }
.Ltmp0:
0x36: {  	[tilespmem:s22+$0xA820] =	vst v0;
	(pc) =	sbr.rel @p0 .LBB2_2-.Ltmp0, $4  }
0x37: {  	[tilespmem:s22+$0xA830] =	vst v0  }
0x38: {  	[tilespmem:s22+$0xA840] =	vst v0  }
0x39: {  	[tilespmem:s22+$0xA850] =	vst v0  }
0x3a: {  	[tilespmem:s22+$0xA860] =	vst v0;
	s22 =	sshra.s32 s23, $0x2;
	s23 =	sadd.s32 $0x200, s23  }
0x3b: {  	[tilespmem:s22+$0xA870] =	vst v0  }
0x3c: {  	[tilespmem:s22+$0xA800] =	vst v0  }
0x3d: {  	[tilespmem:s22+$0xA810] =	vst v0  }
0x3e: {  	[tilespmem:s22+$0xA820] =	vst v0  }
0x3f: {  	[tilespmem:s22+$0xA830] =	vst v0  }
0x40: {  	[tilespmem:s22+$0xA840] =	vst v0  }
0x41: {  	[tilespmem:s22+$0xA850] =	vst v0  }
0x42: {  	[tilespmem:s22+$0xA860] =	vst v0;
	s31 =	sadd.s32 $0x0, s7  }
0x43: {  	[spmem:s31] =	stream.linear.scatter [tilespmem:s17], [sflag:$0x3], $0x800, $0x38;
	[tilespmem:$0x1F180] =	vst v63  }
0x44: {  	s22 =	simm.s32 $0x2000;
	_ =	swait.ge [sflag:s10], $0x800  }
.LBB2_4:
0x45: {  	s23 =	sshra.s32 s22, $0x2;
	[sflag:s10] =	ssyncset.done $0x0;
	p0 =	sne.s32 s22, $0x4E000  }
.Ltmp1:
0x46: {  	s23 =	sadd.s32 s23, s7;
	[sflag:s10] =	ssyncadd.s32 $0xFFFFF800;
	(pc) =	sbr.rel @p0 .LBB2_4-.Ltmp1, $3  }
0x47: {  	[spmem:s23] =	stream.linear.scatter [tilespmem:s17], [sflag:$0x3], $0x800, $0x38;
	[tilespmem:$0x1F180] =	vst v63  }
0x48: {  	s22 =	sadd.s32 $0x2000, s22;
	_ =	sdelay $0x1  }
0x49: {  	_ =	swait.ge [sflag:s10], $0x800  }
0x4a: {  	[sflag:s10] =	ssyncset.done $0x0  }
0x4b: {  	[sflag:s10] =	ssyncadd.s32 $0xFFFFF800  }
0x4c: {  	s22 =	simm.s32 $0x0;
	[bflag:$0x0] =	sbarrier.arrive $0xFFFF  }
.LBB2_6:
0x4d: {  	_ =	swait.ge [sflag:s18], $0x4000  }
0x4e: {  	[sflag:s18] =	ssyncset.done $0x0  }
0x4f: {  	s23 =	sshra.s32 s22, $0x2;
	[sflag:s18] =	ssyncadd.s32 $0xFFFFC000  }
0x50: {  	v1 =	vld [tilespmem:s23+$0x1400];
	_ =	sdelay $0x4  }
0x51: {  	v2 =	vand.u32 $0xFFFF, v1  }
0x52: {  	v1 =	vshrl.u32 v1, $0x10;
	[tilespmem:$0xB100] =	vst v2  }
0x53: {  	[tilespmem:$0xB110] =	vst v1  }
0x54: {  	v1 =	vld [tilespmem:s23+$0x1410];
	_ =	sdelay $0x4  }
0x55: {  	v2 =	vand.u32 $0xFFFF, v1  }
0x56: {  	v1 =	vshrl.u32 v1, $0x10;
	[tilespmem:$0xB120] =	vst v2  }
0x57: {  	[tilespmem:$0xB130] =	vst v1  }
0x58: {  	v1 =	vld [tilespmem:s23+$0x1420];
	_ =	sdelay $0x4  }
0x59: {  	v2 =	vand.u32 $0xFFFF, v1  }
0x5a: {  	v1 =	vshrl.u32 v1, $0x10;
	[tilespmem:$0xB140] =	vst v2  }
0x5b: {  	[tilespmem:$0xB150] =	vst v1  }
0x5c: {  	v1 =	vld [tilespmem:s23+$0x1430];
	_ =	sdelay $0x4  }
0x5d: {  	v2 =	vand.u32 $0xFFFF, v1  }
0x5e: {  	v1 =	vshrl.u32 v1, $0x10;
	[tilespmem:$0xB160] =	vst v2  }
0x5f: {  	[tilespmem:$0xB170] =	vst v1  }
0x60: {  	[spmem:s1] =	stream.indirect.scatter.add.f32 [tilespmem:s14], [sflag:$0x3], $0x80, s19, s12, $0xb8;
	[tilespmem:$0x1F180] =	vst v63  }
0x61: {  	_ =	swait.ge [sflag:s10], $0x4000  }
0x62: {  	p0 =	seq.s32 s22, $0x4E00;
	[sflag:s10] =	ssyncset.done $0x0  }
0x63: {  	s24 =	sshra.s32 @!p0 s22, $0x2;
	[sflag:s10] =	ssyncadd.s32 $0xFFFFC000  }
0x64: {  	v1 =	vld @!p0 [tilespmem:s24+$0x80];
	_ =	sdelay $0x4  }
0x65: {  	v2 =	vand.u32 @!p0 $0xFFFF, v1  }
0x66: {  	v1 =	vshrl.u32 @!p0 v1, $0x10;
	[tilespmem:$0xB000] =	vst @!p0 v2  }
0x67: {  	[tilespmem:$0xB010] =	vst @!p0 v1  }
0x68: {  	v1 =	vld @!p0 [tilespmem:s24+$0x90];
	_ =	sdelay $0x4  }
0x69: {  	v2 =	vand.u32 @!p0 $0xFFFF, v1  }
0x6a: {  	v1 =	vshrl.u32 @!p0 v1, $0x10;
	[tilespmem:$0xB020] =	vst @!p0 v2  }
0x6b: {  	[tilespmem:$0xB030] =	vst @!p0 v1  }
0x6c: {  	v1 =	vld @!p0 [tilespmem:s24+$0xA0];
	_ =	sdelay $0x4  }
0x6d: {  	v2 =	vand.u32 @!p0 $0xFFFF, v1  }
0x6e: {  	v1 =	vshrl.u32 @!p0 v1, $0x10;
	[tilespmem:$0xB040] =	vst @!p0 v2  }
0x6f: {  	[tilespmem:$0xB050] =	vst @!p0 v1  }
0x70: {  	v1 =	vld @!p0 [tilespmem:s24+$0xB0];
	_ =	sdelay $0x4  }
0x71: {  	v2 =	vand.u32 @!p0 $0xFFFF, v1  }
0x72: {  	v1 =	vshrl.u32 @!p0 v1, $0x10;
	[tilespmem:$0xB060] =	vst @!p0 v2  }
0x73: {  	s25 =	simm.s32 @!p0 $0x80;
	s26 =	simm.s32 @!p0 $0xB000;
	s28 =	simm.s32 @!p0 $0x2800;
	[tilespmem:$0xB070] =	vst @!p0 v1  }
0x74: {  	[tilespmem:s28], [sflag:$0x1] =	stream.indirect.gather @!p0 [hbm4b:s4+s25], $0x80, s26, s25, $0xb8;
	[tilespmem:$0x1F180] =	vst v63  }
0x75: {  	_ =	swait.ge [sflag:s20], $0x4000  }
0x76: {  	[sflag:s20] =	ssyncset.done $0x0  }
0x77: {  	[sflag:s20] =	ssyncadd.s32 $0xFFFFC000  }
0x78: {  	v1 =	vld [tilespmem:s23+$0x1440];
	_ =	sdelay $0x4  }
0x79: {  	v2 =	vand.u32 $0xFFFF, v1  }
0x7a: {  	v1 =	vshrl.u32 v1, $0x10;
	[tilespmem:$0xB100] =	vst v2  }
0x7b: {  	[tilespmem:$0xB110] =	vst v1  }
0x7c: {  	v1 =	vld [tilespmem:s23+$0x1450];
	_ =	sdelay $0x4  }
0x7d: {  	v2 =	vand.u32 $0xFFFF, v1  }
0x7e: {  	v1 =	vshrl.u32 v1, $0x10;
	[tilespmem:$0xB120] =	vst v2  }
0x7f: {  	[tilespmem:$0xB130] =	vst v1  }
0x80: {  	v1 =	vld [tilespmem:s23+$0x1460];
	_ =	sdelay $0x4  }
0x81: {  	v2 =	vand.u32 $0xFFFF, v1  }
0x82: {  	v1 =	vshrl.u32 v1, $0x10;
	[tilespmem:$0xB140] =	vst v2  }
0x83: {  	[tilespmem:$0xB150] =	vst v1  }
0x84: {  	v1 =	vld [tilespmem:s23+$0x1470];
	_ =	sdelay $0x4  }
0x85: {  	v2 =	vand.u32 $0xFFFF, v1  }
0x86: {  	v1 =	vshrl.u32 v1, $0x10;
	[tilespmem:$0xB160] =	vst v2  }
0x87: {  	[tilespmem:$0xB170] =	vst v1  }
0x88: {  	[spmem:s1] =	stream.indirect.scatter.add.f32 [tilespmem:s16], [sflag:$0x3], $0x80, s19, s12, $0xb8;
	[tilespmem:$0x1F180] =	vst v63  }
0x89: {  	_ =	swait.ge [sflag:s10], $0x4000  }
0x8a: {  	[sflag:s10] =	ssyncset.done $0x0  }
0x8b: {  	[sflag:s10] =	ssyncadd.s32 $0xFFFFC000  }
0x8c: {  	v1 =	vld @!p0 [tilespmem:s24+$0xC0];
	_ =	sdelay $0x4  }
0x8d: {  	v2 =	vand.u32 @!p0 $0xFFFF, v1  }
0x8e: {  	v1 =	vshrl.u32 @!p0 v1, $0x10;
	[tilespmem:$0xB080] =	vst @!p0 v2  }
0x8f: {  	[tilespmem:$0xB090] =	vst @!p0 v1  }
0x90: {  	v1 =	vld @!p0 [tilespmem:s24+$0xD0];
	_ =	sdelay $0x4  }
0x91: {  	v2 =	vand.u32 @!p0 $0xFFFF, v1  }
0x92: {  	v1 =	vshrl.u32 @!p0 v1, $0x10;
	[tilespmem:$0xB0A0] =	vst @!p0 v2  }
0x93: {  	[tilespmem:$0xB0B0] =	vst @!p0 v1  }
0x94: {  	v1 =	vld @!p0 [tilespmem:s24+$0xE0];
	_ =	sdelay $0x4  }
0x95: {  	v2 =	vand.u32 @!p0 $0xFFFF, v1  }
0x96: {  	v1 =	vshrl.u32 @!p0 v1, $0x10;
	[tilespmem:$0xB0C0] =	vst @!p0 v2  }
0x97: {  	[tilespmem:$0xB0D0] =	vst @!p0 v1  }
0x98: {  	v1 =	vld @!p0 [tilespmem:s24+$0xF0];
	_ =	sdelay $0x4  }
0x99: {  	v2 =	vand.u32 @!p0 $0xFFFF, v1  }
0x9a: {  	s22 =	sadd.s32 @!p0 $0x200, s22;
	v1 =	vshrl.u32 @!p0 v1, $0x10;
	[tilespmem:$0xB0E0] =	vst @!p0 v2  }
0x9b: {  	p1 =	sne.s32 @!p0 s22, $0x5000;
	s23 =	simm.s32 @!p0 $0xB080;
	s24 =	simm.s32 @!p0 $0x6800;
	[tilespmem:$0xB0F0] =	vst @!p0 v1  }
0x9c: {  	[tilespmem:s24], [sflag:$0x2] =	stream.indirect.gather @!p0 [hbm4b:s4+s25], $0x80, s23, s25, $0xb8;
	[tilespmem:$0x1F180] =	vst v63  }
0x9d: {  	p0 =	por p0, !p1  }
.Ltmp2:
0x9e: {  	_ = 	snop;
	(pc) =	sbr.rel @!p0 .LBB2_6-.Ltmp2, $1  }
0x9f: {  	_ =	sdelay $0x3  }
0xa0: {  	s21 =	sadd.s32 $0x1, s21  }
0xa1: {  	s22 =	sshll.u32 s2, $0x6;
	[bflag:$0x0] =	sbarrier.arrive $0xFFFF;
	p0 =	sne.s32 s21, s9  }
.Ltmp3:
0xa2: {  	s23 =	sshrl.u32 s7, $0x3;
	s22 =	sor.u32 $0x1C03, s22;
	(pc) =	sbr.rel @p0 .LBB2_1-.Ltmp3, $4  }
0xa3: {  	[hbm:s8], [sflag:s22] =	dma.local [spmem:s23], $0x2800  }
0xa4: {  	_ =	swait.ge [sflag:s10], $0x2800  }
0xa5: {  	[sflag:s10] =	ssyncset.done $0x0  }
0xa6: {  	[sflag:s10] =	ssyncadd.s32 $0xFFFFD800  }
0xa7: {  	_ =	sfence.sel $0x180000  }
0xa8: {  	[bflag:$0x0] =	sbarrier.arrive $0xFFFF  }
0xa9: {  	p0 =	sne.s32 s2, $0x0;
	_ =	strace $0x90000053  }
0xaa: {  	s0 =	sadd.s32 @!p0 $0x100000, s0;
	[bflag:$0x2] =	sbarrier.arrive $0xFFFF  }
0xab: {  	[sflag:s0] =	ssyncadd.tile.s32 @!p0 $0x1;
	_ =	shalt  }
.Lfunc_end2:
_tile_overlayer_lowered:
.L_overlay_start_2:
0xac: {  	(tag) =	ssettag $0x2  }
0xad: {  	s0 =	rddreg [dreg:$0x0];
	s2 =	stileid.u32  }
0xae: {  	s1 =	rddreg [dreg:$0x1];
	p0 =	sne.s32 s2, $0x0  }
0xaf: {  	s3 =	rddreg [dreg:$0x2];
	[bflag:$0x3] =	sbarrier.arrive $0xFFFF;
	s2 =	simm.s32 @!p0 $0x1C03  }
0xb0: {  	[timem:s3], [sflag:s2] =	dma.local @!p0 [hbm:s0], s1  }
0xb1: {  	s0 =	simm.s32 @!p0 $0x3  }
0xb2: {  	_ =	swait.ge @!p0 [sflag:s0], s1  }
0xb3: {  	s1 =	ssub.s32 @!p0 $0x0, s1;
	[sflag:s0] =	ssyncset.done @!p0 $0x0  }
0xb4: {  	[sflag:s0] =	ssyncadd.s32 @!p0 s1  }
0xb5: {  	[bflag:$0x3] =	sbarrier.arrive $0xFFFF  }
0xb6: {  	_ =	shalt  }

// kernel: kernel.29.cloned.1.call-start
scs
__scs_entry_jumppad:
0x0: {  	(pc) =	sbr.rel $0x88, $3  }
0x1: {  	(tag) =	ssettag $0x0;
	lr =	simm.s32 $0x1  }
0x2: {  	[smem:$0x3F96] =	sst lr;
	_ =	strace $0xD0000000  }
0x3: {  	_ = 	snop  }
0x4: {  	_ = 	snop  }
0x5: {  	_ = 	snop  }
0x6: {  	_ = 	snop  }
0x7: {  	_ = 	snop  }
__scs_overlays_trampoline_lowered:
0x8: {  	[smem:$0x3FA5] =	sst s0  }
0x9: {  	[smem:$0x3FA6] =	sst s1  }
0xa: {  	[smem:$0x3FA7] =	sst s2  }
0xb: {  	[smem:$0x3FA8] =	sst s3  }
0xc: {  	[smem:$0x3FA9] =	sst s4  }
0xd: {  	[smem:$0x3FAA] =	sst s5  }
0xe: {  	[smem:$0x3FAB] =	sst s6  }
0xf: {  	[smem:$0x3FAC] =	sst s7  }
0x10: {  	[smem:$0x3FAD] =	sst s8  }
0x11: {  	[smem:$0x3FAE] =	sst s9;
	s0 =	simm.s32 @!p0 $0x0  }
0x12: {  	s1 =	sld [smem:$0x3F94];
	s0 =	simm.s32 @p0 $0x1  }
0x13: {  	[smem:$0x3FAF] =	sst s0;
	s0 =	simm.s32 @!p1 $0x0  }
0x14: {  	s2 =	sld [smem:$0x3F93];
	s0 =	simm.s32 @p1 $0x1  }
0x15: {  	[smem:$0x3FB0] =	sst s0;
	s0 =	simm.s32 @!p2 $0x0  }
0x16: {  	s3 =	sld [smem:$0x3FDB];
	s0 =	simm.s32 @p2 $0x1  }
0x17: {  	s4 =	simm.s32 $0x1BF5;
	[smem:$0x3FB2] =	sst s0  }
0x18: {  	s0 =	sld [smem:$0x3F95];
	_ =	swait.ge [sflag:s4], $0x0  }
0x19: {  	s7 =	sld [smem:$0x3F96]  }
0x1a: {  	s8 =	sadd.s32 $0xFFFFE003, lr  }
0x1b: {  	s9 =	sadd.s32 $0xFFFFFEF7, lr;
	s5 =	simm.s32 $0xFFFFFFFF;
	p2 =	slt.u32 s8, $0xFFFFF086  }
0x1c: {  	p1 =	slt.u32 s9, $0xF7A;
	s5 =	simm.s32 @!p2 $0x0  }
0x1d: {  	s5 =	simm.s32 @p1 $0x1;
	p0 =	seq.s32 s7, s2  }
0x1e: {  	s7 =	smul.u32 @!p0 $0xF7A, s2;
	p2 =	seq.s32 @!p0 s5, $0x0  }
0x1f: {  	s9 =	smul.u32 $0xF7A, s1;
	s8 =	simm.s32 @!p0 $0x1BF5;
	p2 =	por !p2, p0  }
0x20: {  	[sflag:s8] =	ssyncset.s32 @!p0 $0xFFFFF086;
	s6 =	sadd.s32 @!p0 s3, s7;
	s7 =	simm.s32 @!p0 $0x108  }
0x21: {  	s3 =	sadd.s32 s3, s9;
	s6 =	sadd.s32 @!p0 $0x88, s6;
	s7 =	simm.s32 @p2 $0x1082  }
0x22: {  	[simem:s7], [sflag:s8] =	dma.local @!p0 [hbm:s6], $0xF7A  }
0x23: {  	s9 =	sor.u32 $0xD0000000, s2;
	s6 =	simm.s32 $0x108;
	_ =	swait.ge @!p0 [sflag:s8], $0x0  }
0x24: {  	s3 =	sadd.s32 $0x88, s3;
	s6 =	simm.s32 @!p1 $0x1082;
	[sflag:s4] =	ssyncset.s32 $0xFFFFF086  }
0x25: {  	[simem:s6], [sflag:s4] =	dma.local [hbm:s3], $0xF7A  }
0x26: {  	[smem:$0x3F96] =	sst s1;
	(tag) =	ssettag s2;
	_ =	strace s9  }
0x27: {  	s1 =	sld [smem:$0x3FA6]  }
0x28: {  	s2 =	sld [smem:$0x3FA7]  }
0x29: {  	s4 =	sld [smem:$0x3FA9]  }
0x2a: {  	p0 =	seq.s32 s5, $0x0;
	s5 =	sld [smem:$0x3FAA]  }
0x2b: {  	s6 =	sld [smem:$0x3FAB]  }
0x2c: {  	s7 =	sld [smem:$0x3FAC]  }
0x2d: {  	s3 =	simm.s32 $0x108;
	s8 =	sld [smem:$0x3FAD]  }
0x2e: {  	s3 =	simm.s32 @!p0 $0x1082;
	s9 =	sld [smem:$0x3FAE]  }
0x2f: {  	lr =	sadd.s32 s0, s3;
	s0 =	sld [smem:$0x3FA5]  }
0x30: {  	s3 =	sld [smem:$0x3FA8]  }
0x31: {  	[smem:$0x3FB1] =	sst s10  }
0x32: {  	s10 =	sld [smem:$0x3FAF];
	_ =	sdelay $0x3  }
0x33: {  	p0 =	seq.s32 s10, $0x1;
	s10 =	sld [smem:$0x3FB1];
	_ =	sdelay $0x3  }
0x34: {  	[smem:$0x3FB1] =	sst s10  }
0x35: {  	s10 =	sld [smem:$0x3FB0];
	_ =	sdelay $0x3  }
0x36: {  	p1 =	seq.s32 s10, $0x1;
	s10 =	sld [smem:$0x3FB1];
	_ =	sdelay $0x3  }
0x37: {  	[smem:$0x3FB1] =	sst s10  }
0x38: {  	s10 =	sld [smem:$0x3FB2]  }
0x39: {  	_ = 	snop;
	(pc) =	sbr.ind lr, $3  }
0x3a: {  	_ = 	snop  }
0x3b: {  	_ = 	snop  }
0x3c: {  	p2 =	seq.s32 s10, $0x1;
	s10 =	sld [smem:$0x3FB1]  }
0x3d: {  	_ =	shalt  }
0x3e: {  	_ =	shalt  }
0x3f: {  	_ =	shalt  }
0x40: {  	_ =	shalt  }
0x41: {  	_ =	shalt  }
0x42: {  	_ =	shalt  }
0x43: {  	_ =	shalt  }
0x44: {  	_ =	shalt  }
0x45: {  	_ =	shalt  }
0x46: {  	_ =	shalt  }
0x47: {  	_ =	shalt  }
0x48: {  	_ =	shalt  }
0x49: {  	_ =	shalt  }
0x4a: {  	_ =	shalt  }
0x4b: {  	_ =	shalt  }
0x4c: {  	_ =	shalt  }
0x4d: {  	_ =	shalt  }
0x4e: {  	_ =	shalt  }
0x4f: {  	_ =	shalt  }
0x50: {  	_ =	shalt  }
0x51: {  	_ =	shalt  }
0x52: {  	_ =	shalt  }
0x53: {  	_ =	shalt  }
0x54: {  	_ =	shalt  }
0x55: {  	_ =	shalt  }
0x56: {  	_ =	shalt  }
0x57: {  	_ =	shalt  }
0x58: {  	_ =	shalt  }
0x59: {  	_ =	shalt  }
0x5a: {  	_ =	shalt  }
0x5b: {  	_ =	shalt  }
0x5c: {  	_ =	shalt  }
0x5d: {  	_ =	shalt  }
0x5e: {  	_ =	shalt  }
0x5f: {  	_ =	shalt  }
0x60: {  	_ =	shalt  }
0x61: {  	_ =	shalt  }
0x62: {  	_ =	shalt  }
0x63: {  	_ =	shalt  }
0x64: {  	_ =	shalt  }
0x65: {  	_ =	shalt  }
0x66: {  	_ =	shalt  }
0x67: {  	_ =	shalt  }
0x68: {  	_ =	shalt  }
0x69: {  	_ =	shalt  }
0x6a: {  	_ =	shalt  }
0x6b: {  	_ =	shalt  }
0x6c: {  	_ =	shalt  }
0x6d: {  	_ =	shalt  }
0x6e: {  	_ =	shalt  }
0x6f: {  	_ =	shalt  }
0x70: {  	_ =	shalt  }
0x71: {  	_ =	shalt  }
0x72: {  	_ =	shalt  }
0x73: {  	_ =	shalt  }
0x74: {  	_ =	shalt  }
0x75: {  	_ =	shalt  }
0x76: {  	_ =	shalt  }
0x77: {  	_ =	shalt  }
0x78: {  	_ =	shalt  }
0x79: {  	_ =	shalt  }
0x7a: {  	_ =	shalt  }
0x7b: {  	_ =	shalt  }
0x7c: {  	_ =	shalt  }
0x7d: {  	_ =	shalt  }
0x7e: {  	_ =	shalt  }
0x7f: {  	_ =	shalt  }
0x80: {  	_ =	shalt  }
0x81: {  	_ =	shalt  }
0x82: {  	_ =	shalt  }
0x83: {  	_ =	shalt  }
0x84: {  	_ =	shalt  }
0x85: {  	_ =	shalt  }
0x86: {  	_ =	shalt  }
0x87: {  	_ =	shalt  }
.Lfunc_end0:
.L_simem_size_0:
called_computation.5_lowered:
.L_overlay_start_0:
0x88: {  	s2 =	sld [smem:$0x3FD9]  }
0x89: {  	s3 =	sld [smem:$0x3FFE];
	_ =	sdelay $0x1  }
0x8a: {  	s1 =	srdreg.scid  }
0x8b: {  	s0 =	sand.u32 $0x1, s1  }
0x8c: {  	s17 =	sshll.u32 s0, $0xA;
	s2 =	sadd.s32 s3, s2  }
0x8d: {  	s2 =	sadd.s32 s2, s17  }
0x8e: {  	[smem:$0x3FBD] =	sst s2  }
0x8f: {  	_ = 	snop  }
0x90: {  	s2 =	sld [smem:$0x3FD0];
	(tm) =	ssettm $0x1  }
0x91: {  	s18 =	sld [smem:$0x3FFB];
	_ =	sdelay $0x3  }
0x92: {  	_ =	strace s18  }
0x93: {  	s3 =	sld [smem:$0x3FFC];
	_ =	sdelay $0x3  }
0x94: {  	_ =	strace s3  }
0x95: {  	s3 =	sld [smem:$0x3FFD];
	_ =	sdelay $0x3  }
0x96: {  	_ =	strace s3  }
0x97: {  	_ =	strace $0x8FFFFFFF  }
0x98: {  	s19 =	sld [smem:$0x3FDB];
	_ =	sdelay $0x1  }
0x99: {  	s4 =	simm.s32 $_scs_section_size  }
0x9a: {  	s5 =	simm.s32 $_size__tile_overlayer_lowered;
	s6 =	simm.s32 $_tile_overlayer_lowered  }
0x9b: {  	s22 =	simm.s32 $0x1BFF;
	s21 =	sshll.u32 s6, $0x1;
	s3 =	sadd.s32 s4, s19  }
0x9c: {  	s7 =	simm.s32 $0x0;
	s20 =	sshll.u32 s5, $0x1;
	s5 =	sadd.s32 s21, s3  }
0x9d: {  	[timem:s7], [sflag:s22] =	dma.local [hbm:s5], s20  }
0x9e: {  	_ =	swait.ge [sflag:s22], s20  }
0x9f: {  	s4 =	ssub.s32 $0x0, s20;
	[sflag:s22] =	ssyncset.done $0x0  }
0xa0: {  	[sflag:s22] =	ssyncadd.s32 s4;
	_ =	sdelay $0x1  }
0xa1: {  	s23 =	simm.s32 $0x1B8B  }
0xa2: {  	_ =	swait.ge [sflag:s23], $0x1  }
0xa3: {  	[sflag:s23] =	ssyncset.done $0x0  }
0xa4: {  	s25 =	simm.s32 $0x1B8E;
	s24 =	sld [smem:$0x3FFE];
	[sflag:s23] =	ssyncadd.s32 $0xFFFFFFFF  }
0xa5: {  	s26 =	simm.s32 $execute0_lowered;
	[smem:$0x3FD2] =	sst s25  }
0xa6: {  	s5 =	sshll.u32 s26, $0x1;
	_ =	strace $0x80000055;
	[dreg:$0x1] =	wrdreg $0xFFFFFFFF  }
0xa7: {  	s28 =	simm.s32 $_size_execute0_lowered;
	s3 =	sadd.s32 s3, s5;
	[dreg:$0x0] =	wrdreg $0x0  }
0xa8: {  	s5 =	sshll.u32 s28, $0x1;
	[dreg:$0x2] =	wrdreg s3  }
0xa9: {  	[dreg:$0x3] =	wrdreg s5  }
0xaa: {  	[dreg:$0x4] =	wrdreg $0xC0  }
0xab: {  	_ =	task [dreg:s7], $0x5FFFF  }
0xac: {  	[dreg:$0x1] =	wrdreg $0xFFFFFFFF  }
0xad: {  	[dreg:$0x0] =	wrdreg $0x60  }
0xae: {  	[dreg:$0x2] =	wrdreg s24  }
0xaf: {  	[dreg:$0x3] =	wrdreg s2  }
0xb0: {  	[dreg:$0x4] =	wrdreg $0xB1800  }
0xb1: {  	[dreg:$0x5] =	wrdreg $0x9  }
0xb2: {  	_ =	task.clear_ibuf [dreg:s7], $0x6FFFF;
	_ =	strace $0x90000055  }
0xb3: {  	s29 =	simm.s32 $0x9;
	_ =	strace $0x80000057  }
0xb4: {  	_ =	swait.ge [sflag:s29], $0x1  }
0xb5: {  	[sflag:s29] =	ssyncadd.s32 $0xFFFFFFFF  }
0xb6: {  	_ =	strace $0x90000057  }
0xb7: {  	_ =	sfence  }
0xb8: {  	s30 =	sld [smem:$0x0];
	_ =	sdelay $0x2  }
0xb9: {  	s31 =	sshll.u32 s1, $0xD;
	s1 =	sshrl.u32 s1, $0x2  }
0xba: {  	s3 =	sand.u32 $0x4000, s31;
	s1 =	sadd.s32 s1, s30  }
0xbb: {  	s0 =	sor.u32 s3, s0;
	s1 =	sshll.u32 s1, $0x11  }
0xbc: {  	s0 =	sor.u32 s1, s0  }
0xbd: {  	s0 =	sadd.s32 $0x8F2B, s0  }
0xbe: {  	[sflag:s0] =	ssyncadd.remote.s32 $0x1  }
0xbf: {  	_ =	sfence.sel $0xFFFF  }
0xc0: {  	[dreg:$0x0] =	wrdreg $0xFFFFFFFF;
	(pc) =	sbr.abs _section_cstart, $3  }
0xc1: {  	[dreg:$0x1] =	wrdreg $0xFFFFFFFF  }
0xc2: {  	_ =	task.clear_ibuf [dreg:s7], $0x2FFFF;
	_ =	strace $0x9FFFFFFF  }
0xc3: {  	(tm) =	ssettm $0x7FFFFFFF  }
tec
execute0_lowered:
.L_overlay_start_1:
0x0: {  	(tag) =	ssettag $0x1  }
0x1: {  	s5 =	rddreg [dreg:$0x0]  }
0x2: {  	s6 =	rddreg [dreg:$0x1]  }
0x3: {  	s1 =	rddreg [dreg:$0x2]  }
0x4: {  	s2 =	srdreg.scid;
	s0 =	rddreg [dreg:$0x3];
	s3 =	simm.s32 $0x0  }
0x5: {  	s13 =	simm.s32 $0xB000;
	s14 =	simm.s32 $0x2800;
	s15 =	simm.s32 $0xB080  }
0x6: {  	s16 =	simm.s32 $0x6800;
	s17 =	simm.s32 $0xA800;
	s18 =	simm.s32 $0x1  }
0x7: {  	s19 =	simm.s32 $0xB100;
	s20 =	simm.s32 $0x2;
	s21 =	simm.s32 $0x0  }
0x8: {  	s7 =	sand.u32 $0x1, s2;
	s2 =	stileid.u32;
	[smem:$0x7FF] =	sst s3  }
0x9: {  	s4 =	sadd.s32 $0x2FA00, s5;
	s8 =	smul.u32 $0x140000, s7;
	s9 =	sshll.u32 s7, $0x4  }
0xa: {  	s10 =	smul.u32 $0x14000, s2;
	_ =	strace $0x80000056;
	s7 =	ssub.s32 $0x2, s7  }
0xb: {  	s11 =	smul.u32 $0x50000, s2;
	s9 =	sor.u32 s2, s9;
	s30 =	sshrl.u32 s7, $0x1  }
0xc: {  	s9 =	smul.u32 $0x280, s9;
	s8 =	sadd.s32 s10, s8;
	s10 =	ssub.s32 s7, s30  }
0xd: {  	s31 =	sshrl.u32 s11, $0x2;
	s11 =	simm.s32 $0x1400;
	s8 =	sshrl.u32 s8, $0x3  }
0xe: {  	s7 =	sadd.s32 s31, s1;
	s12 =	sadd.s32 s9, s5;
	s8 =	sadd.s32 s8, s5  }
0xf: {  	s6 =	sadd.s32 s6, s9;
	s9 =	smax.u32 s10, $0x1;
	s10 =	simm.s32 $0x3  }
0x10: {  	v0 =	vimm.f32 $0.0e+00;
	s5 =	sadd.s32 $0x2A00, s12;
	s8 =	sadd.s32 $0x57A00, s8;
	s12 =	simm.s32 $0x80  }
.LBB2_1:
0x11: {  	[tilespmem:s3], [sflag:$0x3] =	stream.linear.gather [hbm4b:s5+s3], $0x1400, $0x38;
	[tilespmem:$0x1F180] =	vst v63  }
0x12: {  	_ =	swait.ge [sflag:s10], $0x1400  }
0x13: {  	[sflag:s10] =	ssyncset.done $0x0  }
0x14: {  	[sflag:s10] =	ssyncadd.s32 $0xFFFFEC00  }
0x15: {  	[tilespmem:s11], [sflag:$0x3] =	stream.linear.gather [hbm4b:s6+s3], $0x1400, $0x38;
	[tilespmem:$0x1F180] =	vst v63  }
0x16: {  	_ =	swait.ge [sflag:s10], $0x1400  }
0x17: {  	[sflag:s10] =	ssyncset.done $0x0  }
0x18: {  	[sflag:s10] =	ssyncadd.s32 $0xFFFFEC00  }
0x19: {  	v1 =	vld [tilespmem:$0x0];
	_ =	sdelay $0x1  }
0x1a: {  	v2 =	vld [tilespmem:$0x10];
	_ =	sdelay $0x1  }
0x1b: {  	v3 =	vld [tilespmem:$0x20]  }
0x1c: {  	v4 =	vand.u32 $0xFFFF, v1  }
0x1d: {  	v61 =	vld [tilespmem:$0x30];
	v1 =	vshrl.u32 v1, $0x10;
	[tilespmem:$0xB000] =	vst v4  }
0x1e: {  	[tilespmem:$0xB010] =	vst v1;
	v1 =	vand.u32 $0xFFFF, v2  }
0x1f: {  	[tilespmem:$0xB020] =	vst v1;
	v1 =	vshrl.u32 v2, $0x10  }
0x20: {  	[tilespmem:$0xB030] =	vst v1;
	v1 =	vand.u32 $0xFFFF, v3  }
0x21: {  	[tilespmem:$0xB040] =	vst v1;
	v1 =	vshrl.u32 v3, $0x10  }
0x22: {  	[tilespmem:$0xB050] =	vst v1;
	v1 =	vand.u32 $0xFFFF, v61  }
0x23: {  	[tilespmem:$0xB060] =	vst v1;
	v1 =	vshrl.u32 v61, $0x10  }
0x24: {  	[tilespmem:$0xB070] =	vst v1  }
0x25: {  	[tilespmem:s14], [sflag:$0x1] =	stream.indirect.gather [hbm4b:s4+s12], $0x80, s13, s12, $0xb8;
	[tilespmem:$0x1F180] =	vst v63  }
0x26: {  	v1 =	vld [tilespmem:$0x40];
	_ =	sdelay $0x1  }
0x27: {  	v2 =	vld [tilespmem:$0x50];
	_ =	sdelay $0x1  }
0x28: {  	v3 =	vld [tilespmem:$0x60]  }
0x29: {  	v62 =	vand.u32 $0xFFFF, v1  }
0x2a: {  	v63 =	vld [tilespmem:$0x70];
	v1 =	vshrl.u32 v1, $0x10;
	[tilespmem:$0xB080] =	vst v62  }
0x2b: {  	[tilespmem:$0xB090] =	vst v1;
	v1 =	vand.u32 $0xFFFF, v2  }
0x2c: {  	[tilespmem:$0xB0A0] =	vst v1;
	v1 =	vshrl.u32 v2, $0x10  }
0x2d: {  	[tilespmem:$0xB0B0] =	vst v1;
	v1 =	vand.u32 $0xFFFF, v3  }
0x2e: {  	[tilespmem:$0xB0C0] =	vst v1;
	v1 =	vshrl.u32 v3, $0x10  }
0x2f: {  	[tilespmem:$0xB0D0] =	vst v1;
	v1 =	vand.u32 $0xFFFF, v63  }
0x30: {  	[tilespmem:$0xB0E0] =	vst v1;
	v1 =	vshrl.u32 v63, $0x10  }
0x31: {  	s22 =	simm.s32 $0x0;
	s23 =	simm.s32 $0x200;
	[tilespmem:$0xB0F0] =	vst v1  }
0x32: {  	[tilespmem:s16], [sflag:$0x2] =	stream.indirect.gather [hbm4b:s4+s12], $0x80, s15, s12, $0xb8;
	[tilespmem:$0x1F180] =	vst v63  }
.LBB2_2:
0x33: {  	p0 =	sne.s32 s23, $0x1E00;
	[tilespmem:s22+$0xA870] =	vst v0  }
0x34: {  	[tilespmem:s22+$0xA800] =	vst v0  }
0x35: {  	[tilespmem:s22+$0xA810] =	vst v0  }
.Ltmp0:
0x36: {  	[tilespmem:s22+$0xA820] =	vst v0;
	(pc) =	sbr.rel @p0 .LBB2_2-.Ltmp0, $4  }
0x37: {  	[tilespmem:s22+$0xA830] =	vst v0  }
0x38: {  	[tilespmem:s22+$0xA840] =	vst v0  }
0x39: {  	[tilespmem:s22+$0xA850] =	vst v0  }
0x3a: {  	[tilespmem:s22+$0xA860] =	vst v0;
	s22 =	sshra.s32 s23, $0x2;
	s23 =	sadd.s32 $0x200, s23  }
0x3b: {  	[tilespmem:s22+$0xA870] =	vst v0  }
0x3c: {  	[tilespmem:s22+$0xA800] =	vst v0  }
0x3d: {  	[tilespmem:s22+$0xA810] =	vst v0  }
0x3e: {  	[tilespmem:s22+$0xA820] =	vst v0  }
0x3f: {  	[tilespmem:s22+$0xA830] =	vst v0  }
0x40: {  	[tilespmem:s22+$0xA840] =	vst v0  }
0x41: {  	[tilespmem:s22+$0xA850] =	vst v0  }
0x42: {  	[tilespmem:s22+$0xA860] =	vst v0;
	s31 =	sadd.s32 $0x0, s7  }
0x43: {  	[spmem:s31] =	stream.linear.scatter [tilespmem:s17], [sflag:$0x3], $0x800, $0x38;
	[tilespmem:$0x1F180] =	vst v63  }
0x44: {  	s22 =	simm.s32 $0x2000;
	_ =	swait.ge [sflag:s10], $0x800  }
.LBB2_4:
0x45: {  	s23 =	sshra.s32 s22, $0x2;
	[sflag:s10] =	ssyncset.done $0x0;
	p0 =	sne.s32 s22, $0x4E000  }
.Ltmp1:
0x46: {  	s23 =	sadd.s32 s23, s7;
	[sflag:s10] =	ssyncadd.s32 $0xFFFFF800;
	(pc) =	sbr.rel @p0 .LBB2_4-.Ltmp1, $3  }
0x47: {  	[spmem:s23] =	stream.linear.scatter [tilespmem:s17], [sflag:$0x3], $0x800, $0x38;
	[tilespmem:$0x1F180] =	vst v63  }
0x48: {  	s22 =	sadd.s32 $0x2000, s22;
	_ =	sdelay $0x1  }
0x49: {  	_ =	swait.ge [sflag:s10], $0x800  }
0x4a: {  	[sflag:s10] =	ssyncset.done $0x0  }
0x4b: {  	[sflag:s10] =	ssyncadd.s32 $0xFFFFF800  }
0x4c: {  	s22 =	simm.s32 $0x0;
	[bflag:$0x0] =	sbarrier.arrive $0xFFFF  }
.LBB2_6:
0x4d: {  	_ =	swait.ge [sflag:s18], $0x4000  }
0x4e: {  	[sflag:s18] =	ssyncset.done $0x0  }
0x4f: {  	s23 =	sshra.s32 s22, $0x2;
	[sflag:s18] =	ssyncadd.s32 $0xFFFFC000  }
0x50: {  	v1 =	vld [tilespmem:s23+$0x1400];
	_ =	sdelay $0x4  }
0x51: {  	v2 =	vand.u32 $0xFFFF, v1  }
0x52: {  	v1 =	vshrl.u32 v1, $0x10;
	[tilespmem:$0xB100] =	vst v2  }
0x53: {  	[tilespmem:$0xB110] =	vst v1  }
0x54: {  	v1 =	vld [tilespmem:s23+$0x1410];
	_ =	sdelay $0x4  }
0x55: {  	v2 =	vand.u32 $0xFFFF, v1  }
0x56: {  	v1 =	vshrl.u32 v1, $0x10;
	[tilespmem:$0xB120] =	vst v2  }
0x57: {  	[tilespmem:$0xB130] =	vst v1  }
0x58: {  	v1 =	vld [tilespmem:s23+$0x1420];
	_ =	sdelay $0x4  }
0x59: {  	v2 =	vand.u32 $0xFFFF, v1  }
0x5a: {  	v1 =	vshrl.u32 v1, $0x10;
	[tilespmem:$0xB140] =	vst v2  }
0x5b: {  	[tilespmem:$0xB150] =	vst v1  }
0x5c: {  	v1 =	vld [tilespmem:s23+$0x1430];
	_ =	sdelay $0x4  }
0x5d: {  	v2 =	vand.u32 $0xFFFF, v1  }
0x5e: {  	v1 =	vshrl.u32 v1, $0x10;
	[tilespmem:$0xB160] =	vst v2  }
0x5f: {  	[tilespmem:$0xB170] =	vst v1  }
0x60: {  	[spmem:s1] =	stream.indirect.scatter.add.f32 [tilespmem:s14], [sflag:$0x3], $0x80, s19, s12, $0xb8;
	[tilespmem:$0x1F180] =	vst v63  }
0x61: {  	_ =	swait.ge [sflag:s10], $0x4000  }
0x62: {  	p0 =	seq.s32 s22, $0x4E00;
	[sflag:s10] =	ssyncset.done $0x0  }
0x63: {  	s24 =	sshra.s32 @!p0 s22, $0x2;
	[sflag:s10] =	ssyncadd.s32 $0xFFFFC000  }
0x64: {  	v1 =	vld @!p0 [tilespmem:s24+$0x80];
	_ =	sdelay $0x4  }
0x65: {  	v2 =	vand.u32 @!p0 $0xFFFF, v1  }
0x66: {  	v1 =	vshrl.u32 @!p0 v1, $0x10;
	[tilespmem:$0xB000] =	vst @!p0 v2  }
0x67: {  	[tilespmem:$0xB010] =	vst @!p0 v1  }
0x68: {  	v1 =	vld @!p0 [tilespmem:s24+$0x90];
	_ =	sdelay $0x4  }
0x69: {  	v2 =	vand.u32 @!p0 $0xFFFF, v1  }
0x6a: {  	v1 =	vshrl.u32 @!p0 v1, $0x10;
	[tilespmem:$0xB020] =	vst @!p0 v2  }
0x6b: {  	[tilespmem:$0xB030] =	vst @!p0 v1  }
0x6c: {  	v1 =	vld @!p0 [tilespmem:s24+$0xA0];
	_ =	sdelay $0x4  }
0x6d: {  	v2 =	vand.u32 @!p0 $0xFFFF, v1  }
0x6e: {  	v1 =	vshrl.u32 @!p0 v1, $0x10;
	[tilespmem:$0xB040] =	vst @!p0 v2  }
0x6f: {  	[tilespmem:$0xB050] =	vst @!p0 v1  }
0x70: {  	v1 =	vld @!p0 [tilespmem:s24+$0xB0];
	_ =	sdelay $0x4  }
0x71: {  	v2 =	vand.u32 @!p0 $0xFFFF, v1  }
0x72: {  	v1 =	vshrl.u32 @!p0 v1, $0x10;
	[tilespmem:$0xB060] =	vst @!p0 v2  }
0x73: {  	s25 =	simm.s32 @!p0 $0x80;
	s26 =	simm.s32 @!p0 $0xB000;
	s28 =	simm.s32 @!p0 $0x2800;
	[tilespmem:$0xB070] =	vst @!p0 v1  }
0x74: {  	[tilespmem:s28], [sflag:$0x1] =	stream.indirect.gather @!p0 [hbm4b:s4+s25], $0x80, s26, s25, $0xb8;
	[tilespmem:$0x1F180] =	vst v63  }
0x75: {  	_ =	swait.ge [sflag:s20], $0x4000  }
0x76: {  	[sflag:s20] =	ssyncset.done $0x0  }
0x77: {  	[sflag:s20] =	ssyncadd.s32 $0xFFFFC000  }
0x78: {  	v1 =	vld [tilespmem:s23+$0x1440];
	_ =	sdelay $0x4  }
0x79: {  	v2 =	vand.u32 $0xFFFF, v1  }
0x7a: {  	v1 =	vshrl.u32 v1, $0x10;
	[tilespmem:$0xB100] =	vst v2  }
0x7b: {  	[tilespmem:$0xB110] =	vst v1  }
0x7c: {  	v1 =	vld [tilespmem:s23+$0x1450];
	_ =	sdelay $0x4  }
0x7d: {  	v2 =	vand.u32 $0xFFFF, v1  }
0x7e: {  	v1 =	vshrl.u32 v1, $0x10;
	[tilespmem:$0xB120] =	vst v2  }
0x7f: {  	[tilespmem:$0xB130] =	vst v1  }
0x80: {  	v1 =	vld [tilespmem:s23+$0x1460];
	_ =	sdelay $0x4  }
0x81: {  	v2 =	vand.u32 $0xFFFF, v1  }
0x82: {  	v1 =	vshrl.u32 v1, $0x10;
	[tilespmem:$0xB140] =	vst v2  }
0x83: {  	[tilespmem:$0xB150] =	vst v1  }
0x84: {  	v1 =	vld [tilespmem:s23+$0x1470];
	_ =	sdelay $0x4  }
0x85: {  	v2 =	vand.u32 $0xFFFF, v1  }
0x86: {  	v1 =	vshrl.u32 v1, $0x10;
	[tilespmem:$0xB160] =	vst v2  }
0x87: {  	[tilespmem:$0xB170] =	vst v1  }
0x88: {  	[spmem:s1] =	stream.indirect.scatter.add.f32 [tilespmem:s16], [sflag:$0x3], $0x80, s19, s12, $0xb8;
	[tilespmem:$0x1F180] =	vst v63  }
0x89: {  	_ =	swait.ge [sflag:s10], $0x4000  }
0x8a: {  	[sflag:s10] =	ssyncset.done $0x0  }
0x8b: {  	[sflag:s10] =	ssyncadd.s32 $0xFFFFC000  }
0x8c: {  	v1 =	vld @!p0 [tilespmem:s24+$0xC0];
	_ =	sdelay $0x4  }
0x8d: {  	v2 =	vand.u32 @!p0 $0xFFFF, v1  }
0x8e: {  	v1 =	vshrl.u32 @!p0 v1, $0x10;
	[tilespmem:$0xB080] =	vst @!p0 v2  }
0x8f: {  	[tilespmem:$0xB090] =	vst @!p0 v1  }
0x90: {  	v1 =	vld @!p0 [tilespmem:s24+$0xD0];
	_ =	sdelay $0x4  }
0x91: {  	v2 =	vand.u32 @!p0 $0xFFFF, v1  }
0x92: {  	v1 =	vshrl.u32 @!p0 v1, $0x10;
	[tilespmem:$0xB0A0] =	vst @!p0 v2  }
0x93: {  	[tilespmem:$0xB0B0] =	vst @!p0 v1  }
0x94: {  	v1 =	vld @!p0 [tilespmem:s24+$0xE0];
	_ =	sdelay $0x4  }
0x95: {  	v2 =	vand.u32 @!p0 $0xFFFF, v1  }
0x96: {  	v1 =	vshrl.u32 @!p0 v1, $0x10;
	[tilespmem:$0xB0C0] =	vst @!p0 v2  }
0x97: {  	[tilespmem:$0xB0D0] =	vst @!p0 v1  }
0x98: {  	v1 =	vld @!p0 [tilespmem:s24+$0xF0];
	_ =	sdelay $0x4  }
0x99: {  	v2 =	vand.u32 @!p0 $0xFFFF, v1  }
0x9a: {  	s22 =	sadd.s32 @!p0 $0x200, s22;
	v1 =	vshrl.u32 @!p0 v1, $0x10;
	[tilespmem:$0xB0E0] =	vst @!p0 v2  }
0x9b: {  	p1 =	sne.s32 @!p0 s22, $0x5000;
	s23 =	simm.s32 @!p0 $0xB080;
	s24 =	simm.s32 @!p0 $0x6800;
	[tilespmem:$0xB0F0] =	vst @!p0 v1  }
0x9c: {  	[tilespmem:s24], [sflag:$0x2] =	stream.indirect.gather @!p0 [hbm4b:s4+s25], $0x80, s23, s25, $0xb8;
	[tilespmem:$0x1F180] =	vst v63  }
0x9d: {  	p0 =	por p0, !p1  }
.Ltmp2:
0x9e: {  	_ = 	snop;
	(pc) =	sbr.rel @!p0 .LBB2_6-.Ltmp2, $1  }
0x9f: {  	_ =	sdelay $0x3  }
0xa0: {  	s21 =	sadd.s32 $0x1, s21  }
0xa1: {  	s22 =	sshll.u32 s2, $0x6;
	[bflag:$0x0] =	sbarrier.arrive $0xFFFF;
	p0 =	sne.s32 s21, s9  }
.Ltmp3:
0xa2: {  	s23 =	sshrl.u32 s7, $0x3;
	s22 =	sor.u32 $0x1C03, s22;
	(pc) =	sbr.rel @p0 .LBB2_1-.Ltmp3, $4  }
0xa3: {  	[hbm:s8], [sflag:s22] =	dma.local [spmem:s23], $0x2800  }
0xa4: {  	_ =	swait.ge [sflag:s10], $0x2800  }
0xa5: {  	[sflag:s10] =	ssyncset.done $0x0  }
0xa6: {  	[sflag:s10] =	ssyncadd.s32 $0xFFFFD800  }
0xa7: {  	_ =	sfence.sel $0x180000  }
0xa8: {  	[bflag:$0x0] =	sbarrier.arrive $0xFFFF  }
0xa9: {  	p0 =	sne.s32 s2, $0x0;
	_ =	strace $0x90000056  }
0xaa: {  	s0 =	sadd.s32 @!p0 $0x100000, s0;
	[bflag:$0x2] =	sbarrier.arrive $0xFFFF  }
0xab: {  	[sflag:s0] =	ssyncadd.tile.s32 @!p0 $0x1;
	_ =	shalt  }
.Lfunc_end2:
_tile_overlayer_lowered:
.L_overlay_start_2:
0xac: {  	(tag) =	ssettag $0x2  }
0xad: {  	s0 =	rddreg [dreg:$0x0];
	s2 =	stileid.u32  }
0xae: {  	s1 =	rddreg [dreg:$0x1];
	p0 =	sne.s32 s2, $0x0  }
0xaf: {  	s3 =	rddreg [dreg:$0x2];
	[bflag:$0x3] =	sbarrier.arrive $0xFFFF;
	s2 =	simm.s32 @!p0 $0x1C03  }
0xb0: {  	[timem:s3], [sflag:s2] =	dma.local @!p0 [hbm:s0], s1  }
0xb1: {  	s0 =	simm.s32 @!p0 $0x3  }
0xb2: {  	_ =	swait.ge @!p0 [sflag:s0], s1  }
0xb3: {  	s1 =	ssub.s32 @!p0 $0x0, s1;
	[sflag:s0] =	ssyncset.done @!p0 $0x0  }
0xb4: {  	[sflag:s0] =	ssyncadd.s32 @!p0 s1  }
0xb5: {  	[bflag:$0x3] =	sbarrier.arrive $0xFFFF  }
0xb6: {  	_ =	shalt  }

</sc_bundles>
